<compile_context>
chip_gen: v7x
topology: tpu7x:2x2x1
jax: 0.10.2.dev20260603
libtpu: 0.0.44.dev20260713+nightly
codegen_flags: <defaults>
</compile_context>

<pallas_src>
import functools

import jax
import jax.numpy as jnp
from jax import lax
from jax.experimental import pallas as pl
from jax.experimental.pallas import tpu as pltpu
from jax.experimental.pallas import tpu_sc as plsc

N = 10000
E = 320000
DN = 128
DE = 16
MAX_LV = 3

NC = 2
NS = 16
NW = NC * NS
CH = 80
NCHT = E // (NW * CH)
EPT = E // NW
CH2 = 100
NBLK = 5
BCH = 20
NCHT2 = NBLK * BCH
RPT = 624
TAIL = N - NS * RPT

_mesh = lambda: plsc.VectorSubcoreMesh(core_axis_name="c", subcore_axis_name="s")



@functools.partial(
    pl.kernel, mesh=_mesh(),
    out_type=jax.ShapeDtypeStruct((NC * N, DN), jnp.float32),
    scratch_types=[
        pltpu.VMEM((NCHT, CH), jnp.int32),
        pltpu.VMEM((CH, DE), jnp.float32),
        pltpu.VMEM((CH, DN), jnp.float32),
        pltpu.VMEM_SHARED((N, DN), jnp.float32),
        pltpu.SemaphoreType.DMA,
    ])
def _sc_seg16(ef_hbm, dst_hbm, zeros_hbm, out_hbm, dst_v, rows16_v, rows_v,
              accum, sem):
    c = lax.axis_index("c")
    s = lax.axis_index("s")
    w = c * NS + s
    pltpu.sync_copy(dst_hbm.at[w], dst_v)
    pltpu.sync_copy(zeros_hbm.at[pl.ds(0, CH)], rows_v)
    pltpu.sync_copy(zeros_hbm.at[pl.ds(s * RPT, RPT)],
                    accum.at[pl.ds(s * RPT, RPT)])

    @pl.when(s == NS - 1)
    def _():
        pltpu.sync_copy(zeros_hbm.at[pl.ds(NS * RPT, TAIL)],
                        accum.at[pl.ds(NS * RPT, TAIL)])

    plsc.subcore_barrier()

    def body(j, carry):
        pltpu.async_copy(ef_hbm.at[pl.ds(w * EPT + j * CH, CH)], rows16_v,
                         sem).wait()

        def pad(j2, carry2):
            rows_v[j2, pl.ds(0, DE)] = rows16_v[j2, :]
            return carry2

        lax.fori_loop(0, CH, pad, 0)
        pltpu.sync_copy(rows_v, accum.at[dst_v.at[j]], add=True)
        return carry

    lax.fori_loop(0, NCHT, body, 0)
    plsc.subcore_barrier()
    pltpu.sync_copy(accum.at[pl.ds(s * RPT, RPT)],
                    out_hbm.at[pl.ds(c * N + s * RPT, RPT)])

    @pl.when(s == NS - 1)
    def _():
        pltpu.sync_copy(accum.at[pl.ds(NS * RPT, TAIL)],
                        out_hbm.at[pl.ds(c * N + NS * RPT, TAIL)])



@functools.partial(
    pl.kernel, mesh=_mesh(),
    out_type=jax.ShapeDtypeStruct((NC * N, DN), jnp.float32),
    scratch_types=[
        pltpu.VMEM((BCH, CH2), jnp.int32),
        pltpu.VMEM((BCH, CH2), jnp.int32),
        pltpu.VMEM((CH2, DN), jnp.float32),
        pltpu.VMEM((CH2, DN), jnp.float32),
        pltpu.VMEM_SHARED((N, DN), jnp.float32),
        pltpu.SemaphoreType.DMA,
        pltpu.SemaphoreType.DMA,
    ])
def _sc_gather_segsum(cur_hbm, src_hbm, dst_hbm, zeros_hbm, out_hbm,
                      src_v, dst_v, rows0, rows1, accum, sem0, sem1):
    c = lax.axis_index("c")
    s = lax.axis_index("s")
    w = c * NS + s
    pltpu.sync_copy(zeros_hbm.at[pl.ds(s * RPT, RPT)],
                    accum.at[pl.ds(s * RPT, RPT)])

    @pl.when(s == NS - 1)
    def _():
        pltpu.sync_copy(zeros_hbm.at[pl.ds(NS * RPT, TAIL)],
                        accum.at[pl.ds(NS * RPT, TAIL)])

    plsc.subcore_barrier()

    def blk_body(b, carry):
        pltpu.sync_copy(src_hbm.at[w * NBLK + b], src_v)
        pltpu.sync_copy(dst_hbm.at[w * NBLK + b], dst_v)
        pltpu.async_copy(cur_hbm.at[src_v.at[0]], rows0, sem0)

        def body(t, carry2):
            j0 = 2 * t
            j1 = j0 + 1
            j2 = j0 + 2
            pltpu.async_copy(cur_hbm.at[src_v.at[j1]], rows1, sem1)
            pltpu.make_async_copy(cur_hbm.at[src_v.at[j0]], rows0,
                                  sem0).wait()
            pltpu.sync_copy(rows0, accum.at[dst_v.at[j0]], add=True)

            @pl.when(j2 < BCH)
            def _():
                pltpu.async_copy(cur_hbm.at[src_v.at[j2]], rows0, sem0)

            pltpu.make_async_copy(cur_hbm.at[src_v.at[j1]], rows1,
                                  sem1).wait()
            pltpu.sync_copy(rows1, accum.at[dst_v.at[j1]], add=True)
            return carry2

        lax.fori_loop(0, BCH // 2, body, 0)
        return carry

    lax.fori_loop(0, NBLK, blk_body, 0)
    plsc.subcore_barrier()
    pltpu.sync_copy(accum.at[pl.ds(s * RPT, RPT)],
                    out_hbm.at[pl.ds(c * N + s * RPT, RPT)])

    @pl.when(s == NS - 1)
    def _():
        pltpu.sync_copy(accum.at[pl.ds(NS * RPT, TAIL)],
                        out_hbm.at[pl.ds(c * N + NS * RPT, TAIL)])



_RB = 1000


def _tc_prelude_body(nf, s0, s1, w1, w2, b1, b2, im_ref, cur_ref):
    acc = jnp.dot(nf[...], w1[...], preferred_element_type=jnp.float32)
    seg = s0[...] + s1[...]
    acc = acc + jnp.dot(seg[:, :DE], w2[...],
                        preferred_element_type=jnp.float32)
    acc = acc + b1[...] + b2[...]
    im_ref[...] = acc
    cur_ref[...] = jnp.maximum(acc, 0.0)


_tc_prelude = pl.pallas_call(
    _tc_prelude_body,
    grid=(N // _RB,),
    in_specs=[
        pl.BlockSpec((_RB, DN), lambda i: (i, 0)),
        pl.BlockSpec((_RB, DN), lambda i: (i, 0)),
        pl.BlockSpec((_RB, DN), lambda i: (i, 0)),
        pl.BlockSpec((DN, DN), lambda i: (0, 0)),
        pl.BlockSpec((DE, DN), lambda i: (0, 0)),
        pl.BlockSpec((1, DN), lambda i: (0, 0)),
        pl.BlockSpec((1, DN), lambda i: (0, 0)),
    ],
    out_specs=[
        pl.BlockSpec((_RB, DN), lambda i: (i, 0)),
        pl.BlockSpec((_RB, DN), lambda i: (i, 0)),
    ],
    out_shape=[
        jax.ShapeDtypeStruct((N, DN), jnp.float32),
        jax.ShapeDtypeStruct((N, DN), jnp.float32),
    ],
)


def _tc_update_body(p0, p1, im, w, b, cur_ref):
    pool = p0[...] + p1[...]
    acc = jnp.dot(pool, w[...], preferred_element_type=jnp.float32)
    cur_ref[...] = jnp.maximum(acc + b[...] + im[...], 0.0)


_tc_update = pl.pallas_call(
    _tc_update_body,
    grid=(N // _RB,),
    in_specs=[
        pl.BlockSpec((_RB, DN), lambda i: (i, 0)),
        pl.BlockSpec((_RB, DN), lambda i: (i, 0)),
        pl.BlockSpec((_RB, DN), lambda i: (i, 0)),
        pl.BlockSpec((DN, DN), lambda i: (0, 0)),
        pl.BlockSpec((1, DN), lambda i: (0, 0)),
    ],
    out_specs=pl.BlockSpec((_RB, DN), lambda i: (i, 0)),
    out_shape=jax.ShapeDtypeStruct((N, DN), jnp.float32),
)


def _tc_out_body(cur, w, b, y_ref):
    i = pl.program_id(0)
    t = jnp.dot(cur[...], w[...], preferred_element_type=jnp.float32)
    t = jnp.maximum(t + b[...], 0.0)
    part = jnp.sum(t, axis=0, keepdims=True)

    @pl.when(i == 0)
    def _():
        y_ref[...] = part

    @pl.when(i > 0)
    def _():
        y_ref[...] = y_ref[...] + part

    @pl.when(i == pl.num_programs(0) - 1)
    def _():
        y_ref[...] = jnp.maximum(y_ref[...], 0.0)


_tc_out = pl.pallas_call(
    _tc_out_body,
    grid=(N // _RB,),
    in_specs=[
        pl.BlockSpec((_RB, DN), lambda i: (i, 0)),
        pl.BlockSpec((DN, DN), lambda i: (0, 0)),
        pl.BlockSpec((1, DN), lambda i: (0, 0)),
    ],
    out_specs=pl.BlockSpec((1, DN), lambda i: (0, 0)),
    out_shape=jax.ShapeDtypeStruct((1, DN), jnp.float32),
)



def kernel(node_feat, edge_feat, edge_index,
           w_n2l_W, w_n2l_b, w_e2l_W, w_e2l_b,
           conv_W, conv_b, out_W, out_b):
    edge_index = edge_index.astype(jnp.int32)
    src3d = edge_index[0].reshape(NW * NBLK, BCH, CH2)
    dst3d = edge_index[1].reshape(NW * NBLK, BCH, CH2)
    dst3d80 = edge_index[1].reshape(NW, NCHT, CH)
    zeros128 = jnp.zeros((N, DN), jnp.float32)
    b_n2l = w_n2l_b.reshape(1, DN)
    b_e2l = w_e2l_b.reshape(1, DN)
    b_conv = conv_b.reshape(1, DN)
    b_out = out_b.reshape(1, DN)

    seg = _sc_seg16(edge_feat, dst3d80, zeros128)
    im, cur = _tc_prelude(node_feat, seg[:N], seg[N:],
                          w_n2l_W, w_e2l_W, b_n2l, b_e2l)
    for _ in range(MAX_LV):
        pools = _sc_gather_segsum(cur, src3d, dst3d, zeros128)
        cur = _tc_update(pools[:N], pools[N:], im, conv_W, b_conv)
    return _tc_out(cur, out_W, b_out)

# --- scband reference (transcript-rebuilt; emitter-appended) ---
"""Pipeline reference for scband-embed-mean-field-41970420417062 (READ-ONLY COPY).

The authoritative reference and input builder live on the scoring server;
editing this copy changes nothing except your own understanding.
"""

import jax, jax.numpy as jnp
import numpy as np

N_NODES = 10000
N_EDGES = 320000
D_NODE = 128
D_EDGE = 16
LATENT = 128
OUT = 128
MAX_LV = 3

def _glorot(key, shape):
    fan_in, fan_out = shape[0], shape[1]
    limit = np.sqrt(6.0 / (fan_in + fan_out))
    return jax.random.uniform(key, shape, dtype=jnp.float32, minval=-limit, maxval=limit)

def setup_inputs(seed: int = 0) -> dict:
    key = jax.random.key(seed)
    ks = jax.random.split(key, 10)
    node_feat = jax.random.normal(ks[0], (N_NODES, D_NODE), dtype=jnp.float32)
    edge_feat = jax.random.normal(ks[1], (N_EDGES, D_EDGE), dtype=jnp.float32)
    edge_index = jax.random.randint(ks[2], (2, N_EDGES), 0, N_NODES, dtype=jnp.int64 if jax.config.read('jax_enable_x64') else jnp.int32)
    # learned parameters (stored as [in, out] so forward uses x @ W + b)
    w_n2l_W = _glorot(ks[3], (D_NODE, LATENT))
    w_n2l_b = jnp.zeros((LATENT,), dtype=jnp.float32)
    w_e2l_W = _glorot(ks[4], (D_EDGE, LATENT))
    w_e2l_b = jnp.zeros((LATENT,), dtype=jnp.float32)
    conv_W = _glorot(ks[5], (LATENT, LATENT))
    conv_b = jnp.zeros((LATENT,), dtype=jnp.float32)
    out_W = _glorot(ks[6], (LATENT, OUT))
    out_b = jnp.zeros((OUT,), dtype=jnp.float32)
    return {
        'node_feat': node_feat,
        'edge_feat': edge_feat,
        'edge_index': edge_index,
        'w_n2l_W': w_n2l_W, 'w_n2l_b': w_n2l_b,
        'w_e2l_W': w_e2l_W, 'w_e2l_b': w_e2l_b,
        'conv_W': conv_W, 'conv_b': conv_b,
        'out_W': out_W, 'out_b': out_b,
    }

def reference(node_feat, edge_feat, edge_index,
              w_n2l_W, w_n2l_b, w_e2l_W, w_e2l_b,
              conv_W, conv_b, out_W, out_b):
    src = edge_index[0]
    dst = edge_index[1]
    # input_node_linear = self.w_n2l(node_feat)
    input_message = node_feat @ w_n2l_W + w_n2l_b
    # e2npool_input = gnn_spmm(e2n_sp, input_edge_linear): scatter-add edge messages to dst nodes
    input_edge_linear = edge_feat @ w_e2l_W + w_e2l_b
    e2npool = jax.ops.segment_sum(input_edge_linear, dst, num_segments=N_NODES)
    input_message = input_message + e2npool
    cur = jax.nn.relu(input_message)
    # mean-field iterations: n2npool = gnn_spmm(n2n_sp, cur) == scatter-add of neighbor features
    for _ in range(MAX_LV):
        gathered = jnp.take(cur, src, axis=0)
        n2npool = jax.ops.segment_sum(gathered, dst, num_segments=N_NODES)
        node_linear = n2npool @ conv_W + conv_b
        cur = jax.nn.relu(node_linear + input_message)
    # output projection
    reluact = jax.nn.relu(cur @ out_W + out_b)
    # subg_sp pooling: single graph -> sum over all nodes, shape [1, OUT]
    y = jnp.sum(reluact, axis=0, keepdims=True)
    return jax.nn.relu(y)

if __name__ == "__main__":
    import jax
    _d = setup_inputs()
    print(jax.jit(kernel)(*tuple(_d.values())))

</pallas_src>

<mosaic_0001>
#map = affine_map<(d0, d1) -> (0, 0)>
#map1 = affine_map<(d0, d1) -> (0, 0, 0)>
module attributes {stable_mosaic.version = 14 : i64} {
  func.func @_sc_gather_segsum(%arg0: i32, %arg1: i32, %arg2: memref<10000x128xf32, #tpu.memory_space<hbm>>, %arg3: memref<160x20x100xi32, #tpu.memory_space<hbm>>, %arg4: memref<160x20x100xi32, #tpu.memory_space<hbm>>, %arg5: memref<10000x128xf32, #tpu.memory_space<hbm>>, %arg6: memref<20000x128xf32, #tpu.memory_space<hbm>>, %arg7: memref<20x100xi32, #tpu.memory_space<vmem>>, %arg8: memref<20x100xi32, #tpu.memory_space<vmem>>, %arg9: memref<100x128xf32, #tpu.memory_space<vmem>>, %arg10: memref<100x128xf32, #tpu.memory_space<vmem>>, %arg11: memref<10000x128xf32, #tpu.memory_space<vmem_shared>>, %arg12: memref<!tpu.dma_semaphore, #tpu.memory_space<semaphore_mem>>, %arg13: memref<!tpu.dma_semaphore, #tpu.memory_space<semaphore_mem>>) attributes {dimension_semantics = [#tpu.dimension_semantics<core_parallel>, #tpu.dimension_semantics<subcore_parallel>], iteration_bounds = array<i64: 2, 16>, scalar_prefetch = 0 : i64, scratch_operands = 7 : i64, tpu.core_type = #tpu.core_type<sc_vector_subcore>, window_params = [{transform_indices = #map}, {transform_indices = #map1}, {transform_indices = #map1}, {transform_indices = #map}, {transform_indices = #map}]} {
    %mul3A = arith.constant 16 : i32
    %mul3A_0 = arith.muli %arg0, %mul3A : i32
    %add3A = arith.addi %mul3A_0, %arg1 : i32
    %mul3A_1 = arith.constant 624 : i32
    %mul3A_2 = arith.muli %arg1, %mul3A_1 : i32
    %mul3A_3 = arith.constant 624 : i32
    %mul3A_4 = arith.muli %arg1, %mul3A_3 : i32
    "tpu.region"() ({
      %run_scoped3A = tpu.sem_alloc : memref<!tpu.dma_semaphore, #tpu.memory_space<semaphore_mem>>
      %dma_start3A = arith.constant 0 : i32
      %dma_start3A_25 = tpu.memref_slice %arg11[%mul3A_4, %dma_start3A] : memref<10000x128xf32, #tpu.memory_space<vmem_shared>> -> memref<624x128xf32, #tpu.memory_space<vmem_shared>>
      %dma_start3A_26 = arith.constant 0 : i32
      %dma_start3A_27 = tpu.memref_slice %arg5[%mul3A_2, %dma_start3A_26] : memref<10000x128xf32, #tpu.memory_space<hbm>> -> memref<624x128xf32, #tpu.memory_space<hbm>>
      tpu.enqueue_dma source(%dma_start3A_27 : memref<624x128xf32, #tpu.memory_space<hbm>>) target(%dma_start3A_25 : memref<624x128xf32, #tpu.memory_space<vmem_shared>>) target_semaphore(%run_scoped3A : memref<!tpu.dma_semaphore, #tpu.memory_space<semaphore_mem>>)
      %dma_wait3A = arith.constant 0 : i32
      %dma_wait3A_28 = tpu.memref_slice %arg11[%mul3A_4, %dma_wait3A] : memref<10000x128xf32, #tpu.memory_space<vmem_shared>> -> memref<624x128xf32, #tpu.memory_space<vmem_shared>>
      %dma_wait3A_29 = arith.constant 0 : i32
      %dma_wait3A_30 = tpu.memref_slice %arg5[%mul3A_2, %dma_wait3A_29] : memref<10000x128xf32, #tpu.memory_space<hbm>> -> memref<624x128xf32, #tpu.memory_space<hbm>>
      tpu.wait_dma2 semaphore(%run_scoped3A : memref<!tpu.dma_semaphore, #tpu.memory_space<semaphore_mem>>) src(%dma_wait3A_30 : memref<624x128xf32, #tpu.memory_space<hbm>>) dst(%dma_wait3A_28 : memref<624x128xf32, #tpu.memory_space<vmem_shared>>)
      tpu.yield
    }) : () -> ()
    %eq3A = arith.constant 15 : i32
    %eq3A_5 = arith.cmpi eq, %arg1, %eq3A : i32
    %convert_element_type3A = arith.extui %eq3A_5 : i1 to i32
    %cond3A = arith.constant 0 : i32
    %cond3A_6 = arith.cmpi ne, %convert_element_type3A, %cond3A : i32
    scf.if %cond3A_6 {
      "tpu.region"() ({
        %run_scoped3A = tpu.sem_alloc : memref<!tpu.dma_semaphore, #tpu.memory_space<semaphore_mem>>
        %dma_start3A = arith.constant 9984 : i32
        %dma_start3A_25 = arith.constant 0 : i32
        %dma_start3A_26 = tpu.memref_slice %arg11[%dma_start3A, %dma_start3A_25] : memref<10000x128xf32, #tpu.memory_space<vmem_shared>> -> memref<16x128xf32, #tpu.memory_space<vmem_shared>>
        %dma_start3A_27 = arith.constant 9984 : i32
        %dma_start3A_28 = arith.constant 0 : i32
        %dma_start3A_29 = tpu.memref_slice %arg5[%dma_start3A_27, %dma_start3A_28] : memref<10000x128xf32, #tpu.memory_space<hbm>> -> memref<16x128xf32, #tpu.memory_space<hbm>>
        tpu.enqueue_dma source(%dma_start3A_29 : memref<16x128xf32, #tpu.memory_space<hbm>>) target(%dma_start3A_26 : memref<16x128xf32, #tpu.memory_space<vmem_shared>>) target_semaphore(%run_scoped3A : memref<!tpu.dma_semaphore, #tpu.memory_space<semaphore_mem>>)
        %dma_wait3A = arith.constant 9984 : i32
        %dma_wait3A_30 = arith.constant 0 : i32
        %dma_wait3A_31 = tpu.memref_slice %arg11[%dma_wait3A, %dma_wait3A_30] : memref<10000x128xf32, #tpu.memory_space<vmem_shared>> -> memref<16x128xf32, #tpu.memory_space<vmem_shared>>
        %dma_wait3A_32 = arith.constant 9984 : i32
        %dma_wait3A_33 = arith.constant 0 : i32
        %dma_wait3A_34 = tpu.memref_slice %arg5[%dma_wait3A_32, %dma_wait3A_33] : memref<10000x128xf32, #tpu.memory_space<hbm>> -> memref<16x128xf32, #tpu.memory_space<hbm>>
        tpu.wait_dma2 semaphore(%run_scoped3A : memref<!tpu.dma_semaphore, #tpu.memory_space<semaphore_mem>>) src(%dma_wait3A_34 : memref<16x128xf32, #tpu.memory_space<hbm>>) dst(%dma_wait3A_31 : memref<16x128xf32, #tpu.memory_space<vmem_shared>>)
        tpu.yield
      }) : () -> ()
    } else {
    }
    %barrier3A = arith.constant 0 : index
    tpu.barrier barrier_id(%barrier3A)
    %scan3A = arith.constant 0 : i32
    %scan3A_7 = arith.constant 0 : i32
    %scan3A_8 = arith.constant 5 : i32
    %scan3A_9 = arith.addi %scan3A_7, %scan3A_8 : i32
    %scan3A_10 = arith.constant 1 : i32
    scf.for %scan3A_25 = %scan3A_7 to %scan3A_9 step %scan3A_10  : i32 {
      %mul3A_26 = arith.constant 5 : i32
      %mul3A_27 = arith.muli %add3A, %mul3A_26 : i32
      %add3A_28 = arith.addi %mul3A_27, %scan3A_25 : i32
      "tpu.region"() ({
        %run_scoped3A = tpu.sem_alloc : memref<!tpu.dma_semaphore, #tpu.memory_space<semaphore_mem>>
        %dma_start3A_44 = arith.constant 0 : i32
        %dma_start3A_45 = arith.constant 0 : i32
        %dma_start3A_46 = tpu.memref_slice %arg3[%add3A_28, %dma_start3A_44, %dma_start3A_45] : memref<160x20x100xi32, #tpu.memory_space<hbm>> -> memref<1x20x100xi32, #tpu.memory_space<hbm>>
        %dma_start3A_47 = tpu.memref_squeeze %dma_start3A_46 : memref<1x20x100xi32, #tpu.memory_space<hbm>> -> memref<20x100xi32, #tpu.memory_space<hbm>>
        %dma_start3A_48 = arith.constant 0 : i32
        %dma_start3A_49 = arith.constant 0 : i32
        %dma_start3A_50 = tpu.memref_slice %arg3[%add3A_28, %dma_start3A_48, %dma_start3A_49] : memref<160x20x100xi32, #tpu.memory_space<hbm>> -> memref<1x20x100xi32, #tpu.memory_space<hbm>>
        %dma_start3A_51 = tpu.memref_squeeze %dma_start3A_50 : memref<1x20x100xi32, #tpu.memory_space<hbm>> -> memref<20x100xi32, #tpu.memory_space<hbm>>
        tpu.enqueue_dma source(%dma_start3A_51 : memref<20x100xi32, #tpu.memory_space<hbm>>) target(%arg7 : memref<20x100xi32, #tpu.memory_space<vmem>>) target_semaphore(%run_scoped3A : memref<!tpu.dma_semaphore, #tpu.memory_space<semaphore_mem>>)
        %dma_wait3A = arith.constant 0 : i32
        %dma_wait3A_52 = arith.constant 0 : i32
        %dma_wait3A_53 = tpu.memref_slice %arg3[%add3A_28, %dma_wait3A, %dma_wait3A_52] : memref<160x20x100xi32, #tpu.memory_space<hbm>> -> memref<1x20x100xi32, #tpu.memory_space<hbm>>
        %dma_wait3A_54 = tpu.memref_squeeze %dma_wait3A_53 : memref<1x20x100xi32, #tpu.memory_space<hbm>> -> memref<20x100xi32, #tpu.memory_space<hbm>>
        %dma_wait3A_55 = arith.constant 0 : i32
        %dma_wait3A_56 = arith.constant 0 : i32
        %dma_wait3A_57 = tpu.memref_slice %arg3[%add3A_28, %dma_wait3A_55, %dma_wait3A_56] : memref<160x20x100xi32, #tpu.memory_space<hbm>> -> memref<1x20x100xi32, #tpu.memory_space<hbm>>
        %dma_wait3A_58 = tpu.memref_squeeze %dma_wait3A_57 : memref<1x20x100xi32, #tpu.memory_space<hbm>> -> memref<20x100xi32, #tpu.memory_space<hbm>>
        tpu.wait_dma2 semaphore(%run_scoped3A : memref<!tpu.dma_semaphore, #tpu.memory_space<semaphore_mem>>) src(%dma_wait3A_58 : memref<20x100xi32, #tpu.memory_space<hbm>>) dst(%arg7 : memref<20x100xi32, #tpu.memory_space<vmem>>)
        tpu.yield
      }) : () -> ()
      %mul3A_29 = arith.constant 5 : i32
      %mul3A_30 = arith.muli %add3A, %mul3A_29 : i32
      %add3A_31 = arith.addi %mul3A_30, %scan3A_25 : i32
      "tpu.region"() ({
        %run_scoped3A = tpu.sem_alloc : memref<!tpu.dma_semaphore, #tpu.memory_space<semaphore_mem>>
        %dma_start3A_44 = arith.constant 0 : i32
        %dma_start3A_45 = arith.constant 0 : i32
        %dma_start3A_46 = tpu.memref_slice %arg4[%add3A_31, %dma_start3A_44, %dma_start3A_45] : memref<160x20x100xi32, #tpu.memory_space<hbm>> -> memref<1x20x100xi32, #tpu.memory_space<hbm>>
        %dma_start3A_47 = tpu.memref_squeeze %dma_start3A_46 : memref<1x20x100xi32, #tpu.memory_space<hbm>> -> memref<20x100xi32, #tpu.memory_space<hbm>>
        %dma_start3A_48 = arith.constant 0 : i32
        %dma_start3A_49 = arith.constant 0 : i32
        %dma_start3A_50 = tpu.memref_slice %arg4[%add3A_31, %dma_start3A_48, %dma_start3A_49] : memref<160x20x100xi32, #tpu.memory_space<hbm>> -> memref<1x20x100xi32, #tpu.memory_space<hbm>>
        %dma_start3A_51 = tpu.memref_squeeze %dma_start3A_50 : memref<1x20x100xi32, #tpu.memory_space<hbm>> -> memref<20x100xi32, #tpu.memory_space<hbm>>
        tpu.enqueue_dma source(%dma_start3A_51 : memref<20x100xi32, #tpu.memory_space<hbm>>) target(%arg8 : memref<20x100xi32, #tpu.memory_space<vmem>>) target_semaphore(%run_scoped3A : memref<!tpu.dma_semaphore, #tpu.memory_space<semaphore_mem>>)
        %dma_wait3A = arith.constant 0 : i32
        %dma_wait3A_52 = arith.constant 0 : i32
        %dma_wait3A_53 = tpu.memref_slice %arg4[%add3A_31, %dma_wait3A, %dma_wait3A_52] : memref<160x20x100xi32, #tpu.memory_space<hbm>> -> memref<1x20x100xi32, #tpu.memory_space<hbm>>
        %dma_wait3A_54 = tpu.memref_squeeze %dma_wait3A_53 : memref<1x20x100xi32, #tpu.memory_space<hbm>> -> memref<20x100xi32, #tpu.memory_space<hbm>>
        %dma_wait3A_55 = arith.constant 0 : i32
        %dma_wait3A_56 = arith.constant 0 : i32
        %dma_wait3A_57 = tpu.memref_slice %arg4[%add3A_31, %dma_wait3A_55, %dma_wait3A_56] : memref<160x20x100xi32, #tpu.memory_space<hbm>> -> memref<1x20x100xi32, #tpu.memory_space<hbm>>
        %dma_wait3A_58 = tpu.memref_squeeze %dma_wait3A_57 : memref<1x20x100xi32, #tpu.memory_space<hbm>> -> memref<20x100xi32, #tpu.memory_space<hbm>>
        tpu.wait_dma2 semaphore(%run_scoped3A : memref<!tpu.dma_semaphore, #tpu.memory_space<semaphore_mem>>) src(%dma_wait3A_58 : memref<20x100xi32, #tpu.memory_space<hbm>>) dst(%arg8 : memref<20x100xi32, #tpu.memory_space<vmem>>)
        tpu.yield
      }) : () -> ()
      %dma_start3A = arith.constant 0 : i32
      %dma_start3A_32 = arith.constant 0 : i32
      %dma_start3A_33 = tpu.memref_slice %arg7[%dma_start3A, %dma_start3A_32] : memref<20x100xi32, #tpu.memory_space<vmem>> -> memref<1x100xi32, #tpu.memory_space<vmem>>
      %dma_start3A_34 = tpu.memref_squeeze %dma_start3A_33 : memref<1x100xi32, #tpu.memory_space<vmem>> -> memref<100xi32, #tpu.memory_space<vmem>>
      %dma_start3A_35 = arith.constant 0 : i32
      %dma_start3A_36 = arith.constant 0 : i32
      %dma_start3A_37 = tpu.memref_slice %arg2[%dma_start3A_35, %dma_start3A_36] : memref<10000x128xf32, #tpu.memory_space<hbm>> -> memref<10000x128xf32, #tpu.memory_space<hbm>>
      tpu.enqueue_indirect_dma source(%dma_start3A_37 : memref<10000x128xf32, #tpu.memory_space<hbm>>) target(%arg9 : memref<100x128xf32, #tpu.memory_space<vmem>>) offsets(%dma_start3A_34 : memref<100xi32, #tpu.memory_space<vmem>>) semaphore(%arg12 : memref<!tpu.dma_semaphore, #tpu.memory_space<semaphore_mem>>)
      %scan3A_38 = arith.constant 0 : i32
      %scan3A_39 = arith.constant 0 : i32
      %scan3A_40 = arith.constant 10 : i32
      %scan3A_41 = arith.addi %scan3A_39, %scan3A_40 : i32
      %scan3A_42 = arith.constant 1 : i32
      scf.for %scan3A_44 = %scan3A_39 to %scan3A_41 step %scan3A_42  : i32 {
        %mul3A_45 = arith.constant 2 : i32
        %mul3A_46 = arith.muli %mul3A_45, %scan3A_44 : i32
        %add3A_47 = arith.constant 1 : i32
        %add3A_48 = arith.addi %mul3A_46, %add3A_47 : i32
        %add3A_49 = arith.constant 2 : i32
        %add3A_50 = arith.addi %mul3A_46, %add3A_49 : i32
        %dma_start3A_51 = arith.constant 0 : i32
        %dma_start3A_52 = tpu.memref_slice %arg7[%add3A_48, %dma_start3A_51] : memref<20x100xi32, #tpu.memory_space<vmem>> -> memref<1x100xi32, #tpu.memory_space<vmem>>
        %dma_start3A_53 = tpu.memref_squeeze %dma_start3A_52 : memref<1x100xi32, #tpu.memory_space<vmem>> -> memref<100xi32, #tpu.memory_space<vmem>>
        %dma_start3A_54 = arith.constant 0 : i32
        %dma_start3A_55 = arith.constant 0 : i32
        %dma_start3A_56 = tpu.memref_slice %arg2[%dma_start3A_54, %dma_start3A_55] : memref<10000x128xf32, #tpu.memory_space<hbm>> -> memref<10000x128xf32, #tpu.memory_space<hbm>>
        tpu.enqueue_indirect_dma source(%dma_start3A_56 : memref<10000x128xf32, #tpu.memory_space<hbm>>) target(%arg10 : memref<100x128xf32, #tpu.memory_space<vmem>>) offsets(%dma_start3A_53 : memref<100xi32, #tpu.memory_space<vmem>>) semaphore(%arg13 : memref<!tpu.dma_semaphore, #tpu.memory_space<semaphore_mem>>)
        %dma_wait3A = arith.constant 0 : i32
        %dma_wait3A_57 = tpu.memref_slice %arg7[%mul3A_46, %dma_wait3A] : memref<20x100xi32, #tpu.memory_space<vmem>> -> memref<1x100xi32, #tpu.memory_space<vmem>>
        %dma_wait3A_58 = tpu.memref_squeeze %dma_wait3A_57 : memref<1x100xi32, #tpu.memory_space<vmem>> -> memref<100xi32, #tpu.memory_space<vmem>>
        %dma_wait3A_59 = arith.constant 0 : i32
        %dma_wait3A_60 = arith.constant 0 : i32
        %dma_wait3A_61 = tpu.memref_slice %arg2[%dma_wait3A_59, %dma_wait3A_60] : memref<10000x128xf32, #tpu.memory_space<hbm>> -> memref<10000x128xf32, #tpu.memory_space<hbm>>
        tpu.wait_indirect_dma semaphore(%arg12 : memref<!tpu.dma_semaphore, #tpu.memory_space<semaphore_mem>>) src(%dma_wait3A_61 : memref<10000x128xf32, #tpu.memory_space<hbm>>) dst(%arg9 : memref<100x128xf32, #tpu.memory_space<vmem>>)
        "tpu.region"() ({
          %run_scoped3A = tpu.sem_alloc : memref<!tpu.dma_semaphore, #tpu.memory_space<semaphore_mem>>
          %dma_start3A_72 = arith.constant 0 : i32
          %dma_start3A_73 = tpu.memref_slice %arg8[%mul3A_46, %dma_start3A_72] : memref<20x100xi32, #tpu.memory_space<vmem>> -> memref<1x100xi32, #tpu.memory_space<vmem>>
          %dma_start3A_74 = tpu.memref_squeeze %dma_start3A_73 : memref<1x100xi32, #tpu.memory_space<vmem>> -> memref<100xi32, #tpu.memory_space<vmem>>
          %dma_start3A_75 = arith.constant 0 : i32
          %dma_start3A_76 = arith.constant 0 : i32
          %dma_start3A_77 = tpu.memref_slice %arg11[%dma_start3A_75, %dma_start3A_76] : memref<10000x128xf32, #tpu.memory_space<vmem_shared>> -> memref<10000x128xf32, #tpu.memory_space<vmem_shared>>
          tpu.enqueue_indirect_dma source(%arg9 : memref<100x128xf32, #tpu.memory_space<vmem>>) target(%dma_start3A_77 : memref<10000x128xf32, #tpu.memory_space<vmem_shared>>) offsets(%dma_start3A_74 : memref<100xi32, #tpu.memory_space<vmem>>) semaphore(%run_scoped3A : memref<!tpu.dma_semaphore, #tpu.memory_space<semaphore_mem>>) {add = true}
          %dma_wait3A_78 = arith.constant 0 : i32
          %dma_wait3A_79 = tpu.memref_slice %arg8[%mul3A_46, %dma_wait3A_78] : memref<20x100xi32, #tpu.memory_space<vmem>> -> memref<1x100xi32, #tpu.memory_space<vmem>>
          %dma_wait3A_80 = tpu.memref_squeeze %dma_wait3A_79 : memref<1x100xi32, #tpu.memory_space<vmem>> -> memref<100xi32, #tpu.memory_space<vmem>>
          %dma_wait3A_81 = arith.constant 0 : i32
          %dma_wait3A_82 = arith.constant 0 : i32
          %dma_wait3A_83 = tpu.memref_slice %arg11[%dma_wait3A_81, %dma_wait3A_82] : memref<10000x128xf32, #tpu.memory_space<vmem_shared>> -> memref<10000x128xf32, #tpu.memory_space<vmem_shared>>
          tpu.wait_indirect_dma semaphore(%run_scoped3A : memref<!tpu.dma_semaphore, #tpu.memory_space<semaphore_mem>>) src(%arg9 : memref<100x128xf32, #tpu.memory_space<vmem>>) dst(%dma_wait3A_83 : memref<10000x128xf32, #tpu.memory_space<vmem_shared>>)
          tpu.yield
        }) : () -> ()
        %lt3A = arith.constant 20 : i32
        %lt3A_62 = arith.cmpi slt, %add3A_50, %lt3A : i32
        %convert_element_type3A_63 = arith.extui %lt3A_62 : i1 to i32
        %cond3A_64 = arith.constant 0 : i32
        %cond3A_65 = arith.cmpi ne, %convert_element_type3A_63, %cond3A_64 : i32
        scf.if %cond3A_65 {
          %dma_start3A_72 = arith.constant 0 : i32
          %dma_start3A_73 = tpu.memref_slice %arg7[%add3A_50, %dma_start3A_72] : memref<20x100xi32, #tpu.memory_space<vmem>> -> memref<1x100xi32, #tpu.memory_space<vmem>>
          %dma_start3A_74 = tpu.memref_squeeze %dma_start3A_73 : memref<1x100xi32, #tpu.memory_space<vmem>> -> memref<100xi32, #tpu.memory_space<vmem>>
          %dma_start3A_75 = arith.constant 0 : i32
          %dma_start3A_76 = arith.constant 0 : i32
          %dma_start3A_77 = tpu.memref_slice %arg2[%dma_start3A_75, %dma_start3A_76] : memref<10000x128xf32, #tpu.memory_space<hbm>> -> memref<10000x128xf32, #tpu.memory_space<hbm>>
          tpu.enqueue_indirect_dma source(%dma_start3A_77 : memref<10000x128xf32, #tpu.memory_space<hbm>>) target(%arg9 : memref<100x128xf32, #tpu.memory_space<vmem>>) offsets(%dma_start3A_74 : memref<100xi32, #tpu.memory_space<vmem>>) semaphore(%arg12 : memref<!tpu.dma_semaphore, #tpu.memory_space<semaphore_mem>>)
        } else {
        }
        %dma_wait3A_66 = arith.constant 0 : i32
        %dma_wait3A_67 = tpu.memref_slice %arg7[%add3A_48, %dma_wait3A_66] : memref<20x100xi32, #tpu.memory_space<vmem>> -> memref<1x100xi32, #tpu.memory_space<vmem>>
        %dma_wait3A_68 = tpu.memref_squeeze %dma_wait3A_67 : memref<1x100xi32, #tpu.memory_space<vmem>> -> memref<100xi32, #tpu.memory_space<vmem>>
        %dma_wait3A_69 = arith.constant 0 : i32
        %dma_wait3A_70 = arith.constant 0 : i32
        %dma_wait3A_71 = tpu.memref_slice %arg2[%dma_wait3A_69, %dma_wait3A_70] : memref<10000x128xf32, #tpu.memory_space<hbm>> -> memref<10000x128xf32, #tpu.memory_space<hbm>>
        tpu.wait_indirect_dma semaphore(%arg13 : memref<!tpu.dma_semaphore, #tpu.memory_space<semaphore_mem>>) src(%dma_wait3A_71 : memref<10000x128xf32, #tpu.memory_space<hbm>>) dst(%arg10 : memref<100x128xf32, #tpu.memory_space<vmem>>)
        "tpu.region"() ({
          %run_scoped3A = tpu.sem_alloc : memref<!tpu.dma_semaphore, #tpu.memory_space<semaphore_mem>>
          %dma_start3A_72 = arith.constant 0 : i32
          %dma_start3A_73 = tpu.memref_slice %arg8[%add3A_48, %dma_start3A_72] : memref<20x100xi32, #tpu.memory_space<vmem>> -> memref<1x100xi32, #tpu.memory_space<vmem>>
          %dma_start3A_74 = tpu.memref_squeeze %dma_start3A_73 : memref<1x100xi32, #tpu.memory_space<vmem>> -> memref<100xi32, #tpu.memory_space<vmem>>
          %dma_start3A_75 = arith.constant 0 : i32
          %dma_start3A_76 = arith.constant 0 : i32
          %dma_start3A_77 = tpu.memref_slice %arg11[%dma_start3A_75, %dma_start3A_76] : memref<10000x128xf32, #tpu.memory_space<vmem_shared>> -> memref<10000x128xf32, #tpu.memory_space<vmem_shared>>
          tpu.enqueue_indirect_dma source(%arg10 : memref<100x128xf32, #tpu.memory_space<vmem>>) target(%dma_start3A_77 : memref<10000x128xf32, #tpu.memory_space<vmem_shared>>) offsets(%dma_start3A_74 : memref<100xi32, #tpu.memory_space<vmem>>) semaphore(%run_scoped3A : memref<!tpu.dma_semaphore, #tpu.memory_space<semaphore_mem>>) {add = true}
          %dma_wait3A_78 = arith.constant 0 : i32
          %dma_wait3A_79 = tpu.memref_slice %arg8[%add3A_48, %dma_wait3A_78] : memref<20x100xi32, #tpu.memory_space<vmem>> -> memref<1x100xi32, #tpu.memory_space<vmem>>
          %dma_wait3A_80 = tpu.memref_squeeze %dma_wait3A_79 : memref<1x100xi32, #tpu.memory_space<vmem>> -> memref<100xi32, #tpu.memory_space<vmem>>
          %dma_wait3A_81 = arith.constant 0 : i32
          %dma_wait3A_82 = arith.constant 0 : i32
          %dma_wait3A_83 = tpu.memref_slice %arg11[%dma_wait3A_81, %dma_wait3A_82] : memref<10000x128xf32, #tpu.memory_space<vmem_shared>> -> memref<10000x128xf32, #tpu.memory_space<vmem_shared>>
          tpu.wait_indirect_dma semaphore(%run_scoped3A : memref<!tpu.dma_semaphore, #tpu.memory_space<semaphore_mem>>) src(%arg10 : memref<100x128xf32, #tpu.memory_space<vmem>>) dst(%dma_wait3A_83 : memref<10000x128xf32, #tpu.memory_space<vmem_shared>>)
          tpu.yield
        }) : () -> ()
      }
      %scan3A_43 = arith.constant 10 : i32
    }
    %scan3A_11 = arith.constant 5 : i32
    %barrier3A_12 = arith.constant 0 : index
    tpu.barrier barrier_id(%barrier3A_12)
    %mul3A_13 = arith.constant 624 : i32
    %mul3A_14 = arith.muli %arg1, %mul3A_13 : i32
    %mul3A_15 = arith.constant 10000 : i32
    %mul3A_16 = arith.muli %arg0, %mul3A_15 : i32
    %mul3A_17 = arith.constant 624 : i32
    %mul3A_18 = arith.muli %arg1, %mul3A_17 : i32
    %add3A_19 = arith.addi %mul3A_16, %mul3A_18 : i32
    "tpu.region"() ({
      %run_scoped3A = tpu.sem_alloc : memref<!tpu.dma_semaphore, #tpu.memory_space<semaphore_mem>>
      %dma_start3A = arith.constant 0 : i32
      %dma_start3A_25 = tpu.memref_slice %arg6[%add3A_19, %dma_start3A] : memref<20000x128xf32, #tpu.memory_space<hbm>> -> memref<624x128xf32, #tpu.memory_space<hbm>>
      %dma_start3A_26 = arith.constant 0 : i32
      %dma_start3A_27 = tpu.memref_slice %arg11[%mul3A_14, %dma_start3A_26] : memref<10000x128xf32, #tpu.memory_space<vmem_shared>> -> memref<624x128xf32, #tpu.memory_space<vmem_shared>>
      tpu.enqueue_dma source(%dma_start3A_27 : memref<624x128xf32, #tpu.memory_space<vmem_shared>>) target(%dma_start3A_25 : memref<624x128xf32, #tpu.memory_space<hbm>>) target_semaphore(%run_scoped3A : memref<!tpu.dma_semaphore, #tpu.memory_space<semaphore_mem>>)
      %dma_wait3A = arith.constant 0 : i32
      %dma_wait3A_28 = tpu.memref_slice %arg6[%add3A_19, %dma_wait3A] : memref<20000x128xf32, #tpu.memory_space<hbm>> -> memref<624x128xf32, #tpu.memory_space<hbm>>
      %dma_wait3A_29 = arith.constant 0 : i32
      %dma_wait3A_30 = tpu.memref_slice %arg11[%mul3A_14, %dma_wait3A_29] : memref<10000x128xf32, #tpu.memory_space<vmem_shared>> -> memref<624x128xf32, #tpu.memory_space<vmem_shared>>
      tpu.wait_dma2 semaphore(%run_scoped3A : memref<!tpu.dma_semaphore, #tpu.memory_space<semaphore_mem>>) src(%dma_wait3A_30 : memref<624x128xf32, #tpu.memory_space<vmem_shared>>) dst(%dma_wait3A_28 : memref<624x128xf32, #tpu.memory_space<hbm>>)
      tpu.yield
    }) : () -> ()
    %eq3A_20 = arith.constant 15 : i32
    %eq3A_21 = arith.cmpi eq, %arg1, %eq3A_20 : i32
    %convert_element_type3A_22 = arith.extui %eq3A_21 : i1 to i32
    %cond3A_23 = arith.constant 0 : i32
    %cond3A_24 = arith.cmpi ne, %convert_element_type3A_22, %cond3A_23 : i32
    scf.if %cond3A_24 {
      %mul3A_25 = arith.constant 10000 : i32
      %mul3A_26 = arith.muli %arg0, %mul3A_25 : i32
      %add3A_27 = arith.constant 9984 : i32
      %add3A_28 = arith.addi %mul3A_26, %add3A_27 : i32
      "tpu.region"() ({
        %run_scoped3A = tpu.sem_alloc : memref<!tpu.dma_semaphore, #tpu.memory_space<semaphore_mem>>
        %dma_start3A = arith.constant 0 : i32
        %dma_start3A_29 = tpu.memref_slice %arg6[%add3A_28, %dma_start3A] : memref<20000x128xf32, #tpu.memory_space<hbm>> -> memref<16x128xf32, #tpu.memory_space<hbm>>
        %dma_start3A_30 = arith.constant 9984 : i32
        %dma_start3A_31 = arith.constant 0 : i32
        %dma_start3A_32 = tpu.memref_slice %arg11[%dma_start3A_30, %dma_start3A_31] : memref<10000x128xf32, #tpu.memory_space<vmem_shared>> -> memref<16x128xf32, #tpu.memory_space<vmem_shared>>
        tpu.enqueue_dma source(%dma_start3A_32 : memref<16x128xf32, #tpu.memory_space<vmem_shared>>) target(%dma_start3A_29 : memref<16x128xf32, #tpu.memory_space<hbm>>) target_semaphore(%run_scoped3A : memref<!tpu.dma_semaphore, #tpu.memory_space<semaphore_mem>>)
        %dma_wait3A = arith.constant 0 : i32
        %dma_wait3A_33 = tpu.memref_slice %arg6[%add3A_28, %dma_wait3A] : memref<20000x128xf32, #tpu.memory_space<hbm>> -> memref<16x128xf32, #tpu.memory_space<hbm>>
        %dma_wait3A_34 = arith.constant 9984 : i32
        %dma_wait3A_35 = arith.constant 0 : i32
        %dma_wait3A_36 = tpu.memref_slice %arg11[%dma_wait3A_34, %dma_wait3A_35] : memref<10000x128xf32, #tpu.memory_space<vmem_shared>> -> memref<16x128xf32, #tpu.memory_space<vmem_shared>>
        tpu.wait_dma2 semaphore(%run_scoped3A : memref<!tpu.dma_semaphore, #tpu.memory_space<semaphore_mem>>) src(%dma_wait3A_36 : memref<16x128xf32, #tpu.memory_space<vmem_shared>>) dst(%dma_wait3A_33 : memref<16x128xf32, #tpu.memory_space<hbm>>)
        tpu.yield
      }) : () -> ()
    } else {
    }
    return
  }
}

#map = affine_map<(d0, d1) -> (0, 0)>
#map1 = affine_map<(d0, d1) -> (0, 0, 0)>
module attributes {stable_mosaic.version = 14 : i64} {
  func.func @_sc_seg16(%arg0: i32, %arg1: i32, %arg2: memref<320000x16xf32, #tpu.memory_space<hbm>>, %arg3: memref<32x125x80xi32, #tpu.memory_space<hbm>>, %arg4: memref<10000x128xf32, #tpu.memory_space<hbm>>, %arg5: memref<20000x128xf32, #tpu.memory_space<hbm>>, %arg6: memref<125x80xi32, #tpu.memory_space<vmem>>, %arg7: memref<80x16xf32, #tpu.memory_space<vmem>>, %arg8: memref<80x128xf32, #tpu.memory_space<vmem>>, %arg9: memref<10000x128xf32, #tpu.memory_space<vmem_shared>>, %arg10: memref<!tpu.dma_semaphore, #tpu.memory_space<semaphore_mem>>) attributes {dimension_semantics = [#tpu.dimension_semantics<core_parallel>, #tpu.dimension_semantics<subcore_parallel>], iteration_bounds = array<i64: 2, 16>, scalar_prefetch = 0 : i64, scratch_operands = 5 : i64, tpu.core_type = #tpu.core_type<sc_vector_subcore>, window_params = [{transform_indices = #map}, {transform_indices = #map1}, {transform_indices = #map}, {transform_indices = #map}]} {
    %mul3A = arith.constant 16 : i32
    %mul3A_0 = arith.muli %arg0, %mul3A : i32
    %add3A = arith.addi %mul3A_0, %arg1 : i32
    "tpu.region"() ({
      %run_scoped3A = tpu.sem_alloc : memref<!tpu.dma_semaphore, #tpu.memory_space<semaphore_mem>>
      %dma_start3A = arith.constant 0 : i32
      %dma_start3A_25 = arith.constant 0 : i32
      %dma_start3A_26 = tpu.memref_slice %arg3[%add3A, %dma_start3A, %dma_start3A_25] : memref<32x125x80xi32, #tpu.memory_space<hbm>> -> memref<1x125x80xi32, #tpu.memory_space<hbm>>
      %dma_start3A_27 = tpu.memref_squeeze %dma_start3A_26 : memref<1x125x80xi32, #tpu.memory_space<hbm>> -> memref<125x80xi32, #tpu.memory_space<hbm>>
      %dma_start3A_28 = arith.constant 0 : i32
      %dma_start3A_29 = arith.constant 0 : i32
      %dma_start3A_30 = tpu.memref_slice %arg3[%add3A, %dma_start3A_28, %dma_start3A_29] : memref<32x125x80xi32, #tpu.memory_space<hbm>> -> memref<1x125x80xi32, #tpu.memory_space<hbm>>
      %dma_start3A_31 = tpu.memref_squeeze %dma_start3A_30 : memref<1x125x80xi32, #tpu.memory_space<hbm>> -> memref<125x80xi32, #tpu.memory_space<hbm>>
      tpu.enqueue_dma source(%dma_start3A_31 : memref<125x80xi32, #tpu.memory_space<hbm>>) target(%arg6 : memref<125x80xi32, #tpu.memory_space<vmem>>) target_semaphore(%run_scoped3A : memref<!tpu.dma_semaphore, #tpu.memory_space<semaphore_mem>>)
      %dma_wait3A = arith.constant 0 : i32
      %dma_wait3A_32 = arith.constant 0 : i32
      %dma_wait3A_33 = tpu.memref_slice %arg3[%add3A, %dma_wait3A, %dma_wait3A_32] : memref<32x125x80xi32, #tpu.memory_space<hbm>> -> memref<1x125x80xi32, #tpu.memory_space<hbm>>
      %dma_wait3A_34 = tpu.memref_squeeze %dma_wait3A_33 : memref<1x125x80xi32, #tpu.memory_space<hbm>> -> memref<125x80xi32, #tpu.memory_space<hbm>>
      %dma_wait3A_35 = arith.constant 0 : i32
      %dma_wait3A_36 = arith.constant 0 : i32
      %dma_wait3A_37 = tpu.memref_slice %arg3[%add3A, %dma_wait3A_35, %dma_wait3A_36] : memref<32x125x80xi32, #tpu.memory_space<hbm>> -> memref<1x125x80xi32, #tpu.memory_space<hbm>>
      %dma_wait3A_38 = tpu.memref_squeeze %dma_wait3A_37 : memref<1x125x80xi32, #tpu.memory_space<hbm>> -> memref<125x80xi32, #tpu.memory_space<hbm>>
      tpu.wait_dma2 semaphore(%run_scoped3A : memref<!tpu.dma_semaphore, #tpu.memory_space<semaphore_mem>>) src(%dma_wait3A_38 : memref<125x80xi32, #tpu.memory_space<hbm>>) dst(%arg6 : memref<125x80xi32, #tpu.memory_space<vmem>>)
      tpu.yield
    }) : () -> ()
    "tpu.region"() ({
      %run_scoped3A = tpu.sem_alloc : memref<!tpu.dma_semaphore, #tpu.memory_space<semaphore_mem>>
      %dma_start3A = arith.constant 0 : i32
      %dma_start3A_25 = arith.constant 0 : i32
      %dma_start3A_26 = tpu.memref_slice %arg4[%dma_start3A, %dma_start3A_25] : memref<10000x128xf32, #tpu.memory_space<hbm>> -> memref<80x128xf32, #tpu.memory_space<hbm>>
      %dma_start3A_27 = arith.constant 0 : i32
      %dma_start3A_28 = arith.constant 0 : i32
      %dma_start3A_29 = tpu.memref_slice %arg4[%dma_start3A_27, %dma_start3A_28] : memref<10000x128xf32, #tpu.memory_space<hbm>> -> memref<80x128xf32, #tpu.memory_space<hbm>>
      tpu.enqueue_dma source(%dma_start3A_29 : memref<80x128xf32, #tpu.memory_space<hbm>>) target(%arg8 : memref<80x128xf32, #tpu.memory_space<vmem>>) target_semaphore(%run_scoped3A : memref<!tpu.dma_semaphore, #tpu.memory_space<semaphore_mem>>)
      %dma_wait3A = arith.constant 0 : i32
      %dma_wait3A_30 = arith.constant 0 : i32
      %dma_wait3A_31 = tpu.memref_slice %arg4[%dma_wait3A, %dma_wait3A_30] : memref<10000x128xf32, #tpu.memory_space<hbm>> -> memref<80x128xf32, #tpu.memory_space<hbm>>
      %dma_wait3A_32 = arith.constant 0 : i32
      %dma_wait3A_33 = arith.constant 0 : i32
      %dma_wait3A_34 = tpu.memref_slice %arg4[%dma_wait3A_32, %dma_wait3A_33] : memref<10000x128xf32, #tpu.memory_space<hbm>> -> memref<80x128xf32, #tpu.memory_space<hbm>>
      tpu.wait_dma2 semaphore(%run_scoped3A : memref<!tpu.dma_semaphore, #tpu.memory_space<semaphore_mem>>) src(%dma_wait3A_34 : memref<80x128xf32, #tpu.memory_space<hbm>>) dst(%arg8 : memref<80x128xf32, #tpu.memory_space<vmem>>)
      tpu.yield
    }) : () -> ()
    %mul3A_1 = arith.constant 624 : i32
    %mul3A_2 = arith.muli %arg1, %mul3A_1 : i32
    %mul3A_3 = arith.constant 624 : i32
    %mul3A_4 = arith.muli %arg1, %mul3A_3 : i32
    "tpu.region"() ({
      %run_scoped3A = tpu.sem_alloc : memref<!tpu.dma_semaphore, #tpu.memory_space<semaphore_mem>>
      %dma_start3A = arith.constant 0 : i32
      %dma_start3A_25 = tpu.memref_slice %arg9[%mul3A_4, %dma_start3A] : memref<10000x128xf32, #tpu.memory_space<vmem_shared>> -> memref<624x128xf32, #tpu.memory_space<vmem_shared>>
      %dma_start3A_26 = arith.constant 0 : i32
      %dma_start3A_27 = tpu.memref_slice %arg4[%mul3A_2, %dma_start3A_26] : memref<10000x128xf32, #tpu.memory_space<hbm>> -> memref<624x128xf32, #tpu.memory_space<hbm>>
      tpu.enqueue_dma source(%dma_start3A_27 : memref<624x128xf32, #tpu.memory_space<hbm>>) target(%dma_start3A_25 : memref<624x128xf32, #tpu.memory_space<vmem_shared>>) target_semaphore(%run_scoped3A : memref<!tpu.dma_semaphore, #tpu.memory_space<semaphore_mem>>)
      %dma_wait3A = arith.constant 0 : i32
      %dma_wait3A_28 = tpu.memref_slice %arg9[%mul3A_4, %dma_wait3A] : memref<10000x128xf32, #tpu.memory_space<vmem_shared>> -> memref<624x128xf32, #tpu.memory_space<vmem_shared>>
      %dma_wait3A_29 = arith.constant 0 : i32
      %dma_wait3A_30 = tpu.memref_slice %arg4[%mul3A_2, %dma_wait3A_29] : memref<10000x128xf32, #tpu.memory_space<hbm>> -> memref<624x128xf32, #tpu.memory_space<hbm>>
      tpu.wait_dma2 semaphore(%run_scoped3A : memref<!tpu.dma_semaphore, #tpu.memory_space<semaphore_mem>>) src(%dma_wait3A_30 : memref<624x128xf32, #tpu.memory_space<hbm>>) dst(%dma_wait3A_28 : memref<624x128xf32, #tpu.memory_space<vmem_shared>>)
      tpu.yield
    }) : () -> ()
    %eq3A = arith.constant 15 : i32
    %eq3A_5 = arith.cmpi eq, %arg1, %eq3A : i32
    %convert_element_type3A = arith.extui %eq3A_5 : i1 to i32
    %cond3A = arith.constant 0 : i32
    %cond3A_6 = arith.cmpi ne, %convert_element_type3A, %cond3A : i32
    scf.if %cond3A_6 {
      "tpu.region"() ({
        %run_scoped3A = tpu.sem_alloc : memref<!tpu.dma_semaphore, #tpu.memory_space<semaphore_mem>>
        %dma_start3A = arith.constant 9984 : i32
        %dma_start3A_25 = arith.constant 0 : i32
        %dma_start3A_26 = tpu.memref_slice %arg9[%dma_start3A, %dma_start3A_25] : memref<10000x128xf32, #tpu.memory_space<vmem_shared>> -> memref<16x128xf32, #tpu.memory_space<vmem_shared>>
        %dma_start3A_27 = arith.constant 9984 : i32
        %dma_start3A_28 = arith.constant 0 : i32
        %dma_start3A_29 = tpu.memref_slice %arg4[%dma_start3A_27, %dma_start3A_28] : memref<10000x128xf32, #tpu.memory_space<hbm>> -> memref<16x128xf32, #tpu.memory_space<hbm>>
        tpu.enqueue_dma source(%dma_start3A_29 : memref<16x128xf32, #tpu.memory_space<hbm>>) target(%dma_start3A_26 : memref<16x128xf32, #tpu.memory_space<vmem_shared>>) target_semaphore(%run_scoped3A : memref<!tpu.dma_semaphore, #tpu.memory_space<semaphore_mem>>)
        %dma_wait3A = arith.constant 9984 : i32
        %dma_wait3A_30 = arith.constant 0 : i32
        %dma_wait3A_31 = tpu.memref_slice %arg9[%dma_wait3A, %dma_wait3A_30] : memref<10000x128xf32, #tpu.memory_space<vmem_shared>> -> memref<16x128xf32, #tpu.memory_space<vmem_shared>>
        %dma_wait3A_32 = arith.constant 9984 : i32
        %dma_wait3A_33 = arith.constant 0 : i32
        %dma_wait3A_34 = tpu.memref_slice %arg4[%dma_wait3A_32, %dma_wait3A_33] : memref<10000x128xf32, #tpu.memory_space<hbm>> -> memref<16x128xf32, #tpu.memory_space<hbm>>
        tpu.wait_dma2 semaphore(%run_scoped3A : memref<!tpu.dma_semaphore, #tpu.memory_space<semaphore_mem>>) src(%dma_wait3A_34 : memref<16x128xf32, #tpu.memory_space<hbm>>) dst(%dma_wait3A_31 : memref<16x128xf32, #tpu.memory_space<vmem_shared>>)
        tpu.yield
      }) : () -> ()
    } else {
    }
    %barrier3A = arith.constant 0 : index
    tpu.barrier barrier_id(%barrier3A)
    %scan3A = arith.constant 0 : i32
    %scan3A_7 = arith.constant 0 : i32
    %scan3A_8 = arith.constant 125 : i32
    %scan3A_9 = arith.addi %scan3A_7, %scan3A_8 : i32
    %scan3A_10 = arith.constant 1 : i32
    scf.for %scan3A_25 = %scan3A_7 to %scan3A_9 step %scan3A_10  : i32 {
      %mul3A_26 = arith.constant 10000 : i32
      %mul3A_27 = arith.muli %add3A, %mul3A_26 : i32
      %mul3A_28 = arith.constant 80 : i32
      %mul3A_29 = arith.muli %scan3A_25, %mul3A_28 : i32
      %add3A_30 = arith.addi %mul3A_27, %mul3A_29 : i32
      %dma_start3A = arith.constant 0 : i32
      %dma_start3A_31 = tpu.memref_slice %arg2[%add3A_30, %dma_start3A] : memref<320000x16xf32, #tpu.memory_space<hbm>> -> memref<80x16xf32, #tpu.memory_space<hbm>>
      %dma_start3A_32 = arith.constant 0 : i32
      %dma_start3A_33 = tpu.memref_slice %arg2[%add3A_30, %dma_start3A_32] : memref<320000x16xf32, #tpu.memory_space<hbm>> -> memref<80x16xf32, #tpu.memory_space<hbm>>
      tpu.enqueue_dma source(%dma_start3A_33 : memref<80x16xf32, #tpu.memory_space<hbm>>) target(%arg7 : memref<80x16xf32, #tpu.memory_space<vmem>>) target_semaphore(%arg10 : memref<!tpu.dma_semaphore, #tpu.memory_space<semaphore_mem>>)
      %dma_wait3A = arith.constant 0 : i32
      %dma_wait3A_34 = tpu.memref_slice %arg2[%add3A_30, %dma_wait3A] : memref<320000x16xf32, #tpu.memory_space<hbm>> -> memref<80x16xf32, #tpu.memory_space<hbm>>
      %dma_wait3A_35 = arith.constant 0 : i32
      %dma_wait3A_36 = tpu.memref_slice %arg2[%add3A_30, %dma_wait3A_35] : memref<320000x16xf32, #tpu.memory_space<hbm>> -> memref<80x16xf32, #tpu.memory_space<hbm>>
      tpu.wait_dma2 semaphore(%arg10 : memref<!tpu.dma_semaphore, #tpu.memory_space<semaphore_mem>>) src(%dma_wait3A_36 : memref<80x16xf32, #tpu.memory_space<hbm>>) dst(%arg7 : memref<80x16xf32, #tpu.memory_space<vmem>>)
      %scan3A_37 = arith.constant 0 : i32
      %scan3A_38 = arith.constant 0 : i32
      %scan3A_39 = arith.constant 80 : i32
      %scan3A_40 = arith.addi %scan3A_38, %scan3A_39 : i32
      %scan3A_41 = arith.constant 1 : i32
      scf.for %scan3A_43 = %scan3A_38 to %scan3A_40 step %scan3A_41  : i32 {
        %get3A = arith.index_cast %scan3A_43 : i32 to index
        %get3A_44 = arith.constant 0 : index
        %get3A_45 = tpu.vector_load %arg7[%get3A, %get3A_44] {strides = array<i32>} : memref<80x16xf32, #tpu.memory_space<vmem>>, vector<1x16xf32>,
        %get3A_46 = vector.shape_cast %get3A_45 : vector<1x16xf32> to vector<16xf32>
        %swap3A = arith.index_cast %scan3A_43 : i32 to index
        %swap3A_47 = arith.constant 0 : index
        %swap3A_48 = tpu.vector_load %arg8[%swap3A, %swap3A_47] {strides = array<i32>} : memref<80x128xf32, #tpu.memory_space<vmem>>, vector<1x16xf32>,
        %swap3A_49 = vector.shape_cast %swap3A_48 : vector<1x16xf32> to vector<16xf32>
        %swap3A_50 = vector.shape_cast %get3A_46 : vector<16xf32> to vector<1x16xf32>
        tpu.vector_store %arg8[%swap3A, %swap3A_47], %swap3A_50 {strides = array<i32>} : memref<80x128xf32, #tpu.memory_space<vmem>>, vector<1x16xf32>,
      }
      %scan3A_42 = arith.constant 80 : i32
      "tpu.region"() ({
        %run_scoped3A = tpu.sem_alloc : memref<!tpu.dma_semaphore, #tpu.memory_space<semaphore_mem>>
        %dma_start3A_43 = arith.constant 0 : i32
        %dma_start3A_44 = tpu.memref_slice %arg6[%scan3A_25, %dma_start3A_43] : memref<125x80xi32, #tpu.memory_space<vmem>> -> memref<1x80xi32, #tpu.memory_space<vmem>>
        %dma_start3A_45 = tpu.memref_squeeze %dma_start3A_44 : memref<1x80xi32, #tpu.memory_space<vmem>> -> memref<80xi32, #tpu.memory_space<vmem>>
        %dma_start3A_46 = arith.constant 0 : i32
        %dma_start3A_47 = arith.constant 0 : i32
        %dma_start3A_48 = tpu.memref_slice %arg9[%dma_start3A_46, %dma_start3A_47] : memref<10000x128xf32, #tpu.memory_space<vmem_shared>> -> memref<10000x128xf32, #tpu.memory_space<vmem_shared>>
        tpu.enqueue_indirect_dma source(%arg8 : memref<80x128xf32, #tpu.memory_space<vmem>>) target(%dma_start3A_48 : memref<10000x128xf32, #tpu.memory_space<vmem_shared>>) offsets(%dma_start3A_45 : memref<80xi32, #tpu.memory_space<vmem>>) semaphore(%run_scoped3A : memref<!tpu.dma_semaphore, #tpu.memory_space<semaphore_mem>>) {add = true}
        %dma_wait3A_49 = arith.constant 0 : i32
        %dma_wait3A_50 = tpu.memref_slice %arg6[%scan3A_25, %dma_wait3A_49] : memref<125x80xi32, #tpu.memory_space<vmem>> -> memref<1x80xi32, #tpu.memory_space<vmem>>
        %dma_wait3A_51 = tpu.memref_squeeze %dma_wait3A_50 : memref<1x80xi32, #tpu.memory_space<vmem>> -> memref<80xi32, #tpu.memory_space<vmem>>
        %dma_wait3A_52 = arith.constant 0 : i32
        %dma_wait3A_53 = arith.constant 0 : i32
        %dma_wait3A_54 = tpu.memref_slice %arg9[%dma_wait3A_52, %dma_wait3A_53] : memref<10000x128xf32, #tpu.memory_space<vmem_shared>> -> memref<10000x128xf32, #tpu.memory_space<vmem_shared>>
        tpu.wait_indirect_dma semaphore(%run_scoped3A : memref<!tpu.dma_semaphore, #tpu.memory_space<semaphore_mem>>) src(%arg8 : memref<80x128xf32, #tpu.memory_space<vmem>>) dst(%dma_wait3A_54 : memref<10000x128xf32, #tpu.memory_space<vmem_shared>>)
        tpu.yield
      }) : () -> ()
    }
    %scan3A_11 = arith.constant 125 : i32
    %barrier3A_12 = arith.constant 0 : index
    tpu.barrier barrier_id(%barrier3A_12)
    %mul3A_13 = arith.constant 624 : i32
    %mul3A_14 = arith.muli %arg1, %mul3A_13 : i32
    %mul3A_15 = arith.constant 10000 : i32
    %mul3A_16 = arith.muli %arg0, %mul3A_15 : i32
    %mul3A_17 = arith.constant 624 : i32
    %mul3A_18 = arith.muli %arg1, %mul3A_17 : i32
    %add3A_19 = arith.addi %mul3A_16, %mul3A_18 : i32
    "tpu.region"() ({
      %run_scoped3A = tpu.sem_alloc : memref<!tpu.dma_semaphore, #tpu.memory_space<semaphore_mem>>
      %dma_start3A = arith.constant 0 : i32
      %dma_start3A_25 = tpu.memref_slice %arg5[%add3A_19, %dma_start3A] : memref<20000x128xf32, #tpu.memory_space<hbm>> -> memref<624x128xf32, #tpu.memory_space<hbm>>
      %dma_start3A_26 = arith.constant 0 : i32
      %dma_start3A_27 = tpu.memref_slice %arg9[%mul3A_14, %dma_start3A_26] : memref<10000x128xf32, #tpu.memory_space<vmem_shared>> -> memref<624x128xf32, #tpu.memory_space<vmem_shared>>
      tpu.enqueue_dma source(%dma_start3A_27 : memref<624x128xf32, #tpu.memory_space<vmem_shared>>) target(%dma_start3A_25 : memref<624x128xf32, #tpu.memory_space<hbm>>) target_semaphore(%run_scoped3A : memref<!tpu.dma_semaphore, #tpu.memory_space<semaphore_mem>>)
      %dma_wait3A = arith.constant 0 : i32
      %dma_wait3A_28 = tpu.memref_slice %arg5[%add3A_19, %dma_wait3A] : memref<20000x128xf32, #tpu.memory_space<hbm>> -> memref<624x128xf32, #tpu.memory_space<hbm>>
      %dma_wait3A_29 = arith.constant 0 : i32
      %dma_wait3A_30 = tpu.memref_slice %arg9[%mul3A_14, %dma_wait3A_29] : memref<10000x128xf32, #tpu.memory_space<vmem_shared>> -> memref<624x128xf32, #tpu.memory_space<vmem_shared>>
      tpu.wait_dma2 semaphore(%run_scoped3A : memref<!tpu.dma_semaphore, #tpu.memory_space<semaphore_mem>>) src(%dma_wait3A_30 : memref<624x128xf32, #tpu.memory_space<vmem_shared>>) dst(%dma_wait3A_28 : memref<624x128xf32, #tpu.memory_space<hbm>>)
      tpu.yield
    }) : () -> ()
    %eq3A_20 = arith.constant 15 : i32
    %eq3A_21 = arith.cmpi eq, %arg1, %eq3A_20 : i32
    %convert_element_type3A_22 = arith.extui %eq3A_21 : i1 to i32
    %cond3A_23 = arith.constant 0 : i32
    %cond3A_24 = arith.cmpi ne, %convert_element_type3A_22, %cond3A_23 : i32
    scf.if %cond3A_24 {
      %mul3A_25 = arith.constant 10000 : i32
      %mul3A_26 = arith.muli %arg0, %mul3A_25 : i32
      %add3A_27 = arith.constant 9984 : i32
      %add3A_28 = arith.addi %mul3A_26, %add3A_27 : i32
      "tpu.region"() ({
        %run_scoped3A = tpu.sem_alloc : memref<!tpu.dma_semaphore, #tpu.memory_space<semaphore_mem>>
        %dma_start3A = arith.constant 0 : i32
        %dma_start3A_29 = tpu.memref_slice %arg5[%add3A_28, %dma_start3A] : memref<20000x128xf32, #tpu.memory_space<hbm>> -> memref<16x128xf32, #tpu.memory_space<hbm>>
        %dma_start3A_30 = arith.constant 9984 : i32
        %dma_start3A_31 = arith.constant 0 : i32
        %dma_start3A_32 = tpu.memref_slice %arg9[%dma_start3A_30, %dma_start3A_31] : memref<10000x128xf32, #tpu.memory_space<vmem_shared>> -> memref<16x128xf32, #tpu.memory_space<vmem_shared>>
        tpu.enqueue_dma source(%dma_start3A_32 : memref<16x128xf32, #tpu.memory_space<vmem_shared>>) target(%dma_start3A_29 : memref<16x128xf32, #tpu.memory_space<hbm>>) target_semaphore(%run_scoped3A : memref<!tpu.dma_semaphore, #tpu.memory_space<semaphore_mem>>)
        %dma_wait3A = arith.constant 0 : i32
        %dma_wait3A_33 = tpu.memref_slice %arg5[%add3A_28, %dma_wait3A] : memref<20000x128xf32, #tpu.memory_space<hbm>> -> memref<16x128xf32, #tpu.memory_space<hbm>>
        %dma_wait3A_34 = arith.constant 9984 : i32
        %dma_wait3A_35 = arith.constant 0 : i32
        %dma_wait3A_36 = tpu.memref_slice %arg9[%dma_wait3A_34, %dma_wait3A_35] : memref<10000x128xf32, #tpu.memory_space<vmem_shared>> -> memref<16x128xf32, #tpu.memory_space<vmem_shared>>
        tpu.wait_dma2 semaphore(%run_scoped3A : memref<!tpu.dma_semaphore, #tpu.memory_space<semaphore_mem>>) src(%dma_wait3A_36 : memref<16x128xf32, #tpu.memory_space<vmem_shared>>) dst(%dma_wait3A_33 : memref<16x128xf32, #tpu.memory_space<hbm>>)
        tpu.yield
      }) : () -> ()
    } else {
    }
    return
  }
}

#map = affine_map<(d0, d1) -> (0, 0)>
#map1 = affine_map<(d0, d1) -> (0, 0, 0)>
module attributes {stable_mosaic.version = 14 : i64} {
  func.func @_sc_gather_segsum(%arg0: i32, %arg1: i32, %arg2: memref<10000x128xf32, #tpu.memory_space<hbm>>, %arg3: memref<160x20x100xi32, #tpu.memory_space<hbm>>, %arg4: memref<160x20x100xi32, #tpu.memory_space<hbm>>, %arg5: memref<10000x128xf32, #tpu.memory_space<hbm>>, %arg6: memref<20000x128xf32, #tpu.memory_space<hbm>>, %arg7: memref<20x100xi32, #tpu.memory_space<vmem>>, %arg8: memref<20x100xi32, #tpu.memory_space<vmem>>, %arg9: memref<100x128xf32, #tpu.memory_space<vmem>>, %arg10: memref<100x128xf32, #tpu.memory_space<vmem>>, %arg11: memref<10000x128xf32, #tpu.memory_space<vmem_shared>>, %arg12: memref<!tpu.dma_semaphore, #tpu.memory_space<semaphore_mem>>, %arg13: memref<!tpu.dma_semaphore, #tpu.memory_space<semaphore_mem>>) attributes {dimension_semantics = [#tpu.dimension_semantics<core_parallel>, #tpu.dimension_semantics<subcore_parallel>], iteration_bounds = array<i64: 2, 16>, scalar_prefetch = 0 : i64, scratch_operands = 7 : i64, tpu.core_type = #tpu.core_type<sc_vector_subcore>, window_params = [{transform_indices = #map}, {transform_indices = #map1}, {transform_indices = #map1}, {transform_indices = #map}, {transform_indices = #map}]} {
    %mul3A = arith.constant 16 : i32
    %mul3A_0 = arith.muli %arg0, %mul3A : i32
    %add3A = arith.addi %mul3A_0, %arg1 : i32
    %mul3A_1 = arith.constant 624 : i32
    %mul3A_2 = arith.muli %arg1, %mul3A_1 : i32
    %mul3A_3 = arith.constant 624 : i32
    %mul3A_4 = arith.muli %arg1, %mul3A_3 : i32
    "tpu.region"() ({
      %run_scoped3A = tpu.sem_alloc : memref<!tpu.dma_semaphore, #tpu.memory_space<semaphore_mem>>
      %dma_start3A = arith.constant 0 : i32
      %dma_start3A_25 = tpu.memref_slice %arg11[%mul3A_4, %dma_start3A] : memref<10000x128xf32, #tpu.memory_space<vmem_shared>> -> memref<624x128xf32, #tpu.memory_space<vmem_shared>>
      %dma_start3A_26 = arith.constant 0 : i32
      %dma_start3A_27 = tpu.memref_slice %arg5[%mul3A_2, %dma_start3A_26] : memref<10000x128xf32, #tpu.memory_space<hbm>> -> memref<624x128xf32, #tpu.memory_space<hbm>>
      tpu.enqueue_dma source(%dma_start3A_27 : memref<624x128xf32, #tpu.memory_space<hbm>>) target(%dma_start3A_25 : memref<624x128xf32, #tpu.memory_space<vmem_shared>>) target_semaphore(%run_scoped3A : memref<!tpu.dma_semaphore, #tpu.memory_space<semaphore_mem>>)
      %dma_wait3A = arith.constant 0 : i32
      %dma_wait3A_28 = tpu.memref_slice %arg11[%mul3A_4, %dma_wait3A] : memref<10000x128xf32, #tpu.memory_space<vmem_shared>> -> memref<624x128xf32, #tpu.memory_space<vmem_shared>>
      %dma_wait3A_29 = arith.constant 0 : i32
      %dma_wait3A_30 = tpu.memref_slice %arg5[%mul3A_2, %dma_wait3A_29] : memref<10000x128xf32, #tpu.memory_space<hbm>> -> memref<624x128xf32, #tpu.memory_space<hbm>>
      tpu.wait_dma2 semaphore(%run_scoped3A : memref<!tpu.dma_semaphore, #tpu.memory_space<semaphore_mem>>) src(%dma_wait3A_30 : memref<624x128xf32, #tpu.memory_space<hbm>>) dst(%dma_wait3A_28 : memref<624x128xf32, #tpu.memory_space<vmem_shared>>)
      tpu.yield
    }) : () -> ()
    %eq3A = arith.constant 15 : i32
    %eq3A_5 = arith.cmpi eq, %arg1, %eq3A : i32
    %convert_element_type3A = arith.extui %eq3A_5 : i1 to i32
    %cond3A = arith.constant 0 : i32
    %cond3A_6 = arith.cmpi ne, %convert_element_type3A, %cond3A : i32
    scf.if %cond3A_6 {
      "tpu.region"() ({
        %run_scoped3A = tpu.sem_alloc : memref<!tpu.dma_semaphore, #tpu.memory_space<semaphore_mem>>
        %dma_start3A = arith.constant 9984 : i32
        %dma_start3A_25 = arith.constant 0 : i32
        %dma_start3A_26 = tpu.memref_slice %arg11[%dma_start3A, %dma_start3A_25] : memref<10000x128xf32, #tpu.memory_space<vmem_shared>> -> memref<16x128xf32, #tpu.memory_space<vmem_shared>>
        %dma_start3A_27 = arith.constant 9984 : i32
        %dma_start3A_28 = arith.constant 0 : i32
        %dma_start3A_29 = tpu.memref_slice %arg5[%dma_start3A_27, %dma_start3A_28] : memref<10000x128xf32, #tpu.memory_space<hbm>> -> memref<16x128xf32, #tpu.memory_space<hbm>>
        tpu.enqueue_dma source(%dma_start3A_29 : memref<16x128xf32, #tpu.memory_space<hbm>>) target(%dma_start3A_26 : memref<16x128xf32, #tpu.memory_space<vmem_shared>>) target_semaphore(%run_scoped3A : memref<!tpu.dma_semaphore, #tpu.memory_space<semaphore_mem>>)
        %dma_wait3A = arith.constant 9984 : i32
        %dma_wait3A_30 = arith.constant 0 : i32
        %dma_wait3A_31 = tpu.memref_slice %arg11[%dma_wait3A, %dma_wait3A_30] : memref<10000x128xf32, #tpu.memory_space<vmem_shared>> -> memref<16x128xf32, #tpu.memory_space<vmem_shared>>
        %dma_wait3A_32 = arith.constant 9984 : i32
        %dma_wait3A_33 = arith.constant 0 : i32
        %dma_wait3A_34 = tpu.memref_slice %arg5[%dma_wait3A_32, %dma_wait3A_33] : memref<10000x128xf32, #tpu.memory_space<hbm>> -> memref<16x128xf32, #tpu.memory_space<hbm>>
        tpu.wait_dma2 semaphore(%run_scoped3A : memref<!tpu.dma_semaphore, #tpu.memory_space<semaphore_mem>>) src(%dma_wait3A_34 : memref<16x128xf32, #tpu.memory_space<hbm>>) dst(%dma_wait3A_31 : memref<16x128xf32, #tpu.memory_space<vmem_shared>>)
        tpu.yield
      }) : () -> ()
    } else {
    }
    %barrier3A = arith.constant 0 : index
    tpu.barrier barrier_id(%barrier3A)
    %scan3A = arith.constant 0 : i32
    %scan3A_7 = arith.constant 0 : i32
    %scan3A_8 = arith.constant 5 : i32
    %scan3A_9 = arith.addi %scan3A_7, %scan3A_8 : i32
    %scan3A_10 = arith.constant 1 : i32
    scf.for %scan3A_25 = %scan3A_7 to %scan3A_9 step %scan3A_10  : i32 {
      %mul3A_26 = arith.constant 5 : i32
      %mul3A_27 = arith.muli %add3A, %mul3A_26 : i32
      %add3A_28 = arith.addi %mul3A_27, %scan3A_25 : i32
      "tpu.region"() ({
        %run_scoped3A = tpu.sem_alloc : memref<!tpu.dma_semaphore, #tpu.memory_space<semaphore_mem>>
        %dma_start3A_44 = arith.constant 0 : i32
        %dma_start3A_45 = arith.constant 0 : i32
        %dma_start3A_46 = tpu.memref_slice %arg3[%add3A_28, %dma_start3A_44, %dma_start3A_45] : memref<160x20x100xi32, #tpu.memory_space<hbm>> -> memref<1x20x100xi32, #tpu.memory_space<hbm>>
        %dma_start3A_47 = tpu.memref_squeeze %dma_start3A_46 : memref<1x20x100xi32, #tpu.memory_space<hbm>> -> memref<20x100xi32, #tpu.memory_space<hbm>>
        %dma_start3A_48 = arith.constant 0 : i32
        %dma_start3A_49 = arith.constant 0 : i32
        %dma_start3A_50 = tpu.memref_slice %arg3[%add3A_28, %dma_start3A_48, %dma_start3A_49] : memref<160x20x100xi32, #tpu.memory_space<hbm>> -> memref<1x20x100xi32, #tpu.memory_space<hbm>>
        %dma_start3A_51 = tpu.memref_squeeze %dma_start3A_50 : memref<1x20x100xi32, #tpu.memory_space<hbm>> -> memref<20x100xi32, #tpu.memory_space<hbm>>
        tpu.enqueue_dma source(%dma_start3A_51 : memref<20x100xi32, #tpu.memory_space<hbm>>) target(%arg7 : memref<20x100xi32, #tpu.memory_space<vmem>>) target_semaphore(%run_scoped3A : memref<!tpu.dma_semaphore, #tpu.memory_space<semaphore_mem>>)
        %dma_wait3A = arith.constant 0 : i32
        %dma_wait3A_52 = arith.constant 0 : i32
        %dma_wait3A_53 = tpu.memref_slice %arg3[%add3A_28, %dma_wait3A, %dma_wait3A_52] : memref<160x20x100xi32, #tpu.memory_space<hbm>> -> memref<1x20x100xi32, #tpu.memory_space<hbm>>
        %dma_wait3A_54 = tpu.memref_squeeze %dma_wait3A_53 : memref<1x20x100xi32, #tpu.memory_space<hbm>> -> memref<20x100xi32, #tpu.memory_space<hbm>>
        %dma_wait3A_55 = arith.constant 0 : i32
        %dma_wait3A_56 = arith.constant 0 : i32
        %dma_wait3A_57 = tpu.memref_slice %arg3[%add3A_28, %dma_wait3A_55, %dma_wait3A_56] : memref<160x20x100xi32, #tpu.memory_space<hbm>> -> memref<1x20x100xi32, #tpu.memory_space<hbm>>
        %dma_wait3A_58 = tpu.memref_squeeze %dma_wait3A_57 : memref<1x20x100xi32, #tpu.memory_space<hbm>> -> memref<20x100xi32, #tpu.memory_space<hbm>>
        tpu.wait_dma2 semaphore(%run_scoped3A : memref<!tpu.dma_semaphore, #tpu.memory_space<semaphore_mem>>) src(%dma_wait3A_58 : memref<20x100xi32, #tpu.memory_space<hbm>>) dst(%arg7 : memref<20x100xi32, #tpu.memory_space<vmem>>)
        tpu.yield
      }) : () -> ()
      %mul3A_29 = arith.constant 5 : i32
      %mul3A_30 = arith.muli %add3A, %mul3A_29 : i32
      %add3A_31 = arith.addi %mul3A_30, %scan3A_25 : i32
      "tpu.region"() ({
        %run_scoped3A = tpu.sem_alloc : memref<!tpu.dma_semaphore, #tpu.memory_space<semaphore_mem>>
        %dma_start3A_44 = arith.constant 0 : i32
        %dma_start3A_45 = arith.constant 0 : i32
        %dma_start3A_46 = tpu.memref_slice %arg4[%add3A_31, %dma_start3A_44, %dma_start3A_45] : memref<160x20x100xi32, #tpu.memory_space<hbm>> -> memref<1x20x100xi32, #tpu.memory_space<hbm>>
        %dma_start3A_47 = tpu.memref_squeeze %dma_start3A_46 : memref<1x20x100xi32, #tpu.memory_space<hbm>> -> memref<20x100xi32, #tpu.memory_space<hbm>>
        %dma_start3A_48 = arith.constant 0 : i32
        %dma_start3A_49 = arith.constant 0 : i32
        %dma_start3A_50 = tpu.memref_slice %arg4[%add3A_31, %dma_start3A_48, %dma_start3A_49] : memref<160x20x100xi32, #tpu.memory_space<hbm>> -> memref<1x20x100xi32, #tpu.memory_space<hbm>>
        %dma_start3A_51 = tpu.memref_squeeze %dma_start3A_50 : memref<1x20x100xi32, #tpu.memory_space<hbm>> -> memref<20x100xi32, #tpu.memory_space<hbm>>
        tpu.enqueue_dma source(%dma_start3A_51 : memref<20x100xi32, #tpu.memory_space<hbm>>) target(%arg8 : memref<20x100xi32, #tpu.memory_space<vmem>>) target_semaphore(%run_scoped3A : memref<!tpu.dma_semaphore, #tpu.memory_space<semaphore_mem>>)
        %dma_wait3A = arith.constant 0 : i32
        %dma_wait3A_52 = arith.constant 0 : i32
        %dma_wait3A_53 = tpu.memref_slice %arg4[%add3A_31, %dma_wait3A, %dma_wait3A_52] : memref<160x20x100xi32, #tpu.memory_space<hbm>> -> memref<1x20x100xi32, #tpu.memory_space<hbm>>
        %dma_wait3A_54 = tpu.memref_squeeze %dma_wait3A_53 : memref<1x20x100xi32, #tpu.memory_space<hbm>> -> memref<20x100xi32, #tpu.memory_space<hbm>>
        %dma_wait3A_55 = arith.constant 0 : i32
        %dma_wait3A_56 = arith.constant 0 : i32
        %dma_wait3A_57 = tpu.memref_slice %arg4[%add3A_31, %dma_wait3A_55, %dma_wait3A_56] : memref<160x20x100xi32, #tpu.memory_space<hbm>> -> memref<1x20x100xi32, #tpu.memory_space<hbm>>
        %dma_wait3A_58 = tpu.memref_squeeze %dma_wait3A_57 : memref<1x20x100xi32, #tpu.memory_space<hbm>> -> memref<20x100xi32, #tpu.memory_space<hbm>>
        tpu.wait_dma2 semaphore(%run_scoped3A : memref<!tpu.dma_semaphore, #tpu.memory_space<semaphore_mem>>) src(%dma_wait3A_58 : memref<20x100xi32, #tpu.memory_space<hbm>>) dst(%arg8 : memref<20x100xi32, #tpu.memory_space<vmem>>)
        tpu.yield
      }) : () -> ()
      %dma_start3A = arith.constant 0 : i32
      %dma_start3A_32 = arith.constant 0 : i32
      %dma_start3A_33 = tpu.memref_slice %arg7[%dma_start3A, %dma_start3A_32] : memref<20x100xi32, #tpu.memory_space<vmem>> -> memref<1x100xi32, #tpu.memory_space<vmem>>
      %dma_start3A_34 = tpu.memref_squeeze %dma_start3A_33 : memref<1x100xi32, #tpu.memory_space<vmem>> -> memref<100xi32, #tpu.memory_space<vmem>>
      %dma_start3A_35 = arith.constant 0 : i32
      %dma_start3A_36 = arith.constant 0 : i32
      %dma_start3A_37 = tpu.memref_slice %arg2[%dma_start3A_35, %dma_start3A_36] : memref<10000x128xf32, #tpu.memory_space<hbm>> -> memref<10000x128xf32, #tpu.memory_space<hbm>>
      tpu.enqueue_indirect_dma source(%dma_start3A_37 : memref<10000x128xf32, #tpu.memory_space<hbm>>) target(%arg9 : memref<100x128xf32, #tpu.memory_space<vmem>>) offsets(%dma_start3A_34 : memref<100xi32, #tpu.memory_space<vmem>>) semaphore(%arg12 : memref<!tpu.dma_semaphore, #tpu.memory_space<semaphore_mem>>)
      %scan3A_38 = arith.constant 0 : i32
      %scan3A_39 = arith.constant 0 : i32
      %scan3A_40 = arith.constant 10 : i32
      %scan3A_41 = arith.addi %scan3A_39, %scan3A_40 : i32
      %scan3A_42 = arith.constant 1 : i32
      scf.for %scan3A_44 = %scan3A_39 to %scan3A_41 step %scan3A_42  : i32 {
        %mul3A_45 = arith.constant 2 : i32
        %mul3A_46 = arith.muli %mul3A_45, %scan3A_44 : i32
        %add3A_47 = arith.constant 1 : i32
        %add3A_48 = arith.addi %mul3A_46, %add3A_47 : i32
        %add3A_49 = arith.constant 2 : i32
        %add3A_50 = arith.addi %mul3A_46, %add3A_49 : i32
        %dma_start3A_51 = arith.constant 0 : i32
        %dma_start3A_52 = tpu.memref_slice %arg7[%add3A_48, %dma_start3A_51] : memref<20x100xi32, #tpu.memory_space<vmem>> -> memref<1x100xi32, #tpu.memory_space<vmem>>
        %dma_start3A_53 = tpu.memref_squeeze %dma_start3A_52 : memref<1x100xi32, #tpu.memory_space<vmem>> -> memref<100xi32, #tpu.memory_space<vmem>>
        %dma_start3A_54 = arith.constant 0 : i32
        %dma_start3A_55 = arith.constant 0 : i32
        %dma_start3A_56 = tpu.memref_slice %arg2[%dma_start3A_54, %dma_start3A_55] : memref<10000x128xf32, #tpu.memory_space<hbm>> -> memref<10000x128xf32, #tpu.memory_space<hbm>>
        tpu.enqueue_indirect_dma source(%dma_start3A_56 : memref<10000x128xf32, #tpu.memory_space<hbm>>) target(%arg10 : memref<100x128xf32, #tpu.memory_space<vmem>>) offsets(%dma_start3A_53 : memref<100xi32, #tpu.memory_space<vmem>>) semaphore(%arg13 : memref<!tpu.dma_semaphore, #tpu.memory_space<semaphore_mem>>)
        %dma_wait3A = arith.constant 0 : i32
        %dma_wait3A_57 = tpu.memref_slice %arg7[%mul3A_46, %dma_wait3A] : memref<20x100xi32, #tpu.memory_space<vmem>> -> memref<1x100xi32, #tpu.memory_space<vmem>>
        %dma_wait3A_58 = tpu.memref_squeeze %dma_wait3A_57 : memref<1x100xi32, #tpu.memory_space<vmem>> -> memref<100xi32, #tpu.memory_space<vmem>>
        %dma_wait3A_59 = arith.constant 0 : i32
        %dma_wait3A_60 = arith.constant 0 : i32
        %dma_wait3A_61 = tpu.memref_slice %arg2[%dma_wait3A_59, %dma_wait3A_60] : memref<10000x128xf32, #tpu.memory_space<hbm>> -> memref<10000x128xf32, #tpu.memory_space<hbm>>
        tpu.wait_indirect_dma semaphore(%arg12 : memref<!tpu.dma_semaphore, #tpu.memory_space<semaphore_mem>>) src(%dma_wait3A_61 : memref<10000x128xf32, #tpu.memory_space<hbm>>) dst(%arg9 : memref<100x128xf32, #tpu.memory_space<vmem>>)
        "tpu.region"() ({
          %run_scoped3A = tpu.sem_alloc : memref<!tpu.dma_semaphore, #tpu.memory_space<semaphore_mem>>
          %dma_start3A_72 = arith.constant 0 : i32
          %dma_start3A_73 = tpu.memref_slice %arg8[%mul3A_46, %dma_start3A_72] : memref<20x100xi32, #tpu.memory_space<vmem>> -> memref<1x100xi32, #tpu.memory_space<vmem>>
          %dma_start3A_74 = tpu.memref_squeeze %dma_start3A_73 : memref<1x100xi32, #tpu.memory_space<vmem>> -> memref<100xi32, #tpu.memory_space<vmem>>
          %dma_start3A_75 = arith.constant 0 : i32
          %dma_start3A_76 = arith.constant 0 : i32
          %dma_start3A_77 = tpu.memref_slice %arg11[%dma_start3A_75, %dma_start3A_76] : memref<10000x128xf32, #tpu.memory_space<vmem_shared>> -> memref<10000x128xf32, #tpu.memory_space<vmem_shared>>
          tpu.enqueue_indirect_dma source(%arg9 : memref<100x128xf32, #tpu.memory_space<vmem>>) target(%dma_start3A_77 : memref<10000x128xf32, #tpu.memory_space<vmem_shared>>) offsets(%dma_start3A_74 : memref<100xi32, #tpu.memory_space<vmem>>) semaphore(%run_scoped3A : memref<!tpu.dma_semaphore, #tpu.memory_space<semaphore_mem>>) {add = true}
          %dma_wait3A_78 = arith.constant 0 : i32
          %dma_wait3A_79 = tpu.memref_slice %arg8[%mul3A_46, %dma_wait3A_78] : memref<20x100xi32, #tpu.memory_space<vmem>> -> memref<1x100xi32, #tpu.memory_space<vmem>>
          %dma_wait3A_80 = tpu.memref_squeeze %dma_wait3A_79 : memref<1x100xi32, #tpu.memory_space<vmem>> -> memref<100xi32, #tpu.memory_space<vmem>>
          %dma_wait3A_81 = arith.constant 0 : i32
          %dma_wait3A_82 = arith.constant 0 : i32
          %dma_wait3A_83 = tpu.memref_slice %arg11[%dma_wait3A_81, %dma_wait3A_82] : memref<10000x128xf32, #tpu.memory_space<vmem_shared>> -> memref<10000x128xf32, #tpu.memory_space<vmem_shared>>
          tpu.wait_indirect_dma semaphore(%run_scoped3A : memref<!tpu.dma_semaphore, #tpu.memory_space<semaphore_mem>>) src(%arg9 : memref<100x128xf32, #tpu.memory_space<vmem>>) dst(%dma_wait3A_83 : memref<10000x128xf32, #tpu.memory_space<vmem_shared>>)
          tpu.yield
        }) : () -> ()
        %lt3A = arith.constant 20 : i32
        %lt3A_62 = arith.cmpi slt, %add3A_50, %lt3A : i32
        %convert_element_type3A_63 = arith.extui %lt3A_62 : i1 to i32
        %cond3A_64 = arith.constant 0 : i32
        %cond3A_65 = arith.cmpi ne, %convert_element_type3A_63, %cond3A_64 : i32
        scf.if %cond3A_65 {
          %dma_start3A_72 = arith.constant 0 : i32
          %dma_start3A_73 = tpu.memref_slice %arg7[%add3A_50, %dma_start3A_72] : memref<20x100xi32, #tpu.memory_space<vmem>> -> memref<1x100xi32, #tpu.memory_space<vmem>>
          %dma_start3A_74 = tpu.memref_squeeze %dma_start3A_73 : memref<1x100xi32, #tpu.memory_space<vmem>> -> memref<100xi32, #tpu.memory_space<vmem>>
          %dma_start3A_75 = arith.constant 0 : i32
          %dma_start3A_76 = arith.constant 0 : i32
          %dma_start3A_77 = tpu.memref_slice %arg2[%dma_start3A_75, %dma_start3A_76] : memref<10000x128xf32, #tpu.memory_space<hbm>> -> memref<10000x128xf32, #tpu.memory_space<hbm>>
          tpu.enqueue_indirect_dma source(%dma_start3A_77 : memref<10000x128xf32, #tpu.memory_space<hbm>>) target(%arg9 : memref<100x128xf32, #tpu.memory_space<vmem>>) offsets(%dma_start3A_74 : memref<100xi32, #tpu.memory_space<vmem>>) semaphore(%arg12 : memref<!tpu.dma_semaphore, #tpu.memory_space<semaphore_mem>>)
        } else {
        }
        %dma_wait3A_66 = arith.constant 0 : i32
        %dma_wait3A_67 = tpu.memref_slice %arg7[%add3A_48, %dma_wait3A_66] : memref<20x100xi32, #tpu.memory_space<vmem>> -> memref<1x100xi32, #tpu.memory_space<vmem>>
        %dma_wait3A_68 = tpu.memref_squeeze %dma_wait3A_67 : memref<1x100xi32, #tpu.memory_space<vmem>> -> memref<100xi32, #tpu.memory_space<vmem>>
        %dma_wait3A_69 = arith.constant 0 : i32
        %dma_wait3A_70 = arith.constant 0 : i32
        %dma_wait3A_71 = tpu.memref_slice %arg2[%dma_wait3A_69, %dma_wait3A_70] : memref<10000x128xf32, #tpu.memory_space<hbm>> -> memref<10000x128xf32, #tpu.memory_space<hbm>>
        tpu.wait_indirect_dma semaphore(%arg13 : memref<!tpu.dma_semaphore, #tpu.memory_space<semaphore_mem>>) src(%dma_wait3A_71 : memref<10000x128xf32, #tpu.memory_space<hbm>>) dst(%arg10 : memref<100x128xf32, #tpu.memory_space<vmem>>)
        "tpu.region"() ({
          %run_scoped3A = tpu.sem_alloc : memref<!tpu.dma_semaphore, #tpu.memory_space<semaphore_mem>>
          %dma_start3A_72 = arith.constant 0 : i32
          %dma_start3A_73 = tpu.memref_slice %arg8[%add3A_48, %dma_start3A_72] : memref<20x100xi32, #tpu.memory_space<vmem>> -> memref<1x100xi32, #tpu.memory_space<vmem>>
          %dma_start3A_74 = tpu.memref_squeeze %dma_start3A_73 : memref<1x100xi32, #tpu.memory_space<vmem>> -> memref<100xi32, #tpu.memory_space<vmem>>
          %dma_start3A_75 = arith.constant 0 : i32
          %dma_start3A_76 = arith.constant 0 : i32
          %dma_start3A_77 = tpu.memref_slice %arg11[%dma_start3A_75, %dma_start3A_76] : memref<10000x128xf32, #tpu.memory_space<vmem_shared>> -> memref<10000x128xf32, #tpu.memory_space<vmem_shared>>
          tpu.enqueue_indirect_dma source(%arg10 : memref<100x128xf32, #tpu.memory_space<vmem>>) target(%dma_start3A_77 : memref<10000x128xf32, #tpu.memory_space<vmem_shared>>) offsets(%dma_start3A_74 : memref<100xi32, #tpu.memory_space<vmem>>) semaphore(%run_scoped3A : memref<!tpu.dma_semaphore, #tpu.memory_space<semaphore_mem>>) {add = true}
          %dma_wait3A_78 = arith.constant 0 : i32
          %dma_wait3A_79 = tpu.memref_slice %arg8[%add3A_48, %dma_wait3A_78] : memref<20x100xi32, #tpu.memory_space<vmem>> -> memref<1x100xi32, #tpu.memory_space<vmem>>
          %dma_wait3A_80 = tpu.memref_squeeze %dma_wait3A_79 : memref<1x100xi32, #tpu.memory_space<vmem>> -> memref<100xi32, #tpu.memory_space<vmem>>
          %dma_wait3A_81 = arith.constant 0 : i32
          %dma_wait3A_82 = arith.constant 0 : i32
          %dma_wait3A_83 = tpu.memref_slice %arg11[%dma_wait3A_81, %dma_wait3A_82] : memref<10000x128xf32, #tpu.memory_space<vmem_shared>> -> memref<10000x128xf32, #tpu.memory_space<vmem_shared>>
          tpu.wait_indirect_dma semaphore(%run_scoped3A : memref<!tpu.dma_semaphore, #tpu.memory_space<semaphore_mem>>) src(%arg10 : memref<100x128xf32, #tpu.memory_space<vmem>>) dst(%dma_wait3A_83 : memref<10000x128xf32, #tpu.memory_space<vmem_shared>>)
          tpu.yield
        }) : () -> ()
      }
      %scan3A_43 = arith.constant 10 : i32
    }
    %scan3A_11 = arith.constant 5 : i32
    %barrier3A_12 = arith.constant 0 : index
    tpu.barrier barrier_id(%barrier3A_12)
    %mul3A_13 = arith.constant 624 : i32
    %mul3A_14 = arith.muli %arg1, %mul3A_13 : i32
    %mul3A_15 = arith.constant 10000 : i32
    %mul3A_16 = arith.muli %arg0, %mul3A_15 : i32
    %mul3A_17 = arith.constant 624 : i32
    %mul3A_18 = arith.muli %arg1, %mul3A_17 : i32
    %add3A_19 = arith.addi %mul3A_16, %mul3A_18 : i32
    "tpu.region"() ({
      %run_scoped3A = tpu.sem_alloc : memref<!tpu.dma_semaphore, #tpu.memory_space<semaphore_mem>>
      %dma_start3A = arith.constant 0 : i32
      %dma_start3A_25 = tpu.memref_slice %arg6[%add3A_19, %dma_start3A] : memref<20000x128xf32, #tpu.memory_space<hbm>> -> memref<624x128xf32, #tpu.memory_space<hbm>>
      %dma_start3A_26 = arith.constant 0 : i32
      %dma_start3A_27 = tpu.memref_slice %arg11[%mul3A_14, %dma_start3A_26] : memref<10000x128xf32, #tpu.memory_space<vmem_shared>> -> memref<624x128xf32, #tpu.memory_space<vmem_shared>>
      tpu.enqueue_dma source(%dma_start3A_27 : memref<624x128xf32, #tpu.memory_space<vmem_shared>>) target(%dma_start3A_25 : memref<624x128xf32, #tpu.memory_space<hbm>>) target_semaphore(%run_scoped3A : memref<!tpu.dma_semaphore, #tpu.memory_space<semaphore_mem>>)
      %dma_wait3A = arith.constant 0 : i32
      %dma_wait3A_28 = tpu.memref_slice %arg6[%add3A_19, %dma_wait3A] : memref<20000x128xf32, #tpu.memory_space<hbm>> -> memref<624x128xf32, #tpu.memory_space<hbm>>
      %dma_wait3A_29 = arith.constant 0 : i32
      %dma_wait3A_30 = tpu.memref_slice %arg11[%mul3A_14, %dma_wait3A_29] : memref<10000x128xf32, #tpu.memory_space<vmem_shared>> -> memref<624x128xf32, #tpu.memory_space<vmem_shared>>
      tpu.wait_dma2 semaphore(%run_scoped3A : memref<!tpu.dma_semaphore, #tpu.memory_space<semaphore_mem>>) src(%dma_wait3A_30 : memref<624x128xf32, #tpu.memory_space<vmem_shared>>) dst(%dma_wait3A_28 : memref<624x128xf32, #tpu.memory_space<hbm>>)
      tpu.yield
    }) : () -> ()
    %eq3A_20 = arith.constant 15 : i32
    %eq3A_21 = arith.cmpi eq, %arg1, %eq3A_20 : i32
    %convert_element_type3A_22 = arith.extui %eq3A_21 : i1 to i32
    %cond3A_23 = arith.constant 0 : i32
    %cond3A_24 = arith.cmpi ne, %convert_element_type3A_22, %cond3A_23 : i32
    scf.if %cond3A_24 {
      %mul3A_25 = arith.constant 10000 : i32
      %mul3A_26 = arith.muli %arg0, %mul3A_25 : i32
      %add3A_27 = arith.constant 9984 : i32
      %add3A_28 = arith.addi %mul3A_26, %add3A_27 : i32
      "tpu.region"() ({
        %run_scoped3A = tpu.sem_alloc : memref<!tpu.dma_semaphore, #tpu.memory_space<semaphore_mem>>
        %dma_start3A = arith.constant 0 : i32
        %dma_start3A_29 = tpu.memref_slice %arg6[%add3A_28, %dma_start3A] : memref<20000x128xf32, #tpu.memory_space<hbm>> -> memref<16x128xf32, #tpu.memory_space<hbm>>
        %dma_start3A_30 = arith.constant 9984 : i32
        %dma_start3A_31 = arith.constant 0 : i32
        %dma_start3A_32 = tpu.memref_slice %arg11[%dma_start3A_30, %dma_start3A_31] : memref<10000x128xf32, #tpu.memory_space<vmem_shared>> -> memref<16x128xf32, #tpu.memory_space<vmem_shared>>
        tpu.enqueue_dma source(%dma_start3A_32 : memref<16x128xf32, #tpu.memory_space<vmem_shared>>) target(%dma_start3A_29 : memref<16x128xf32, #tpu.memory_space<hbm>>) target_semaphore(%run_scoped3A : memref<!tpu.dma_semaphore, #tpu.memory_space<semaphore_mem>>)
        %dma_wait3A = arith.constant 0 : i32
        %dma_wait3A_33 = tpu.memref_slice %arg6[%add3A_28, %dma_wait3A] : memref<20000x128xf32, #tpu.memory_space<hbm>> -> memref<16x128xf32, #tpu.memory_space<hbm>>
        %dma_wait3A_34 = arith.constant 9984 : i32
        %dma_wait3A_35 = arith.constant 0 : i32
        %dma_wait3A_36 = tpu.memref_slice %arg11[%dma_wait3A_34, %dma_wait3A_35] : memref<10000x128xf32, #tpu.memory_space<vmem_shared>> -> memref<16x128xf32, #tpu.memory_space<vmem_shared>>
        tpu.wait_dma2 semaphore(%run_scoped3A : memref<!tpu.dma_semaphore, #tpu.memory_space<semaphore_mem>>) src(%dma_wait3A_36 : memref<16x128xf32, #tpu.memory_space<vmem_shared>>) dst(%dma_wait3A_33 : memref<16x128xf32, #tpu.memory_space<hbm>>)
        tpu.yield
      }) : () -> ()
    } else {
    }
    return
  }
}

#map = affine_map<(d0, d1) -> (0, 0)>
#map1 = affine_map<(d0, d1) -> (0, 0, 0)>
module attributes {stable_mosaic.version = 14 : i64} {
  func.func @_sc_gather_segsum(%arg0: i32, %arg1: i32, %arg2: memref<10000x128xf32, #tpu.memory_space<hbm>>, %arg3: memref<160x20x100xi32, #tpu.memory_space<hbm>>, %arg4: memref<160x20x100xi32, #tpu.memory_space<hbm>>, %arg5: memref<10000x128xf32, #tpu.memory_space<hbm>>, %arg6: memref<20000x128xf32, #tpu.memory_space<hbm>>, %arg7: memref<20x100xi32, #tpu.memory_space<vmem>>, %arg8: memref<20x100xi32, #tpu.memory_space<vmem>>, %arg9: memref<100x128xf32, #tpu.memory_space<vmem>>, %arg10: memref<100x128xf32, #tpu.memory_space<vmem>>, %arg11: memref<10000x128xf32, #tpu.memory_space<vmem_shared>>, %arg12: memref<!tpu.dma_semaphore, #tpu.memory_space<semaphore_mem>>, %arg13: memref<!tpu.dma_semaphore, #tpu.memory_space<semaphore_mem>>) attributes {dimension_semantics = [#tpu.dimension_semantics<core_parallel>, #tpu.dimension_semantics<subcore_parallel>], iteration_bounds = array<i64: 2, 16>, scalar_prefetch = 0 : i64, scratch_operands = 7 : i64, tpu.core_type = #tpu.core_type<sc_vector_subcore>, window_params = [{transform_indices = #map}, {transform_indices = #map1}, {transform_indices = #map1}, {transform_indices = #map}, {transform_indices = #map}]} {
    %mul3A = arith.constant 16 : i32
    %mul3A_0 = arith.muli %arg0, %mul3A : i32
    %add3A = arith.addi %mul3A_0, %arg1 : i32
    %mul3A_1 = arith.constant 624 : i32
    %mul3A_2 = arith.muli %arg1, %mul3A_1 : i32
    %mul3A_3 = arith.constant 624 : i32
    %mul3A_4 = arith.muli %arg1, %mul3A_3 : i32
    "tpu.region"() ({
      %run_scoped3A = tpu.sem_alloc : memref<!tpu.dma_semaphore, #tpu.memory_space<semaphore_mem>>
      %dma_start3A = arith.constant 0 : i32
      %dma_start3A_25 = tpu.memref_slice %arg11[%mul3A_4, %dma_start3A] : memref<10000x128xf32, #tpu.memory_space<vmem_shared>> -> memref<624x128xf32, #tpu.memory_space<vmem_shared>>
      %dma_start3A_26 = arith.constant 0 : i32
      %dma_start3A_27 = tpu.memref_slice %arg5[%mul3A_2, %dma_start3A_26] : memref<10000x128xf32, #tpu.memory_space<hbm>> -> memref<624x128xf32, #tpu.memory_space<hbm>>
      tpu.enqueue_dma source(%dma_start3A_27 : memref<624x128xf32, #tpu.memory_space<hbm>>) target(%dma_start3A_25 : memref<624x128xf32, #tpu.memory_space<vmem_shared>>) target_semaphore(%run_scoped3A : memref<!tpu.dma_semaphore, #tpu.memory_space<semaphore_mem>>)
      %dma_wait3A = arith.constant 0 : i32
      %dma_wait3A_28 = tpu.memref_slice %arg11[%mul3A_4, %dma_wait3A] : memref<10000x128xf32, #tpu.memory_space<vmem_shared>> -> memref<624x128xf32, #tpu.memory_space<vmem_shared>>
      %dma_wait3A_29 = arith.constant 0 : i32
      %dma_wait3A_30 = tpu.memref_slice %arg5[%mul3A_2, %dma_wait3A_29] : memref<10000x128xf32, #tpu.memory_space<hbm>> -> memref<624x128xf32, #tpu.memory_space<hbm>>
      tpu.wait_dma2 semaphore(%run_scoped3A : memref<!tpu.dma_semaphore, #tpu.memory_space<semaphore_mem>>) src(%dma_wait3A_30 : memref<624x128xf32, #tpu.memory_space<hbm>>) dst(%dma_wait3A_28 : memref<624x128xf32, #tpu.memory_space<vmem_shared>>)
      tpu.yield
    }) : () -> ()
    %eq3A = arith.constant 15 : i32
    %eq3A_5 = arith.cmpi eq, %arg1, %eq3A : i32
    %convert_element_type3A = arith.extui %eq3A_5 : i1 to i32
    %cond3A = arith.constant 0 : i32
    %cond3A_6 = arith.cmpi ne, %convert_element_type3A, %cond3A : i32
    scf.if %cond3A_6 {
      "tpu.region"() ({
        %run_scoped3A = tpu.sem_alloc : memref<!tpu.dma_semaphore, #tpu.memory_space<semaphore_mem>>
        %dma_start3A = arith.constant 9984 : i32
        %dma_start3A_25 = arith.constant 0 : i32
        %dma_start3A_26 = tpu.memref_slice %arg11[%dma_start3A, %dma_start3A_25] : memref<10000x128xf32, #tpu.memory_space<vmem_shared>> -> memref<16x128xf32, #tpu.memory_space<vmem_shared>>
        %dma_start3A_27 = arith.constant 9984 : i32
        %dma_start3A_28 = arith.constant 0 : i32
        %dma_start3A_29 = tpu.memref_slice %arg5[%dma_start3A_27, %dma_start3A_28] : memref<10000x128xf32, #tpu.memory_space<hbm>> -> memref<16x128xf32, #tpu.memory_space<hbm>>
        tpu.enqueue_dma source(%dma_start3A_29 : memref<16x128xf32, #tpu.memory_space<hbm>>) target(%dma_start3A_26 : memref<16x128xf32, #tpu.memory_space<vmem_shared>>) target_semaphore(%run_scoped3A : memref<!tpu.dma_semaphore, #tpu.memory_space<semaphore_mem>>)
        %dma_wait3A = arith.constant 9984 : i32
        %dma_wait3A_30 = arith.constant 0 : i32
        %dma_wait3A_31 = tpu.memref_slice %arg11[%dma_wait3A, %dma_wait3A_30] : memref<10000x128xf32, #tpu.memory_space<vmem_shared>> -> memref<16x128xf32, #tpu.memory_space<vmem_shared>>
        %dma_wait3A_32 = arith.constant 9984 : i32
        %dma_wait3A_33 = arith.constant 0 : i32
        %dma_wait3A_34 = tpu.memref_slice %arg5[%dma_wait3A_32, %dma_wait3A_33] : memref<10000x128xf32, #tpu.memory_space<hbm>> -> memref<16x128xf32, #tpu.memory_space<hbm>>
        tpu.wait_dma2 semaphore(%run_scoped3A : memref<!tpu.dma_semaphore, #tpu.memory_space<semaphore_mem>>) src(%dma_wait3A_34 : memref<16x128xf32, #tpu.memory_space<hbm>>) dst(%dma_wait3A_31 : memref<16x128xf32, #tpu.memory_space<vmem_shared>>)
        tpu.yield
      }) : () -> ()
    } else {
    }
    %barrier3A = arith.constant 0 : index
    tpu.barrier barrier_id(%barrier3A)
    %scan3A = arith.constant 0 : i32
    %scan3A_7 = arith.constant 0 : i32
    %scan3A_8 = arith.constant 5 : i32
    %scan3A_9 = arith.addi %scan3A_7, %scan3A_8 : i32
    %scan3A_10 = arith.constant 1 : i32
    scf.for %scan3A_25 = %scan3A_7 to %scan3A_9 step %scan3A_10  : i32 {
      %mul3A_26 = arith.constant 5 : i32
      %mul3A_27 = arith.muli %add3A, %mul3A_26 : i32
      %add3A_28 = arith.addi %mul3A_27, %scan3A_25 : i32
      "tpu.region"() ({
        %run_scoped3A = tpu.sem_alloc : memref<!tpu.dma_semaphore, #tpu.memory_space<semaphore_mem>>
        %dma_start3A_44 = arith.constant 0 : i32
        %dma_start3A_45 = arith.constant 0 : i32
        %dma_start3A_46 = tpu.memref_slice %arg3[%add3A_28, %dma_start3A_44, %dma_start3A_45] : memref<160x20x100xi32, #tpu.memory_space<hbm>> -> memref<1x20x100xi32, #tpu.memory_space<hbm>>
        %dma_start3A_47 = tpu.memref_squeeze %dma_start3A_46 : memref<1x20x100xi32, #tpu.memory_space<hbm>> -> memref<20x100xi32, #tpu.memory_space<hbm>>
        %dma_start3A_48 = arith.constant 0 : i32
        %dma_start3A_49 = arith.constant 0 : i32
        %dma_start3A_50 = tpu.memref_slice %arg3[%add3A_28, %dma_start3A_48, %dma_start3A_49] : memref<160x20x100xi32, #tpu.memory_space<hbm>> -> memref<1x20x100xi32, #tpu.memory_space<hbm>>
        %dma_start3A_51 = tpu.memref_squeeze %dma_start3A_50 : memref<1x20x100xi32, #tpu.memory_space<hbm>> -> memref<20x100xi32, #tpu.memory_space<hbm>>
        tpu.enqueue_dma source(%dma_start3A_51 : memref<20x100xi32, #tpu.memory_space<hbm>>) target(%arg7 : memref<20x100xi32, #tpu.memory_space<vmem>>) target_semaphore(%run_scoped3A : memref<!tpu.dma_semaphore, #tpu.memory_space<semaphore_mem>>)
        %dma_wait3A = arith.constant 0 : i32
        %dma_wait3A_52 = arith.constant 0 : i32
        %dma_wait3A_53 = tpu.memref_slice %arg3[%add3A_28, %dma_wait3A, %dma_wait3A_52] : memref<160x20x100xi32, #tpu.memory_space<hbm>> -> memref<1x20x100xi32, #tpu.memory_space<hbm>>
        %dma_wait3A_54 = tpu.memref_squeeze %dma_wait3A_53 : memref<1x20x100xi32, #tpu.memory_space<hbm>> -> memref<20x100xi32, #tpu.memory_space<hbm>>
        %dma_wait3A_55 = arith.constant 0 : i32
        %dma_wait3A_56 = arith.constant 0 : i32
        %dma_wait3A_57 = tpu.memref_slice %arg3[%add3A_28, %dma_wait3A_55, %dma_wait3A_56] : memref<160x20x100xi32, #tpu.memory_space<hbm>> -> memref<1x20x100xi32, #tpu.memory_space<hbm>>
        %dma_wait3A_58 = tpu.memref_squeeze %dma_wait3A_57 : memref<1x20x100xi32, #tpu.memory_space<hbm>> -> memref<20x100xi32, #tpu.memory_space<hbm>>
        tpu.wait_dma2 semaphore(%run_scoped3A : memref<!tpu.dma_semaphore, #tpu.memory_space<semaphore_mem>>) src(%dma_wait3A_58 : memref<20x100xi32, #tpu.memory_space<hbm>>) dst(%arg7 : memref<20x100xi32, #tpu.memory_space<vmem>>)
        tpu.yield
      }) : () -> ()
      %mul3A_29 = arith.constant 5 : i32
      %mul3A_30 = arith.muli %add3A, %mul3A_29 : i32
      %add3A_31 = arith.addi %mul3A_30, %scan3A_25 : i32
      "tpu.region"() ({
        %run_scoped3A = tpu.sem_alloc : memref<!tpu.dma_semaphore, #tpu.memory_space<semaphore_mem>>
        %dma_start3A_44 = arith.constant 0 : i32
        %dma_start3A_45 = arith.constant 0 : i32
        %dma_start3A_46 = tpu.memref_slice %arg4[%add3A_31, %dma_start3A_44, %dma_start3A_45] : memref<160x20x100xi32, #tpu.memory_space<hbm>> -> memref<1x20x100xi32, #tpu.memory_space<hbm>>
        %dma_start3A_47 = tpu.memref_squeeze %dma_start3A_46 : memref<1x20x100xi32, #tpu.memory_space<hbm>> -> memref<20x100xi32, #tpu.memory_space<hbm>>
        %dma_start3A_48 = arith.constant 0 : i32
        %dma_start3A_49 = arith.constant 0 : i32
        %dma_start3A_50 = tpu.memref_slice %arg4[%add3A_31, %dma_start3A_48, %dma_start3A_49] : memref<160x20x100xi32, #tpu.memory_space<hbm>> -> memref<1x20x100xi32, #tpu.memory_space<hbm>>
        %dma_start3A_51 = tpu.memref_squeeze %dma_start3A_50 : memref<1x20x100xi32, #tpu.memory_space<hbm>> -> memref<20x100xi32, #tpu.memory_space<hbm>>
        tpu.enqueue_dma source(%dma_start3A_51 : memref<20x100xi32, #tpu.memory_space<hbm>>) target(%arg8 : memref<20x100xi32, #tpu.memory_space<vmem>>) target_semaphore(%run_scoped3A : memref<!tpu.dma_semaphore, #tpu.memory_space<semaphore_mem>>)
        %dma_wait3A = arith.constant 0 : i32
        %dma_wait3A_52 = arith.constant 0 : i32
        %dma_wait3A_53 = tpu.memref_slice %arg4[%add3A_31, %dma_wait3A, %dma_wait3A_52] : memref<160x20x100xi32, #tpu.memory_space<hbm>> -> memref<1x20x100xi32, #tpu.memory_space<hbm>>
        %dma_wait3A_54 = tpu.memref_squeeze %dma_wait3A_53 : memref<1x20x100xi32, #tpu.memory_space<hbm>> -> memref<20x100xi32, #tpu.memory_space<hbm>>
        %dma_wait3A_55 = arith.constant 0 : i32
        %dma_wait3A_56 = arith.constant 0 : i32
        %dma_wait3A_57 = tpu.memref_slice %arg4[%add3A_31, %dma_wait3A_55, %dma_wait3A_56] : memref<160x20x100xi32, #tpu.memory_space<hbm>> -> memref<1x20x100xi32, #tpu.memory_space<hbm>>
        %dma_wait3A_58 = tpu.memref_squeeze %dma_wait3A_57 : memref<1x20x100xi32, #tpu.memory_space<hbm>> -> memref<20x100xi32, #tpu.memory_space<hbm>>
        tpu.wait_dma2 semaphore(%run_scoped3A : memref<!tpu.dma_semaphore, #tpu.memory_space<semaphore_mem>>) src(%dma_wait3A_58 : memref<20x100xi32, #tpu.memory_space<hbm>>) dst(%arg8 : memref<20x100xi32, #tpu.memory_space<vmem>>)
        tpu.yield
      }) : () -> ()
      %dma_start3A = arith.constant 0 : i32
      %dma_start3A_32 = arith.constant 0 : i32
      %dma_start3A_33 = tpu.memref_slice %arg7[%dma_start3A, %dma_start3A_32] : memref<20x100xi32, #tpu.memory_space<vmem>> -> memref<1x100xi32, #tpu.memory_space<vmem>>
      %dma_start3A_34 = tpu.memref_squeeze %dma_start3A_33 : memref<1x100xi32, #tpu.memory_space<vmem>> -> memref<100xi32, #tpu.memory_space<vmem>>
      %dma_start3A_35 = arith.constant 0 : i32
      %dma_start3A_36 = arith.constant 0 : i32
      %dma_start3A_37 = tpu.memref_slice %arg2[%dma_start3A_35, %dma_start3A_36] : memref<10000x128xf32, #tpu.memory_space<hbm>> -> memref<10000x128xf32, #tpu.memory_space<hbm>>
      tpu.enqueue_indirect_dma source(%dma_start3A_37 : memref<10000x128xf32, #tpu.memory_space<hbm>>) target(%arg9 : memref<100x128xf32, #tpu.memory_space<vmem>>) offsets(%dma_start3A_34 : memref<100xi32, #tpu.memory_space<vmem>>) semaphore(%arg12 : memref<!tpu.dma_semaphore, #tpu.memory_space<semaphore_mem>>)
      %scan3A_38 = arith.constant 0 : i32
      %scan3A_39 = arith.constant 0 : i32
      %scan3A_40 = arith.constant 10 : i32
      %scan3A_41 = arith.addi %scan3A_39, %scan3A_40 : i32
      %scan3A_42 = arith.constant 1 : i32
      scf.for %scan3A_44 = %scan3A_39 to %scan3A_41 step %scan3A_42  : i32 {
        %mul3A_45 = arith.constant 2 : i32
        %mul3A_46 = arith.muli %mul3A_45, %scan3A_44 : i32
        %add3A_47 = arith.constant 1 : i32
        %add3A_48 = arith.addi %mul3A_46, %add3A_47 : i32
        %add3A_49 = arith.constant 2 : i32
        %add3A_50 = arith.addi %mul3A_46, %add3A_49 : i32
        %dma_start3A_51 = arith.constant 0 : i32
        %dma_start3A_52 = tpu.memref_slice %arg7[%add3A_48, %dma_start3A_51] : memref<20x100xi32, #tpu.memory_space<vmem>> -> memref<1x100xi32, #tpu.memory_space<vmem>>
        %dma_start3A_53 = tpu.memref_squeeze %dma_start3A_52 : memref<1x100xi32, #tpu.memory_space<vmem>> -> memref<100xi32, #tpu.memory_space<vmem>>
        %dma_start3A_54 = arith.constant 0 : i32
        %dma_start3A_55 = arith.constant 0 : i32
        %dma_start3A_56 = tpu.memref_slice %arg2[%dma_start3A_54, %dma_start3A_55] : memref<10000x128xf32, #tpu.memory_space<hbm>> -> memref<10000x128xf32, #tpu.memory_space<hbm>>
        tpu.enqueue_indirect_dma source(%dma_start3A_56 : memref<10000x128xf32, #tpu.memory_space<hbm>>) target(%arg10 : memref<100x128xf32, #tpu.memory_space<vmem>>) offsets(%dma_start3A_53 : memref<100xi32, #tpu.memory_space<vmem>>) semaphore(%arg13 : memref<!tpu.dma_semaphore, #tpu.memory_space<semaphore_mem>>)
        %dma_wait3A = arith.constant 0 : i32
        %dma_wait3A_57 = tpu.memref_slice %arg7[%mul3A_46, %dma_wait3A] : memref<20x100xi32, #tpu.memory_space<vmem>> -> memref<1x100xi32, #tpu.memory_space<vmem>>
        %dma_wait3A_58 = tpu.memref_squeeze %dma_wait3A_57 : memref<1x100xi32, #tpu.memory_space<vmem>> -> memref<100xi32, #tpu.memory_space<vmem>>
        %dma_wait3A_59 = arith.constant 0 : i32
        %dma_wait3A_60 = arith.constant 0 : i32
        %dma_wait3A_61 = tpu.memref_slice %arg2[%dma_wait3A_59, %dma_wait3A_60] : memref<10000x128xf32, #tpu.memory_space<hbm>> -> memref<10000x128xf32, #tpu.memory_space<hbm>>
        tpu.wait_indirect_dma semaphore(%arg12 : memref<!tpu.dma_semaphore, #tpu.memory_space<semaphore_mem>>) src(%dma_wait3A_61 : memref<10000x128xf32, #tpu.memory_space<hbm>>) dst(%arg9 : memref<100x128xf32, #tpu.memory_space<vmem>>)
        "tpu.region"() ({
          %run_scoped3A = tpu.sem_alloc : memref<!tpu.dma_semaphore, #tpu.memory_space<semaphore_mem>>
          %dma_start3A_72 = arith.constant 0 : i32
          %dma_start3A_73 = tpu.memref_slice %arg8[%mul3A_46, %dma_start3A_72] : memref<20x100xi32, #tpu.memory_space<vmem>> -> memref<1x100xi32, #tpu.memory_space<vmem>>
          %dma_start3A_74 = tpu.memref_squeeze %dma_start3A_73 : memref<1x100xi32, #tpu.memory_space<vmem>> -> memref<100xi32, #tpu.memory_space<vmem>>
          %dma_start3A_75 = arith.constant 0 : i32
          %dma_start3A_76 = arith.constant 0 : i32
          %dma_start3A_77 = tpu.memref_slice %arg11[%dma_start3A_75, %dma_start3A_76] : memref<10000x128xf32, #tpu.memory_space<vmem_shared>> -> memref<10000x128xf32, #tpu.memory_space<vmem_shared>>
          tpu.enqueue_indirect_dma source(%arg9 : memref<100x128xf32, #tpu.memory_space<vmem>>) target(%dma_start3A_77 : memref<10000x128xf32, #tpu.memory_space<vmem_shared>>) offsets(%dma_start3A_74 : memref<100xi32, #tpu.memory_space<vmem>>) semaphore(%run_scoped3A : memref<!tpu.dma_semaphore, #tpu.memory_space<semaphore_mem>>) {add = true}
          %dma_wait3A_78 = arith.constant 0 : i32
          %dma_wait3A_79 = tpu.memref_slice %arg8[%mul3A_46, %dma_wait3A_78] : memref<20x100xi32, #tpu.memory_space<vmem>> -> memref<1x100xi32, #tpu.memory_space<vmem>>
          %dma_wait3A_80 = tpu.memref_squeeze %dma_wait3A_79 : memref<1x100xi32, #tpu.memory_space<vmem>> -> memref<100xi32, #tpu.memory_space<vmem>>
          %dma_wait3A_81 = arith.constant 0 : i32
          %dma_wait3A_82 = arith.constant 0 : i32
          %dma_wait3A_83 = tpu.memref_slice %arg11[%dma_wait3A_81, %dma_wait3A_82] : memref<10000x128xf32, #tpu.memory_space<vmem_shared>> -> memref<10000x128xf32, #tpu.memory_space<vmem_shared>>
          tpu.wait_indirect_dma semaphore(%run_scoped3A : memref<!tpu.dma_semaphore, #tpu.memory_space<semaphore_mem>>) src(%arg9 : memref<100x128xf32, #tpu.memory_space<vmem>>) dst(%dma_wait3A_83 : memref<10000x128xf32, #tpu.memory_space<vmem_shared>>)
          tpu.yield
        }) : () -> ()
        %lt3A = arith.constant 20 : i32
        %lt3A_62 = arith.cmpi slt, %add3A_50, %lt3A : i32
        %convert_element_type3A_63 = arith.extui %lt3A_62 : i1 to i32
        %cond3A_64 = arith.constant 0 : i32
        %cond3A_65 = arith.cmpi ne, %convert_element_type3A_63, %cond3A_64 : i32
        scf.if %cond3A_65 {
          %dma_start3A_72 = arith.constant 0 : i32
          %dma_start3A_73 = tpu.memref_slice %arg7[%add3A_50, %dma_start3A_72] : memref<20x100xi32, #tpu.memory_space<vmem>> -> memref<1x100xi32, #tpu.memory_space<vmem>>
          %dma_start3A_74 = tpu.memref_squeeze %dma_start3A_73 : memref<1x100xi32, #tpu.memory_space<vmem>> -> memref<100xi32, #tpu.memory_space<vmem>>
          %dma_start3A_75 = arith.constant 0 : i32
          %dma_start3A_76 = arith.constant 0 : i32
          %dma_start3A_77 = tpu.memref_slice %arg2[%dma_start3A_75, %dma_start3A_76] : memref<10000x128xf32, #tpu.memory_space<hbm>> -> memref<10000x128xf32, #tpu.memory_space<hbm>>
          tpu.enqueue_indirect_dma source(%dma_start3A_77 : memref<10000x128xf32, #tpu.memory_space<hbm>>) target(%arg9 : memref<100x128xf32, #tpu.memory_space<vmem>>) offsets(%dma_start3A_74 : memref<100xi32, #tpu.memory_space<vmem>>) semaphore(%arg12 : memref<!tpu.dma_semaphore, #tpu.memory_space<semaphore_mem>>)
        } else {
        }
        %dma_wait3A_66 = arith.constant 0 : i32
        %dma_wait3A_67 = tpu.memref_slice %arg7[%add3A_48, %dma_wait3A_66] : memref<20x100xi32, #tpu.memory_space<vmem>> -> memref<1x100xi32, #tpu.memory_space<vmem>>
        %dma_wait3A_68 = tpu.memref_squeeze %dma_wait3A_67 : memref<1x100xi32, #tpu.memory_space<vmem>> -> memref<100xi32, #tpu.memory_space<vmem>>
        %dma_wait3A_69 = arith.constant 0 : i32
        %dma_wait3A_70 = arith.constant 0 : i32
        %dma_wait3A_71 = tpu.memref_slice %arg2[%dma_wait3A_69, %dma_wait3A_70] : memref<10000x128xf32, #tpu.memory_space<hbm>> -> memref<10000x128xf32, #tpu.memory_space<hbm>>
        tpu.wait_indirect_dma semaphore(%arg13 : memref<!tpu.dma_semaphore, #tpu.memory_space<semaphore_mem>>) src(%dma_wait3A_71 : memref<10000x128xf32, #tpu.memory_space<hbm>>) dst(%arg10 : memref<100x128xf32, #tpu.memory_space<vmem>>)
        "tpu.region"() ({
          %run_scoped3A = tpu.sem_alloc : memref<!tpu.dma_semaphore, #tpu.memory_space<semaphore_mem>>
          %dma_start3A_72 = arith.constant 0 : i32
          %dma_start3A_73 = tpu.memref_slice %arg8[%add3A_48, %dma_start3A_72] : memref<20x100xi32, #tpu.memory_space<vmem>> -> memref<1x100xi32, #tpu.memory_space<vmem>>
          %dma_start3A_74 = tpu.memref_squeeze %dma_start3A_73 : memref<1x100xi32, #tpu.memory_space<vmem>> -> memref<100xi32, #tpu.memory_space<vmem>>
          %dma_start3A_75 = arith.constant 0 : i32
          %dma_start3A_76 = arith.constant 0 : i32
          %dma_start3A_77 = tpu.memref_slice %arg11[%dma_start3A_75, %dma_start3A_76] : memref<10000x128xf32, #tpu.memory_space<vmem_shared>> -> memref<10000x128xf32, #tpu.memory_space<vmem_shared>>
          tpu.enqueue_indirect_dma source(%arg10 : memref<100x128xf32, #tpu.memory_space<vmem>>) target(%dma_start3A_77 : memref<10000x128xf32, #tpu.memory_space<vmem_shared>>) offsets(%dma_start3A_74 : memref<100xi32, #tpu.memory_space<vmem>>) semaphore(%run_scoped3A : memref<!tpu.dma_semaphore, #tpu.memory_space<semaphore_mem>>) {add = true}
          %dma_wait3A_78 = arith.constant 0 : i32
          %dma_wait3A_79 = tpu.memref_slice %arg8[%add3A_48, %dma_wait3A_78] : memref<20x100xi32, #tpu.memory_space<vmem>> -> memref<1x100xi32, #tpu.memory_space<vmem>>
          %dma_wait3A_80 = tpu.memref_squeeze %dma_wait3A_79 : memref<1x100xi32, #tpu.memory_space<vmem>> -> memref<100xi32, #tpu.memory_space<vmem>>
          %dma_wait3A_81 = arith.constant 0 : i32
          %dma_wait3A_82 = arith.constant 0 : i32
          %dma_wait3A_83 = tpu.memref_slice %arg11[%dma_wait3A_81, %dma_wait3A_82] : memref<10000x128xf32, #tpu.memory_space<vmem_shared>> -> memref<10000x128xf32, #tpu.memory_space<vmem_shared>>
          tpu.wait_indirect_dma semaphore(%run_scoped3A : memref<!tpu.dma_semaphore, #tpu.memory_space<semaphore_mem>>) src(%arg10 : memref<100x128xf32, #tpu.memory_space<vmem>>) dst(%dma_wait3A_83 : memref<10000x128xf32, #tpu.memory_space<vmem_shared>>)
          tpu.yield
        }) : () -> ()
      }
      %scan3A_43 = arith.constant 10 : i32
    }
    %scan3A_11 = arith.constant 5 : i32
    %barrier3A_12 = arith.constant 0 : index
    tpu.barrier barrier_id(%barrier3A_12)
    %mul3A_13 = arith.constant 624 : i32
    %mul3A_14 = arith.muli %arg1, %mul3A_13 : i32
    %mul3A_15 = arith.constant 10000 : i32
    %mul3A_16 = arith.muli %arg0, %mul3A_15 : i32
    %mul3A_17 = arith.constant 624 : i32
    %mul3A_18 = arith.muli %arg1, %mul3A_17 : i32
    %add3A_19 = arith.addi %mul3A_16, %mul3A_18 : i32
    "tpu.region"() ({
      %run_scoped3A = tpu.sem_alloc : memref<!tpu.dma_semaphore, #tpu.memory_space<semaphore_mem>>
      %dma_start3A = arith.constant 0 : i32
      %dma_start3A_25 = tpu.memref_slice %arg6[%add3A_19, %dma_start3A] : memref<20000x128xf32, #tpu.memory_space<hbm>> -> memref<624x128xf32, #tpu.memory_space<hbm>>
      %dma_start3A_26 = arith.constant 0 : i32
      %dma_start3A_27 = tpu.memref_slice %arg11[%mul3A_14, %dma_start3A_26] : memref<10000x128xf32, #tpu.memory_space<vmem_shared>> -> memref<624x128xf32, #tpu.memory_space<vmem_shared>>
      tpu.enqueue_dma source(%dma_start3A_27 : memref<624x128xf32, #tpu.memory_space<vmem_shared>>) target(%dma_start3A_25 : memref<624x128xf32, #tpu.memory_space<hbm>>) target_semaphore(%run_scoped3A : memref<!tpu.dma_semaphore, #tpu.memory_space<semaphore_mem>>)
      %dma_wait3A = arith.constant 0 : i32
      %dma_wait3A_28 = tpu.memref_slice %arg6[%add3A_19, %dma_wait3A] : memref<20000x128xf32, #tpu.memory_space<hbm>> -> memref<624x128xf32, #tpu.memory_space<hbm>>
      %dma_wait3A_29 = arith.constant 0 : i32
      %dma_wait3A_30 = tpu.memref_slice %arg11[%mul3A_14, %dma_wait3A_29] : memref<10000x128xf32, #tpu.memory_space<vmem_shared>> -> memref<624x128xf32, #tpu.memory_space<vmem_shared>>
      tpu.wait_dma2 semaphore(%run_scoped3A : memref<!tpu.dma_semaphore, #tpu.memory_space<semaphore_mem>>) src(%dma_wait3A_30 : memref<624x128xf32, #tpu.memory_space<vmem_shared>>) dst(%dma_wait3A_28 : memref<624x128xf32, #tpu.memory_space<hbm>>)
      tpu.yield
    }) : () -> ()
    %eq3A_20 = arith.constant 15 : i32
    %eq3A_21 = arith.cmpi eq, %arg1, %eq3A_20 : i32
    %convert_element_type3A_22 = arith.extui %eq3A_21 : i1 to i32
    %cond3A_23 = arith.constant 0 : i32
    %cond3A_24 = arith.cmpi ne, %convert_element_type3A_22, %cond3A_23 : i32
    scf.if %cond3A_24 {
      %mul3A_25 = arith.constant 10000 : i32
      %mul3A_26 = arith.muli %arg0, %mul3A_25 : i32
      %add3A_27 = arith.constant 9984 : i32
      %add3A_28 = arith.addi %mul3A_26, %add3A_27 : i32
      "tpu.region"() ({
        %run_scoped3A = tpu.sem_alloc : memref<!tpu.dma_semaphore, #tpu.memory_space<semaphore_mem>>
        %dma_start3A = arith.constant 0 : i32
        %dma_start3A_29 = tpu.memref_slice %arg6[%add3A_28, %dma_start3A] : memref<20000x128xf32, #tpu.memory_space<hbm>> -> memref<16x128xf32, #tpu.memory_space<hbm>>
        %dma_start3A_30 = arith.constant 9984 : i32
        %dma_start3A_31 = arith.constant 0 : i32
        %dma_start3A_32 = tpu.memref_slice %arg11[%dma_start3A_30, %dma_start3A_31] : memref<10000x128xf32, #tpu.memory_space<vmem_shared>> -> memref<16x128xf32, #tpu.memory_space<vmem_shared>>
        tpu.enqueue_dma source(%dma_start3A_32 : memref<16x128xf32, #tpu.memory_space<vmem_shared>>) target(%dma_start3A_29 : memref<16x128xf32, #tpu.memory_space<hbm>>) target_semaphore(%run_scoped3A : memref<!tpu.dma_semaphore, #tpu.memory_space<semaphore_mem>>)
        %dma_wait3A = arith.constant 0 : i32
        %dma_wait3A_33 = tpu.memref_slice %arg6[%add3A_28, %dma_wait3A] : memref<20000x128xf32, #tpu.memory_space<hbm>> -> memref<16x128xf32, #tpu.memory_space<hbm>>
        %dma_wait3A_34 = arith.constant 9984 : i32
        %dma_wait3A_35 = arith.constant 0 : i32
        %dma_wait3A_36 = tpu.memref_slice %arg11[%dma_wait3A_34, %dma_wait3A_35] : memref<10000x128xf32, #tpu.memory_space<vmem_shared>> -> memref<16x128xf32, #tpu.memory_space<vmem_shared>>
        tpu.wait_dma2 semaphore(%run_scoped3A : memref<!tpu.dma_semaphore, #tpu.memory_space<semaphore_mem>>) src(%dma_wait3A_36 : memref<16x128xf32, #tpu.memory_space<vmem_shared>>) dst(%dma_wait3A_33 : memref<16x128xf32, #tpu.memory_space<hbm>>)
        tpu.yield
      }) : () -> ()
    } else {
    }
    return
  }
}

module attributes {stable_mosaic.version = 14 : i64} {
  func.func @_tc_prelude_body(%arg0: i32, %arg1: memref<1000x128xf32, #tpu.memory_space<vmem>>, %arg2: memref<1000x128xf32, #tpu.memory_space<vmem>>, %arg3: memref<1000x128xf32, #tpu.memory_space<vmem>>, %arg4: memref<128x128xf32, #tpu.memory_space<vmem>>, %arg5: memref<16x128xf32, #tpu.memory_space<vmem>>, %arg6: memref<1x128xf32, #tpu.memory_space<vmem>>, %arg7: memref<1x128xf32, #tpu.memory_space<vmem>>, %arg8: memref<1000x128xf32, #tpu.memory_space<vmem>>, %arg9: memref<1000x128xf32, #tpu.memory_space<vmem>>) attributes {dimension_semantics = [#tpu.dimension_semantics<arbitrary>], iteration_bounds = array<i64: 10>, scalar_prefetch = 0 : i64, scratch_operands = 0 : i64, tpu.core_type = #tpu.core_type<tc>, window_params = [{transform_indices = @transform_0, window_bounds = array<i64: 1000, 128>}, {transform_indices = @transform_1, window_bounds = array<i64: 1000, 128>}, {transform_indices = @transform_2, window_bounds = array<i64: 1000, 128>}, {pipeline_mode = #tpu.pipeline_mode<synchronous>, transform_indices = @transform_3, window_bounds = array<i64: 128, 128>}, {pipeline_mode = #tpu.pipeline_mode<synchronous>, transform_indices = @transform_4, window_bounds = array<i64: 16, 128>}, {pipeline_mode = #tpu.pipeline_mode<synchronous>, transform_indices = @transform_5, window_bounds = array<i64: 1, 128>}, {pipeline_mode = #tpu.pipeline_mode<synchronous>, transform_indices = @transform_6, window_bounds = array<i64: 1, 128>}, {transform_indices = @transform_7, window_bounds = array<i64: 1000, 128>}, {transform_indices = @transform_8, window_bounds = array<i64: 1000, 128>}]} {
    %get3A = arith.constant 0 : index
    %get3A_0 = arith.constant 0 : index
    %get3A_1 = vector.load %arg1[%get3A, %get3A_0] : memref<1000x128xf32, #tpu.memory_space<vmem>>, vector<1000x128xf32>
    %get3A_2 = arith.constant 0 : index
    %get3A_3 = arith.constant 0 : index
    %get3A_4 = vector.load %arg4[%get3A_2, %get3A_3] : memref<128x128xf32, #tpu.memory_space<vmem>>, vector<128x128xf32>
    %dot_general3A = arith.constant dense<0.000000e+00> : vector<1000x128xf32>
    %dot_general3A_5 = tpu.matmul %get3A_1, %get3A_4, %dot_general3A {dimension_numbers = #tpu.dot_dimension_numbers<[1], [0], [0], [1], [0, 0, 1, 1], [], []>, transpose_lhs_hint = false} : vector<1000x128xf32>, vector<128x128xf32>, vector<1000x128xf32> -> vector<1000x128xf32>
    %get3A_6 = arith.constant 0 : index
    %get3A_7 = arith.constant 0 : index
    %get3A_8 = vector.load %arg2[%get3A_6, %get3A_7] : memref<1000x128xf32, #tpu.memory_space<vmem>>, vector<1000x128xf32>
    %get3A_9 = arith.constant 0 : index
    %get3A_10 = arith.constant 0 : index
    %get3A_11 = vector.load %arg3[%get3A_9, %get3A_10] : memref<1000x128xf32, #tpu.memory_space<vmem>>, vector<1000x128xf32>
    %add3A = arith.addf %get3A_8, %get3A_11 : vector<1000x128xf32>
    %slice3A = vector.extract_strided_slice %add3A {offsets = [0, 0], sizes = [1000, 16], strides = [1, 1]} : vector<1000x128xf32> to vector<1000x16xf32>
    %get3A_12 = arith.constant 0 : index
    %get3A_13 = arith.constant 0 : index
    %get3A_14 = vector.load %arg5[%get3A_12, %get3A_13] : memref<16x128xf32, #tpu.memory_space<vmem>>, vector<16x128xf32>
    %dot_general3A_15 = arith.constant dense<0.000000e+00> : vector<1000x128xf32>
    %dot_general3A_16 = tpu.matmul %slice3A, %get3A_14, %dot_general3A_15 {dimension_numbers = #tpu.dot_dimension_numbers<[1], [0], [0], [1], [0, 0, 1, 1], [], []>, transpose_lhs_hint = false} : vector<1000x16xf32>, vector<16x128xf32>, vector<1000x128xf32> -> vector<1000x128xf32>
    %add3A_17 = arith.addf %dot_general3A_5, %dot_general3A_16 : vector<1000x128xf32>
    %get3A_18 = arith.constant 0 : index
    %get3A_19 = arith.constant 0 : index
    %get3A_20 = vector.load %arg6[%get3A_18, %get3A_19] : memref<1x128xf32, #tpu.memory_space<vmem>>, vector<1x128xf32>
    %add3A_21 = vector.broadcast %get3A_20 : vector<1x128xf32> to vector<1000x128xf32>
    %add3A_22 = arith.addf %add3A_17, %add3A_21 : vector<1000x128xf32>
    %get3A_23 = arith.constant 0 : index
    %get3A_24 = arith.constant 0 : index
    %get3A_25 = vector.load %arg7[%get3A_23, %get3A_24] : memref<1x128xf32, #tpu.memory_space<vmem>>, vector<1x128xf32>
    %add3A_26 = vector.broadcast %get3A_25 : vector<1x128xf32> to vector<1000x128xf32>
    %add3A_27 = arith.addf %add3A_22, %add3A_26 : vector<1000x128xf32>
    %swap3A = arith.constant 0 : index
    %swap3A_28 = arith.constant 0 : index
    %swap3A_29 = vector.load %arg8[%swap3A, %swap3A_28] : memref<1000x128xf32, #tpu.memory_space<vmem>>, vector<1000x128xf32>
    tpu.vector_store %arg8[%swap3A, %swap3A_28], %add3A_27 {strides = array<i32>} : memref<1000x128xf32, #tpu.memory_space<vmem>>, vector<1000x128xf32>,
    %max3A = arith.constant 0.000000e+00 : f32
    %max3A_30 = vector.broadcast %max3A : f32 to vector<1000x128xf32>
    %max3A_31 = arith.maximumf %add3A_27, %max3A_30 : vector<1000x128xf32>
    %swap3A_32 = arith.constant 0 : index
    %swap3A_33 = arith.constant 0 : index
    %swap3A_34 = vector.load %arg9[%swap3A_32, %swap3A_33] : memref<1000x128xf32, #tpu.memory_space<vmem>>, vector<1000x128xf32>
    tpu.vector_store %arg9[%swap3A_32, %swap3A_33], %max3A_31 {strides = array<i32>} : memref<1000x128xf32, #tpu.memory_space<vmem>>, vector<1000x128xf32>,
    return
  }
  func.func @transform_0(%arg0: i32) -> (i32, i32) {
    %c0_i32 = arith.constant 0 : i32
    %c0_i32_0 = arith.constant 0 : i32
    return %arg0, %c0_i32 : i32, i32
  }
  func.func @transform_1(%arg0: i32) -> (i32, i32) {
    %c0_i32 = arith.constant 0 : i32
    %c0_i32_0 = arith.constant 0 : i32
    return %arg0, %c0_i32 : i32, i32
  }
  func.func @transform_2(%arg0: i32) -> (i32, i32) {
    %c0_i32 = arith.constant 0 : i32
    %c0_i32_0 = arith.constant 0 : i32
    return %arg0, %c0_i32 : i32, i32
  }
  func.func @transform_3(%arg0: i32) -> (i32, i32) {
    %c0_i32 = arith.constant 0 : i32
    %c0_i32_0 = arith.constant 0 : i32
    %c0_i32_1 = arith.constant 0 : i32
    return %c0_i32, %c0_i32_0 : i32, i32
  }
  func.func @transform_4(%arg0: i32) -> (i32, i32) {
    %c0_i32 = arith.constant 0 : i32
    %c0_i32_0 = arith.constant 0 : i32
    %c0_i32_1 = arith.constant 0 : i32
    return %c0_i32, %c0_i32_0 : i32, i32
  }
  func.func @transform_5(%arg0: i32) -> (i32, i32) {
    %c0_i32 = arith.constant 0 : i32
    %c0_i32_0 = arith.constant 0 : i32
    %c0_i32_1 = arith.constant 0 : i32
    return %c0_i32, %c0_i32_0 : i32, i32
  }
  func.func @transform_6(%arg0: i32) -> (i32, i32) {
    %c0_i32 = arith.constant 0 : i32
    %c0_i32_0 = arith.constant 0 : i32
    %c0_i32_1 = arith.constant 0 : i32
    return %c0_i32, %c0_i32_0 : i32, i32
  }
  func.func @transform_7(%arg0: i32) -> (i32, i32) {
    %c0_i32 = arith.constant 0 : i32
    %c0_i32_0 = arith.constant 0 : i32
    return %arg0, %c0_i32 : i32, i32
  }
  func.func @transform_8(%arg0: i32) -> (i32, i32) {
    %c0_i32 = arith.constant 0 : i32
    %c0_i32_0 = arith.constant 0 : i32
    return %arg0, %c0_i32 : i32, i32
  }
}

module attributes {stable_mosaic.version = 14 : i64} {
  func.func @_tc_update_body(%arg0: i32, %arg1: memref<1000x128xf32, #tpu.memory_space<vmem>>, %arg2: memref<1000x128xf32, #tpu.memory_space<vmem>>, %arg3: memref<1000x128xf32, #tpu.memory_space<vmem>>, %arg4: memref<128x128xf32, #tpu.memory_space<vmem>>, %arg5: memref<1x128xf32, #tpu.memory_space<vmem>>, %arg6: memref<1000x128xf32, #tpu.memory_space<vmem>>) attributes {dimension_semantics = [#tpu.dimension_semantics<arbitrary>], iteration_bounds = array<i64: 10>, scalar_prefetch = 0 : i64, scratch_operands = 0 : i64, tpu.core_type = #tpu.core_type<tc>, window_params = [{transform_indices = @transform_0, window_bounds = array<i64: 1000, 128>}, {transform_indices = @transform_1, window_bounds = array<i64: 1000, 128>}, {transform_indices = @transform_2, window_bounds = array<i64: 1000, 128>}, {pipeline_mode = #tpu.pipeline_mode<synchronous>, transform_indices = @transform_3, window_bounds = array<i64: 128, 128>}, {pipeline_mode = #tpu.pipeline_mode<synchronous>, transform_indices = @transform_4, window_bounds = array<i64: 1, 128>}, {transform_indices = @transform_5, window_bounds = array<i64: 1000, 128>}]} {
    %get3A = arith.constant 0 : index
    %get3A_0 = arith.constant 0 : index
    %get3A_1 = vector.load %arg1[%get3A, %get3A_0] : memref<1000x128xf32, #tpu.memory_space<vmem>>, vector<1000x128xf32>
    %get3A_2 = arith.constant 0 : index
    %get3A_3 = arith.constant 0 : index
    %get3A_4 = vector.load %arg2[%get3A_2, %get3A_3] : memref<1000x128xf32, #tpu.memory_space<vmem>>, vector<1000x128xf32>
    %add3A = arith.addf %get3A_1, %get3A_4 : vector<1000x128xf32>
    %get3A_5 = arith.constant 0 : index
    %get3A_6 = arith.constant 0 : index
    %get3A_7 = vector.load %arg4[%get3A_5, %get3A_6] : memref<128x128xf32, #tpu.memory_space<vmem>>, vector<128x128xf32>
    %dot_general3A = arith.constant dense<0.000000e+00> : vector<1000x128xf32>
    %dot_general3A_8 = tpu.matmul %add3A, %get3A_7, %dot_general3A {dimension_numbers = #tpu.dot_dimension_numbers<[1], [0], [0], [1], [0, 0, 1, 1], [], []>, transpose_lhs_hint = false} : vector<1000x128xf32>, vector<128x128xf32>, vector<1000x128xf32> -> vector<1000x128xf32>
    %get3A_9 = arith.constant 0 : index
    %get3A_10 = arith.constant 0 : index
    %get3A_11 = vector.load %arg5[%get3A_9, %get3A_10] : memref<1x128xf32, #tpu.memory_space<vmem>>, vector<1x128xf32>
    %add3A_12 = vector.broadcast %get3A_11 : vector<1x128xf32> to vector<1000x128xf32>
    %add3A_13 = arith.addf %dot_general3A_8, %add3A_12 : vector<1000x128xf32>
    %get3A_14 = arith.constant 0 : index
    %get3A_15 = arith.constant 0 : index
    %get3A_16 = vector.load %arg3[%get3A_14, %get3A_15] : memref<1000x128xf32, #tpu.memory_space<vmem>>, vector<1000x128xf32>
    %add3A_17 = arith.addf %add3A_13, %get3A_16 : vector<1000x128xf32>
    %max3A = arith.constant 0.000000e+00 : f32
    %max3A_18 = vector.broadcast %max3A : f32 to vector<1000x128xf32>
    %max3A_19 = arith.maximumf %add3A_17, %max3A_18 : vector<1000x128xf32>
    %swap3A = arith.constant 0 : index
    %swap3A_20 = arith.constant 0 : index
    %swap3A_21 = vector.load %arg6[%swap3A, %swap3A_20] : memref<1000x128xf32, #tpu.memory_space<vmem>>, vector<1000x128xf32>
    tpu.vector_store %arg6[%swap3A, %swap3A_20], %max3A_19 {strides = array<i32>} : memref<1000x128xf32, #tpu.memory_space<vmem>>, vector<1000x128xf32>,
    return
  }
  func.func @transform_0(%arg0: i32) -> (i32, i32) {
    %c0_i32 = arith.constant 0 : i32
    %c0_i32_0 = arith.constant 0 : i32
    return %arg0, %c0_i32 : i32, i32
  }
  func.func @transform_1(%arg0: i32) -> (i32, i32) {
    %c0_i32 = arith.constant 0 : i32
    %c0_i32_0 = arith.constant 0 : i32
    return %arg0, %c0_i32 : i32, i32
  }
  func.func @transform_2(%arg0: i32) -> (i32, i32) {
    %c0_i32 = arith.constant 0 : i32
    %c0_i32_0 = arith.constant 0 : i32
    return %arg0, %c0_i32 : i32, i32
  }
  func.func @transform_3(%arg0: i32) -> (i32, i32) {
    %c0_i32 = arith.constant 0 : i32
    %c0_i32_0 = arith.constant 0 : i32
    %c0_i32_1 = arith.constant 0 : i32
    return %c0_i32, %c0_i32_0 : i32, i32
  }
  func.func @transform_4(%arg0: i32) -> (i32, i32) {
    %c0_i32 = arith.constant 0 : i32
    %c0_i32_0 = arith.constant 0 : i32
    %c0_i32_1 = arith.constant 0 : i32
    return %c0_i32, %c0_i32_0 : i32, i32
  }
  func.func @transform_5(%arg0: i32) -> (i32, i32) {
    %c0_i32 = arith.constant 0 : i32
    %c0_i32_0 = arith.constant 0 : i32
    return %arg0, %c0_i32 : i32, i32
  }
}

module attributes {stable_mosaic.version = 14 : i64} {
  func.func @_tc_out_body(%arg0: i32, %arg1: memref<1000x128xf32, #tpu.memory_space<vmem>>, %arg2: memref<128x128xf32, #tpu.memory_space<vmem>>, %arg3: memref<1x128xf32, #tpu.memory_space<vmem>>, %arg4: memref<1x128xf32, #tpu.memory_space<vmem>>) attributes {dimension_semantics = [#tpu.dimension_semantics<arbitrary>], iteration_bounds = array<i64: 10>, scalar_prefetch = 0 : i64, scratch_operands = 0 : i64, tpu.core_type = #tpu.core_type<tc>, window_params = [{transform_indices = @transform_0, window_bounds = array<i64: 1000, 128>}, {pipeline_mode = #tpu.pipeline_mode<synchronous>, transform_indices = @transform_1, window_bounds = array<i64: 128, 128>}, {pipeline_mode = #tpu.pipeline_mode<synchronous>, transform_indices = @transform_2, window_bounds = array<i64: 1, 128>}, {pipeline_mode = #tpu.pipeline_mode<synchronous>, transform_indices = @transform_3, window_bounds = array<i64: 1, 128>}]} {
    %get3A = arith.constant 0 : index
    %get3A_0 = arith.constant 0 : index
    %get3A_1 = vector.load %arg1[%get3A, %get3A_0] : memref<1000x128xf32, #tpu.memory_space<vmem>>, vector<1000x128xf32>
    %get3A_2 = arith.constant 0 : index
    %get3A_3 = arith.constant 0 : index
    %get3A_4 = vector.load %arg2[%get3A_2, %get3A_3] : memref<128x128xf32, #tpu.memory_space<vmem>>, vector<128x128xf32>
    %dot_general3A = arith.constant dense<0.000000e+00> : vector<1000x128xf32>
    %dot_general3A_5 = tpu.matmul %get3A_1, %get3A_4, %dot_general3A {dimension_numbers = #tpu.dot_dimension_numbers<[1], [0], [0], [1], [0, 0, 1, 1], [], []>, transpose_lhs_hint = false} : vector<1000x128xf32>, vector<128x128xf32>, vector<1000x128xf32> -> vector<1000x128xf32>
    %get3A_6 = arith.constant 0 : index
    %get3A_7 = arith.constant 0 : index
    %get3A_8 = vector.load %arg3[%get3A_6, %get3A_7] : memref<1x128xf32, #tpu.memory_space<vmem>>, vector<1x128xf32>
    %add3A = vector.broadcast %get3A_8 : vector<1x128xf32> to vector<1000x128xf32>
    %add3A_9 = arith.addf %dot_general3A_5, %add3A : vector<1000x128xf32>
    %max3A = arith.constant 0.000000e+00 : f32
    %max3A_10 = vector.broadcast %max3A : f32 to vector<1000x128xf32>
    %max3A_11 = arith.maximumf %add3A_9, %max3A_10 : vector<1000x128xf32>
    %reduce_sum3A = arith.constant dense<0.000000e+00> : vector<128xf32>
    %reduce_sum3A_12 = vector.multi_reduction <add>, %max3A_11, %reduce_sum3A [0] : vector<1000x128xf32> to vector<128xf32>
    %broadcast_in_dim3A = vector.shape_cast %reduce_sum3A_12 : vector<128xf32> to vector<1x128xf32>
    %eq3A = arith.constant 0 : i32
    %eq3A_13 = arith.cmpi eq, %arg0, %eq3A : i32
    %convert_element_type3A = arith.extui %eq3A_13 : i1 to i32
    %cond3A = arith.constant 0 : i32
    %cond3A_14 = arith.cmpi ne, %convert_element_type3A, %cond3A : i32
    scf.if %cond3A_14 {
      %swap3A = arith.constant 0 : index
      %swap3A_24 = arith.constant 0 : index
      %swap3A_25 = vector.load %arg4[%swap3A, %swap3A_24] : memref<1x128xf32, #tpu.memory_space<vmem>>, vector<1x128xf32>
      tpu.vector_store %arg4[%swap3A, %swap3A_24], %broadcast_in_dim3A {strides = array<i32>} : memref<1x128xf32, #tpu.memory_space<vmem>>, vector<1x128xf32>,
    } else {
    }
    %gt3A = arith.constant 0 : i32
    %gt3A_15 = arith.cmpi sgt, %arg0, %gt3A : i32
    %convert_element_type3A_16 = arith.extui %gt3A_15 : i1 to i32
    %cond3A_17 = arith.constant 0 : i32
    %cond3A_18 = arith.cmpi ne, %convert_element_type3A_16, %cond3A_17 : i32
    scf.if %cond3A_18 {
      %get3A_24 = arith.constant 0 : index
      %get3A_25 = arith.constant 0 : index
      %get3A_26 = vector.load %arg4[%get3A_24, %get3A_25] : memref<1x128xf32, #tpu.memory_space<vmem>>, vector<1x128xf32>
      %add3A_27 = arith.addf %get3A_26, %broadcast_in_dim3A : vector<1x128xf32>
      %swap3A = arith.constant 0 : index
      %swap3A_28 = arith.constant 0 : index
      %swap3A_29 = vector.load %arg4[%swap3A, %swap3A_28] : memref<1x128xf32, #tpu.memory_space<vmem>>, vector<1x128xf32>
      tpu.vector_store %arg4[%swap3A, %swap3A_28], %add3A_27 {strides = array<i32>} : memref<1x128xf32, #tpu.memory_space<vmem>>, vector<1x128xf32>,
    } else {
    }
    %eq3A_19 = arith.constant 9 : i32
    %eq3A_20 = arith.cmpi eq, %arg0, %eq3A_19 : i32
    %convert_element_type3A_21 = arith.extui %eq3A_20 : i1 to i32
    %cond3A_22 = arith.constant 0 : i32
    %cond3A_23 = arith.cmpi ne, %convert_element_type3A_21, %cond3A_22 : i32
    scf.if %cond3A_23 {
      %get3A_24 = arith.constant 0 : index
      %get3A_25 = arith.constant 0 : index
      %get3A_26 = vector.load %arg4[%get3A_24, %get3A_25] : memref<1x128xf32, #tpu.memory_space<vmem>>, vector<1x128xf32>
      %max3A_27 = arith.constant 0.000000e+00 : f32
      %max3A_28 = vector.broadcast %max3A_27 : f32 to vector<1x128xf32>
      %max3A_29 = arith.maximumf %get3A_26, %max3A_28 : vector<1x128xf32>
      %swap3A = arith.constant 0 : index
      %swap3A_30 = arith.constant 0 : index
      %swap3A_31 = vector.load %arg4[%swap3A, %swap3A_30] : memref<1x128xf32, #tpu.memory_space<vmem>>, vector<1x128xf32>
      tpu.vector_store %arg4[%swap3A, %swap3A_30], %max3A_29 {strides = array<i32>} : memref<1x128xf32, #tpu.memory_space<vmem>>, vector<1x128xf32>,
    } else {
    }
    return
  }
  func.func @transform_0(%arg0: i32) -> (i32, i32) {
    %c0_i32 = arith.constant 0 : i32
    %c0_i32_0 = arith.constant 0 : i32
    return %arg0, %c0_i32 : i32, i32
  }
  func.func @transform_1(%arg0: i32) -> (i32, i32) {
    %c0_i32 = arith.constant 0 : i32
    %c0_i32_0 = arith.constant 0 : i32
    %c0_i32_1 = arith.constant 0 : i32
    return %c0_i32, %c0_i32_0 : i32, i32
  }
  func.func @transform_2(%arg0: i32) -> (i32, i32) {
    %c0_i32 = arith.constant 0 : i32
    %c0_i32_0 = arith.constant 0 : i32
    %c0_i32_1 = arith.constant 0 : i32
    return %c0_i32, %c0_i32_0 : i32, i32
  }
  func.func @transform_3(%arg0: i32) -> (i32, i32) {
    %c0_i32 = arith.constant 0 : i32
    %c0_i32_0 = arith.constant 0 : i32
    %c0_i32_1 = arith.constant 0 : i32
    return %c0_i32, %c0_i32_0 : i32, i32
  }
}

</mosaic_0001>

<sc_bundles>
// kernel: kernel.11.cloned.1.call-start
scs
__scs_entry_jumppad:
0x0: {  	(pc) =	sbr.rel $0x88, $3  }
0x1: {  	(tag) =	ssettag $0x0;
	lr =	simm.s32 $0x1  }
0x2: {  	[smem:$0x3F96] =	sst lr;
	_ =	strace $0xD0000000  }
0x3: {  	_ = 	snop  }
0x4: {  	_ = 	snop  }
0x5: {  	_ = 	snop  }
0x6: {  	_ = 	snop  }
0x7: {  	_ = 	snop  }
__scs_overlays_trampoline_lowered:
0x8: {  	[smem:$0x3FA5] =	sst s0  }
0x9: {  	[smem:$0x3FA6] =	sst s1  }
0xa: {  	[smem:$0x3FA7] =	sst s2  }
0xb: {  	[smem:$0x3FA8] =	sst s3  }
0xc: {  	[smem:$0x3FA9] =	sst s4  }
0xd: {  	[smem:$0x3FAA] =	sst s5  }
0xe: {  	[smem:$0x3FAB] =	sst s6  }
0xf: {  	[smem:$0x3FAC] =	sst s7  }
0x10: {  	[smem:$0x3FAD] =	sst s8  }
0x11: {  	[smem:$0x3FAE] =	sst s9;
	s0 =	simm.s32 @!p0 $0x0  }
0x12: {  	s1 =	sld [smem:$0x3F94];
	s0 =	simm.s32 @p0 $0x1  }
0x13: {  	[smem:$0x3FAF] =	sst s0;
	s0 =	simm.s32 @!p1 $0x0  }
0x14: {  	s2 =	sld [smem:$0x3F93];
	s0 =	simm.s32 @p1 $0x1  }
0x15: {  	[smem:$0x3FB0] =	sst s0;
	s0 =	simm.s32 @!p2 $0x0  }
0x16: {  	s3 =	sld [smem:$0x3FDB];
	s0 =	simm.s32 @p2 $0x1  }
0x17: {  	s4 =	simm.s32 $0x1BF5;
	[smem:$0x3FB2] =	sst s0  }
0x18: {  	s0 =	sld [smem:$0x3F95];
	_ =	swait.ge [sflag:s4], $0x0  }
0x19: {  	s7 =	sld [smem:$0x3F96]  }
0x1a: {  	s8 =	sadd.s32 $0xFFFFE003, lr  }
0x1b: {  	s9 =	sadd.s32 $0xFFFFFEF7, lr;
	s5 =	simm.s32 $0xFFFFFFFF;
	p2 =	slt.u32 s8, $0xFFFFF086  }
0x1c: {  	p1 =	slt.u32 s9, $0xF7A;
	s5 =	simm.s32 @!p2 $0x0  }
0x1d: {  	s5 =	simm.s32 @p1 $0x1;
	p0 =	seq.s32 s7, s2  }
0x1e: {  	s7 =	smul.u32 @!p0 $0xF7A, s2;
	p2 =	seq.s32 @!p0 s5, $0x0  }
0x1f: {  	s9 =	smul.u32 $0xF7A, s1;
	s8 =	simm.s32 @!p0 $0x1BF5;
	p2 =	por !p2, p0  }
0x20: {  	[sflag:s8] =	ssyncset.s32 @!p0 $0xFFFFF086;
	s6 =	sadd.s32 @!p0 s3, s7;
	s7 =	simm.s32 @!p0 $0x108  }
0x21: {  	s3 =	sadd.s32 s3, s9;
	s6 =	sadd.s32 @!p0 $0x88, s6;
	s7 =	simm.s32 @p2 $0x1082  }
0x22: {  	[simem:s7], [sflag:s8] =	dma.local @!p0 [hbm:s6], $0xF7A  }
0x23: {  	s9 =	sor.u32 $0xD0000000, s2;
	s6 =	simm.s32 $0x108;
	_ =	swait.ge @!p0 [sflag:s8], $0x0  }
0x24: {  	s3 =	sadd.s32 $0x88, s3;
	s6 =	simm.s32 @!p1 $0x1082;
	[sflag:s4] =	ssyncset.s32 $0xFFFFF086  }
0x25: {  	[simem:s6], [sflag:s4] =	dma.local [hbm:s3], $0xF7A  }
0x26: {  	[smem:$0x3F96] =	sst s1;
	(tag) =	ssettag s2;
	_ =	strace s9  }
0x27: {  	s1 =	sld [smem:$0x3FA6]  }
0x28: {  	s2 =	sld [smem:$0x3FA7]  }
0x29: {  	s4 =	sld [smem:$0x3FA9]  }
0x2a: {  	p0 =	seq.s32 s5, $0x0;
	s5 =	sld [smem:$0x3FAA]  }
0x2b: {  	s6 =	sld [smem:$0x3FAB]  }
0x2c: {  	s7 =	sld [smem:$0x3FAC]  }
0x2d: {  	s3 =	simm.s32 $0x108;
	s8 =	sld [smem:$0x3FAD]  }
0x2e: {  	s3 =	simm.s32 @!p0 $0x1082;
	s9 =	sld [smem:$0x3FAE]  }
0x2f: {  	lr =	sadd.s32 s0, s3;
	s0 =	sld [smem:$0x3FA5]  }
0x30: {  	s3 =	sld [smem:$0x3FA8]  }
0x31: {  	[smem:$0x3FB1] =	sst s10  }
0x32: {  	s10 =	sld [smem:$0x3FAF];
	_ =	sdelay $0x3  }
0x33: {  	p0 =	seq.s32 s10, $0x1;
	s10 =	sld [smem:$0x3FB1];
	_ =	sdelay $0x3  }
0x34: {  	[smem:$0x3FB1] =	sst s10  }
0x35: {  	s10 =	sld [smem:$0x3FB0];
	_ =	sdelay $0x3  }
0x36: {  	p1 =	seq.s32 s10, $0x1;
	s10 =	sld [smem:$0x3FB1];
	_ =	sdelay $0x3  }
0x37: {  	[smem:$0x3FB1] =	sst s10  }
0x38: {  	s10 =	sld [smem:$0x3FB2]  }
0x39: {  	_ = 	snop;
	(pc) =	sbr.ind lr, $3  }
0x3a: {  	_ = 	snop  }
0x3b: {  	_ = 	snop  }
0x3c: {  	p2 =	seq.s32 s10, $0x1;
	s10 =	sld [smem:$0x3FB1]  }
0x3d: {  	_ =	shalt  }
0x3e: {  	_ =	shalt  }
0x3f: {  	_ =	shalt  }
0x40: {  	_ =	shalt  }
0x41: {  	_ =	shalt  }
0x42: {  	_ =	shalt  }
0x43: {  	_ =	shalt  }
0x44: {  	_ =	shalt  }
0x45: {  	_ =	shalt  }
0x46: {  	_ =	shalt  }
0x47: {  	_ =	shalt  }
0x48: {  	_ =	shalt  }
0x49: {  	_ =	shalt  }
0x4a: {  	_ =	shalt  }
0x4b: {  	_ =	shalt  }
0x4c: {  	_ =	shalt  }
0x4d: {  	_ =	shalt  }
0x4e: {  	_ =	shalt  }
0x4f: {  	_ =	shalt  }
0x50: {  	_ =	shalt  }
0x51: {  	_ =	shalt  }
0x52: {  	_ =	shalt  }
0x53: {  	_ =	shalt  }
0x54: {  	_ =	shalt  }
0x55: {  	_ =	shalt  }
0x56: {  	_ =	shalt  }
0x57: {  	_ =	shalt  }
0x58: {  	_ =	shalt  }
0x59: {  	_ =	shalt  }
0x5a: {  	_ =	shalt  }
0x5b: {  	_ =	shalt  }
0x5c: {  	_ =	shalt  }
0x5d: {  	_ =	shalt  }
0x5e: {  	_ =	shalt  }
0x5f: {  	_ =	shalt  }
0x60: {  	_ =	shalt  }
0x61: {  	_ =	shalt  }
0x62: {  	_ =	shalt  }
0x63: {  	_ =	shalt  }
0x64: {  	_ =	shalt  }
0x65: {  	_ =	shalt  }
0x66: {  	_ =	shalt  }
0x67: {  	_ =	shalt  }
0x68: {  	_ =	shalt  }
0x69: {  	_ =	shalt  }
0x6a: {  	_ =	shalt  }
0x6b: {  	_ =	shalt  }
0x6c: {  	_ =	shalt  }
0x6d: {  	_ =	shalt  }
0x6e: {  	_ =	shalt  }
0x6f: {  	_ =	shalt  }
0x70: {  	_ =	shalt  }
0x71: {  	_ =	shalt  }
0x72: {  	_ =	shalt  }
0x73: {  	_ =	shalt  }
0x74: {  	_ =	shalt  }
0x75: {  	_ =	shalt  }
0x76: {  	_ =	shalt  }
0x77: {  	_ =	shalt  }
0x78: {  	_ =	shalt  }
0x79: {  	_ =	shalt  }
0x7a: {  	_ =	shalt  }
0x7b: {  	_ =	shalt  }
0x7c: {  	_ =	shalt  }
0x7d: {  	_ =	shalt  }
0x7e: {  	_ =	shalt  }
0x7f: {  	_ =	shalt  }
0x80: {  	_ =	shalt  }
0x81: {  	_ =	shalt  }
0x82: {  	_ =	shalt  }
0x83: {  	_ =	shalt  }
0x84: {  	_ =	shalt  }
0x85: {  	_ =	shalt  }
0x86: {  	_ =	shalt  }
0x87: {  	_ =	shalt  }
.Lfunc_end0:
.L_simem_size_0:
called_computation_lowered:
.L_overlay_start_0:
0x88: {  	s2 =	sld [smem:$0x3FD9]  }
0x89: {  	s3 =	sld [smem:$0x3FFE];
	_ =	sdelay $0x1  }
0x8a: {  	s1 =	srdreg.scid  }
0x8b: {  	s0 =	sand.u32 $0x1, s1  }
0x8c: {  	s16 =	sshll.u32 s0, $0xA;
	s2 =	sadd.s32 s3, s2  }
0x8d: {  	s2 =	sadd.s32 s2, s16  }
0x8e: {  	[smem:$0x3FBD] =	sst s2  }
0x8f: {  	_ = 	snop  }
0x90: {  	(tm) =	ssettm $0x1  }
0x91: {  	s17 =	sld [smem:$0x3FFB];
	_ =	sdelay $0x3  }
0x92: {  	_ =	strace s17  }
0x93: {  	s2 =	sld [smem:$0x3FFC];
	_ =	sdelay $0x3  }
0x94: {  	_ =	strace s2  }
0x95: {  	s2 =	sld [smem:$0x3FFD];
	_ =	sdelay $0x3  }
0x96: {  	_ =	strace s2  }
0x97: {  	_ =	strace $0x8FFFFFFF  }
0x98: {  	s18 =	sld [smem:$0x3FDB];
	_ =	sdelay $0x1  }
0x99: {  	s19 =	simm.s32 $_scs_section_size  }
0x9a: {  	s4 =	simm.s32 $_size__tile_overlayer_lowered;
	s5 =	simm.s32 $_tile_overlayer_lowered  }
0x9b: {  	s22 =	simm.s32 $0x1BFF;
	s21 =	sshll.u32 s5, $0x1;
	s2 =	sadd.s32 s19, s18  }
0x9c: {  	s6 =	simm.s32 $0x0;
	s20 =	sshll.u32 s4, $0x1;
	s4 =	sadd.s32 s21, s2  }
0x9d: {  	[timem:s6], [sflag:s22] =	dma.local [hbm:s4], s20  }
0x9e: {  	_ =	swait.ge [sflag:s22], s20  }
0x9f: {  	s3 =	ssub.s32 $0x0, s20;
	[sflag:s22] =	ssyncset.done $0x0  }
0xa0: {  	[sflag:s22] =	ssyncadd.s32 s3;
	_ =	sdelay $0x1  }
0xa1: {  	s23 =	simm.s32 $0x1B8B  }
0xa2: {  	_ =	swait.ge [sflag:s23], $0x1  }
0xa3: {  	[sflag:s23] =	ssyncset.done $0x0  }
0xa4: {  	s25 =	simm.s32 $0x1B8E;
	s24 =	sld [smem:$0x3FFE];
	[sflag:s23] =	ssyncadd.s32 $0xFFFFFFFF  }
0xa5: {  	s26 =	simm.s32 $execute0_lowered;
	[smem:$0x3FD2] =	sst s25  }
0xa6: {  	s4 =	sshll.u32 s26, $0x1;
	_ =	strace $0x80000046;
	[dreg:$0x1] =	wrdreg $0xFFFFFFFF  }
0xa7: {  	s28 =	simm.s32 $_size_execute0_lowered;
	s2 =	sadd.s32 s2, s4;
	[dreg:$0x0] =	wrdreg $0x0  }
0xa8: {  	s4 =	sshll.u32 s28, $0x1;
	[dreg:$0x2] =	wrdreg s2  }
0xa9: {  	[dreg:$0x3] =	wrdreg s4  }
0xaa: {  	[dreg:$0x4] =	wrdreg $0xC0  }
0xab: {  	_ =	task [dreg:s6], $0x5FFFF  }
0xac: {  	[dreg:$0x1] =	wrdreg $0xFFFFFFFF  }
0xad: {  	[dreg:$0x0] =	wrdreg $0x60  }
0xae: {  	[dreg:$0x2] =	wrdreg s24  }
0xaf: {  	[dreg:$0x3] =	wrdreg $0x90000  }
0xb0: {  	[dreg:$0x4] =	wrdreg $0x9  }
0xb1: {  	_ =	task.clear_ibuf [dreg:s6], $0x5FFFF;
	_ =	strace $0x90000046  }
0xb2: {  	s29 =	simm.s32 $0x9;
	_ =	strace $0x80000048  }
0xb3: {  	_ =	swait.ge [sflag:s29], $0x1  }
0xb4: {  	[sflag:s29] =	ssyncadd.s32 $0xFFFFFFFF  }
0xb5: {  	_ =	strace $0x90000048  }
0xb6: {  	_ =	sfence  }
0xb7: {  	s30 =	sld [smem:$0x0];
	_ =	sdelay $0x2  }
0xb8: {  	s31 =	sshll.u32 s1, $0xD;
	s1 =	sshrl.u32 s1, $0x2  }
0xb9: {  	s3 =	sand.u32 $0x4000, s31;
	s1 =	sadd.s32 s1, s30  }
0xba: {  	s0 =	sor.u32 s3, s0;
	s1 =	sshll.u32 s1, $0x11  }
0xbb: {  	s0 =	sor.u32 s1, s0  }
0xbc: {  	s0 =	sadd.s32 $0x8F2B, s0  }
0xbd: {  	[sflag:s0] =	ssyncadd.remote.s32 $0x1  }
0xbe: {  	_ =	sfence.sel $0xFFFF  }
0xbf: {  	[dreg:$0x0] =	wrdreg $0xFFFFFFFF;
	(pc) =	sbr.abs _section_cstart, $3  }
0xc0: {  	[dreg:$0x1] =	wrdreg $0xFFFFFFFF  }
0xc1: {  	_ =	task.clear_ibuf [dreg:s6], $0x2FFFF;
	_ =	strace $0x9FFFFFFF  }
0xc2: {  	(tm) =	ssettm $0x7FFFFFFF  }
0xc3: {  	_ =	shalt  }
tec
execute0_lowered:
.L_overlay_start_1:
0x0: {  	(tag) =	ssettag $0x1  }
0x1: {  	s0 =	srdreg.scid;
	s8 =	rddreg [dreg:$0x0]  }
0x2: {  	s2 =	rddreg [dreg:$0x1];
	s1 =	stileid.u32;
	s3 =	simm.s32 $0x0  }
0x3: {  	s18 =	simm.s32 $0x4000;
	s19 =	simm.s32 $0x1;
	s20 =	simm.s32 $0x50  }
0x4: {  	s21 =	simm.s32 $0x0;
	s7 =	sand.u32 $0x1, s0;
	s0 =	rddreg [dreg:$0x2]  }
0x5: {  	[smem:$0x7FF] =	sst s3;
	s11 =	smul.u32 $0x4E000, s1;
	s12 =	sadd.s32 $0x530400, s8  }
0x6: {  	s14 =	smul.u32 $0x2700, s1;
	s17 =	sadd.s32 $0x138000, s2;
	p0 =	sne.s32 s1, $0xF  }
0x7: {  	s15 =	sshll.u32 s1, $0x6;
	s4 =	sshll.u32 s7, $0x4;
	s30 =	smul.u32 $0x138800, s7  }
0x8: {  	_ =	strace $0x80000047;
	s10 =	ssub.s32 $0x2, s7;
	s31 =	smul.u32 $0x27100, s7  }
0x9: {  	s15 =	sor.u32 $0x1C02, s15;
	s17 =	sshrl.u32 @!p0 s17, $0x3;
	s9 =	sor.u32 s1, s4  }
0xa: {  	s4 =	sadd.s32 $0x27200, s8;
	s13 =	sshrl.u32 s10, $0x1;
	s29 =	sshrl.u32 s11, $0x2  }
0xb: {  	s5 =	sshll.u32 s9, $0xB;
	s13 =	ssub.s32 s10, s13;
	s16 =	sadd.s32 s29, s2  }
0xc: {  	s11 =	sshrl.u32 s30, $0x3;
	s10 =	sadd.s32 s14, s31;
	s9 =	smul.u32 $0x2710, s9  }
0xd: {  	s6 =	sadd.s32 s5, s8;
	s5 =	sadd.s32 $0x509200, s8;
	s8 =	sadd.s32 $0x530200, s8  }
0xe: {  	s11 =	sadd.s32 s12, s11;
	s10 =	sadd.s32 s12, s10;
	s12 =	smax.u32 s13, $0x1  }
0xf: {  	s13 =	simm.s32 $0x2;
	s16 =	sshrl.u32 s16, $0x3;
	s6 =	sadd.s32 $0x17200, s6  }
0x10: {  	s7 =	sadd.s32 s5, s14;
	s11 =	sadd.s32 $0x27000, s11;
	s14 =	simm.s32 $0x6800  }
.LBB2_1:
0x11: {  	[tilespmem:s3], [sflag:$0x2] =	stream.linear.gather [hbm4b:s6+s3], $0x3E80, $0x38;
	[tilespmem:$0x1C880] =	vst v63  }
0x12: {  	_ =	swait.ge [sflag:s13], $0x3E80  }
0x13: {  	[sflag:s13] =	ssyncset.done $0x0  }
0x14: {  	[sflag:s13] =	ssyncadd.s32 $0xFFFFC180  }
0x15: {  	[tilespmem:s14], [sflag:$0x2] =	stream.linear.gather [hbm4b:s5+s3], $0x2800, $0x38;
	[tilespmem:$0x1C880] =	vst v63  }
0x16: {  	_ =	swait.ge [sflag:s13], $0x2800  }
0x17: {  	[sflag:s13] =	ssyncset.done $0x0  }
0x18: {  	[sflag:s13] =	ssyncadd.s32 $0xFFFFD800  }
0x19: {  	[spmem:s16], [sflag:s15] =	dma.local [hbm:s7], $0x2700  }
0x1a: {  	_ =	swait.ge [sflag:s13], $0x2700  }
0x1b: {  	[sflag:s13] =	ssyncset.done $0x0  }
0x1c: {  	s22 =	simm.s32 @!p0 $0x2;
	[sflag:s13] =	ssyncadd.s32 $0xFFFFD900  }
0x1d: {  	[spmem:s17], [sflag:s15] =	dma.local @!p0 [hbm:s8], $0x100  }
0x1e: {  	_ =	swait.ge @!p0 [sflag:s22], $0x100  }
0x1f: {  	[sflag:s22] =	ssyncset.done @!p0 $0x0  }
0x20: {  	[sflag:s22] =	ssyncadd.s32 @!p0 $0xFFFFFF00  }
0x21: {  	s22 =	simm.s32 $0x0;
	[bflag:$0x0] =	sbarrier.arrive $0xFFFF  }
.LBB2_2:
0x22: {  	s23 =	smul.u32 $0x50, s22;
	_ =	sdelay $0x1  }
0x23: {  	s23 =	sadd.s32 s9, s23  }
0x24: {  	s23 =	sshll.u32 s23, $0x4  }
0x25: {  	s24 =	simm.s32 $0x0;
	s23 =	sadd.s32 s4, s23  }
0x26: {  	[tilespmem:s18], [sflag:$0x1] =	stream.linear.gather [hbm4b:s23+s24], $0x2800, $0x38;
	[tilespmem:$0x1C880] =	vst v63  }
0x27: {  	_ =	swait.ge [sflag:s19], $0x2800  }
0x28: {  	[sflag:s19] =	ssyncset.done $0x0  }
0x29: {  	s23 =	simm.s32 $0x0;
	[sflag:s19] =	ssyncadd.s32 $0xFFFFD800  }
0x2a: {  	s24 =	simm.s32 $0x200;
	v0 =	vld [tilespmem:s23+$0x4000]  }
.LBB2_3:
0x2b: {  	p1 =	sne.s32 s24, $0x9E00  }
.Ltmp0:
0x2c: {  	_ = 	snop;
	(pc) =	sbr.rel @p1 .LBB2_3-.Ltmp0, $3  }
0x2d: {  	_ =	sdelay $0x1  }
0x2e: {  	[tilespmem:s23+$0x6800] =	vst v0;
	s23 =	sshra.s32 s24, $0x2;
	s24 =	sadd.s32 $0x200, s24  }
0x2f: {  	v0 =	vld [tilespmem:s23+$0x4000]  }
0x30: {  	_ =	sdelay $0x1  }
0x31: {  	s24 =	sshll.u32 s22, $0x7;
	s22 =	sadd.s32 $0x1, s22  }
0x32: {  	p1 =	sne.s32 s22, $0x7D  }
.Ltmp1:
0x33: {  	s31 =	sand.u32 $0x3FFFFF80, s24;
	[tilespmem:s23+$0x6800] =	vst v0;
	(pc) =	sbr.rel @p1 .LBB2_2-.Ltmp1, $4  }
0x34: {  	[spmem:s2] =	stream.indirect.scatter.add.f32 [tilespmem:s14], [sflag:$0x2], $0x80, s31, s20, $0xb8;
	[tilespmem:$0x1C880] =	vst v63  }
0x35: {  	_ =	swait.ge [sflag:s13], $0x2800  }
0x36: {  	[sflag:s13] =	ssyncset.done $0x0  }
0x37: {  	[sflag:s13] =	ssyncadd.s32 $0xFFFFD800  }
0x38: {  	[bflag:$0x0] =	sbarrier.arrive $0xFFFF  }
0x39: {  	[hbm:s10], [sflag:s15] =	dma.local [spmem:s16], $0x2700  }
0x3a: {  	s21 =	sadd.s32 $0x1, s21;
	_ =	swait.ge [sflag:s13], $0x2700  }
0x3b: {  	p1 =	sne.s32 s21, s12;
	[sflag:s13] =	ssyncset.done $0x0  }
.Ltmp2:
0x3c: {  	s22 =	simm.s32 @!p0 $0x2;
	[sflag:s13] =	ssyncadd.s32 $0xFFFFD900;
	(pc) =	sbr.rel @p1 .LBB2_1-.Ltmp2, $4  }
0x3d: {  	[hbm:s11], [sflag:s15] =	dma.local @!p0 [spmem:s17], $0x100  }
0x3e: {  	_ =	swait.ge @!p0 [sflag:s22], $0x100  }
0x3f: {  	[sflag:s22] =	ssyncset.done @!p0 $0x0  }
0x40: {  	[sflag:s22] =	ssyncadd.s32 @!p0 $0xFFFFFF00  }
0x41: {  	_ =	sfence.sel $0x180000  }
0x42: {  	[bflag:$0x0] =	sbarrier.arrive $0xFFFF  }
0x43: {  	p0 =	sne.s32 s1, $0x0;
	_ =	strace $0x90000047  }
0x44: {  	s0 =	sadd.s32 @!p0 $0x100000, s0;
	[bflag:$0x2] =	sbarrier.arrive $0xFFFF  }
0x45: {  	[sflag:s0] =	ssyncadd.tile.s32 @!p0 $0x1;
	_ =	shalt  }
.Lfunc_end2:
_tile_overlayer_lowered:
.L_overlay_start_2:
0x46: {  	(tag) =	ssettag $0x2  }
0x47: {  	s0 =	rddreg [dreg:$0x0];
	s2 =	stileid.u32  }
0x48: {  	s1 =	rddreg [dreg:$0x1];
	p0 =	sne.s32 s2, $0x0  }
0x49: {  	s3 =	rddreg [dreg:$0x2];
	[bflag:$0x3] =	sbarrier.arrive $0xFFFF;
	s2 =	simm.s32 @!p0 $0x1C02  }
0x4a: {  	[timem:s3], [sflag:s2] =	dma.local @!p0 [hbm:s0], s1  }
0x4b: {  	s0 =	simm.s32 @!p0 $0x2  }
0x4c: {  	_ =	swait.ge @!p0 [sflag:s0], s1  }
0x4d: {  	s1 =	ssub.s32 @!p0 $0x0, s1;
	[sflag:s0] =	ssyncset.done @!p0 $0x0  }
0x4e: {  	[sflag:s0] =	ssyncadd.s32 @!p0 s1  }
0x4f: {  	[bflag:$0x3] =	sbarrier.arrive $0xFFFF  }
0x50: {  	_ =	shalt  }

// kernel: kernel.14.cloned.1.call-start
scs
__scs_entry_jumppad:
0x0: {  	(pc) =	sbr.rel $0x88, $3  }
0x1: {  	(tag) =	ssettag $0x0;
	lr =	simm.s32 $0x1  }
0x2: {  	[smem:$0x3F96] =	sst lr;
	_ =	strace $0xD0000000  }
0x3: {  	_ = 	snop  }
0x4: {  	_ = 	snop  }
0x5: {  	_ = 	snop  }
0x6: {  	_ = 	snop  }
0x7: {  	_ = 	snop  }
__scs_overlays_trampoline_lowered:
0x8: {  	[smem:$0x3FA5] =	sst s0  }
0x9: {  	[smem:$0x3FA6] =	sst s1  }
0xa: {  	[smem:$0x3FA7] =	sst s2  }
0xb: {  	[smem:$0x3FA8] =	sst s3  }
0xc: {  	[smem:$0x3FA9] =	sst s4  }
0xd: {  	[smem:$0x3FAA] =	sst s5  }
0xe: {  	[smem:$0x3FAB] =	sst s6  }
0xf: {  	[smem:$0x3FAC] =	sst s7  }
0x10: {  	[smem:$0x3FAD] =	sst s8  }
0x11: {  	[smem:$0x3FAE] =	sst s9;
	s0 =	simm.s32 @!p0 $0x0  }
0x12: {  	s1 =	sld [smem:$0x3F94];
	s0 =	simm.s32 @p0 $0x1  }
0x13: {  	[smem:$0x3FAF] =	sst s0;
	s0 =	simm.s32 @!p1 $0x0  }
0x14: {  	s2 =	sld [smem:$0x3F93];
	s0 =	simm.s32 @p1 $0x1  }
0x15: {  	[smem:$0x3FB0] =	sst s0;
	s0 =	simm.s32 @!p2 $0x0  }
0x16: {  	s3 =	sld [smem:$0x3FDB];
	s0 =	simm.s32 @p2 $0x1  }
0x17: {  	s4 =	simm.s32 $0x1BF5;
	[smem:$0x3FB2] =	sst s0  }
0x18: {  	s0 =	sld [smem:$0x3F95];
	_ =	swait.ge [sflag:s4], $0x0  }
0x19: {  	s7 =	sld [smem:$0x3F96]  }
0x1a: {  	s8 =	sadd.s32 $0xFFFFE003, lr  }
0x1b: {  	s9 =	sadd.s32 $0xFFFFFEF7, lr;
	s5 =	simm.s32 $0xFFFFFFFF;
	p2 =	slt.u32 s8, $0xFFFFF086  }
0x1c: {  	p1 =	slt.u32 s9, $0xF7A;
	s5 =	simm.s32 @!p2 $0x0  }
0x1d: {  	s5 =	simm.s32 @p1 $0x1;
	p0 =	seq.s32 s7, s2  }
0x1e: {  	s7 =	smul.u32 @!p0 $0xF7A, s2;
	p2 =	seq.s32 @!p0 s5, $0x0  }
0x1f: {  	s9 =	smul.u32 $0xF7A, s1;
	s8 =	simm.s32 @!p0 $0x1BF5;
	p2 =	por !p2, p0  }
0x20: {  	[sflag:s8] =	ssyncset.s32 @!p0 $0xFFFFF086;
	s6 =	sadd.s32 @!p0 s3, s7;
	s7 =	simm.s32 @!p0 $0x108  }
0x21: {  	s3 =	sadd.s32 s3, s9;
	s6 =	sadd.s32 @!p0 $0x88, s6;
	s7 =	simm.s32 @p2 $0x1082  }
0x22: {  	[simem:s7], [sflag:s8] =	dma.local @!p0 [hbm:s6], $0xF7A  }
0x23: {  	s9 =	sor.u32 $0xD0000000, s2;
	s6 =	simm.s32 $0x108;
	_ =	swait.ge @!p0 [sflag:s8], $0x0  }
0x24: {  	s3 =	sadd.s32 $0x88, s3;
	s6 =	simm.s32 @!p1 $0x1082;
	[sflag:s4] =	ssyncset.s32 $0xFFFFF086  }
0x25: {  	[simem:s6], [sflag:s4] =	dma.local [hbm:s3], $0xF7A  }
0x26: {  	[smem:$0x3F96] =	sst s1;
	(tag) =	ssettag s2;
	_ =	strace s9  }
0x27: {  	s1 =	sld [smem:$0x3FA6]  }
0x28: {  	s2 =	sld [smem:$0x3FA7]  }
0x29: {  	s4 =	sld [smem:$0x3FA9]  }
0x2a: {  	p0 =	seq.s32 s5, $0x0;
	s5 =	sld [smem:$0x3FAA]  }
0x2b: {  	s6 =	sld [smem:$0x3FAB]  }
0x2c: {  	s7 =	sld [smem:$0x3FAC]  }
0x2d: {  	s3 =	simm.s32 $0x108;
	s8 =	sld [smem:$0x3FAD]  }
0x2e: {  	s3 =	simm.s32 @!p0 $0x1082;
	s9 =	sld [smem:$0x3FAE]  }
0x2f: {  	lr =	sadd.s32 s0, s3;
	s0 =	sld [smem:$0x3FA5]  }
0x30: {  	s3 =	sld [smem:$0x3FA8]  }
0x31: {  	[smem:$0x3FB1] =	sst s10  }
0x32: {  	s10 =	sld [smem:$0x3FAF];
	_ =	sdelay $0x3  }
0x33: {  	p0 =	seq.s32 s10, $0x1;
	s10 =	sld [smem:$0x3FB1];
	_ =	sdelay $0x3  }
0x34: {  	[smem:$0x3FB1] =	sst s10  }
0x35: {  	s10 =	sld [smem:$0x3FB0];
	_ =	sdelay $0x3  }
0x36: {  	p1 =	seq.s32 s10, $0x1;
	s10 =	sld [smem:$0x3FB1];
	_ =	sdelay $0x3  }
0x37: {  	[smem:$0x3FB1] =	sst s10  }
0x38: {  	s10 =	sld [smem:$0x3FB2]  }
0x39: {  	_ = 	snop;
	(pc) =	sbr.ind lr, $3  }
0x3a: {  	_ = 	snop  }
0x3b: {  	_ = 	snop  }
0x3c: {  	p2 =	seq.s32 s10, $0x1;
	s10 =	sld [smem:$0x3FB1]  }
0x3d: {  	_ =	shalt  }
0x3e: {  	_ =	shalt  }
0x3f: {  	_ =	shalt  }
0x40: {  	_ =	shalt  }
0x41: {  	_ =	shalt  }
0x42: {  	_ =	shalt  }
0x43: {  	_ =	shalt  }
0x44: {  	_ =	shalt  }
0x45: {  	_ =	shalt  }
0x46: {  	_ =	shalt  }
0x47: {  	_ =	shalt  }
0x48: {  	_ =	shalt  }
0x49: {  	_ =	shalt  }
0x4a: {  	_ =	shalt  }
0x4b: {  	_ =	shalt  }
0x4c: {  	_ =	shalt  }
0x4d: {  	_ =	shalt  }
0x4e: {  	_ =	shalt  }
0x4f: {  	_ =	shalt  }
0x50: {  	_ =	shalt  }
0x51: {  	_ =	shalt  }
0x52: {  	_ =	shalt  }
0x53: {  	_ =	shalt  }
0x54: {  	_ =	shalt  }
0x55: {  	_ =	shalt  }
0x56: {  	_ =	shalt  }
0x57: {  	_ =	shalt  }
0x58: {  	_ =	shalt  }
0x59: {  	_ =	shalt  }
0x5a: {  	_ =	shalt  }
0x5b: {  	_ =	shalt  }
0x5c: {  	_ =	shalt  }
0x5d: {  	_ =	shalt  }
0x5e: {  	_ =	shalt  }
0x5f: {  	_ =	shalt  }
0x60: {  	_ =	shalt  }
0x61: {  	_ =	shalt  }
0x62: {  	_ =	shalt  }
0x63: {  	_ =	shalt  }
0x64: {  	_ =	shalt  }
0x65: {  	_ =	shalt  }
0x66: {  	_ =	shalt  }
0x67: {  	_ =	shalt  }
0x68: {  	_ =	shalt  }
0x69: {  	_ =	shalt  }
0x6a: {  	_ =	shalt  }
0x6b: {  	_ =	shalt  }
0x6c: {  	_ =	shalt  }
0x6d: {  	_ =	shalt  }
0x6e: {  	_ =	shalt  }
0x6f: {  	_ =	shalt  }
0x70: {  	_ =	shalt  }
0x71: {  	_ =	shalt  }
0x72: {  	_ =	shalt  }
0x73: {  	_ =	shalt  }
0x74: {  	_ =	shalt  }
0x75: {  	_ =	shalt  }
0x76: {  	_ =	shalt  }
0x77: {  	_ =	shalt  }
0x78: {  	_ =	shalt  }
0x79: {  	_ =	shalt  }
0x7a: {  	_ =	shalt  }
0x7b: {  	_ =	shalt  }
0x7c: {  	_ =	shalt  }
0x7d: {  	_ =	shalt  }
0x7e: {  	_ =	shalt  }
0x7f: {  	_ =	shalt  }
0x80: {  	_ =	shalt  }
0x81: {  	_ =	shalt  }
0x82: {  	_ =	shalt  }
0x83: {  	_ =	shalt  }
0x84: {  	_ =	shalt  }
0x85: {  	_ =	shalt  }
0x86: {  	_ =	shalt  }
0x87: {  	_ =	shalt  }
.Lfunc_end0:
.L_simem_size_0:
called_computation.1_lowered:
.L_overlay_start_0:
0x88: {  	s2 =	sld [smem:$0x3FD9]  }
0x89: {  	s3 =	sld [smem:$0x3FFE];
	_ =	sdelay $0x1  }
0x8a: {  	s1 =	srdreg.scid  }
0x8b: {  	s0 =	sand.u32 $0x1, s1  }
0x8c: {  	s16 =	sshll.u32 s0, $0xA;
	s2 =	sadd.s32 s3, s2  }
0x8d: {  	s2 =	sadd.s32 s2, s16  }
0x8e: {  	[smem:$0x3FBD] =	sst s2  }
0x8f: {  	_ = 	snop  }
0x90: {  	(tm) =	ssettm $0x1  }
0x91: {  	s17 =	sld [smem:$0x3FFB];
	_ =	sdelay $0x3  }
0x92: {  	_ =	strace s17  }
0x93: {  	s2 =	sld [smem:$0x3FFC];
	_ =	sdelay $0x3  }
0x94: {  	_ =	strace s2  }
0x95: {  	s2 =	sld [smem:$0x3FFD];
	_ =	sdelay $0x3  }
0x96: {  	_ =	strace s2  }
0x97: {  	_ =	strace $0x8FFFFFFF  }
0x98: {  	s18 =	sld [smem:$0x3FDB];
	_ =	sdelay $0x1  }
0x99: {  	s19 =	simm.s32 $_scs_section_size  }
0x9a: {  	s4 =	simm.s32 $_size__tile_overlayer_lowered;
	s5 =	simm.s32 $_tile_overlayer_lowered  }
0x9b: {  	s22 =	simm.s32 $0x1BFF;
	s21 =	sshll.u32 s5, $0x1;
	s2 =	sadd.s32 s19, s18  }
0x9c: {  	s6 =	simm.s32 $0x0;
	s20 =	sshll.u32 s4, $0x1;
	s4 =	sadd.s32 s21, s2  }
0x9d: {  	[timem:s6], [sflag:s22] =	dma.local [hbm:s4], s20  }
0x9e: {  	_ =	swait.ge [sflag:s22], s20  }
0x9f: {  	s3 =	ssub.s32 $0x0, s20;
	[sflag:s22] =	ssyncset.done $0x0  }
0xa0: {  	[sflag:s22] =	ssyncadd.s32 s3;
	_ =	sdelay $0x1  }
0xa1: {  	s23 =	simm.s32 $0x1B8B  }
0xa2: {  	_ =	swait.ge [sflag:s23], $0x1  }
0xa3: {  	[sflag:s23] =	ssyncset.done $0x0  }
0xa4: {  	s25 =	simm.s32 $0x1B8E;
	s24 =	sld [smem:$0x3FFE];
	[sflag:s23] =	ssyncadd.s32 $0xFFFFFFFF  }
0xa5: {  	s26 =	simm.s32 $execute0_lowered;
	[smem:$0x3FD2] =	sst s25  }
0xa6: {  	s4 =	sshll.u32 s26, $0x1;
	_ =	strace $0x80000049;
	[dreg:$0x1] =	wrdreg $0xFFFFFFFF  }
0xa7: {  	s28 =	simm.s32 $_size_execute0_lowered;
	s2 =	sadd.s32 s2, s4;
	[dreg:$0x0] =	wrdreg $0x0  }
0xa8: {  	s4 =	sshll.u32 s28, $0x1;
	[dreg:$0x2] =	wrdreg s2  }
0xa9: {  	[dreg:$0x3] =	wrdreg s4  }
0xaa: {  	[dreg:$0x4] =	wrdreg $0xC0  }
0xab: {  	_ =	task [dreg:s6], $0x5FFFF  }
0xac: {  	[dreg:$0x1] =	wrdreg $0xFFFFFFFF  }
0xad: {  	[dreg:$0x0] =	wrdreg $0x60  }
0xae: {  	[dreg:$0x2] =	wrdreg s24  }
0xaf: {  	[dreg:$0x3] =	wrdreg $0x80000  }
0xb0: {  	[dreg:$0x4] =	wrdreg $0x9  }
0xb1: {  	_ =	task.clear_ibuf [dreg:s6], $0x5FFFF;
	_ =	strace $0x90000049  }
0xb2: {  	s29 =	simm.s32 $0x9;
	_ =	strace $0x8000004B  }
0xb3: {  	_ =	swait.ge [sflag:s29], $0x1  }
0xb4: {  	[sflag:s29] =	ssyncadd.s32 $0xFFFFFFFF  }
0xb5: {  	_ =	strace $0x9000004B  }
0xb6: {  	_ =	sfence  }
0xb7: {  	s30 =	sld [smem:$0x0];
	_ =	sdelay $0x2  }
0xb8: {  	s31 =	sshll.u32 s1, $0xD;
	s1 =	sshrl.u32 s1, $0x2  }
0xb9: {  	s3 =	sand.u32 $0x4000, s31;
	s1 =	sadd.s32 s1, s30  }
0xba: {  	s0 =	sor.u32 s3, s0;
	s1 =	sshll.u32 s1, $0x11  }
0xbb: {  	s0 =	sor.u32 s1, s0  }
0xbc: {  	s0 =	sadd.s32 $0x8F2B, s0  }
0xbd: {  	[sflag:s0] =	ssyncadd.remote.s32 $0x1  }
0xbe: {  	_ =	sfence.sel $0xFFFF  }
0xbf: {  	[dreg:$0x0] =	wrdreg $0xFFFFFFFF;
	(pc) =	sbr.abs _section_cstart, $3  }
0xc0: {  	[dreg:$0x1] =	wrdreg $0xFFFFFFFF  }
0xc1: {  	_ =	task.clear_ibuf [dreg:s6], $0x2FFFF;
	_ =	strace $0x9FFFFFFF  }
0xc2: {  	(tm) =	ssettm $0x7FFFFFFF  }
0xc3: {  	_ =	shalt  }
tec
execute0_lowered:
.L_overlay_start_1:
0x0: {  	(tag) =	ssettag $0x1  }
0x1: {  	s0 =	rddreg [dreg:$0x0]  }
0x2: {  	s1 =	rddreg [dreg:$0x1]  }
0x3: {  	s2 =	simm.s32 $0x0;
	s3 =	srdreg.scid;
	s13 =	stileid.u32  }
0x4: {  	s16 =	simm.s32 $0x80;
	s18 =	simm.s32 $0x100;
	s20 =	simm.s32 $0xC80  }
0x5: {  	s21 =	simm.s32 $0x180;
	s23 =	simm.s32 $0xD00;
	s24 =	simm.s32 $0x200  }
0x6: {  	s26 =	simm.s32 $0xD80;
	s28 =	simm.s32 $0x1300;
	s29 =	simm.s32 $0x800  }
0x7: {  	s30 =	simm.s32 $0x1380;
	s31 =	simm.s32 $0x880;
	[smem:$0x7FF] =	sst s2  }
0x8: {  	s6 =	smul.u32 $0x2700, s13;
	_ =	strace $0x8000004A;
	[dreg:$0x5] =	wrdreg s16  }
0x9: {  	s3 =	sand.u32 $0x1, s3;
	s7 =	smul.u32 $0x780, s13;
	[dreg:$0x6] =	wrdreg s18  }
0xa: {  	s4 =	sadd.s32 $0x530400, s0;
	s10 =	smul.u32 $0x4E000, s13;
	[dreg:$0x7] =	wrdreg s20  }
0xb: {  	s11 =	sadd.s32 $0x12600, s0;
	s17 =	sshll.u32 s13, $0x6;
	[dreg:$0x8] =	wrdreg s21  }
0xc: {  	p0 =	sne.s32 s13, $0xF;
	s5 =	smul.u32 $0x7800, s3;
	[dreg:$0x9] =	wrdreg s23  }
0xd: {  	s9 =	ssub.s32 $0x2, s3;
	s19 =	sor.u32 $0x1C03, s17;
	[dreg:$0xa] =	wrdreg s24  }
0xe: {  	s22 =	smul.u32 $0x27100, s3;
	[dreg:$0xb] =	wrdreg s26;
	s16 =	simm.s32 $0x380  }
0xf: {  	s3 =	smul.u32 $0x138800, s3;
	s18 =	simm.s32 $0xF00;
	[dreg:$0x10] =	wrdreg s16  }
0x10: {  	s20 =	simm.s32 $0xF80;
	s21 =	simm.s32 $0x480;
	[dreg:$0x11] =	wrdreg s18  }
0x11: {  	s23 =	simm.s32 $0x500;
	s24 =	simm.s32 $0x1080;
	[dreg:$0x13] =	wrdreg s20  }
0x12: {  	s26 =	simm.s32 $0x1100;
	s8 =	sadd.s32 s6, s0;
	[dreg:$0x14] =	wrdreg s21  }
0x13: {  	s12 =	sshrl.u32 s9, $0x1;
	s14 =	sshrl.u32 s10, $0x2;
	[dreg:$0x16] =	wrdreg s23  }
0x14: {  	s10 =	smov.u32 s19;
	s19 =	simm.s32 $0x400;
	[dreg:$0x17] =	wrdreg s24  }
0x15: {  	s16 =	simm.s32 $0x1800;
	s18 =	simm.s32 $0x1;
	[dreg:$0x19] =	wrdreg s26  }
0x16: {  	s20 =	simm.s32 $0x600;
	s21 =	simm.s32 $0x1180;
	s23 =	simm.s32 $0x1200  }
0x17: {  	s24 =	simm.s32 $0x700;
	s26 =	simm.s32 $0x780;
	s5 =	sadd.s32 s5, s0  }
0x18: {  	s8 =	sadd.s32 $0x509200, s8;
	s0 =	sadd.s32 $0x530200, s0;
	[dreg:$0x12] =	wrdreg s19  }
0x19: {  	s25 =	sadd.s32 s6, s22;
	s6 =	simm.s32 $0x280;
	[dreg:$0x1b] =	wrdreg s10  }
0x1a: {  	s3 =	sshrl.u32 s3, $0x3;
	s22 =	simm.s32 $0x1000;
	[dreg:$0x1a] =	wrdreg s8  }
0x1b: {  	s19 =	simm.s32 $0x2;
	s5 =	sadd.s32 s7, s5;
	[dreg:$0x1c] =	wrdreg s0  }
0x1c: {  	s7 =	ssub.s32 s9, s12;
	s9 =	sadd.s32 s14, s1;
	[dreg:$0xc] =	wrdreg s6  }
0x1d: {  	s8 =	sadd.s32 $0x138000, s1;
	s12 =	simm.s32 $0xE00;
	[dreg:$0x15] =	wrdreg s22  }
0x1e: {  	s14 =	simm.s32 $0x300;
	s3 =	sadd.s32 s11, s3;
	[dreg:$0xd] =	wrdreg s12  }
0x1f: {  	s22 =	simm.s32 $0x680;
	s6 =	simm.s32 $0x0;
	[dreg:$0xe] =	wrdreg s14  }
0x20: {  	s0 =	simm.s32 $0x1400;
	s15 =	sadd.s32 $0x3600, s5;
	[smem:$0x7FB] =	sst s6  }
0x21: {  	s5 =	sadd.s32 $0x57E600, s5;
	s3 =	sadd.s32 $0x27000, s3;
	[dreg:$0x3] =	wrdreg s15  }
0x22: {  	s17 =	smax.u32 s7, $0x1;
	s13 =	sshrl.u32 s9, $0x3;
	[dreg:$0x4] =	wrdreg s5  }
0x23: {  	s12 =	simm.s32 $0x3;
	s14 =	simm.s32 $0xC00;
	[dreg:$0x1e] =	wrdreg s3  }
0x24: {  	s7 =	simm.s32 $0x980;
	s9 =	simm.s32 $0x1580;
	[dreg:$0x1f] =	wrdreg s17  }
0x25: {  	s5 =	sadd.s32 s11, s25;
	s15 =	simm.s32 $0xE80;
	[smem:$0x7FC] =	sst s13  }
0x26: {  	s11 =	sshrl.u32 @!p0 s8, $0x3;
	s25 =	simm.s32 $0x580;
	[dreg:$0x1d] =	wrdreg s5  }
0x27: {  	s17 =	simm.s32 $0x4C00;
	s3 =	simm.s32 $0x900;
	[dreg:$0xf] =	wrdreg s15  }
0x28: {  	s8 =	simm.s32 $0x1500;
	s15 =	simm.s32 $0x64;
	[dreg:$0x18] =	wrdreg s25  }
0x29: {  	s25 =	simm.s32 $0x1280;
	s5 =	simm.s32 $0x1480;
	[smem:$0x7FD] =	sst s11  }
.LBB2_1:
0x2a: {  	s6 =	rddreg [dreg:$0x1a]  }
0x2b: {  	[spmem:s13], [sflag:s10] =	dma.local [hbm:s6], $0x2700  }
0x2c: {  	_ =	swait.ge [sflag:s12], $0x2700  }
0x2d: {  	[sflag:s12] =	ssyncset.done $0x0  }
0x2e: {  	s6 =	rddreg [dreg:$0x1c];
	[sflag:s12] =	ssyncadd.s32 $0xFFFFD900  }
0x2f: {  	[spmem:s11], [sflag:s10] =	dma.local @!p0 [hbm:s6], $0x100  }
0x30: {  	s6 =	simm.s32 @!p0 $0x3  }
0x31: {  	_ =	swait.ge @!p0 [sflag:s6], $0x100  }
0x32: {  	[sflag:s6] =	ssyncset.done @!p0 $0x0  }
0x33: {  	[sflag:s6] =	ssyncadd.s32 @!p0 $0xFFFFFF00  }
0x34: {  	[bflag:$0x0] =	sbarrier.arrive $0xFFFF  }
0x35: {  	s11 =	rddreg [dreg:$0x3]  }
0x36: {  	s6 =	sadd.s32 $0x0, s11  }
0x37: {  	[tilespmem:s2], [sflag:$0x3] =	stream.linear.gather [hbm4b:s6+s2], $0xA00, $0x38;
	[tilespmem:$0x1B880] =	vst v63  }
0x38: {  	_ =	swait.ge [sflag:s12], $0xA00  }
0x39: {  	s13 =	rddreg [dreg:$0x4];
	[sflag:s12] =	ssyncset.done $0x0  }
0x3a: {  	[sflag:s12] =	ssyncadd.s32 $0xFFFFF600;
	s6 =	sadd.s32 $0x0, s13  }
0x3b: {  	[tilespmem:s14], [sflag:$0x3] =	stream.linear.gather [hbm4b:s6+s2], $0xA00, $0x38;
	[tilespmem:$0x1B880] =	vst v63  }
0x3c: {  	_ =	swait.ge [sflag:s12], $0xA00  }
0x3d: {  	[sflag:s12] =	ssyncset.done $0x0  }
0x3e: {  	[sflag:s12] =	ssyncadd.s32 $0xFFFFF600  }
0x3f: {  	[tilespmem:s16], [sflag:$0x1] =	stream.indirect.gather [hbm4b:s4+s15], $0x80, s2, s15, $0xb8;
	[tilespmem:$0x1B880] =	vst v63  }
0x40: {  	s10 =	rddreg [dreg:$0x5]  }
0x41: {  	[tilespmem:s17], [sflag:$0x2] =	stream.indirect.gather [hbm4b:s4+s15], $0x80, s10, s15, $0xb8;
	[tilespmem:$0x1B880] =	vst v63  }
0x42: {  	_ =	swait.ge [sflag:s18], $0x3200  }
0x43: {  	[sflag:s18] =	ssyncset.done $0x0  }
0x44: {  	[sflag:s18] =	ssyncadd.s32 $0xFFFFCE00  }
0x45: {  	[spmem:s1] =	stream.indirect.scatter.add.f32 [tilespmem:s16], [sflag:$0x3], $0x80, s14, s15, $0xb8;
	[tilespmem:$0x1B880] =	vst v63  }
0x46: {  	_ =	swait.ge [sflag:s12], $0x3200  }
0x47: {  	[sflag:s12] =	ssyncset.done $0x0  }
0x48: {  	s11 =	rddreg [dreg:$0x6];
	[sflag:s12] =	ssyncadd.s32 $0xFFFFCE00  }
0x49: {  	[tilespmem:s16], [sflag:$0x1] =	stream.indirect.gather [hbm4b:s4+s15], $0x80, s11, s15, $0xb8;
	[tilespmem:$0x1B880] =	vst v63  }
0x4a: {  	_ =	swait.ge [sflag:s19], $0x3200  }
0x4b: {  	[sflag:s19] =	ssyncset.done $0x0  }
0x4c: {  	s13 =	rddreg [dreg:$0x7];
	[sflag:s19] =	ssyncadd.s32 $0xFFFFCE00  }
0x4d: {  	[spmem:s1] =	stream.indirect.scatter.add.f32 [tilespmem:s17], [sflag:$0x3], $0x80, s13, s15, $0xb8;
	[tilespmem:$0x1B880] =	vst v63  }
0x4e: {  	_ =	swait.ge [sflag:s12], $0x3200  }
0x4f: {  	[sflag:s12] =	ssyncset.done $0x0  }
0x50: {  	s10 =	rddreg [dreg:$0x8];
	[sflag:s12] =	ssyncadd.s32 $0xFFFFCE00  }
0x51: {  	[tilespmem:s17], [sflag:$0x2] =	stream.indirect.gather [hbm4b:s4+s15], $0x80, s10, s15, $0xb8;
	[tilespmem:$0x1B880] =	vst v63  }
0x52: {  	_ =	swait.ge [sflag:s18], $0x3200  }
0x53: {  	[sflag:s18] =	ssyncset.done $0x0  }
0x54: {  	s11 =	rddreg [dreg:$0x9];
	[sflag:s18] =	ssyncadd.s32 $0xFFFFCE00  }
0x55: {  	[spmem:s1] =	stream.indirect.scatter.add.f32 [tilespmem:s16], [sflag:$0x3], $0x80, s11, s15, $0xb8;
	[tilespmem:$0x1B880] =	vst v63  }
0x56: {  	_ =	swait.ge [sflag:s12], $0x3200  }
0x57: {  	[sflag:s12] =	ssyncset.done $0x0  }
0x58: {  	s13 =	rddreg [dreg:$0xa];
	[sflag:s12] =	ssyncadd.s32 $0xFFFFCE00  }
0x59: {  	[tilespmem:s16], [sflag:$0x1] =	stream.indirect.gather [hbm4b:s4+s15], $0x80, s13, s15, $0xb8;
	[tilespmem:$0x1B880] =	vst v63  }
0x5a: {  	_ =	swait.ge [sflag:s19], $0x3200  }
0x5b: {  	[sflag:s19] =	ssyncset.done $0x0  }
0x5c: {  	s10 =	rddreg [dreg:$0xb];
	[sflag:s19] =	ssyncadd.s32 $0xFFFFCE00  }
0x5d: {  	[spmem:s1] =	stream.indirect.scatter.add.f32 [tilespmem:s17], [sflag:$0x3], $0x80, s10, s15, $0xb8;
	[tilespmem:$0x1B880] =	vst v63  }
0x5e: {  	_ =	swait.ge [sflag:s12], $0x3200  }
0x5f: {  	[sflag:s12] =	ssyncset.done $0x0  }
0x60: {  	s11 =	rddreg [dreg:$0xc];
	[sflag:s12] =	ssyncadd.s32 $0xFFFFCE00  }
0x61: {  	[tilespmem:s17], [sflag:$0x2] =	stream.indirect.gather [hbm4b:s4+s15], $0x80, s11, s15, $0xb8;
	[tilespmem:$0x1B880] =	vst v63  }
0x62: {  	_ =	swait.ge [sflag:s18], $0x3200  }
0x63: {  	[sflag:s18] =	ssyncset.done $0x0  }
0x64: {  	s13 =	rddreg [dreg:$0xd];
	[sflag:s18] =	ssyncadd.s32 $0xFFFFCE00  }
0x65: {  	[spmem:s1] =	stream.indirect.scatter.add.f32 [tilespmem:s16], [sflag:$0x3], $0x80, s13, s15, $0xb8;
	[tilespmem:$0x1B880] =	vst v63  }
0x66: {  	_ =	swait.ge [sflag:s12], $0x3200  }
0x67: {  	[sflag:s12] =	ssyncset.done $0x0  }
0x68: {  	s10 =	rddreg [dreg:$0xe];
	[sflag:s12] =	ssyncadd.s32 $0xFFFFCE00  }
0x69: {  	[tilespmem:s16], [sflag:$0x1] =	stream.indirect.gather [hbm4b:s4+s15], $0x80, s10, s15, $0xb8;
	[tilespmem:$0x1B880] =	vst v63  }
0x6a: {  	_ =	swait.ge [sflag:s19], $0x3200  }
0x6b: {  	[sflag:s19] =	ssyncset.done $0x0  }
0x6c: {  	s11 =	rddreg [dreg:$0xf];
	[sflag:s19] =	ssyncadd.s32 $0xFFFFCE00  }
0x6d: {  	[spmem:s1] =	stream.indirect.scatter.add.f32 [tilespmem:s17], [sflag:$0x3], $0x80, s11, s15, $0xb8;
	[tilespmem:$0x1B880] =	vst v63  }
0x6e: {  	_ =	swait.ge [sflag:s12], $0x3200  }
0x6f: {  	[sflag:s12] =	ssyncset.done $0x0  }
0x70: {  	s13 =	rddreg [dreg:$0x10];
	[sflag:s12] =	ssyncadd.s32 $0xFFFFCE00  }
0x71: {  	[tilespmem:s17], [sflag:$0x2] =	stream.indirect.gather [hbm4b:s4+s15], $0x80, s13, s15, $0xb8;
	[tilespmem:$0x1B880] =	vst v63  }
0x72: {  	_ =	swait.ge [sflag:s18], $0x3200  }
0x73: {  	[sflag:s18] =	ssyncset.done $0x0  }
0x74: {  	s10 =	rddreg [dreg:$0x11];
	[sflag:s18] =	ssyncadd.s32 $0xFFFFCE00  }
0x75: {  	[spmem:s1] =	stream.indirect.scatter.add.f32 [tilespmem:s16], [sflag:$0x3], $0x80, s10, s15, $0xb8;
	[tilespmem:$0x1B880] =	vst v63  }
0x76: {  	_ =	swait.ge [sflag:s12], $0x3200  }
0x77: {  	[sflag:s12] =	ssyncset.done $0x0  }
0x78: {  	s11 =	rddreg [dreg:$0x12];
	[sflag:s12] =	ssyncadd.s32 $0xFFFFCE00  }
0x79: {  	[tilespmem:s16], [sflag:$0x1] =	stream.indirect.gather [hbm4b:s4+s15], $0x80, s11, s15, $0xb8;
	[tilespmem:$0x1B880] =	vst v63  }
0x7a: {  	_ =	swait.ge [sflag:s19], $0x3200  }
0x7b: {  	[sflag:s19] =	ssyncset.done $0x0  }
0x7c: {  	s13 =	rddreg [dreg:$0x13];
	[sflag:s19] =	ssyncadd.s32 $0xFFFFCE00  }
0x7d: {  	[spmem:s1] =	stream.indirect.scatter.add.f32 [tilespmem:s17], [sflag:$0x3], $0x80, s13, s15, $0xb8;
	[tilespmem:$0x1B880] =	vst v63  }
0x7e: {  	_ =	swait.ge [sflag:s12], $0x3200  }
0x7f: {  	[sflag:s12] =	ssyncset.done $0x0  }
0x80: {  	s10 =	rddreg [dreg:$0x14];
	[sflag:s12] =	ssyncadd.s32 $0xFFFFCE00  }
0x81: {  	[tilespmem:s17], [sflag:$0x2] =	stream.indirect.gather [hbm4b:s4+s15], $0x80, s10, s15, $0xb8;
	[tilespmem:$0x1B880] =	vst v63  }
0x82: {  	_ =	swait.ge [sflag:s18], $0x3200  }
0x83: {  	[sflag:s18] =	ssyncset.done $0x0  }
0x84: {  	s11 =	rddreg [dreg:$0x15];
	[sflag:s18] =	ssyncadd.s32 $0xFFFFCE00  }
0x85: {  	[spmem:s1] =	stream.indirect.scatter.add.f32 [tilespmem:s16], [sflag:$0x3], $0x80, s11, s15, $0xb8;
	[tilespmem:$0x1B880] =	vst v63  }
0x86: {  	_ =	swait.ge [sflag:s12], $0x3200  }
0x87: {  	[sflag:s12] =	ssyncset.done $0x0  }
0x88: {  	s13 =	rddreg [dreg:$0x16];
	[sflag:s12] =	ssyncadd.s32 $0xFFFFCE00  }
0x89: {  	[tilespmem:s16], [sflag:$0x1] =	stream.indirect.gather [hbm4b:s4+s15], $0x80, s13, s15, $0xb8;
	[tilespmem:$0x1B880] =	vst v63  }
0x8a: {  	_ =	swait.ge [sflag:s19], $0x3200  }
0x8b: {  	[sflag:s19] =	ssyncset.done $0x0  }
0x8c: {  	s10 =	rddreg [dreg:$0x17];
	[sflag:s19] =	ssyncadd.s32 $0xFFFFCE00  }
0x8d: {  	[spmem:s1] =	stream.indirect.scatter.add.f32 [tilespmem:s17], [sflag:$0x3], $0x80, s10, s15, $0xb8;
	[tilespmem:$0x1B880] =	vst v63  }
0x8e: {  	_ =	swait.ge [sflag:s12], $0x3200  }
0x8f: {  	[sflag:s12] =	ssyncset.done $0x0  }
0x90: {  	s11 =	rddreg [dreg:$0x18];
	[sflag:s12] =	ssyncadd.s32 $0xFFFFCE00  }
0x91: {  	[tilespmem:s17], [sflag:$0x2] =	stream.indirect.gather [hbm4b:s4+s15], $0x80, s11, s15, $0xb8;
	[tilespmem:$0x1B880] =	vst v63  }
0x92: {  	_ =	swait.ge [sflag:s18], $0x3200  }
0x93: {  	[sflag:s18] =	ssyncset.done $0x0  }
0x94: {  	s13 =	rddreg [dreg:$0x19];
	[sflag:s18] =	ssyncadd.s32 $0xFFFFCE00  }
0x95: {  	[spmem:s1] =	stream.indirect.scatter.add.f32 [tilespmem:s16], [sflag:$0x3], $0x80, s13, s15, $0xb8;
	[tilespmem:$0x1B880] =	vst v63  }
0x96: {  	_ =	swait.ge [sflag:s12], $0x3200  }
0x97: {  	[sflag:s12] =	ssyncset.done $0x0  }
0x98: {  	[sflag:s12] =	ssyncadd.s32 $0xFFFFCE00  }
0x99: {  	[tilespmem:s16], [sflag:$0x1] =	stream.indirect.gather [hbm4b:s4+s15], $0x80, s20, s15, $0xb8;
	[tilespmem:$0x1B880] =	vst v63  }
0x9a: {  	_ =	swait.ge [sflag:s19], $0x3200  }
0x9b: {  	[sflag:s19] =	ssyncset.done $0x0  }
0x9c: {  	[sflag:s19] =	ssyncadd.s32 $0xFFFFCE00  }
0x9d: {  	[spmem:s1] =	stream.indirect.scatter.add.f32 [tilespmem:s17], [sflag:$0x3], $0x80, s21, s15, $0xb8;
	[tilespmem:$0x1B880] =	vst v63  }
0x9e: {  	_ =	swait.ge [sflag:s12], $0x3200  }
0x9f: {  	[sflag:s12] =	ssyncset.done $0x0  }
0xa0: {  	[sflag:s12] =	ssyncadd.s32 $0xFFFFCE00  }
0xa1: {  	[tilespmem:s17], [sflag:$0x2] =	stream.indirect.gather [hbm4b:s4+s15], $0x80, s22, s15, $0xb8;
	[tilespmem:$0x1B880] =	vst v63  }
0xa2: {  	_ =	swait.ge [sflag:s18], $0x3200  }
0xa3: {  	[sflag:s18] =	ssyncset.done $0x0  }
0xa4: {  	[sflag:s18] =	ssyncadd.s32 $0xFFFFCE00  }
0xa5: {  	[spmem:s1] =	stream.indirect.scatter.add.f32 [tilespmem:s16], [sflag:$0x3], $0x80, s23, s15, $0xb8;
	[tilespmem:$0x1B880] =	vst v63  }
0xa6: {  	_ =	swait.ge [sflag:s12], $0x3200  }
0xa7: {  	[sflag:s12] =	ssyncset.done $0x0  }
0xa8: {  	[sflag:s12] =	ssyncadd.s32 $0xFFFFCE00  }
0xa9: {  	[tilespmem:s16], [sflag:$0x1] =	stream.indirect.gather [hbm4b:s4+s15], $0x80, s24, s15, $0xb8;
	[tilespmem:$0x1B880] =	vst v63  }
0xaa: {  	_ =	swait.ge [sflag:s19], $0x3200  }
0xab: {  	[sflag:s19] =	ssyncset.done $0x0  }
0xac: {  	[sflag:s19] =	ssyncadd.s32 $0xFFFFCE00  }
0xad: {  	[spmem:s1] =	stream.indirect.scatter.add.f32 [tilespmem:s17], [sflag:$0x3], $0x80, s25, s15, $0xb8;
	[tilespmem:$0x1B880] =	vst v63  }
0xae: {  	_ =	swait.ge [sflag:s12], $0x3200  }
0xaf: {  	[sflag:s12] =	ssyncset.done $0x0  }
0xb0: {  	[sflag:s12] =	ssyncadd.s32 $0xFFFFCE00  }
0xb1: {  	[tilespmem:s17], [sflag:$0x2] =	stream.indirect.gather [hbm4b:s4+s15], $0x80, s26, s15, $0xb8;
	[tilespmem:$0x1B880] =	vst v63  }
0xb2: {  	_ =	swait.ge [sflag:s18], $0x3200  }
0xb3: {  	[sflag:s18] =	ssyncset.done $0x0  }
0xb4: {  	[sflag:s18] =	ssyncadd.s32 $0xFFFFCE00  }
0xb5: {  	[spmem:s1] =	stream.indirect.scatter.add.f32 [tilespmem:s16], [sflag:$0x3], $0x80, s28, s15, $0xb8;
	[tilespmem:$0x1B880] =	vst v63  }
0xb6: {  	_ =	swait.ge [sflag:s12], $0x3200  }
0xb7: {  	[sflag:s12] =	ssyncset.done $0x0  }
0xb8: {  	[sflag:s12] =	ssyncadd.s32 $0xFFFFCE00  }
0xb9: {  	[tilespmem:s16], [sflag:$0x1] =	stream.indirect.gather [hbm4b:s4+s15], $0x80, s29, s15, $0xb8;
	[tilespmem:$0x1B880] =	vst v63  }
0xba: {  	_ =	swait.ge [sflag:s19], $0x3200  }
0xbb: {  	[sflag:s19] =	ssyncset.done $0x0  }
0xbc: {  	[sflag:s19] =	ssyncadd.s32 $0xFFFFCE00  }
0xbd: {  	[spmem:s1] =	stream.indirect.scatter.add.f32 [tilespmem:s17], [sflag:$0x3], $0x80, s30, s15, $0xb8;
	[tilespmem:$0x1B880] =	vst v63  }
0xbe: {  	_ =	swait.ge [sflag:s12], $0x3200  }
0xbf: {  	[sflag:s12] =	ssyncset.done $0x0  }
0xc0: {  	[sflag:s12] =	ssyncadd.s32 $0xFFFFCE00  }
0xc1: {  	[tilespmem:s17], [sflag:$0x2] =	stream.indirect.gather [hbm4b:s4+s15], $0x80, s31, s15, $0xb8;
	[tilespmem:$0x1B880] =	vst v63  }
0xc2: {  	_ =	swait.ge [sflag:s18], $0x3200  }
0xc3: {  	[sflag:s18] =	ssyncset.done $0x0  }
0xc4: {  	[sflag:s18] =	ssyncadd.s32 $0xFFFFCE00  }
0xc5: {  	[spmem:s1] =	stream.indirect.scatter.add.f32 [tilespmem:s16], [sflag:$0x3], $0x80, s0, s15, $0xb8;
	[tilespmem:$0x1B880] =	vst v63  }
0xc6: {  	_ =	swait.ge [sflag:s12], $0x3200  }
0xc7: {  	[sflag:s12] =	ssyncset.done $0x0  }
0xc8: {  	[sflag:s12] =	ssyncadd.s32 $0xFFFFCE00  }
0xc9: {  	[tilespmem:s16], [sflag:$0x1] =	stream.indirect.gather [hbm4b:s4+s15], $0x80, s3, s15, $0xb8;
	[tilespmem:$0x1B880] =	vst v63  }
0xca: {  	_ =	swait.ge [sflag:s19], $0x3200  }
0xcb: {  	[sflag:s19] =	ssyncset.done $0x0  }
0xcc: {  	[sflag:s19] =	ssyncadd.s32 $0xFFFFCE00  }
0xcd: {  	[spmem:s1] =	stream.indirect.scatter.add.f32 [tilespmem:s17], [sflag:$0x3], $0x80, s5, s15, $0xb8;
	[tilespmem:$0x1B880] =	vst v63  }
0xce: {  	_ =	swait.ge [sflag:s12], $0x3200  }
0xcf: {  	[sflag:s12] =	ssyncset.done $0x0  }
0xd0: {  	[sflag:s12] =	ssyncadd.s32 $0xFFFFCE00  }
0xd1: {  	[tilespmem:s17], [sflag:$0x2] =	stream.indirect.gather [hbm4b:s4+s15], $0x80, s7, s15, $0xb8;
	[tilespmem:$0x1B880] =	vst v63  }
0xd2: {  	_ =	swait.ge [sflag:s18], $0x3200  }
0xd3: {  	[sflag:s18] =	ssyncset.done $0x0  }
0xd4: {  	[sflag:s18] =	ssyncadd.s32 $0xFFFFCE00  }
0xd5: {  	[spmem:s1] =	stream.indirect.scatter.add.f32 [tilespmem:s16], [sflag:$0x3], $0x80, s8, s15, $0xb8;
	[tilespmem:$0x1B880] =	vst v63  }
0xd6: {  	_ =	swait.ge [sflag:s12], $0x3200  }
0xd7: {  	[sflag:s12] =	ssyncset.done $0x0  }
0xd8: {  	[sflag:s12] =	ssyncadd.s32 $0xFFFFCE00  }
0xd9: {  	_ =	swait.ge [sflag:s19], $0x3200  }
0xda: {  	[sflag:s19] =	ssyncset.done $0x0  }
0xdb: {  	[sflag:s19] =	ssyncadd.s32 $0xFFFFCE00  }
0xdc: {  	[spmem:s1] =	stream.indirect.scatter.add.f32 [tilespmem:s17], [sflag:$0x3], $0x80, s9, s15, $0xb8;
	[tilespmem:$0x1B880] =	vst v63  }
0xdd: {  	s11 =	simm.s32 $0x180;
	_ =	swait.ge [sflag:s12], $0x3200  }
0xde: {  	s13 =	simm.s32 $0x300;
	s6 =	rddreg [dreg:$0x3];
	[sflag:s12] =	ssyncset.done $0x0  }
.LBB2_2:
0xdf: {  	[sflag:s12] =	ssyncadd.s32 $0xFFFFCE00;
	s6 =	sadd.s32 s11, s6  }
0xe0: {  	[tilespmem:s2], [sflag:$0x3] =	stream.linear.gather [hbm4b:s6+s2], $0xA00, $0x38;
	[tilespmem:$0x1B880] =	vst v63  }
0xe1: {  	_ =	swait.ge [sflag:s12], $0xA00  }
0xe2: {  	s6 =	rddreg [dreg:$0x4];
	[sflag:s12] =	ssyncset.done $0x0  }
0xe3: {  	[sflag:s12] =	ssyncadd.s32 $0xFFFFF600;
	s6 =	sadd.s32 s11, s6  }
0xe4: {  	[tilespmem:s14], [sflag:$0x3] =	stream.linear.gather [hbm4b:s6+s2], $0xA00, $0x38;
	[tilespmem:$0x1B880] =	vst v63  }
0xe5: {  	_ =	swait.ge [sflag:s12], $0xA00  }
0xe6: {  	[sflag:s12] =	ssyncset.done $0x0  }
0xe7: {  	s10 =	smov.u32 s13;
	[sflag:s12] =	ssyncadd.s32 $0xFFFFF600  }
0xe8: {  	[tilespmem:s16], [sflag:$0x1] =	stream.indirect.gather [hbm4b:s4+s15], $0x80, s2, s15, $0xb8;
	[tilespmem:$0x1B880] =	vst v63  }
0xe9: {  	s11 =	smov.u32 s10;
	s10 =	rddreg [dreg:$0x5]  }
0xea: {  	[tilespmem:s17], [sflag:$0x2] =	stream.indirect.gather [hbm4b:s4+s15], $0x80, s10, s15, $0xb8;
	[tilespmem:$0x1B880] =	vst v63  }
0xeb: {  	_ =	swait.ge [sflag:s18], $0x3200  }
0xec: {  	[sflag:s18] =	ssyncset.done $0x0  }
0xed: {  	[sflag:s18] =	ssyncadd.s32 $0xFFFFCE00  }
0xee: {  	[spmem:s1] =	stream.indirect.scatter.add.f32 [tilespmem:s16], [sflag:$0x3], $0x80, s14, s15, $0xb8;
	[tilespmem:$0x1B880] =	vst v63  }
0xef: {  	_ =	swait.ge [sflag:s12], $0x3200  }
0xf0: {  	[sflag:s12] =	ssyncset.done $0x0  }
0xf1: {  	s10 =	rddreg [dreg:$0x6];
	[sflag:s12] =	ssyncadd.s32 $0xFFFFCE00  }
0xf2: {  	[tilespmem:s16], [sflag:$0x1] =	stream.indirect.gather [hbm4b:s4+s15], $0x80, s10, s15, $0xb8;
	[tilespmem:$0x1B880] =	vst v63  }
0xf3: {  	_ =	swait.ge [sflag:s19], $0x3200  }
0xf4: {  	[sflag:s19] =	ssyncset.done $0x0  }
0xf5: {  	s10 =	rddreg [dreg:$0x7];
	[sflag:s19] =	ssyncadd.s32 $0xFFFFCE00  }
0xf6: {  	[spmem:s1] =	stream.indirect.scatter.add.f32 [tilespmem:s17], [sflag:$0x3], $0x80, s10, s15, $0xb8;
	[tilespmem:$0x1B880] =	vst v63  }
0xf7: {  	_ =	swait.ge [sflag:s12], $0x3200  }
0xf8: {  	[sflag:s12] =	ssyncset.done $0x0  }
0xf9: {  	s10 =	rddreg [dreg:$0x8];
	[sflag:s12] =	ssyncadd.s32 $0xFFFFCE00  }
0xfa: {  	[tilespmem:s17], [sflag:$0x2] =	stream.indirect.gather [hbm4b:s4+s15], $0x80, s10, s15, $0xb8;
	[tilespmem:$0x1B880] =	vst v63  }
0xfb: {  	_ =	swait.ge [sflag:s18], $0x3200  }
0xfc: {  	[sflag:s18] =	ssyncset.done $0x0  }
0xfd: {  	s10 =	rddreg [dreg:$0x9];
	[sflag:s18] =	ssyncadd.s32 $0xFFFFCE00  }
0xfe: {  	[spmem:s1] =	stream.indirect.scatter.add.f32 [tilespmem:s16], [sflag:$0x3], $0x80, s10, s15, $0xb8;
	[tilespmem:$0x1B880] =	vst v63  }
0xff: {  	_ =	swait.ge [sflag:s12], $0x3200  }
0x100: {  	[sflag:s12] =	ssyncset.done $0x0  }
0x101: {  	s10 =	rddreg [dreg:$0xa];
	[sflag:s12] =	ssyncadd.s32 $0xFFFFCE00  }
0x102: {  	[tilespmem:s16], [sflag:$0x1] =	stream.indirect.gather [hbm4b:s4+s15], $0x80, s10, s15, $0xb8;
	[tilespmem:$0x1B880] =	vst v63  }
0x103: {  	_ =	swait.ge [sflag:s19], $0x3200  }
0x104: {  	[sflag:s19] =	ssyncset.done $0x0  }
0x105: {  	s10 =	rddreg [dreg:$0xb];
	[sflag:s19] =	ssyncadd.s32 $0xFFFFCE00  }
0x106: {  	[spmem:s1] =	stream.indirect.scatter.add.f32 [tilespmem:s17], [sflag:$0x3], $0x80, s10, s15, $0xb8;
	[tilespmem:$0x1B880] =	vst v63  }
0x107: {  	_ =	swait.ge [sflag:s12], $0x3200  }
0x108: {  	[sflag:s12] =	ssyncset.done $0x0  }
0x109: {  	s10 =	rddreg [dreg:$0xc];
	[sflag:s12] =	ssyncadd.s32 $0xFFFFCE00  }
0x10a: {  	[tilespmem:s17], [sflag:$0x2] =	stream.indirect.gather [hbm4b:s4+s15], $0x80, s10, s15, $0xb8;
	[tilespmem:$0x1B880] =	vst v63  }
0x10b: {  	_ =	swait.ge [sflag:s18], $0x3200  }
0x10c: {  	[sflag:s18] =	ssyncset.done $0x0  }
0x10d: {  	s10 =	rddreg [dreg:$0xd];
	[sflag:s18] =	ssyncadd.s32 $0xFFFFCE00  }
0x10e: {  	[spmem:s1] =	stream.indirect.scatter.add.f32 [tilespmem:s16], [sflag:$0x3], $0x80, s10, s15, $0xb8;
	[tilespmem:$0x1B880] =	vst v63  }
0x10f: {  	_ =	swait.ge [sflag:s12], $0x3200  }
0x110: {  	[sflag:s12] =	ssyncset.done $0x0  }
0x111: {  	s10 =	rddreg [dreg:$0xe];
	[sflag:s12] =	ssyncadd.s32 $0xFFFFCE00  }
0x112: {  	[tilespmem:s16], [sflag:$0x1] =	stream.indirect.gather [hbm4b:s4+s15], $0x80, s10, s15, $0xb8;
	[tilespmem:$0x1B880] =	vst v63  }
0x113: {  	_ =	swait.ge [sflag:s19], $0x3200  }
0x114: {  	[sflag:s19] =	ssyncset.done $0x0  }
0x115: {  	s10 =	rddreg [dreg:$0xf];
	[sflag:s19] =	ssyncadd.s32 $0xFFFFCE00  }
0x116: {  	[spmem:s1] =	stream.indirect.scatter.add.f32 [tilespmem:s17], [sflag:$0x3], $0x80, s10, s15, $0xb8;
	[tilespmem:$0x1B880] =	vst v63  }
0x117: {  	_ =	swait.ge [sflag:s12], $0x3200  }
0x118: {  	[sflag:s12] =	ssyncset.done $0x0  }
0x119: {  	s10 =	rddreg [dreg:$0x10];
	[sflag:s12] =	ssyncadd.s32 $0xFFFFCE00  }
0x11a: {  	[tilespmem:s17], [sflag:$0x2] =	stream.indirect.gather [hbm4b:s4+s15], $0x80, s10, s15, $0xb8;
	[tilespmem:$0x1B880] =	vst v63  }
0x11b: {  	_ =	swait.ge [sflag:s18], $0x3200  }
0x11c: {  	[sflag:s18] =	ssyncset.done $0x0  }
0x11d: {  	s10 =	rddreg [dreg:$0x11];
	[sflag:s18] =	ssyncadd.s32 $0xFFFFCE00  }
0x11e: {  	[spmem:s1] =	stream.indirect.scatter.add.f32 [tilespmem:s16], [sflag:$0x3], $0x80, s10, s15, $0xb8;
	[tilespmem:$0x1B880] =	vst v63  }
0x11f: {  	_ =	swait.ge [sflag:s12], $0x3200  }
0x120: {  	[sflag:s12] =	ssyncset.done $0x0  }
0x121: {  	s10 =	rddreg [dreg:$0x12];
	[sflag:s12] =	ssyncadd.s32 $0xFFFFCE00  }
0x122: {  	[tilespmem:s16], [sflag:$0x1] =	stream.indirect.gather [hbm4b:s4+s15], $0x80, s10, s15, $0xb8;
	[tilespmem:$0x1B880] =	vst v63  }
0x123: {  	_ =	swait.ge [sflag:s19], $0x3200  }
0x124: {  	[sflag:s19] =	ssyncset.done $0x0  }
0x125: {  	s10 =	rddreg [dreg:$0x13];
	[sflag:s19] =	ssyncadd.s32 $0xFFFFCE00  }
0x126: {  	[spmem:s1] =	stream.indirect.scatter.add.f32 [tilespmem:s17], [sflag:$0x3], $0x80, s10, s15, $0xb8;
	[tilespmem:$0x1B880] =	vst v63  }
0x127: {  	_ =	swait.ge [sflag:s12], $0x3200  }
0x128: {  	[sflag:s12] =	ssyncset.done $0x0  }
0x129: {  	s10 =	rddreg [dreg:$0x14];
	[sflag:s12] =	ssyncadd.s32 $0xFFFFCE00  }
0x12a: {  	[tilespmem:s17], [sflag:$0x2] =	stream.indirect.gather [hbm4b:s4+s15], $0x80, s10, s15, $0xb8;
	[tilespmem:$0x1B880] =	vst v63  }
0x12b: {  	_ =	swait.ge [sflag:s18], $0x3200  }
0x12c: {  	[sflag:s18] =	ssyncset.done $0x0  }
0x12d: {  	s10 =	rddreg [dreg:$0x15];
	[sflag:s18] =	ssyncadd.s32 $0xFFFFCE00  }
0x12e: {  	[spmem:s1] =	stream.indirect.scatter.add.f32 [tilespmem:s16], [sflag:$0x3], $0x80, s10, s15, $0xb8;
	[tilespmem:$0x1B880] =	vst v63  }
0x12f: {  	_ =	swait.ge [sflag:s12], $0x3200  }
0x130: {  	[sflag:s12] =	ssyncset.done $0x0  }
0x131: {  	s10 =	rddreg [dreg:$0x16];
	[sflag:s12] =	ssyncadd.s32 $0xFFFFCE00  }
0x132: {  	[tilespmem:s16], [sflag:$0x1] =	stream.indirect.gather [hbm4b:s4+s15], $0x80, s10, s15, $0xb8;
	[tilespmem:$0x1B880] =	vst v63  }
0x133: {  	_ =	swait.ge [sflag:s19], $0x3200  }
0x134: {  	[sflag:s19] =	ssyncset.done $0x0  }
0x135: {  	s10 =	rddreg [dreg:$0x17];
	[sflag:s19] =	ssyncadd.s32 $0xFFFFCE00  }
0x136: {  	[spmem:s1] =	stream.indirect.scatter.add.f32 [tilespmem:s17], [sflag:$0x3], $0x80, s10, s15, $0xb8;
	[tilespmem:$0x1B880] =	vst v63  }
0x137: {  	_ =	swait.ge [sflag:s12], $0x3200  }
0x138: {  	[sflag:s12] =	ssyncset.done $0x0  }
0x139: {  	s10 =	rddreg [dreg:$0x18];
	[sflag:s12] =	ssyncadd.s32 $0xFFFFCE00  }
0x13a: {  	[tilespmem:s17], [sflag:$0x2] =	stream.indirect.gather [hbm4b:s4+s15], $0x80, s10, s15, $0xb8;
	[tilespmem:$0x1B880] =	vst v63  }
0x13b: {  	_ =	swait.ge [sflag:s18], $0x3200  }
0x13c: {  	[sflag:s18] =	ssyncset.done $0x0  }
0x13d: {  	s10 =	rddreg [dreg:$0x19];
	[sflag:s18] =	ssyncadd.s32 $0xFFFFCE00  }
0x13e: {  	[spmem:s1] =	stream.indirect.scatter.add.f32 [tilespmem:s16], [sflag:$0x3], $0x80, s10, s15, $0xb8;
	[tilespmem:$0x1B880] =	vst v63  }
0x13f: {  	_ =	swait.ge [sflag:s12], $0x3200  }
0x140: {  	[sflag:s12] =	ssyncset.done $0x0  }
0x141: {  	[sflag:s12] =	ssyncadd.s32 $0xFFFFCE00  }
0x142: {  	[tilespmem:s16], [sflag:$0x1] =	stream.indirect.gather [hbm4b:s4+s15], $0x80, s20, s15, $0xb8;
	[tilespmem:$0x1B880] =	vst v63  }
0x143: {  	_ =	swait.ge [sflag:s19], $0x3200  }
0x144: {  	[sflag:s19] =	ssyncset.done $0x0  }
0x145: {  	[sflag:s19] =	ssyncadd.s32 $0xFFFFCE00  }
0x146: {  	[spmem:s1] =	stream.indirect.scatter.add.f32 [tilespmem:s17], [sflag:$0x3], $0x80, s21, s15, $0xb8;
	[tilespmem:$0x1B880] =	vst v63  }
0x147: {  	_ =	swait.ge [sflag:s12], $0x3200  }
0x148: {  	[sflag:s12] =	ssyncset.done $0x0  }
0x149: {  	[sflag:s12] =	ssyncadd.s32 $0xFFFFCE00  }
0x14a: {  	[tilespmem:s17], [sflag:$0x2] =	stream.indirect.gather [hbm4b:s4+s15], $0x80, s22, s15, $0xb8;
	[tilespmem:$0x1B880] =	vst v63  }
0x14b: {  	_ =	swait.ge [sflag:s18], $0x3200  }
0x14c: {  	[sflag:s18] =	ssyncset.done $0x0  }
0x14d: {  	[sflag:s18] =	ssyncadd.s32 $0xFFFFCE00  }
0x14e: {  	[spmem:s1] =	stream.indirect.scatter.add.f32 [tilespmem:s16], [sflag:$0x3], $0x80, s23, s15, $0xb8;
	[tilespmem:$0x1B880] =	vst v63  }
0x14f: {  	_ =	swait.ge [sflag:s12], $0x3200  }
0x150: {  	[sflag:s12] =	ssyncset.done $0x0  }
0x151: {  	[sflag:s12] =	ssyncadd.s32 $0xFFFFCE00  }
0x152: {  	[tilespmem:s16], [sflag:$0x1] =	stream.indirect.gather [hbm4b:s4+s15], $0x80, s24, s15, $0xb8;
	[tilespmem:$0x1B880] =	vst v63  }
0x153: {  	_ =	swait.ge [sflag:s19], $0x3200  }
0x154: {  	[sflag:s19] =	ssyncset.done $0x0  }
0x155: {  	[sflag:s19] =	ssyncadd.s32 $0xFFFFCE00  }
0x156: {  	[spmem:s1] =	stream.indirect.scatter.add.f32 [tilespmem:s17], [sflag:$0x3], $0x80, s25, s15, $0xb8;
	[tilespmem:$0x1B880] =	vst v63  }
0x157: {  	_ =	swait.ge [sflag:s12], $0x3200  }
0x158: {  	[sflag:s12] =	ssyncset.done $0x0  }
0x159: {  	[sflag:s12] =	ssyncadd.s32 $0xFFFFCE00  }
0x15a: {  	[tilespmem:s17], [sflag:$0x2] =	stream.indirect.gather [hbm4b:s4+s15], $0x80, s26, s15, $0xb8;
	[tilespmem:$0x1B880] =	vst v63  }
0x15b: {  	_ =	swait.ge [sflag:s18], $0x3200  }
0x15c: {  	[sflag:s18] =	ssyncset.done $0x0  }
0x15d: {  	[sflag:s18] =	ssyncadd.s32 $0xFFFFCE00  }
0x15e: {  	[spmem:s1] =	stream.indirect.scatter.add.f32 [tilespmem:s16], [sflag:$0x3], $0x80, s28, s15, $0xb8;
	[tilespmem:$0x1B880] =	vst v63  }
0x15f: {  	_ =	swait.ge [sflag:s12], $0x3200  }
0x160: {  	[sflag:s12] =	ssyncset.done $0x0  }
0x161: {  	[sflag:s12] =	ssyncadd.s32 $0xFFFFCE00  }
0x162: {  	[tilespmem:s16], [sflag:$0x1] =	stream.indirect.gather [hbm4b:s4+s15], $0x80, s29, s15, $0xb8;
	[tilespmem:$0x1B880] =	vst v63  }
0x163: {  	_ =	swait.ge [sflag:s19], $0x3200  }
0x164: {  	[sflag:s19] =	ssyncset.done $0x0  }
0x165: {  	[sflag:s19] =	ssyncadd.s32 $0xFFFFCE00  }
0x166: {  	[spmem:s1] =	stream.indirect.scatter.add.f32 [tilespmem:s17], [sflag:$0x3], $0x80, s30, s15, $0xb8;
	[tilespmem:$0x1B880] =	vst v63  }
0x167: {  	_ =	swait.ge [sflag:s12], $0x3200  }
0x168: {  	[sflag:s12] =	ssyncset.done $0x0  }
0x169: {  	[sflag:s12] =	ssyncadd.s32 $0xFFFFCE00  }
0x16a: {  	[tilespmem:s17], [sflag:$0x2] =	stream.indirect.gather [hbm4b:s4+s15], $0x80, s31, s15, $0xb8;
	[tilespmem:$0x1B880] =	vst v63  }
0x16b: {  	_ =	swait.ge [sflag:s18], $0x3200  }
0x16c: {  	[sflag:s18] =	ssyncset.done $0x0  }
0x16d: {  	[sflag:s18] =	ssyncadd.s32 $0xFFFFCE00  }
0x16e: {  	[spmem:s1] =	stream.indirect.scatter.add.f32 [tilespmem:s16], [sflag:$0x3], $0x80, s0, s15, $0xb8;
	[tilespmem:$0x1B880] =	vst v63  }
0x16f: {  	_ =	swait.ge [sflag:s12], $0x3200  }
0x170: {  	[sflag:s12] =	ssyncset.done $0x0  }
0x171: {  	[sflag:s12] =	ssyncadd.s32 $0xFFFFCE00  }
0x172: {  	[tilespmem:s16], [sflag:$0x1] =	stream.indirect.gather [hbm4b:s4+s15], $0x80, s3, s15, $0xb8;
	[tilespmem:$0x1B880] =	vst v63  }
0x173: {  	_ =	swait.ge [sflag:s19], $0x3200  }
0x174: {  	[sflag:s19] =	ssyncset.done $0x0  }
0x175: {  	[sflag:s19] =	ssyncadd.s32 $0xFFFFCE00  }
0x176: {  	[spmem:s1] =	stream.indirect.scatter.add.f32 [tilespmem:s17], [sflag:$0x3], $0x80, s5, s15, $0xb8;
	[tilespmem:$0x1B880] =	vst v63  }
0x177: {  	_ =	swait.ge [sflag:s12], $0x3200  }
0x178: {  	[sflag:s12] =	ssyncset.done $0x0  }
0x179: {  	[sflag:s12] =	ssyncadd.s32 $0xFFFFCE00  }
0x17a: {  	[tilespmem:s17], [sflag:$0x2] =	stream.indirect.gather [hbm4b:s4+s15], $0x80, s7, s15, $0xb8;
	[tilespmem:$0x1B880] =	vst v63  }
0x17b: {  	_ =	swait.ge [sflag:s18], $0x3200  }
0x17c: {  	[sflag:s18] =	ssyncset.done $0x0  }
0x17d: {  	[sflag:s18] =	ssyncadd.s32 $0xFFFFCE00  }
0x17e: {  	[spmem:s1] =	stream.indirect.scatter.add.f32 [tilespmem:s16], [sflag:$0x3], $0x80, s8, s15, $0xb8;
	[tilespmem:$0x1B880] =	vst v63  }
0x17f: {  	_ =	swait.ge [sflag:s12], $0x3200  }
0x180: {  	[sflag:s12] =	ssyncset.done $0x0  }
0x181: {  	[sflag:s12] =	ssyncadd.s32 $0xFFFFCE00  }
0x182: {  	p1 =	sne.s32 s13, $0x600;
	_ =	swait.ge [sflag:s19], $0x3200  }
.Ltmp0:
0x183: {  	[sflag:s19] =	ssyncset.done $0x0;
	(pc) =	sbr.rel @p1 .LBB2_2-.Ltmp0, $4  }
0x184: {  	[sflag:s19] =	ssyncadd.s32 $0xFFFFCE00  }
0x185: {  	[spmem:s1] =	stream.indirect.scatter.add.f32 [tilespmem:s17], [sflag:$0x3], $0x80, s9, s15, $0xb8;
	[tilespmem:$0x1B880] =	vst v63  }
0x186: {  	_ =	swait.ge [sflag:s12], $0x3200  }
0x187: {  	s13 =	sadd.s32 $0x180, s13;
	s6 =	rddreg [dreg:$0x3];
	[sflag:s12] =	ssyncset.done $0x0  }
0x188: {  	[sflag:s12] =	ssyncadd.s32 $0xFFFFCE00;
	s6 =	sadd.s32 s11, s6  }
0x189: {  	[tilespmem:s2], [sflag:$0x3] =	stream.linear.gather [hbm4b:s6+s2], $0xA00, $0x38;
	[tilespmem:$0x1B880] =	vst v63  }
0x18a: {  	_ =	swait.ge [sflag:s12], $0xA00  }
0x18b: {  	s10 =	rddreg [dreg:$0x4];
	[sflag:s12] =	ssyncset.done $0x0  }
0x18c: {  	s6 =	sadd.s32 s11, s10;
	[sflag:s12] =	ssyncadd.s32 $0xFFFFF600  }
0x18d: {  	[tilespmem:s14], [sflag:$0x3] =	stream.linear.gather [hbm4b:s6+s2], $0xA00, $0x38;
	[tilespmem:$0x1B880] =	vst v63  }
0x18e: {  	_ =	swait.ge [sflag:s12], $0xA00  }
0x18f: {  	[sflag:s12] =	ssyncset.done $0x0  }
0x190: {  	[sflag:s12] =	ssyncadd.s32 $0xFFFFF600  }
0x191: {  	[tilespmem:s16], [sflag:$0x1] =	stream.indirect.gather [hbm4b:s4+s15], $0x80, s2, s15, $0xb8;
	[tilespmem:$0x1B880] =	vst v63  }
0x192: {  	s11 =	rddreg [dreg:$0x5]  }
0x193: {  	[tilespmem:s17], [sflag:$0x2] =	stream.indirect.gather [hbm4b:s4+s15], $0x80, s11, s15, $0xb8;
	[tilespmem:$0x1B880] =	vst v63  }
0x194: {  	_ =	swait.ge [sflag:s18], $0x3200  }
0x195: {  	[sflag:s18] =	ssyncset.done $0x0  }
0x196: {  	[sflag:s18] =	ssyncadd.s32 $0xFFFFCE00  }
0x197: {  	[spmem:s1] =	stream.indirect.scatter.add.f32 [tilespmem:s16], [sflag:$0x3], $0x80, s14, s15, $0xb8;
	[tilespmem:$0x1B880] =	vst v63  }
0x198: {  	_ =	swait.ge [sflag:s12], $0x3200  }
0x199: {  	[sflag:s12] =	ssyncset.done $0x0  }
0x19a: {  	s13 =	rddreg [dreg:$0x6];
	[sflag:s12] =	ssyncadd.s32 $0xFFFFCE00  }
0x19b: {  	[tilespmem:s16], [sflag:$0x1] =	stream.indirect.gather [hbm4b:s4+s15], $0x80, s13, s15, $0xb8;
	[tilespmem:$0x1B880] =	vst v63  }
0x19c: {  	_ =	swait.ge [sflag:s19], $0x3200  }
0x19d: {  	[sflag:s19] =	ssyncset.done $0x0  }
0x19e: {  	s10 =	rddreg [dreg:$0x7];
	[sflag:s19] =	ssyncadd.s32 $0xFFFFCE00  }
0x19f: {  	[spmem:s1] =	stream.indirect.scatter.add.f32 [tilespmem:s17], [sflag:$0x3], $0x80, s10, s15, $0xb8;
	[tilespmem:$0x1B880] =	vst v63  }
0x1a0: {  	_ =	swait.ge [sflag:s12], $0x3200  }
0x1a1: {  	[sflag:s12] =	ssyncset.done $0x0  }
0x1a2: {  	s11 =	rddreg [dreg:$0x8];
	[sflag:s12] =	ssyncadd.s32 $0xFFFFCE00  }
0x1a3: {  	[tilespmem:s17], [sflag:$0x2] =	stream.indirect.gather [hbm4b:s4+s15], $0x80, s11, s15, $0xb8;
	[tilespmem:$0x1B880] =	vst v63  }
0x1a4: {  	_ =	swait.ge [sflag:s18], $0x3200  }
0x1a5: {  	[sflag:s18] =	ssyncset.done $0x0  }
0x1a6: {  	s13 =	rddreg [dreg:$0x9];
	[sflag:s18] =	ssyncadd.s32 $0xFFFFCE00  }
0x1a7: {  	[spmem:s1] =	stream.indirect.scatter.add.f32 [tilespmem:s16], [sflag:$0x3], $0x80, s13, s15, $0xb8;
	[tilespmem:$0x1B880] =	vst v63  }
0x1a8: {  	_ =	swait.ge [sflag:s12], $0x3200  }
0x1a9: {  	[sflag:s12] =	ssyncset.done $0x0  }
0x1aa: {  	s10 =	rddreg [dreg:$0xa];
	[sflag:s12] =	ssyncadd.s32 $0xFFFFCE00  }
0x1ab: {  	[tilespmem:s16], [sflag:$0x1] =	stream.indirect.gather [hbm4b:s4+s15], $0x80, s10, s15, $0xb8;
	[tilespmem:$0x1B880] =	vst v63  }
0x1ac: {  	_ =	swait.ge [sflag:s19], $0x3200  }
0x1ad: {  	[sflag:s19] =	ssyncset.done $0x0  }
0x1ae: {  	s11 =	rddreg [dreg:$0xb];
	[sflag:s19] =	ssyncadd.s32 $0xFFFFCE00  }
0x1af: {  	[spmem:s1] =	stream.indirect.scatter.add.f32 [tilespmem:s17], [sflag:$0x3], $0x80, s11, s15, $0xb8;
	[tilespmem:$0x1B880] =	vst v63  }
0x1b0: {  	_ =	swait.ge [sflag:s12], $0x3200  }
0x1b1: {  	[sflag:s12] =	ssyncset.done $0x0  }
0x1b2: {  	s13 =	rddreg [dreg:$0xc];
	[sflag:s12] =	ssyncadd.s32 $0xFFFFCE00  }
0x1b3: {  	[tilespmem:s17], [sflag:$0x2] =	stream.indirect.gather [hbm4b:s4+s15], $0x80, s13, s15, $0xb8;
	[tilespmem:$0x1B880] =	vst v63  }
0x1b4: {  	_ =	swait.ge [sflag:s18], $0x3200  }
0x1b5: {  	[sflag:s18] =	ssyncset.done $0x0  }
0x1b6: {  	s10 =	rddreg [dreg:$0xd];
	[sflag:s18] =	ssyncadd.s32 $0xFFFFCE00  }
0x1b7: {  	[spmem:s1] =	stream.indirect.scatter.add.f32 [tilespmem:s16], [sflag:$0x3], $0x80, s10, s15, $0xb8;
	[tilespmem:$0x1B880] =	vst v63  }
0x1b8: {  	_ =	swait.ge [sflag:s12], $0x3200  }
0x1b9: {  	[sflag:s12] =	ssyncset.done $0x0  }
0x1ba: {  	s11 =	rddreg [dreg:$0xe];
	[sflag:s12] =	ssyncadd.s32 $0xFFFFCE00  }
0x1bb: {  	[tilespmem:s16], [sflag:$0x1] =	stream.indirect.gather [hbm4b:s4+s15], $0x80, s11, s15, $0xb8;
	[tilespmem:$0x1B880] =	vst v63  }
0x1bc: {  	_ =	swait.ge [sflag:s19], $0x3200  }
0x1bd: {  	[sflag:s19] =	ssyncset.done $0x0  }
0x1be: {  	s13 =	rddreg [dreg:$0xf];
	[sflag:s19] =	ssyncadd.s32 $0xFFFFCE00  }
0x1bf: {  	[spmem:s1] =	stream.indirect.scatter.add.f32 [tilespmem:s17], [sflag:$0x3], $0x80, s13, s15, $0xb8;
	[tilespmem:$0x1B880] =	vst v63  }
0x1c0: {  	_ =	swait.ge [sflag:s12], $0x3200  }
0x1c1: {  	[sflag:s12] =	ssyncset.done $0x0  }
0x1c2: {  	s10 =	rddreg [dreg:$0x10];
	[sflag:s12] =	ssyncadd.s32 $0xFFFFCE00  }
0x1c3: {  	[tilespmem:s17], [sflag:$0x2] =	stream.indirect.gather [hbm4b:s4+s15], $0x80, s10, s15, $0xb8;
	[tilespmem:$0x1B880] =	vst v63  }
0x1c4: {  	_ =	swait.ge [sflag:s18], $0x3200  }
0x1c5: {  	[sflag:s18] =	ssyncset.done $0x0  }
0x1c6: {  	s11 =	rddreg [dreg:$0x11];
	[sflag:s18] =	ssyncadd.s32 $0xFFFFCE00  }
0x1c7: {  	[spmem:s1] =	stream.indirect.scatter.add.f32 [tilespmem:s16], [sflag:$0x3], $0x80, s11, s15, $0xb8;
	[tilespmem:$0x1B880] =	vst v63  }
0x1c8: {  	_ =	swait.ge [sflag:s12], $0x3200  }
0x1c9: {  	[sflag:s12] =	ssyncset.done $0x0  }
0x1ca: {  	s13 =	rddreg [dreg:$0x12];
	[sflag:s12] =	ssyncadd.s32 $0xFFFFCE00  }
0x1cb: {  	[tilespmem:s16], [sflag:$0x1] =	stream.indirect.gather [hbm4b:s4+s15], $0x80, s13, s15, $0xb8;
	[tilespmem:$0x1B880] =	vst v63  }
0x1cc: {  	_ =	swait.ge [sflag:s19], $0x3200  }
0x1cd: {  	[sflag:s19] =	ssyncset.done $0x0  }
0x1ce: {  	s10 =	rddreg [dreg:$0x13];
	[sflag:s19] =	ssyncadd.s32 $0xFFFFCE00  }
0x1cf: {  	[spmem:s1] =	stream.indirect.scatter.add.f32 [tilespmem:s17], [sflag:$0x3], $0x80, s10, s15, $0xb8;
	[tilespmem:$0x1B880] =	vst v63  }
0x1d0: {  	_ =	swait.ge [sflag:s12], $0x3200  }
0x1d1: {  	[sflag:s12] =	ssyncset.done $0x0  }
0x1d2: {  	s11 =	rddreg [dreg:$0x14];
	[sflag:s12] =	ssyncadd.s32 $0xFFFFCE00  }
0x1d3: {  	[tilespmem:s17], [sflag:$0x2] =	stream.indirect.gather [hbm4b:s4+s15], $0x80, s11, s15, $0xb8;
	[tilespmem:$0x1B880] =	vst v63  }
0x1d4: {  	_ =	swait.ge [sflag:s18], $0x3200  }
0x1d5: {  	[sflag:s18] =	ssyncset.done $0x0  }
0x1d6: {  	s13 =	rddreg [dreg:$0x15];
	[sflag:s18] =	ssyncadd.s32 $0xFFFFCE00  }
0x1d7: {  	[spmem:s1] =	stream.indirect.scatter.add.f32 [tilespmem:s16], [sflag:$0x3], $0x80, s13, s15, $0xb8;
	[tilespmem:$0x1B880] =	vst v63  }
0x1d8: {  	_ =	swait.ge [sflag:s12], $0x3200  }
0x1d9: {  	[sflag:s12] =	ssyncset.done $0x0  }
0x1da: {  	s10 =	rddreg [dreg:$0x16];
	[sflag:s12] =	ssyncadd.s32 $0xFFFFCE00  }
0x1db: {  	[tilespmem:s16], [sflag:$0x1] =	stream.indirect.gather [hbm4b:s4+s15], $0x80, s10, s15, $0xb8;
	[tilespmem:$0x1B880] =	vst v63  }
0x1dc: {  	_ =	swait.ge [sflag:s19], $0x3200  }
0x1dd: {  	[sflag:s19] =	ssyncset.done $0x0  }
0x1de: {  	s11 =	rddreg [dreg:$0x17];
	[sflag:s19] =	ssyncadd.s32 $0xFFFFCE00  }
0x1df: {  	[spmem:s1] =	stream.indirect.scatter.add.f32 [tilespmem:s17], [sflag:$0x3], $0x80, s11, s15, $0xb8;
	[tilespmem:$0x1B880] =	vst v63  }
0x1e0: {  	_ =	swait.ge [sflag:s12], $0x3200  }
0x1e1: {  	[sflag:s12] =	ssyncset.done $0x0  }
0x1e2: {  	s13 =	rddreg [dreg:$0x18];
	[sflag:s12] =	ssyncadd.s32 $0xFFFFCE00  }
0x1e3: {  	[tilespmem:s17], [sflag:$0x2] =	stream.indirect.gather [hbm4b:s4+s15], $0x80, s13, s15, $0xb8;
	[tilespmem:$0x1B880] =	vst v63  }
0x1e4: {  	_ =	swait.ge [sflag:s18], $0x3200  }
0x1e5: {  	[sflag:s18] =	ssyncset.done $0x0  }
0x1e6: {  	s10 =	rddreg [dreg:$0x19];
	[sflag:s18] =	ssyncadd.s32 $0xFFFFCE00  }
0x1e7: {  	[spmem:s1] =	stream.indirect.scatter.add.f32 [tilespmem:s16], [sflag:$0x3], $0x80, s10, s15, $0xb8;
	[tilespmem:$0x1B880] =	vst v63  }
0x1e8: {  	_ =	swait.ge [sflag:s12], $0x3200  }
0x1e9: {  	[sflag:s12] =	ssyncset.done $0x0  }
0x1ea: {  	[sflag:s12] =	ssyncadd.s32 $0xFFFFCE00  }
0x1eb: {  	[tilespmem:s16], [sflag:$0x1] =	stream.indirect.gather [hbm4b:s4+s15], $0x80, s20, s15, $0xb8;
	[tilespmem:$0x1B880] =	vst v63  }
0x1ec: {  	_ =	swait.ge [sflag:s19], $0x3200  }
0x1ed: {  	[sflag:s19] =	ssyncset.done $0x0  }
0x1ee: {  	[sflag:s19] =	ssyncadd.s32 $0xFFFFCE00  }
0x1ef: {  	[spmem:s1] =	stream.indirect.scatter.add.f32 [tilespmem:s17], [sflag:$0x3], $0x80, s21, s15, $0xb8;
	[tilespmem:$0x1B880] =	vst v63  }
0x1f0: {  	_ =	swait.ge [sflag:s12], $0x3200  }
0x1f1: {  	[sflag:s12] =	ssyncset.done $0x0  }
0x1f2: {  	[sflag:s12] =	ssyncadd.s32 $0xFFFFCE00  }
0x1f3: {  	[tilespmem:s17], [sflag:$0x2] =	stream.indirect.gather [hbm4b:s4+s15], $0x80, s22, s15, $0xb8;
	[tilespmem:$0x1B880] =	vst v63  }
0x1f4: {  	_ =	swait.ge [sflag:s18], $0x3200  }
0x1f5: {  	[sflag:s18] =	ssyncset.done $0x0  }
0x1f6: {  	[sflag:s18] =	ssyncadd.s32 $0xFFFFCE00  }
0x1f7: {  	[spmem:s1] =	stream.indirect.scatter.add.f32 [tilespmem:s16], [sflag:$0x3], $0x80, s23, s15, $0xb8;
	[tilespmem:$0x1B880] =	vst v63  }
0x1f8: {  	_ =	swait.ge [sflag:s12], $0x3200  }
0x1f9: {  	[sflag:s12] =	ssyncset.done $0x0  }
0x1fa: {  	[sflag:s12] =	ssyncadd.s32 $0xFFFFCE00  }
0x1fb: {  	[tilespmem:s16], [sflag:$0x1] =	stream.indirect.gather [hbm4b:s4+s15], $0x80, s24, s15, $0xb8;
	[tilespmem:$0x1B880] =	vst v63  }
0x1fc: {  	_ =	swait.ge [sflag:s19], $0x3200  }
0x1fd: {  	[sflag:s19] =	ssyncset.done $0x0  }
0x1fe: {  	[sflag:s19] =	ssyncadd.s32 $0xFFFFCE00  }
0x1ff: {  	[spmem:s1] =	stream.indirect.scatter.add.f32 [tilespmem:s17], [sflag:$0x3], $0x80, s25, s15, $0xb8;
	[tilespmem:$0x1B880] =	vst v63  }
0x200: {  	_ =	swait.ge [sflag:s12], $0x3200  }
0x201: {  	[sflag:s12] =	ssyncset.done $0x0  }
0x202: {  	[sflag:s12] =	ssyncadd.s32 $0xFFFFCE00  }
0x203: {  	[tilespmem:s17], [sflag:$0x2] =	stream.indirect.gather [hbm4b:s4+s15], $0x80, s26, s15, $0xb8;
	[tilespmem:$0x1B880] =	vst v63  }
0x204: {  	_ =	swait.ge [sflag:s18], $0x3200  }
0x205: {  	[sflag:s18] =	ssyncset.done $0x0  }
0x206: {  	[sflag:s18] =	ssyncadd.s32 $0xFFFFCE00  }
0x207: {  	[spmem:s1] =	stream.indirect.scatter.add.f32 [tilespmem:s16], [sflag:$0x3], $0x80, s28, s15, $0xb8;
	[tilespmem:$0x1B880] =	vst v63  }
0x208: {  	_ =	swait.ge [sflag:s12], $0x3200  }
0x209: {  	[sflag:s12] =	ssyncset.done $0x0  }
0x20a: {  	[sflag:s12] =	ssyncadd.s32 $0xFFFFCE00  }
0x20b: {  	[tilespmem:s16], [sflag:$0x1] =	stream.indirect.gather [hbm4b:s4+s15], $0x80, s29, s15, $0xb8;
	[tilespmem:$0x1B880] =	vst v63  }
0x20c: {  	_ =	swait.ge [sflag:s19], $0x3200  }
0x20d: {  	[sflag:s19] =	ssyncset.done $0x0  }
0x20e: {  	[sflag:s19] =	ssyncadd.s32 $0xFFFFCE00  }
0x20f: {  	[spmem:s1] =	stream.indirect.scatter.add.f32 [tilespmem:s17], [sflag:$0x3], $0x80, s30, s15, $0xb8;
	[tilespmem:$0x1B880] =	vst v63  }
0x210: {  	_ =	swait.ge [sflag:s12], $0x3200  }
0x211: {  	[sflag:s12] =	ssyncset.done $0x0  }
0x212: {  	[sflag:s12] =	ssyncadd.s32 $0xFFFFCE00  }
0x213: {  	[tilespmem:s17], [sflag:$0x2] =	stream.indirect.gather [hbm4b:s4+s15], $0x80, s31, s15, $0xb8;
	[tilespmem:$0x1B880] =	vst v63  }
0x214: {  	_ =	swait.ge [sflag:s18], $0x3200  }
0x215: {  	[sflag:s18] =	ssyncset.done $0x0  }
0x216: {  	[sflag:s18] =	ssyncadd.s32 $0xFFFFCE00  }
0x217: {  	[spmem:s1] =	stream.indirect.scatter.add.f32 [tilespmem:s16], [sflag:$0x3], $0x80, s0, s15, $0xb8;
	[tilespmem:$0x1B880] =	vst v63  }
0x218: {  	_ =	swait.ge [sflag:s12], $0x3200  }
0x219: {  	[sflag:s12] =	ssyncset.done $0x0  }
0x21a: {  	[sflag:s12] =	ssyncadd.s32 $0xFFFFCE00  }
0x21b: {  	[tilespmem:s16], [sflag:$0x1] =	stream.indirect.gather [hbm4b:s4+s15], $0x80, s3, s15, $0xb8;
	[tilespmem:$0x1B880] =	vst v63  }
0x21c: {  	_ =	swait.ge [sflag:s19], $0x3200  }
0x21d: {  	[sflag:s19] =	ssyncset.done $0x0  }
0x21e: {  	[sflag:s19] =	ssyncadd.s32 $0xFFFFCE00  }
0x21f: {  	[spmem:s1] =	stream.indirect.scatter.add.f32 [tilespmem:s17], [sflag:$0x3], $0x80, s5, s15, $0xb8;
	[tilespmem:$0x1B880] =	vst v63  }
0x220: {  	_ =	swait.ge [sflag:s12], $0x3200  }
0x221: {  	[sflag:s12] =	ssyncset.done $0x0  }
0x222: {  	[sflag:s12] =	ssyncadd.s32 $0xFFFFCE00  }
0x223: {  	[tilespmem:s17], [sflag:$0x2] =	stream.indirect.gather [hbm4b:s4+s15], $0x80, s7, s15, $0xb8;
	[tilespmem:$0x1B880] =	vst v63  }
0x224: {  	_ =	swait.ge [sflag:s18], $0x3200  }
0x225: {  	[sflag:s18] =	ssyncset.done $0x0  }
0x226: {  	[sflag:s18] =	ssyncadd.s32 $0xFFFFCE00  }
0x227: {  	[spmem:s1] =	stream.indirect.scatter.add.f32 [tilespmem:s16], [sflag:$0x3], $0x80, s8, s15, $0xb8;
	[tilespmem:$0x1B880] =	vst v63  }
0x228: {  	_ =	swait.ge [sflag:s12], $0x3200  }
0x229: {  	[sflag:s12] =	ssyncset.done $0x0  }
0x22a: {  	[sflag:s12] =	ssyncadd.s32 $0xFFFFCE00  }
0x22b: {  	_ =	swait.ge [sflag:s19], $0x3200  }
0x22c: {  	[sflag:s19] =	ssyncset.done $0x0  }
0x22d: {  	[sflag:s19] =	ssyncadd.s32 $0xFFFFCE00  }
0x22e: {  	[spmem:s1] =	stream.indirect.scatter.add.f32 [tilespmem:s17], [sflag:$0x3], $0x80, s9, s15, $0xb8;
	[tilespmem:$0x1B880] =	vst v63  }
0x22f: {  	_ =	swait.ge [sflag:s12], $0x3200  }
0x230: {  	[sflag:s12] =	ssyncset.done $0x0  }
0x231: {  	[sflag:s12] =	ssyncadd.s32 $0xFFFFCE00  }
0x232: {  	[bflag:$0x0] =	sbarrier.arrive $0xFFFF  }
0x233: {  	s13 =	sld [smem:$0x7FC]  }
0x234: {  	s10 =	rddreg [dreg:$0x1b]  }
0x235: {  	s11 =	rddreg [dreg:$0x1d]  }
0x236: {  	[hbm:s11], [sflag:s10] =	dma.local [spmem:s13], $0x2700  }
0x237: {  	_ =	swait.ge [sflag:s12], $0x2700  }
0x238: {  	s13 =	sld [smem:$0x7FD]  }
0x239: {  	[sflag:s12] =	ssyncset.done $0x0  }
0x23a: {  	s11 =	simm.s32 @!p0 $0x3;
	s6 =	rddreg [dreg:$0x1e];
	[sflag:s12] =	ssyncadd.s32 $0xFFFFD900  }
0x23b: {  	[hbm:s6], [sflag:s10] =	dma.local @!p0 [spmem:s13], $0x100  }
0x23c: {  	_ =	swait.ge @!p0 [sflag:s11], $0x100  }
0x23d: {  	s6 =	sld [smem:$0x7FB];
	_ =	sdelay $0x2  }
0x23e: {  	[sflag:s11] =	ssyncset.done @!p0 $0x0;
	s11 =	rddreg [dreg:$0x1f];
	s6 =	sadd.s32 $0x1, s6  }
0x23f: {  	p1 =	sne.s32 s6, s11  }
.Ltmp1:
0x240: {  	_ = 	snop;
	(pc) =	sbr.rel @p1 .LBB2_1-.Ltmp1, $4  }
0x241: {  	_ = 	snop  }
0x242: {  	[smem:$0x7FB] =	sst s6  }
0x243: {  	s11 =	smov.u32 s13;
	s13 =	sld [smem:$0x7FC];
	s6 =	simm.s32 @!p0 $0x3  }
0x244: {  	[sflag:s6] =	ssyncadd.s32 @!p0 $0xFFFFFF00  }
0x245: {  	_ =	sfence.sel $0x180000  }
0x246: {  	[bflag:$0x0] =	sbarrier.arrive $0xFFFF  }
0x247: {  	_ =	strace $0x9000004A  }
0x248: {  	s0 =	stileid.u32;
	[bflag:$0x2] =	sbarrier.arrive $0xFFFF  }
0x249: {  	p0 =	sne.s32 s0, $0x0;
	s0 =	rddreg [dreg:$0x2]  }
0x24a: {  	s0 =	sadd.s32 @!p0 $0x100000, s0  }
0x24b: {  	[sflag:s0] =	ssyncadd.tile.s32 @!p0 $0x1;
	_ =	shalt  }
.Lfunc_end2:
_tile_overlayer_lowered:
.L_overlay_start_2:
0x24c: {  	(tag) =	ssettag $0x2  }
0x24d: {  	s0 =	rddreg [dreg:$0x0];
	s2 =	stileid.u32  }
0x24e: {  	s1 =	rddreg [dreg:$0x1];
	p0 =	sne.s32 s2, $0x0  }
0x24f: {  	s3 =	rddreg [dreg:$0x2];
	[bflag:$0x3] =	sbarrier.arrive $0xFFFF;
	s2 =	simm.s32 @!p0 $0x1C03  }
0x250: {  	[timem:s3], [sflag:s2] =	dma.local @!p0 [hbm:s0], s1  }
0x251: {  	s0 =	simm.s32 @!p0 $0x3  }
0x252: {  	_ =	swait.ge @!p0 [sflag:s0], s1  }
0x253: {  	s1 =	ssub.s32 @!p0 $0x0, s1;
	[sflag:s0] =	ssyncset.done @!p0 $0x0  }
0x254: {  	[sflag:s0] =	ssyncadd.s32 @!p0 s1  }
0x255: {  	[bflag:$0x3] =	sbarrier.arrive $0xFFFF  }
0x256: {  	_ =	shalt  }

// kernel: kernel.17.cloned.1.call-start
scs
__scs_entry_jumppad:
0x0: {  	(pc) =	sbr.rel $0x88, $3  }
0x1: {  	(tag) =	ssettag $0x0;
	lr =	simm.s32 $0x1  }
0x2: {  	[smem:$0x3F96] =	sst lr;
	_ =	strace $0xD0000000  }
0x3: {  	_ = 	snop  }
0x4: {  	_ = 	snop  }
0x5: {  	_ = 	snop  }
0x6: {  	_ = 	snop  }
0x7: {  	_ = 	snop  }
__scs_overlays_trampoline_lowered:
0x8: {  	[smem:$0x3FA5] =	sst s0  }
0x9: {  	[smem:$0x3FA6] =	sst s1  }
0xa: {  	[smem:$0x3FA7] =	sst s2  }
0xb: {  	[smem:$0x3FA8] =	sst s3  }
0xc: {  	[smem:$0x3FA9] =	sst s4  }
0xd: {  	[smem:$0x3FAA] =	sst s5  }
0xe: {  	[smem:$0x3FAB] =	sst s6  }
0xf: {  	[smem:$0x3FAC] =	sst s7  }
0x10: {  	[smem:$0x3FAD] =	sst s8  }
0x11: {  	[smem:$0x3FAE] =	sst s9;
	s0 =	simm.s32 @!p0 $0x0  }
0x12: {  	s1 =	sld [smem:$0x3F94];
	s0 =	simm.s32 @p0 $0x1  }
0x13: {  	[smem:$0x3FAF] =	sst s0;
	s0 =	simm.s32 @!p1 $0x0  }
0x14: {  	s2 =	sld [smem:$0x3F93];
	s0 =	simm.s32 @p1 $0x1  }
0x15: {  	[smem:$0x3FB0] =	sst s0;
	s0 =	simm.s32 @!p2 $0x0  }
0x16: {  	s3 =	sld [smem:$0x3FDB];
	s0 =	simm.s32 @p2 $0x1  }
0x17: {  	s4 =	simm.s32 $0x1BF5;
	[smem:$0x3FB2] =	sst s0  }
0x18: {  	s0 =	sld [smem:$0x3F95];
	_ =	swait.ge [sflag:s4], $0x0  }
0x19: {  	s7 =	sld [smem:$0x3F96]  }
0x1a: {  	s8 =	sadd.s32 $0xFFFFE003, lr  }
0x1b: {  	s9 =	sadd.s32 $0xFFFFFEF7, lr;
	s5 =	simm.s32 $0xFFFFFFFF;
	p2 =	slt.u32 s8, $0xFFFFF086  }
0x1c: {  	p1 =	slt.u32 s9, $0xF7A;
	s5 =	simm.s32 @!p2 $0x0  }
0x1d: {  	s5 =	simm.s32 @p1 $0x1;
	p0 =	seq.s32 s7, s2  }
0x1e: {  	s7 =	smul.u32 @!p0 $0xF7A, s2;
	p2 =	seq.s32 @!p0 s5, $0x0  }
0x1f: {  	s9 =	smul.u32 $0xF7A, s1;
	s8 =	simm.s32 @!p0 $0x1BF5;
	p2 =	por !p2, p0  }
0x20: {  	[sflag:s8] =	ssyncset.s32 @!p0 $0xFFFFF086;
	s6 =	sadd.s32 @!p0 s3, s7;
	s7 =	simm.s32 @!p0 $0x108  }
0x21: {  	s3 =	sadd.s32 s3, s9;
	s6 =	sadd.s32 @!p0 $0x88, s6;
	s7 =	simm.s32 @p2 $0x1082  }
0x22: {  	[simem:s7], [sflag:s8] =	dma.local @!p0 [hbm:s6], $0xF7A  }
0x23: {  	s9 =	sor.u32 $0xD0000000, s2;
	s6 =	simm.s32 $0x108;
	_ =	swait.ge @!p0 [sflag:s8], $0x0  }
0x24: {  	s3 =	sadd.s32 $0x88, s3;
	s6 =	simm.s32 @!p1 $0x1082;
	[sflag:s4] =	ssyncset.s32 $0xFFFFF086  }
0x25: {  	[simem:s6], [sflag:s4] =	dma.local [hbm:s3], $0xF7A  }
0x26: {  	[smem:$0x3F96] =	sst s1;
	(tag) =	ssettag s2;
	_ =	strace s9  }
0x27: {  	s1 =	sld [smem:$0x3FA6]  }
0x28: {  	s2 =	sld [smem:$0x3FA7]  }
0x29: {  	s4 =	sld [smem:$0x3FA9]  }
0x2a: {  	p0 =	seq.s32 s5, $0x0;
	s5 =	sld [smem:$0x3FAA]  }
0x2b: {  	s6 =	sld [smem:$0x3FAB]  }
0x2c: {  	s7 =	sld [smem:$0x3FAC]  }
0x2d: {  	s3 =	simm.s32 $0x108;
	s8 =	sld [smem:$0x3FAD]  }
0x2e: {  	s3 =	simm.s32 @!p0 $0x1082;
	s9 =	sld [smem:$0x3FAE]  }
0x2f: {  	lr =	sadd.s32 s0, s3;
	s0 =	sld [smem:$0x3FA5]  }
0x30: {  	s3 =	sld [smem:$0x3FA8]  }
0x31: {  	[smem:$0x3FB1] =	sst s10  }
0x32: {  	s10 =	sld [smem:$0x3FAF];
	_ =	sdelay $0x3  }
0x33: {  	p0 =	seq.s32 s10, $0x1;
	s10 =	sld [smem:$0x3FB1];
	_ =	sdelay $0x3  }
0x34: {  	[smem:$0x3FB1] =	sst s10  }
0x35: {  	s10 =	sld [smem:$0x3FB0];
	_ =	sdelay $0x3  }
0x36: {  	p1 =	seq.s32 s10, $0x1;
	s10 =	sld [smem:$0x3FB1];
	_ =	sdelay $0x3  }
0x37: {  	[smem:$0x3FB1] =	sst s10  }
0x38: {  	s10 =	sld [smem:$0x3FB2]  }
0x39: {  	_ = 	snop;
	(pc) =	sbr.ind lr, $3  }
0x3a: {  	_ = 	snop  }
0x3b: {  	_ = 	snop  }
0x3c: {  	p2 =	seq.s32 s10, $0x1;
	s10 =	sld [smem:$0x3FB1]  }
0x3d: {  	_ =	shalt  }
0x3e: {  	_ =	shalt  }
0x3f: {  	_ =	shalt  }
0x40: {  	_ =	shalt  }
0x41: {  	_ =	shalt  }
0x42: {  	_ =	shalt  }
0x43: {  	_ =	shalt  }
0x44: {  	_ =	shalt  }
0x45: {  	_ =	shalt  }
0x46: {  	_ =	shalt  }
0x47: {  	_ =	shalt  }
0x48: {  	_ =	shalt  }
0x49: {  	_ =	shalt  }
0x4a: {  	_ =	shalt  }
0x4b: {  	_ =	shalt  }
0x4c: {  	_ =	shalt  }
0x4d: {  	_ =	shalt  }
0x4e: {  	_ =	shalt  }
0x4f: {  	_ =	shalt  }
0x50: {  	_ =	shalt  }
0x51: {  	_ =	shalt  }
0x52: {  	_ =	shalt  }
0x53: {  	_ =	shalt  }
0x54: {  	_ =	shalt  }
0x55: {  	_ =	shalt  }
0x56: {  	_ =	shalt  }
0x57: {  	_ =	shalt  }
0x58: {  	_ =	shalt  }
0x59: {  	_ =	shalt  }
0x5a: {  	_ =	shalt  }
0x5b: {  	_ =	shalt  }
0x5c: {  	_ =	shalt  }
0x5d: {  	_ =	shalt  }
0x5e: {  	_ =	shalt  }
0x5f: {  	_ =	shalt  }
0x60: {  	_ =	shalt  }
0x61: {  	_ =	shalt  }
0x62: {  	_ =	shalt  }
0x63: {  	_ =	shalt  }
0x64: {  	_ =	shalt  }
0x65: {  	_ =	shalt  }
0x66: {  	_ =	shalt  }
0x67: {  	_ =	shalt  }
0x68: {  	_ =	shalt  }
0x69: {  	_ =	shalt  }
0x6a: {  	_ =	shalt  }
0x6b: {  	_ =	shalt  }
0x6c: {  	_ =	shalt  }
0x6d: {  	_ =	shalt  }
0x6e: {  	_ =	shalt  }
0x6f: {  	_ =	shalt  }
0x70: {  	_ =	shalt  }
0x71: {  	_ =	shalt  }
0x72: {  	_ =	shalt  }
0x73: {  	_ =	shalt  }
0x74: {  	_ =	shalt  }
0x75: {  	_ =	shalt  }
0x76: {  	_ =	shalt  }
0x77: {  	_ =	shalt  }
0x78: {  	_ =	shalt  }
0x79: {  	_ =	shalt  }
0x7a: {  	_ =	shalt  }
0x7b: {  	_ =	shalt  }
0x7c: {  	_ =	shalt  }
0x7d: {  	_ =	shalt  }
0x7e: {  	_ =	shalt  }
0x7f: {  	_ =	shalt  }
0x80: {  	_ =	shalt  }
0x81: {  	_ =	shalt  }
0x82: {  	_ =	shalt  }
0x83: {  	_ =	shalt  }
0x84: {  	_ =	shalt  }
0x85: {  	_ =	shalt  }
0x86: {  	_ =	shalt  }
0x87: {  	_ =	shalt  }
.Lfunc_end0:
.L_simem_size_0:
called_computation.2_lowered:
.L_overlay_start_0:
0x88: {  	s2 =	sld [smem:$0x3FD9]  }
0x89: {  	s3 =	sld [smem:$0x3FFE];
	_ =	sdelay $0x1  }
0x8a: {  	s1 =	srdreg.scid  }
0x8b: {  	s0 =	sand.u32 $0x1, s1  }
0x8c: {  	s16 =	sshll.u32 s0, $0xA;
	s2 =	sadd.s32 s3, s2  }
0x8d: {  	s2 =	sadd.s32 s2, s16  }
0x8e: {  	[smem:$0x3FBD] =	sst s2  }
0x8f: {  	_ = 	snop  }
0x90: {  	(tm) =	ssettm $0x1  }
0x91: {  	s17 =	sld [smem:$0x3FFB];
	_ =	sdelay $0x3  }
0x92: {  	_ =	strace s17  }
0x93: {  	s2 =	sld [smem:$0x3FFC];
	_ =	sdelay $0x3  }
0x94: {  	_ =	strace s2  }
0x95: {  	s2 =	sld [smem:$0x3FFD];
	_ =	sdelay $0x3  }
0x96: {  	_ =	strace s2  }
0x97: {  	_ =	strace $0x8FFFFFFF  }
0x98: {  	s18 =	sld [smem:$0x3FDB];
	_ =	sdelay $0x1  }
0x99: {  	s19 =	simm.s32 $_scs_section_size  }
0x9a: {  	s4 =	simm.s32 $_size__tile_overlayer_lowered;
	s5 =	simm.s32 $_tile_overlayer_lowered  }
0x9b: {  	s22 =	simm.s32 $0x1BFF;
	s21 =	sshll.u32 s5, $0x1;
	s2 =	sadd.s32 s19, s18  }
0x9c: {  	s6 =	simm.s32 $0x0;
	s20 =	sshll.u32 s4, $0x1;
	s4 =	sadd.s32 s21, s2  }
0x9d: {  	[timem:s6], [sflag:s22] =	dma.local [hbm:s4], s20  }
0x9e: {  	_ =	swait.ge [sflag:s22], s20  }
0x9f: {  	s3 =	ssub.s32 $0x0, s20;
	[sflag:s22] =	ssyncset.done $0x0  }
0xa0: {  	[sflag:s22] =	ssyncadd.s32 s3;
	_ =	sdelay $0x1  }
0xa1: {  	s23 =	simm.s32 $0x1B8B  }
0xa2: {  	_ =	swait.ge [sflag:s23], $0x1  }
0xa3: {  	[sflag:s23] =	ssyncset.done $0x0  }
0xa4: {  	s25 =	simm.s32 $0x1B8E;
	s24 =	sld [smem:$0x3FFE];
	[sflag:s23] =	ssyncadd.s32 $0xFFFFFFFF  }
0xa5: {  	s26 =	simm.s32 $execute0_lowered;
	[smem:$0x3FD2] =	sst s25  }
0xa6: {  	s4 =	sshll.u32 s26, $0x1;
	_ =	strace $0x8000004C;
	[dreg:$0x1] =	wrdreg $0xFFFFFFFF  }
0xa7: {  	s28 =	simm.s32 $_size_execute0_lowered;
	s2 =	sadd.s32 s2, s4;
	[dreg:$0x0] =	wrdreg $0x0  }
0xa8: {  	s4 =	sshll.u32 s28, $0x1;
	[dreg:$0x2] =	wrdreg s2  }
0xa9: {  	[dreg:$0x3] =	wrdreg s4  }
0xaa: {  	[dreg:$0x4] =	wrdreg $0xC0  }
0xab: {  	_ =	task [dreg:s6], $0x5FFFF  }
0xac: {  	[dreg:$0x1] =	wrdreg $0xFFFFFFFF  }
0xad: {  	[dreg:$0x0] =	wrdreg $0x60  }
0xae: {  	[dreg:$0x2] =	wrdreg s24  }
0xaf: {  	[dreg:$0x3] =	wrdreg $0x80000  }
0xb0: {  	[dreg:$0x4] =	wrdreg $0x9  }
0xb1: {  	_ =	task.clear_ibuf [dreg:s6], $0x5FFFF;
	_ =	strace $0x9000004C  }
0xb2: {  	s29 =	simm.s32 $0x9;
	_ =	strace $0x8000004E  }
0xb3: {  	_ =	swait.ge [sflag:s29], $0x1  }
0xb4: {  	[sflag:s29] =	ssyncadd.s32 $0xFFFFFFFF  }
0xb5: {  	_ =	strace $0x9000004E  }
0xb6: {  	_ =	sfence  }
0xb7: {  	s30 =	sld [smem:$0x0];
	_ =	sdelay $0x2  }
0xb8: {  	s31 =	sshll.u32 s1, $0xD;
	s1 =	sshrl.u32 s1, $0x2  }
0xb9: {  	s3 =	sand.u32 $0x4000, s31;
	s1 =	sadd.s32 s1, s30  }
0xba: {  	s0 =	sor.u32 s3, s0;
	s1 =	sshll.u32 s1, $0x11  }
0xbb: {  	s0 =	sor.u32 s1, s0  }
0xbc: {  	s0 =	sadd.s32 $0x8F2B, s0  }
0xbd: {  	[sflag:s0] =	ssyncadd.remote.s32 $0x1  }
0xbe: {  	_ =	sfence.sel $0xFFFF  }
0xbf: {  	[dreg:$0x0] =	wrdreg $0xFFFFFFFF;
	(pc) =	sbr.abs _section_cstart, $3  }
0xc0: {  	[dreg:$0x1] =	wrdreg $0xFFFFFFFF  }
0xc1: {  	_ =	task.clear_ibuf [dreg:s6], $0x2FFFF;
	_ =	strace $0x9FFFFFFF  }
0xc2: {  	(tm) =	ssettm $0x7FFFFFFF  }
0xc3: {  	_ =	shalt  }
tec
execute0_lowered:
.L_overlay_start_1:
0x0: {  	(tag) =	ssettag $0x1  }
0x1: {  	s0 =	rddreg [dreg:$0x0]  }
0x2: {  	s1 =	rddreg [dreg:$0x1]  }
0x3: {  	s2 =	simm.s32 $0x0;
	s3 =	srdreg.scid;
	s13 =	stileid.u32  }
0x4: {  	s16 =	simm.s32 $0x80;
	s18 =	simm.s32 $0x100;
	s20 =	simm.s32 $0xC80  }
0x5: {  	s21 =	simm.s32 $0x180;
	s23 =	simm.s32 $0xD00;
	s24 =	simm.s32 $0x200  }
0x6: {  	s26 =	simm.s32 $0xD80;
	s28 =	simm.s32 $0x1300;
	s29 =	simm.s32 $0x800  }
0x7: {  	s30 =	simm.s32 $0x1380;
	s31 =	simm.s32 $0x880;
	[smem:$0x7FF] =	sst s2  }
0x8: {  	s6 =	smul.u32 $0x2700, s13;
	_ =	strace $0x8000004D;
	[dreg:$0x5] =	wrdreg s16  }
0x9: {  	s3 =	sand.u32 $0x1, s3;
	s7 =	smul.u32 $0x780, s13;
	[dreg:$0x6] =	wrdreg s18  }
0xa: {  	s4 =	sadd.s32 $0x530400, s0;
	s10 =	smul.u32 $0x4E000, s13;
	[dreg:$0x7] =	wrdreg s20  }
0xb: {  	s11 =	sadd.s32 $0x12600, s0;
	s17 =	sshll.u32 s13, $0x6;
	[dreg:$0x8] =	wrdreg s21  }
0xc: {  	p0 =	sne.s32 s13, $0xF;
	s5 =	smul.u32 $0x7800, s3;
	[dreg:$0x9] =	wrdreg s23  }
0xd: {  	s9 =	ssub.s32 $0x2, s3;
	s19 =	sor.u32 $0x1C03, s17;
	[dreg:$0xa] =	wrdreg s24  }
0xe: {  	s22 =	smul.u32 $0x27100, s3;
	[dreg:$0xb] =	wrdreg s26;
	s16 =	simm.s32 $0x380  }
0xf: {  	s3 =	smul.u32 $0x138800, s3;
	s18 =	simm.s32 $0xF00;
	[dreg:$0x10] =	wrdreg s16  }
0x10: {  	s20 =	simm.s32 $0xF80;
	s21 =	simm.s32 $0x480;
	[dreg:$0x11] =	wrdreg s18  }
0x11: {  	s23 =	simm.s32 $0x500;
	s24 =	simm.s32 $0x1080;
	[dreg:$0x13] =	wrdreg s20  }
0x12: {  	s26 =	simm.s32 $0x1100;
	s8 =	sadd.s32 s6, s0;
	[dreg:$0x14] =	wrdreg s21  }
0x13: {  	s12 =	sshrl.u32 s9, $0x1;
	s14 =	sshrl.u32 s10, $0x2;
	[dreg:$0x16] =	wrdreg s23  }
0x14: {  	s10 =	smov.u32 s19;
	s19 =	simm.s32 $0x400;
	[dreg:$0x17] =	wrdreg s24  }
0x15: {  	s16 =	simm.s32 $0x1800;
	s18 =	simm.s32 $0x1;
	[dreg:$0x19] =	wrdreg s26  }
0x16: {  	s20 =	simm.s32 $0x600;
	s21 =	simm.s32 $0x1180;
	s23 =	simm.s32 $0x1200  }
0x17: {  	s24 =	simm.s32 $0x700;
	s26 =	simm.s32 $0x780;
	s5 =	sadd.s32 s5, s0  }
0x18: {  	s8 =	sadd.s32 $0x509200, s8;
	s0 =	sadd.s32 $0x530200, s0;
	[dreg:$0x12] =	wrdreg s19  }
0x19: {  	s25 =	sadd.s32 s6, s22;
	s6 =	simm.s32 $0x280;
	[dreg:$0x1b] =	wrdreg s10  }
0x1a: {  	s3 =	sshrl.u32 s3, $0x3;
	s22 =	simm.s32 $0x1000;
	[dreg:$0x1a] =	wrdreg s8  }
0x1b: {  	s19 =	simm.s32 $0x2;
	s5 =	sadd.s32 s7, s5;
	[dreg:$0x1c] =	wrdreg s0  }
0x1c: {  	s7 =	ssub.s32 s9, s12;
	s9 =	sadd.s32 s14, s1;
	[dreg:$0xc] =	wrdreg s6  }
0x1d: {  	s8 =	sadd.s32 $0x138000, s1;
	s12 =	simm.s32 $0xE00;
	[dreg:$0x15] =	wrdreg s22  }
0x1e: {  	s14 =	simm.s32 $0x300;
	s3 =	sadd.s32 s11, s3;
	[dreg:$0xd] =	wrdreg s12  }
0x1f: {  	s22 =	simm.s32 $0x680;
	s6 =	simm.s32 $0x0;
	[dreg:$0xe] =	wrdreg s14  }
0x20: {  	s0 =	simm.s32 $0x1400;
	s15 =	sadd.s32 $0x3600, s5;
	[smem:$0x7FB] =	sst s6  }
0x21: {  	s5 =	sadd.s32 $0x57E600, s5;
	s3 =	sadd.s32 $0x27000, s3;
	[dreg:$0x3] =	wrdreg s15  }
0x22: {  	s17 =	smax.u32 s7, $0x1;
	s13 =	sshrl.u32 s9, $0x3;
	[dreg:$0x4] =	wrdreg s5  }
0x23: {  	s12 =	simm.s32 $0x3;
	s14 =	simm.s32 $0xC00;
	[dreg:$0x1e] =	wrdreg s3  }
0x24: {  	s7 =	simm.s32 $0x980;
	s9 =	simm.s32 $0x1580;
	[dreg:$0x1f] =	wrdreg s17  }
0x25: {  	s5 =	sadd.s32 s11, s25;
	s15 =	simm.s32 $0xE80;
	[smem:$0x7FC] =	sst s13  }
0x26: {  	s11 =	sshrl.u32 @!p0 s8, $0x3;
	s25 =	simm.s32 $0x580;
	[dreg:$0x1d] =	wrdreg s5  }
0x27: {  	s17 =	simm.s32 $0x4C00;
	s3 =	simm.s32 $0x900;
	[dreg:$0xf] =	wrdreg s15  }
0x28: {  	s8 =	simm.s32 $0x1500;
	s15 =	simm.s32 $0x64;
	[dreg:$0x18] =	wrdreg s25  }
0x29: {  	s25 =	simm.s32 $0x1280;
	s5 =	simm.s32 $0x1480;
	[smem:$0x7FD] =	sst s11  }
.LBB2_1:
0x2a: {  	s6 =	rddreg [dreg:$0x1a]  }
0x2b: {  	[spmem:s13], [sflag:s10] =	dma.local [hbm:s6], $0x2700  }
0x2c: {  	_ =	swait.ge [sflag:s12], $0x2700  }
0x2d: {  	[sflag:s12] =	ssyncset.done $0x0  }
0x2e: {  	s6 =	rddreg [dreg:$0x1c];
	[sflag:s12] =	ssyncadd.s32 $0xFFFFD900  }
0x2f: {  	[spmem:s11], [sflag:s10] =	dma.local @!p0 [hbm:s6], $0x100  }
0x30: {  	s6 =	simm.s32 @!p0 $0x3  }
0x31: {  	_ =	swait.ge @!p0 [sflag:s6], $0x100  }
0x32: {  	[sflag:s6] =	ssyncset.done @!p0 $0x0  }
0x33: {  	[sflag:s6] =	ssyncadd.s32 @!p0 $0xFFFFFF00  }
0x34: {  	[bflag:$0x0] =	sbarrier.arrive $0xFFFF  }
0x35: {  	s11 =	rddreg [dreg:$0x3]  }
0x36: {  	s6 =	sadd.s32 $0x0, s11  }
0x37: {  	[tilespmem:s2], [sflag:$0x3] =	stream.linear.gather [hbm4b:s6+s2], $0xA00, $0x38;
	[tilespmem:$0x1B880] =	vst v63  }
0x38: {  	_ =	swait.ge [sflag:s12], $0xA00  }
0x39: {  	s13 =	rddreg [dreg:$0x4];
	[sflag:s12] =	ssyncset.done $0x0  }
0x3a: {  	[sflag:s12] =	ssyncadd.s32 $0xFFFFF600;
	s6 =	sadd.s32 $0x0, s13  }
0x3b: {  	[tilespmem:s14], [sflag:$0x3] =	stream.linear.gather [hbm4b:s6+s2], $0xA00, $0x38;
	[tilespmem:$0x1B880] =	vst v63  }
0x3c: {  	_ =	swait.ge [sflag:s12], $0xA00  }
0x3d: {  	[sflag:s12] =	ssyncset.done $0x0  }
0x3e: {  	[sflag:s12] =	ssyncadd.s32 $0xFFFFF600  }
0x3f: {  	[tilespmem:s16], [sflag:$0x1] =	stream.indirect.gather [hbm4b:s4+s15], $0x80, s2, s15, $0xb8;
	[tilespmem:$0x1B880] =	vst v63  }
0x40: {  	s10 =	rddreg [dreg:$0x5]  }
0x41: {  	[tilespmem:s17], [sflag:$0x2] =	stream.indirect.gather [hbm4b:s4+s15], $0x80, s10, s15, $0xb8;
	[tilespmem:$0x1B880] =	vst v63  }
0x42: {  	_ =	swait.ge [sflag:s18], $0x3200  }
0x43: {  	[sflag:s18] =	ssyncset.done $0x0  }
0x44: {  	[sflag:s18] =	ssyncadd.s32 $0xFFFFCE00  }
0x45: {  	[spmem:s1] =	stream.indirect.scatter.add.f32 [tilespmem:s16], [sflag:$0x3], $0x80, s14, s15, $0xb8;
	[tilespmem:$0x1B880] =	vst v63  }
0x46: {  	_ =	swait.ge [sflag:s12], $0x3200  }
0x47: {  	[sflag:s12] =	ssyncset.done $0x0  }
0x48: {  	s11 =	rddreg [dreg:$0x6];
	[sflag:s12] =	ssyncadd.s32 $0xFFFFCE00  }
0x49: {  	[tilespmem:s16], [sflag:$0x1] =	stream.indirect.gather [hbm4b:s4+s15], $0x80, s11, s15, $0xb8;
	[tilespmem:$0x1B880] =	vst v63  }
0x4a: {  	_ =	swait.ge [sflag:s19], $0x3200  }
0x4b: {  	[sflag:s19] =	ssyncset.done $0x0  }
0x4c: {  	s13 =	rddreg [dreg:$0x7];
	[sflag:s19] =	ssyncadd.s32 $0xFFFFCE00  }
0x4d: {  	[spmem:s1] =	stream.indirect.scatter.add.f32 [tilespmem:s17], [sflag:$0x3], $0x80, s13, s15, $0xb8;
	[tilespmem:$0x1B880] =	vst v63  }
0x4e: {  	_ =	swait.ge [sflag:s12], $0x3200  }
0x4f: {  	[sflag:s12] =	ssyncset.done $0x0  }
0x50: {  	s10 =	rddreg [dreg:$0x8];
	[sflag:s12] =	ssyncadd.s32 $0xFFFFCE00  }
0x51: {  	[tilespmem:s17], [sflag:$0x2] =	stream.indirect.gather [hbm4b:s4+s15], $0x80, s10, s15, $0xb8;
	[tilespmem:$0x1B880] =	vst v63  }
0x52: {  	_ =	swait.ge [sflag:s18], $0x3200  }
0x53: {  	[sflag:s18] =	ssyncset.done $0x0  }
0x54: {  	s11 =	rddreg [dreg:$0x9];
	[sflag:s18] =	ssyncadd.s32 $0xFFFFCE00  }
0x55: {  	[spmem:s1] =	stream.indirect.scatter.add.f32 [tilespmem:s16], [sflag:$0x3], $0x80, s11, s15, $0xb8;
	[tilespmem:$0x1B880] =	vst v63  }
0x56: {  	_ =	swait.ge [sflag:s12], $0x3200  }
0x57: {  	[sflag:s12] =	ssyncset.done $0x0  }
0x58: {  	s13 =	rddreg [dreg:$0xa];
	[sflag:s12] =	ssyncadd.s32 $0xFFFFCE00  }
0x59: {  	[tilespmem:s16], [sflag:$0x1] =	stream.indirect.gather [hbm4b:s4+s15], $0x80, s13, s15, $0xb8;
	[tilespmem:$0x1B880] =	vst v63  }
0x5a: {  	_ =	swait.ge [sflag:s19], $0x3200  }
0x5b: {  	[sflag:s19] =	ssyncset.done $0x0  }
0x5c: {  	s10 =	rddreg [dreg:$0xb];
	[sflag:s19] =	ssyncadd.s32 $0xFFFFCE00  }
0x5d: {  	[spmem:s1] =	stream.indirect.scatter.add.f32 [tilespmem:s17], [sflag:$0x3], $0x80, s10, s15, $0xb8;
	[tilespmem:$0x1B880] =	vst v63  }
0x5e: {  	_ =	swait.ge [sflag:s12], $0x3200  }
0x5f: {  	[sflag:s12] =	ssyncset.done $0x0  }
0x60: {  	s11 =	rddreg [dreg:$0xc];
	[sflag:s12] =	ssyncadd.s32 $0xFFFFCE00  }
0x61: {  	[tilespmem:s17], [sflag:$0x2] =	stream.indirect.gather [hbm4b:s4+s15], $0x80, s11, s15, $0xb8;
	[tilespmem:$0x1B880] =	vst v63  }
0x62: {  	_ =	swait.ge [sflag:s18], $0x3200  }
0x63: {  	[sflag:s18] =	ssyncset.done $0x0  }
0x64: {  	s13 =	rddreg [dreg:$0xd];
	[sflag:s18] =	ssyncadd.s32 $0xFFFFCE00  }
0x65: {  	[spmem:s1] =	stream.indirect.scatter.add.f32 [tilespmem:s16], [sflag:$0x3], $0x80, s13, s15, $0xb8;
	[tilespmem:$0x1B880] =	vst v63  }
0x66: {  	_ =	swait.ge [sflag:s12], $0x3200  }
0x67: {  	[sflag:s12] =	ssyncset.done $0x0  }
0x68: {  	s10 =	rddreg [dreg:$0xe];
	[sflag:s12] =	ssyncadd.s32 $0xFFFFCE00  }
0x69: {  	[tilespmem:s16], [sflag:$0x1] =	stream.indirect.gather [hbm4b:s4+s15], $0x80, s10, s15, $0xb8;
	[tilespmem:$0x1B880] =	vst v63  }
0x6a: {  	_ =	swait.ge [sflag:s19], $0x3200  }
0x6b: {  	[sflag:s19] =	ssyncset.done $0x0  }
0x6c: {  	s11 =	rddreg [dreg:$0xf];
	[sflag:s19] =	ssyncadd.s32 $0xFFFFCE00  }
0x6d: {  	[spmem:s1] =	stream.indirect.scatter.add.f32 [tilespmem:s17], [sflag:$0x3], $0x80, s11, s15, $0xb8;
	[tilespmem:$0x1B880] =	vst v63  }
0x6e: {  	_ =	swait.ge [sflag:s12], $0x3200  }
0x6f: {  	[sflag:s12] =	ssyncset.done $0x0  }
0x70: {  	s13 =	rddreg [dreg:$0x10];
	[sflag:s12] =	ssyncadd.s32 $0xFFFFCE00  }
0x71: {  	[tilespmem:s17], [sflag:$0x2] =	stream.indirect.gather [hbm4b:s4+s15], $0x80, s13, s15, $0xb8;
	[tilespmem:$0x1B880] =	vst v63  }
0x72: {  	_ =	swait.ge [sflag:s18], $0x3200  }
0x73: {  	[sflag:s18] =	ssyncset.done $0x0  }
0x74: {  	s10 =	rddreg [dreg:$0x11];
	[sflag:s18] =	ssyncadd.s32 $0xFFFFCE00  }
0x75: {  	[spmem:s1] =	stream.indirect.scatter.add.f32 [tilespmem:s16], [sflag:$0x3], $0x80, s10, s15, $0xb8;
	[tilespmem:$0x1B880] =	vst v63  }
0x76: {  	_ =	swait.ge [sflag:s12], $0x3200  }
0x77: {  	[sflag:s12] =	ssyncset.done $0x0  }
0x78: {  	s11 =	rddreg [dreg:$0x12];
	[sflag:s12] =	ssyncadd.s32 $0xFFFFCE00  }
0x79: {  	[tilespmem:s16], [sflag:$0x1] =	stream.indirect.gather [hbm4b:s4+s15], $0x80, s11, s15, $0xb8;
	[tilespmem:$0x1B880] =	vst v63  }
0x7a: {  	_ =	swait.ge [sflag:s19], $0x3200  }
0x7b: {  	[sflag:s19] =	ssyncset.done $0x0  }
0x7c: {  	s13 =	rddreg [dreg:$0x13];
	[sflag:s19] =	ssyncadd.s32 $0xFFFFCE00  }
0x7d: {  	[spmem:s1] =	stream.indirect.scatter.add.f32 [tilespmem:s17], [sflag:$0x3], $0x80, s13, s15, $0xb8;
	[tilespmem:$0x1B880] =	vst v63  }
0x7e: {  	_ =	swait.ge [sflag:s12], $0x3200  }
0x7f: {  	[sflag:s12] =	ssyncset.done $0x0  }
0x80: {  	s10 =	rddreg [dreg:$0x14];
	[sflag:s12] =	ssyncadd.s32 $0xFFFFCE00  }
0x81: {  	[tilespmem:s17], [sflag:$0x2] =	stream.indirect.gather [hbm4b:s4+s15], $0x80, s10, s15, $0xb8;
	[tilespmem:$0x1B880] =	vst v63  }
0x82: {  	_ =	swait.ge [sflag:s18], $0x3200  }
0x83: {  	[sflag:s18] =	ssyncset.done $0x0  }
0x84: {  	s11 =	rddreg [dreg:$0x15];
	[sflag:s18] =	ssyncadd.s32 $0xFFFFCE00  }
0x85: {  	[spmem:s1] =	stream.indirect.scatter.add.f32 [tilespmem:s16], [sflag:$0x3], $0x80, s11, s15, $0xb8;
	[tilespmem:$0x1B880] =	vst v63  }
0x86: {  	_ =	swait.ge [sflag:s12], $0x3200  }
0x87: {  	[sflag:s12] =	ssyncset.done $0x0  }
0x88: {  	s13 =	rddreg [dreg:$0x16];
	[sflag:s12] =	ssyncadd.s32 $0xFFFFCE00  }
0x89: {  	[tilespmem:s16], [sflag:$0x1] =	stream.indirect.gather [hbm4b:s4+s15], $0x80, s13, s15, $0xb8;
	[tilespmem:$0x1B880] =	vst v63  }
0x8a: {  	_ =	swait.ge [sflag:s19], $0x3200  }
0x8b: {  	[sflag:s19] =	ssyncset.done $0x0  }
0x8c: {  	s10 =	rddreg [dreg:$0x17];
	[sflag:s19] =	ssyncadd.s32 $0xFFFFCE00  }
0x8d: {  	[spmem:s1] =	stream.indirect.scatter.add.f32 [tilespmem:s17], [sflag:$0x3], $0x80, s10, s15, $0xb8;
	[tilespmem:$0x1B880] =	vst v63  }
0x8e: {  	_ =	swait.ge [sflag:s12], $0x3200  }
0x8f: {  	[sflag:s12] =	ssyncset.done $0x0  }
0x90: {  	s11 =	rddreg [dreg:$0x18];
	[sflag:s12] =	ssyncadd.s32 $0xFFFFCE00  }
0x91: {  	[tilespmem:s17], [sflag:$0x2] =	stream.indirect.gather [hbm4b:s4+s15], $0x80, s11, s15, $0xb8;
	[tilespmem:$0x1B880] =	vst v63  }
0x92: {  	_ =	swait.ge [sflag:s18], $0x3200  }
0x93: {  	[sflag:s18] =	ssyncset.done $0x0  }
0x94: {  	s13 =	rddreg [dreg:$0x19];
	[sflag:s18] =	ssyncadd.s32 $0xFFFFCE00  }
0x95: {  	[spmem:s1] =	stream.indirect.scatter.add.f32 [tilespmem:s16], [sflag:$0x3], $0x80, s13, s15, $0xb8;
	[tilespmem:$0x1B880] =	vst v63  }
0x96: {  	_ =	swait.ge [sflag:s12], $0x3200  }
0x97: {  	[sflag:s12] =	ssyncset.done $0x0  }
0x98: {  	[sflag:s12] =	ssyncadd.s32 $0xFFFFCE00  }
0x99: {  	[tilespmem:s16], [sflag:$0x1] =	stream.indirect.gather [hbm4b:s4+s15], $0x80, s20, s15, $0xb8;
	[tilespmem:$0x1B880] =	vst v63  }
0x9a: {  	_ =	swait.ge [sflag:s19], $0x3200  }
0x9b: {  	[sflag:s19] =	ssyncset.done $0x0  }
0x9c: {  	[sflag:s19] =	ssyncadd.s32 $0xFFFFCE00  }
0x9d: {  	[spmem:s1] =	stream.indirect.scatter.add.f32 [tilespmem:s17], [sflag:$0x3], $0x80, s21, s15, $0xb8;
	[tilespmem:$0x1B880] =	vst v63  }
0x9e: {  	_ =	swait.ge [sflag:s12], $0x3200  }
0x9f: {  	[sflag:s12] =	ssyncset.done $0x0  }
0xa0: {  	[sflag:s12] =	ssyncadd.s32 $0xFFFFCE00  }
0xa1: {  	[tilespmem:s17], [sflag:$0x2] =	stream.indirect.gather [hbm4b:s4+s15], $0x80, s22, s15, $0xb8;
	[tilespmem:$0x1B880] =	vst v63  }
0xa2: {  	_ =	swait.ge [sflag:s18], $0x3200  }
0xa3: {  	[sflag:s18] =	ssyncset.done $0x0  }
0xa4: {  	[sflag:s18] =	ssyncadd.s32 $0xFFFFCE00  }
0xa5: {  	[spmem:s1] =	stream.indirect.scatter.add.f32 [tilespmem:s16], [sflag:$0x3], $0x80, s23, s15, $0xb8;
	[tilespmem:$0x1B880] =	vst v63  }
0xa6: {  	_ =	swait.ge [sflag:s12], $0x3200  }
0xa7: {  	[sflag:s12] =	ssyncset.done $0x0  }
0xa8: {  	[sflag:s12] =	ssyncadd.s32 $0xFFFFCE00  }
0xa9: {  	[tilespmem:s16], [sflag:$0x1] =	stream.indirect.gather [hbm4b:s4+s15], $0x80, s24, s15, $0xb8;
	[tilespmem:$0x1B880] =	vst v63  }
0xaa: {  	_ =	swait.ge [sflag:s19], $0x3200  }
0xab: {  	[sflag:s19] =	ssyncset.done $0x0  }
0xac: {  	[sflag:s19] =	ssyncadd.s32 $0xFFFFCE00  }
0xad: {  	[spmem:s1] =	stream.indirect.scatter.add.f32 [tilespmem:s17], [sflag:$0x3], $0x80, s25, s15, $0xb8;
	[tilespmem:$0x1B880] =	vst v63  }
0xae: {  	_ =	swait.ge [sflag:s12], $0x3200  }
0xaf: {  	[sflag:s12] =	ssyncset.done $0x0  }
0xb0: {  	[sflag:s12] =	ssyncadd.s32 $0xFFFFCE00  }
0xb1: {  	[tilespmem:s17], [sflag:$0x2] =	stream.indirect.gather [hbm4b:s4+s15], $0x80, s26, s15, $0xb8;
	[tilespmem:$0x1B880] =	vst v63  }
0xb2: {  	_ =	swait.ge [sflag:s18], $0x3200  }
0xb3: {  	[sflag:s18] =	ssyncset.done $0x0  }
0xb4: {  	[sflag:s18] =	ssyncadd.s32 $0xFFFFCE00  }
0xb5: {  	[spmem:s1] =	stream.indirect.scatter.add.f32 [tilespmem:s16], [sflag:$0x3], $0x80, s28, s15, $0xb8;
	[tilespmem:$0x1B880] =	vst v63  }
0xb6: {  	_ =	swait.ge [sflag:s12], $0x3200  }
0xb7: {  	[sflag:s12] =	ssyncset.done $0x0  }
0xb8: {  	[sflag:s12] =	ssyncadd.s32 $0xFFFFCE00  }
0xb9: {  	[tilespmem:s16], [sflag:$0x1] =	stream.indirect.gather [hbm4b:s4+s15], $0x80, s29, s15, $0xb8;
	[tilespmem:$0x1B880] =	vst v63  }
0xba: {  	_ =	swait.ge [sflag:s19], $0x3200  }
0xbb: {  	[sflag:s19] =	ssyncset.done $0x0  }
0xbc: {  	[sflag:s19] =	ssyncadd.s32 $0xFFFFCE00  }
0xbd: {  	[spmem:s1] =	stream.indirect.scatter.add.f32 [tilespmem:s17], [sflag:$0x3], $0x80, s30, s15, $0xb8;
	[tilespmem:$0x1B880] =	vst v63  }
0xbe: {  	_ =	swait.ge [sflag:s12], $0x3200  }
0xbf: {  	[sflag:s12] =	ssyncset.done $0x0  }
0xc0: {  	[sflag:s12] =	ssyncadd.s32 $0xFFFFCE00  }
0xc1: {  	[tilespmem:s17], [sflag:$0x2] =	stream.indirect.gather [hbm4b:s4+s15], $0x80, s31, s15, $0xb8;
	[tilespmem:$0x1B880] =	vst v63  }
0xc2: {  	_ =	swait.ge [sflag:s18], $0x3200  }
0xc3: {  	[sflag:s18] =	ssyncset.done $0x0  }
0xc4: {  	[sflag:s18] =	ssyncadd.s32 $0xFFFFCE00  }
0xc5: {  	[spmem:s1] =	stream.indirect.scatter.add.f32 [tilespmem:s16], [sflag:$0x3], $0x80, s0, s15, $0xb8;
	[tilespmem:$0x1B880] =	vst v63  }
0xc6: {  	_ =	swait.ge [sflag:s12], $0x3200  }
0xc7: {  	[sflag:s12] =	ssyncset.done $0x0  }
0xc8: {  	[sflag:s12] =	ssyncadd.s32 $0xFFFFCE00  }
0xc9: {  	[tilespmem:s16], [sflag:$0x1] =	stream.indirect.gather [hbm4b:s4+s15], $0x80, s3, s15, $0xb8;
	[tilespmem:$0x1B880] =	vst v63  }
0xca: {  	_ =	swait.ge [sflag:s19], $0x3200  }
0xcb: {  	[sflag:s19] =	ssyncset.done $0x0  }
0xcc: {  	[sflag:s19] =	ssyncadd.s32 $0xFFFFCE00  }
0xcd: {  	[spmem:s1] =	stream.indirect.scatter.add.f32 [tilespmem:s17], [sflag:$0x3], $0x80, s5, s15, $0xb8;
	[tilespmem:$0x1B880] =	vst v63  }
0xce: {  	_ =	swait.ge [sflag:s12], $0x3200  }
0xcf: {  	[sflag:s12] =	ssyncset.done $0x0  }
0xd0: {  	[sflag:s12] =	ssyncadd.s32 $0xFFFFCE00  }
0xd1: {  	[tilespmem:s17], [sflag:$0x2] =	stream.indirect.gather [hbm4b:s4+s15], $0x80, s7, s15, $0xb8;
	[tilespmem:$0x1B880] =	vst v63  }
0xd2: {  	_ =	swait.ge [sflag:s18], $0x3200  }
0xd3: {  	[sflag:s18] =	ssyncset.done $0x0  }
0xd4: {  	[sflag:s18] =	ssyncadd.s32 $0xFFFFCE00  }
0xd5: {  	[spmem:s1] =	stream.indirect.scatter.add.f32 [tilespmem:s16], [sflag:$0x3], $0x80, s8, s15, $0xb8;
	[tilespmem:$0x1B880] =	vst v63  }
0xd6: {  	_ =	swait.ge [sflag:s12], $0x3200  }
0xd7: {  	[sflag:s12] =	ssyncset.done $0x0  }
0xd8: {  	[sflag:s12] =	ssyncadd.s32 $0xFFFFCE00  }
0xd9: {  	_ =	swait.ge [sflag:s19], $0x3200  }
0xda: {  	[sflag:s19] =	ssyncset.done $0x0  }
0xdb: {  	[sflag:s19] =	ssyncadd.s32 $0xFFFFCE00  }
0xdc: {  	[spmem:s1] =	stream.indirect.scatter.add.f32 [tilespmem:s17], [sflag:$0x3], $0x80, s9, s15, $0xb8;
	[tilespmem:$0x1B880] =	vst v63  }
0xdd: {  	s11 =	simm.s32 $0x180;
	_ =	swait.ge [sflag:s12], $0x3200  }
0xde: {  	s13 =	simm.s32 $0x300;
	s6 =	rddreg [dreg:$0x3];
	[sflag:s12] =	ssyncset.done $0x0  }
.LBB2_2:
0xdf: {  	[sflag:s12] =	ssyncadd.s32 $0xFFFFCE00;
	s6 =	sadd.s32 s11, s6  }
0xe0: {  	[tilespmem:s2], [sflag:$0x3] =	stream.linear.gather [hbm4b:s6+s2], $0xA00, $0x38;
	[tilespmem:$0x1B880] =	vst v63  }
0xe1: {  	_ =	swait.ge [sflag:s12], $0xA00  }
0xe2: {  	s6 =	rddreg [dreg:$0x4];
	[sflag:s12] =	ssyncset.done $0x0  }
0xe3: {  	[sflag:s12] =	ssyncadd.s32 $0xFFFFF600;
	s6 =	sadd.s32 s11, s6  }
0xe4: {  	[tilespmem:s14], [sflag:$0x3] =	stream.linear.gather [hbm4b:s6+s2], $0xA00, $0x38;
	[tilespmem:$0x1B880] =	vst v63  }
0xe5: {  	_ =	swait.ge [sflag:s12], $0xA00  }
0xe6: {  	[sflag:s12] =	ssyncset.done $0x0  }
0xe7: {  	s10 =	smov.u32 s13;
	[sflag:s12] =	ssyncadd.s32 $0xFFFFF600  }
0xe8: {  	[tilespmem:s16], [sflag:$0x1] =	stream.indirect.gather [hbm4b:s4+s15], $0x80, s2, s15, $0xb8;
	[tilespmem:$0x1B880] =	vst v63  }
0xe9: {  	s11 =	smov.u32 s10;
	s10 =	rddreg [dreg:$0x5]  }
0xea: {  	[tilespmem:s17], [sflag:$0x2] =	stream.indirect.gather [hbm4b:s4+s15], $0x80, s10, s15, $0xb8;
	[tilespmem:$0x1B880] =	vst v63  }
0xeb: {  	_ =	swait.ge [sflag:s18], $0x3200  }
0xec: {  	[sflag:s18] =	ssyncset.done $0x0  }
0xed: {  	[sflag:s18] =	ssyncadd.s32 $0xFFFFCE00  }
0xee: {  	[spmem:s1] =	stream.indirect.scatter.add.f32 [tilespmem:s16], [sflag:$0x3], $0x80, s14, s15, $0xb8;
	[tilespmem:$0x1B880] =	vst v63  }
0xef: {  	_ =	swait.ge [sflag:s12], $0x3200  }
0xf0: {  	[sflag:s12] =	ssyncset.done $0x0  }
0xf1: {  	s10 =	rddreg [dreg:$0x6];
	[sflag:s12] =	ssyncadd.s32 $0xFFFFCE00  }
0xf2: {  	[tilespmem:s16], [sflag:$0x1] =	stream.indirect.gather [hbm4b:s4+s15], $0x80, s10, s15, $0xb8;
	[tilespmem:$0x1B880] =	vst v63  }
0xf3: {  	_ =	swait.ge [sflag:s19], $0x3200  }
0xf4: {  	[sflag:s19] =	ssyncset.done $0x0  }
0xf5: {  	s10 =	rddreg [dreg:$0x7];
	[sflag:s19] =	ssyncadd.s32 $0xFFFFCE00  }
0xf6: {  	[spmem:s1] =	stream.indirect.scatter.add.f32 [tilespmem:s17], [sflag:$0x3], $0x80, s10, s15, $0xb8;
	[tilespmem:$0x1B880] =	vst v63  }
0xf7: {  	_ =	swait.ge [sflag:s12], $0x3200  }
0xf8: {  	[sflag:s12] =	ssyncset.done $0x0  }
0xf9: {  	s10 =	rddreg [dreg:$0x8];
	[sflag:s12] =	ssyncadd.s32 $0xFFFFCE00  }
0xfa: {  	[tilespmem:s17], [sflag:$0x2] =	stream.indirect.gather [hbm4b:s4+s15], $0x80, s10, s15, $0xb8;
	[tilespmem:$0x1B880] =	vst v63  }
0xfb: {  	_ =	swait.ge [sflag:s18], $0x3200  }
0xfc: {  	[sflag:s18] =	ssyncset.done $0x0  }
0xfd: {  	s10 =	rddreg [dreg:$0x9];
	[sflag:s18] =	ssyncadd.s32 $0xFFFFCE00  }
0xfe: {  	[spmem:s1] =	stream.indirect.scatter.add.f32 [tilespmem:s16], [sflag:$0x3], $0x80, s10, s15, $0xb8;
	[tilespmem:$0x1B880] =	vst v63  }
0xff: {  	_ =	swait.ge [sflag:s12], $0x3200  }
0x100: {  	[sflag:s12] =	ssyncset.done $0x0  }
0x101: {  	s10 =	rddreg [dreg:$0xa];
	[sflag:s12] =	ssyncadd.s32 $0xFFFFCE00  }
0x102: {  	[tilespmem:s16], [sflag:$0x1] =	stream.indirect.gather [hbm4b:s4+s15], $0x80, s10, s15, $0xb8;
	[tilespmem:$0x1B880] =	vst v63  }
0x103: {  	_ =	swait.ge [sflag:s19], $0x3200  }
0x104: {  	[sflag:s19] =	ssyncset.done $0x0  }
0x105: {  	s10 =	rddreg [dreg:$0xb];
	[sflag:s19] =	ssyncadd.s32 $0xFFFFCE00  }
0x106: {  	[spmem:s1] =	stream.indirect.scatter.add.f32 [tilespmem:s17], [sflag:$0x3], $0x80, s10, s15, $0xb8;
	[tilespmem:$0x1B880] =	vst v63  }
0x107: {  	_ =	swait.ge [sflag:s12], $0x3200  }
0x108: {  	[sflag:s12] =	ssyncset.done $0x0  }
0x109: {  	s10 =	rddreg [dreg:$0xc];
	[sflag:s12] =	ssyncadd.s32 $0xFFFFCE00  }
0x10a: {  	[tilespmem:s17], [sflag:$0x2] =	stream.indirect.gather [hbm4b:s4+s15], $0x80, s10, s15, $0xb8;
	[tilespmem:$0x1B880] =	vst v63  }
0x10b: {  	_ =	swait.ge [sflag:s18], $0x3200  }
0x10c: {  	[sflag:s18] =	ssyncset.done $0x0  }
0x10d: {  	s10 =	rddreg [dreg:$0xd];
	[sflag:s18] =	ssyncadd.s32 $0xFFFFCE00  }
0x10e: {  	[spmem:s1] =	stream.indirect.scatter.add.f32 [tilespmem:s16], [sflag:$0x3], $0x80, s10, s15, $0xb8;
	[tilespmem:$0x1B880] =	vst v63  }
0x10f: {  	_ =	swait.ge [sflag:s12], $0x3200  }
0x110: {  	[sflag:s12] =	ssyncset.done $0x0  }
0x111: {  	s10 =	rddreg [dreg:$0xe];
	[sflag:s12] =	ssyncadd.s32 $0xFFFFCE00  }
0x112: {  	[tilespmem:s16], [sflag:$0x1] =	stream.indirect.gather [hbm4b:s4+s15], $0x80, s10, s15, $0xb8;
	[tilespmem:$0x1B880] =	vst v63  }
0x113: {  	_ =	swait.ge [sflag:s19], $0x3200  }
0x114: {  	[sflag:s19] =	ssyncset.done $0x0  }
0x115: {  	s10 =	rddreg [dreg:$0xf];
	[sflag:s19] =	ssyncadd.s32 $0xFFFFCE00  }
0x116: {  	[spmem:s1] =	stream.indirect.scatter.add.f32 [tilespmem:s17], [sflag:$0x3], $0x80, s10, s15, $0xb8;
	[tilespmem:$0x1B880] =	vst v63  }
0x117: {  	_ =	swait.ge [sflag:s12], $0x3200  }
0x118: {  	[sflag:s12] =	ssyncset.done $0x0  }
0x119: {  	s10 =	rddreg [dreg:$0x10];
	[sflag:s12] =	ssyncadd.s32 $0xFFFFCE00  }
0x11a: {  	[tilespmem:s17], [sflag:$0x2] =	stream.indirect.gather [hbm4b:s4+s15], $0x80, s10, s15, $0xb8;
	[tilespmem:$0x1B880] =	vst v63  }
0x11b: {  	_ =	swait.ge [sflag:s18], $0x3200  }
0x11c: {  	[sflag:s18] =	ssyncset.done $0x0  }
0x11d: {  	s10 =	rddreg [dreg:$0x11];
	[sflag:s18] =	ssyncadd.s32 $0xFFFFCE00  }
0x11e: {  	[spmem:s1] =	stream.indirect.scatter.add.f32 [tilespmem:s16], [sflag:$0x3], $0x80, s10, s15, $0xb8;
	[tilespmem:$0x1B880] =	vst v63  }
0x11f: {  	_ =	swait.ge [sflag:s12], $0x3200  }
0x120: {  	[sflag:s12] =	ssyncset.done $0x0  }
0x121: {  	s10 =	rddreg [dreg:$0x12];
	[sflag:s12] =	ssyncadd.s32 $0xFFFFCE00  }
0x122: {  	[tilespmem:s16], [sflag:$0x1] =	stream.indirect.gather [hbm4b:s4+s15], $0x80, s10, s15, $0xb8;
	[tilespmem:$0x1B880] =	vst v63  }
0x123: {  	_ =	swait.ge [sflag:s19], $0x3200  }
0x124: {  	[sflag:s19] =	ssyncset.done $0x0  }
0x125: {  	s10 =	rddreg [dreg:$0x13];
	[sflag:s19] =	ssyncadd.s32 $0xFFFFCE00  }
0x126: {  	[spmem:s1] =	stream.indirect.scatter.add.f32 [tilespmem:s17], [sflag:$0x3], $0x80, s10, s15, $0xb8;
	[tilespmem:$0x1B880] =	vst v63  }
0x127: {  	_ =	swait.ge [sflag:s12], $0x3200  }
0x128: {  	[sflag:s12] =	ssyncset.done $0x0  }
0x129: {  	s10 =	rddreg [dreg:$0x14];
	[sflag:s12] =	ssyncadd.s32 $0xFFFFCE00  }
0x12a: {  	[tilespmem:s17], [sflag:$0x2] =	stream.indirect.gather [hbm4b:s4+s15], $0x80, s10, s15, $0xb8;
	[tilespmem:$0x1B880] =	vst v63  }
0x12b: {  	_ =	swait.ge [sflag:s18], $0x3200  }
0x12c: {  	[sflag:s18] =	ssyncset.done $0x0  }
0x12d: {  	s10 =	rddreg [dreg:$0x15];
	[sflag:s18] =	ssyncadd.s32 $0xFFFFCE00  }
0x12e: {  	[spmem:s1] =	stream.indirect.scatter.add.f32 [tilespmem:s16], [sflag:$0x3], $0x80, s10, s15, $0xb8;
	[tilespmem:$0x1B880] =	vst v63  }
0x12f: {  	_ =	swait.ge [sflag:s12], $0x3200  }
0x130: {  	[sflag:s12] =	ssyncset.done $0x0  }
0x131: {  	s10 =	rddreg [dreg:$0x16];
	[sflag:s12] =	ssyncadd.s32 $0xFFFFCE00  }
0x132: {  	[tilespmem:s16], [sflag:$0x1] =	stream.indirect.gather [hbm4b:s4+s15], $0x80, s10, s15, $0xb8;
	[tilespmem:$0x1B880] =	vst v63  }
0x133: {  	_ =	swait.ge [sflag:s19], $0x3200  }
0x134: {  	[sflag:s19] =	ssyncset.done $0x0  }
0x135: {  	s10 =	rddreg [dreg:$0x17];
	[sflag:s19] =	ssyncadd.s32 $0xFFFFCE00  }
0x136: {  	[spmem:s1] =	stream.indirect.scatter.add.f32 [tilespmem:s17], [sflag:$0x3], $0x80, s10, s15, $0xb8;
	[tilespmem:$0x1B880] =	vst v63  }
0x137: {  	_ =	swait.ge [sflag:s12], $0x3200  }
0x138: {  	[sflag:s12] =	ssyncset.done $0x0  }
0x139: {  	s10 =	rddreg [dreg:$0x18];
	[sflag:s12] =	ssyncadd.s32 $0xFFFFCE00  }
0x13a: {  	[tilespmem:s17], [sflag:$0x2] =	stream.indirect.gather [hbm4b:s4+s15], $0x80, s10, s15, $0xb8;
	[tilespmem:$0x1B880] =	vst v63  }
0x13b: {  	_ =	swait.ge [sflag:s18], $0x3200  }
0x13c: {  	[sflag:s18] =	ssyncset.done $0x0  }
0x13d: {  	s10 =	rddreg [dreg:$0x19];
	[sflag:s18] =	ssyncadd.s32 $0xFFFFCE00  }
0x13e: {  	[spmem:s1] =	stream.indirect.scatter.add.f32 [tilespmem:s16], [sflag:$0x3], $0x80, s10, s15, $0xb8;
	[tilespmem:$0x1B880] =	vst v63  }
0x13f: {  	_ =	swait.ge [sflag:s12], $0x3200  }
0x140: {  	[sflag:s12] =	ssyncset.done $0x0  }
0x141: {  	[sflag:s12] =	ssyncadd.s32 $0xFFFFCE00  }
0x142: {  	[tilespmem:s16], [sflag:$0x1] =	stream.indirect.gather [hbm4b:s4+s15], $0x80, s20, s15, $0xb8;
	[tilespmem:$0x1B880] =	vst v63  }
0x143: {  	_ =	swait.ge [sflag:s19], $0x3200  }
0x144: {  	[sflag:s19] =	ssyncset.done $0x0  }
0x145: {  	[sflag:s19] =	ssyncadd.s32 $0xFFFFCE00  }
0x146: {  	[spmem:s1] =	stream.indirect.scatter.add.f32 [tilespmem:s17], [sflag:$0x3], $0x80, s21, s15, $0xb8;
	[tilespmem:$0x1B880] =	vst v63  }
0x147: {  	_ =	swait.ge [sflag:s12], $0x3200  }
0x148: {  	[sflag:s12] =	ssyncset.done $0x0  }
0x149: {  	[sflag:s12] =	ssyncadd.s32 $0xFFFFCE00  }
0x14a: {  	[tilespmem:s17], [sflag:$0x2] =	stream.indirect.gather [hbm4b:s4+s15], $0x80, s22, s15, $0xb8;
	[tilespmem:$0x1B880] =	vst v63  }
0x14b: {  	_ =	swait.ge [sflag:s18], $0x3200  }
0x14c: {  	[sflag:s18] =	ssyncset.done $0x0  }
0x14d: {  	[sflag:s18] =	ssyncadd.s32 $0xFFFFCE00  }
0x14e: {  	[spmem:s1] =	stream.indirect.scatter.add.f32 [tilespmem:s16], [sflag:$0x3], $0x80, s23, s15, $0xb8;
	[tilespmem:$0x1B880] =	vst v63  }
0x14f: {  	_ =	swait.ge [sflag:s12], $0x3200  }
0x150: {  	[sflag:s12] =	ssyncset.done $0x0  }
0x151: {  	[sflag:s12] =	ssyncadd.s32 $0xFFFFCE00  }
0x152: {  	[tilespmem:s16], [sflag:$0x1] =	stream.indirect.gather [hbm4b:s4+s15], $0x80, s24, s15, $0xb8;
	[tilespmem:$0x1B880] =	vst v63  }
0x153: {  	_ =	swait.ge [sflag:s19], $0x3200  }
0x154: {  	[sflag:s19] =	ssyncset.done $0x0  }
0x155: {  	[sflag:s19] =	ssyncadd.s32 $0xFFFFCE00  }
0x156: {  	[spmem:s1] =	stream.indirect.scatter.add.f32 [tilespmem:s17], [sflag:$0x3], $0x80, s25, s15, $0xb8;
	[tilespmem:$0x1B880] =	vst v63  }
0x157: {  	_ =	swait.ge [sflag:s12], $0x3200  }
0x158: {  	[sflag:s12] =	ssyncset.done $0x0  }
0x159: {  	[sflag:s12] =	ssyncadd.s32 $0xFFFFCE00  }
0x15a: {  	[tilespmem:s17], [sflag:$0x2] =	stream.indirect.gather [hbm4b:s4+s15], $0x80, s26, s15, $0xb8;
	[tilespmem:$0x1B880] =	vst v63  }
0x15b: {  	_ =	swait.ge [sflag:s18], $0x3200  }
0x15c: {  	[sflag:s18] =	ssyncset.done $0x0  }
0x15d: {  	[sflag:s18] =	ssyncadd.s32 $0xFFFFCE00  }
0x15e: {  	[spmem:s1] =	stream.indirect.scatter.add.f32 [tilespmem:s16], [sflag:$0x3], $0x80, s28, s15, $0xb8;
	[tilespmem:$0x1B880] =	vst v63  }
0x15f: {  	_ =	swait.ge [sflag:s12], $0x3200  }
0x160: {  	[sflag:s12] =	ssyncset.done $0x0  }
0x161: {  	[sflag:s12] =	ssyncadd.s32 $0xFFFFCE00  }
0x162: {  	[tilespmem:s16], [sflag:$0x1] =	stream.indirect.gather [hbm4b:s4+s15], $0x80, s29, s15, $0xb8;
	[tilespmem:$0x1B880] =	vst v63  }
0x163: {  	_ =	swait.ge [sflag:s19], $0x3200  }
0x164: {  	[sflag:s19] =	ssyncset.done $0x0  }
0x165: {  	[sflag:s19] =	ssyncadd.s32 $0xFFFFCE00  }
0x166: {  	[spmem:s1] =	stream.indirect.scatter.add.f32 [tilespmem:s17], [sflag:$0x3], $0x80, s30, s15, $0xb8;
	[tilespmem:$0x1B880] =	vst v63  }
0x167: {  	_ =	swait.ge [sflag:s12], $0x3200  }
0x168: {  	[sflag:s12] =	ssyncset.done $0x0  }
0x169: {  	[sflag:s12] =	ssyncadd.s32 $0xFFFFCE00  }
0x16a: {  	[tilespmem:s17], [sflag:$0x2] =	stream.indirect.gather [hbm4b:s4+s15], $0x80, s31, s15, $0xb8;
	[tilespmem:$0x1B880] =	vst v63  }
0x16b: {  	_ =	swait.ge [sflag:s18], $0x3200  }
0x16c: {  	[sflag:s18] =	ssyncset.done $0x0  }
0x16d: {  	[sflag:s18] =	ssyncadd.s32 $0xFFFFCE00  }
0x16e: {  	[spmem:s1] =	stream.indirect.scatter.add.f32 [tilespmem:s16], [sflag:$0x3], $0x80, s0, s15, $0xb8;
	[tilespmem:$0x1B880] =	vst v63  }
0x16f: {  	_ =	swait.ge [sflag:s12], $0x3200  }
0x170: {  	[sflag:s12] =	ssyncset.done $0x0  }
0x171: {  	[sflag:s12] =	ssyncadd.s32 $0xFFFFCE00  }
0x172: {  	[tilespmem:s16], [sflag:$0x1] =	stream.indirect.gather [hbm4b:s4+s15], $0x80, s3, s15, $0xb8;
	[tilespmem:$0x1B880] =	vst v63  }
0x173: {  	_ =	swait.ge [sflag:s19], $0x3200  }
0x174: {  	[sflag:s19] =	ssyncset.done $0x0  }
0x175: {  	[sflag:s19] =	ssyncadd.s32 $0xFFFFCE00  }
0x176: {  	[spmem:s1] =	stream.indirect.scatter.add.f32 [tilespmem:s17], [sflag:$0x3], $0x80, s5, s15, $0xb8;
	[tilespmem:$0x1B880] =	vst v63  }
0x177: {  	_ =	swait.ge [sflag:s12], $0x3200  }
0x178: {  	[sflag:s12] =	ssyncset.done $0x0  }
0x179: {  	[sflag:s12] =	ssyncadd.s32 $0xFFFFCE00  }
0x17a: {  	[tilespmem:s17], [sflag:$0x2] =	stream.indirect.gather [hbm4b:s4+s15], $0x80, s7, s15, $0xb8;
	[tilespmem:$0x1B880] =	vst v63  }
0x17b: {  	_ =	swait.ge [sflag:s18], $0x3200  }
0x17c: {  	[sflag:s18] =	ssyncset.done $0x0  }
0x17d: {  	[sflag:s18] =	ssyncadd.s32 $0xFFFFCE00  }
0x17e: {  	[spmem:s1] =	stream.indirect.scatter.add.f32 [tilespmem:s16], [sflag:$0x3], $0x80, s8, s15, $0xb8;
	[tilespmem:$0x1B880] =	vst v63  }
0x17f: {  	_ =	swait.ge [sflag:s12], $0x3200  }
0x180: {  	[sflag:s12] =	ssyncset.done $0x0  }
0x181: {  	[sflag:s12] =	ssyncadd.s32 $0xFFFFCE00  }
0x182: {  	p1 =	sne.s32 s13, $0x600;
	_ =	swait.ge [sflag:s19], $0x3200  }
.Ltmp0:
0x183: {  	[sflag:s19] =	ssyncset.done $0x0;
	(pc) =	sbr.rel @p1 .LBB2_2-.Ltmp0, $4  }
0x184: {  	[sflag:s19] =	ssyncadd.s32 $0xFFFFCE00  }
0x185: {  	[spmem:s1] =	stream.indirect.scatter.add.f32 [tilespmem:s17], [sflag:$0x3], $0x80, s9, s15, $0xb8;
	[tilespmem:$0x1B880] =	vst v63  }
0x186: {  	_ =	swait.ge [sflag:s12], $0x3200  }
0x187: {  	s13 =	sadd.s32 $0x180, s13;
	s6 =	rddreg [dreg:$0x3];
	[sflag:s12] =	ssyncset.done $0x0  }
0x188: {  	[sflag:s12] =	ssyncadd.s32 $0xFFFFCE00;
	s6 =	sadd.s32 s11, s6  }
0x189: {  	[tilespmem:s2], [sflag:$0x3] =	stream.linear.gather [hbm4b:s6+s2], $0xA00, $0x38;
	[tilespmem:$0x1B880] =	vst v63  }
0x18a: {  	_ =	swait.ge [sflag:s12], $0xA00  }
0x18b: {  	s10 =	rddreg [dreg:$0x4];
	[sflag:s12] =	ssyncset.done $0x0  }
0x18c: {  	s6 =	sadd.s32 s11, s10;
	[sflag:s12] =	ssyncadd.s32 $0xFFFFF600  }
0x18d: {  	[tilespmem:s14], [sflag:$0x3] =	stream.linear.gather [hbm4b:s6+s2], $0xA00, $0x38;
	[tilespmem:$0x1B880] =	vst v63  }
0x18e: {  	_ =	swait.ge [sflag:s12], $0xA00  }
0x18f: {  	[sflag:s12] =	ssyncset.done $0x0  }
0x190: {  	[sflag:s12] =	ssyncadd.s32 $0xFFFFF600  }
0x191: {  	[tilespmem:s16], [sflag:$0x1] =	stream.indirect.gather [hbm4b:s4+s15], $0x80, s2, s15, $0xb8;
	[tilespmem:$0x1B880] =	vst v63  }
0x192: {  	s11 =	rddreg [dreg:$0x5]  }
0x193: {  	[tilespmem:s17], [sflag:$0x2] =	stream.indirect.gather [hbm4b:s4+s15], $0x80, s11, s15, $0xb8;
	[tilespmem:$0x1B880] =	vst v63  }
0x194: {  	_ =	swait.ge [sflag:s18], $0x3200  }
0x195: {  	[sflag:s18] =	ssyncset.done $0x0  }
0x196: {  	[sflag:s18] =	ssyncadd.s32 $0xFFFFCE00  }
0x197: {  	[spmem:s1] =	stream.indirect.scatter.add.f32 [tilespmem:s16], [sflag:$0x3], $0x80, s14, s15, $0xb8;
	[tilespmem:$0x1B880] =	vst v63  }
0x198: {  	_ =	swait.ge [sflag:s12], $0x3200  }
0x199: {  	[sflag:s12] =	ssyncset.done $0x0  }
0x19a: {  	s13 =	rddreg [dreg:$0x6];
	[sflag:s12] =	ssyncadd.s32 $0xFFFFCE00  }
0x19b: {  	[tilespmem:s16], [sflag:$0x1] =	stream.indirect.gather [hbm4b:s4+s15], $0x80, s13, s15, $0xb8;
	[tilespmem:$0x1B880] =	vst v63  }
0x19c: {  	_ =	swait.ge [sflag:s19], $0x3200  }
0x19d: {  	[sflag:s19] =	ssyncset.done $0x0  }
0x19e: {  	s10 =	rddreg [dreg:$0x7];
	[sflag:s19] =	ssyncadd.s32 $0xFFFFCE00  }
0x19f: {  	[spmem:s1] =	stream.indirect.scatter.add.f32 [tilespmem:s17], [sflag:$0x3], $0x80, s10, s15, $0xb8;
	[tilespmem:$0x1B880] =	vst v63  }
0x1a0: {  	_ =	swait.ge [sflag:s12], $0x3200  }
0x1a1: {  	[sflag:s12] =	ssyncset.done $0x0  }
0x1a2: {  	s11 =	rddreg [dreg:$0x8];
	[sflag:s12] =	ssyncadd.s32 $0xFFFFCE00  }
0x1a3: {  	[tilespmem:s17], [sflag:$0x2] =	stream.indirect.gather [hbm4b:s4+s15], $0x80, s11, s15, $0xb8;
	[tilespmem:$0x1B880] =	vst v63  }
0x1a4: {  	_ =	swait.ge [sflag:s18], $0x3200  }
0x1a5: {  	[sflag:s18] =	ssyncset.done $0x0  }
0x1a6: {  	s13 =	rddreg [dreg:$0x9];
	[sflag:s18] =	ssyncadd.s32 $0xFFFFCE00  }
0x1a7: {  	[spmem:s1] =	stream.indirect.scatter.add.f32 [tilespmem:s16], [sflag:$0x3], $0x80, s13, s15, $0xb8;
	[tilespmem:$0x1B880] =	vst v63  }
0x1a8: {  	_ =	swait.ge [sflag:s12], $0x3200  }
0x1a9: {  	[sflag:s12] =	ssyncset.done $0x0  }
0x1aa: {  	s10 =	rddreg [dreg:$0xa];
	[sflag:s12] =	ssyncadd.s32 $0xFFFFCE00  }
0x1ab: {  	[tilespmem:s16], [sflag:$0x1] =	stream.indirect.gather [hbm4b:s4+s15], $0x80, s10, s15, $0xb8;
	[tilespmem:$0x1B880] =	vst v63  }
0x1ac: {  	_ =	swait.ge [sflag:s19], $0x3200  }
0x1ad: {  	[sflag:s19] =	ssyncset.done $0x0  }
0x1ae: {  	s11 =	rddreg [dreg:$0xb];
	[sflag:s19] =	ssyncadd.s32 $0xFFFFCE00  }
0x1af: {  	[spmem:s1] =	stream.indirect.scatter.add.f32 [tilespmem:s17], [sflag:$0x3], $0x80, s11, s15, $0xb8;
	[tilespmem:$0x1B880] =	vst v63  }
0x1b0: {  	_ =	swait.ge [sflag:s12], $0x3200  }
0x1b1: {  	[sflag:s12] =	ssyncset.done $0x0  }
0x1b2: {  	s13 =	rddreg [dreg:$0xc];
	[sflag:s12] =	ssyncadd.s32 $0xFFFFCE00  }
0x1b3: {  	[tilespmem:s17], [sflag:$0x2] =	stream.indirect.gather [hbm4b:s4+s15], $0x80, s13, s15, $0xb8;
	[tilespmem:$0x1B880] =	vst v63  }
0x1b4: {  	_ =	swait.ge [sflag:s18], $0x3200  }
0x1b5: {  	[sflag:s18] =	ssyncset.done $0x0  }
0x1b6: {  	s10 =	rddreg [dreg:$0xd];
	[sflag:s18] =	ssyncadd.s32 $0xFFFFCE00  }
0x1b7: {  	[spmem:s1] =	stream.indirect.scatter.add.f32 [tilespmem:s16], [sflag:$0x3], $0x80, s10, s15, $0xb8;
	[tilespmem:$0x1B880] =	vst v63  }
0x1b8: {  	_ =	swait.ge [sflag:s12], $0x3200  }
0x1b9: {  	[sflag:s12] =	ssyncset.done $0x0  }
0x1ba: {  	s11 =	rddreg [dreg:$0xe];
	[sflag:s12] =	ssyncadd.s32 $0xFFFFCE00  }
0x1bb: {  	[tilespmem:s16], [sflag:$0x1] =	stream.indirect.gather [hbm4b:s4+s15], $0x80, s11, s15, $0xb8;
	[tilespmem:$0x1B880] =	vst v63  }
0x1bc: {  	_ =	swait.ge [sflag:s19], $0x3200  }
0x1bd: {  	[sflag:s19] =	ssyncset.done $0x0  }
0x1be: {  	s13 =	rddreg [dreg:$0xf];
	[sflag:s19] =	ssyncadd.s32 $0xFFFFCE00  }
0x1bf: {  	[spmem:s1] =	stream.indirect.scatter.add.f32 [tilespmem:s17], [sflag:$0x3], $0x80, s13, s15, $0xb8;
	[tilespmem:$0x1B880] =	vst v63  }
0x1c0: {  	_ =	swait.ge [sflag:s12], $0x3200  }
0x1c1: {  	[sflag:s12] =	ssyncset.done $0x0  }
0x1c2: {  	s10 =	rddreg [dreg:$0x10];
	[sflag:s12] =	ssyncadd.s32 $0xFFFFCE00  }
0x1c3: {  	[tilespmem:s17], [sflag:$0x2] =	stream.indirect.gather [hbm4b:s4+s15], $0x80, s10, s15, $0xb8;
	[tilespmem:$0x1B880] =	vst v63  }
0x1c4: {  	_ =	swait.ge [sflag:s18], $0x3200  }
0x1c5: {  	[sflag:s18] =	ssyncset.done $0x0  }
0x1c6: {  	s11 =	rddreg [dreg:$0x11];
	[sflag:s18] =	ssyncadd.s32 $0xFFFFCE00  }
0x1c7: {  	[spmem:s1] =	stream.indirect.scatter.add.f32 [tilespmem:s16], [sflag:$0x3], $0x80, s11, s15, $0xb8;
	[tilespmem:$0x1B880] =	vst v63  }
0x1c8: {  	_ =	swait.ge [sflag:s12], $0x3200  }
0x1c9: {  	[sflag:s12] =	ssyncset.done $0x0  }
0x1ca: {  	s13 =	rddreg [dreg:$0x12];
	[sflag:s12] =	ssyncadd.s32 $0xFFFFCE00  }
0x1cb: {  	[tilespmem:s16], [sflag:$0x1] =	stream.indirect.gather [hbm4b:s4+s15], $0x80, s13, s15, $0xb8;
	[tilespmem:$0x1B880] =	vst v63  }
0x1cc: {  	_ =	swait.ge [sflag:s19], $0x3200  }
0x1cd: {  	[sflag:s19] =	ssyncset.done $0x0  }
0x1ce: {  	s10 =	rddreg [dreg:$0x13];
	[sflag:s19] =	ssyncadd.s32 $0xFFFFCE00  }
0x1cf: {  	[spmem:s1] =	stream.indirect.scatter.add.f32 [tilespmem:s17], [sflag:$0x3], $0x80, s10, s15, $0xb8;
	[tilespmem:$0x1B880] =	vst v63  }
0x1d0: {  	_ =	swait.ge [sflag:s12], $0x3200  }
0x1d1: {  	[sflag:s12] =	ssyncset.done $0x0  }
0x1d2: {  	s11 =	rddreg [dreg:$0x14];
	[sflag:s12] =	ssyncadd.s32 $0xFFFFCE00  }
0x1d3: {  	[tilespmem:s17], [sflag:$0x2] =	stream.indirect.gather [hbm4b:s4+s15], $0x80, s11, s15, $0xb8;
	[tilespmem:$0x1B880] =	vst v63  }
0x1d4: {  	_ =	swait.ge [sflag:s18], $0x3200  }
0x1d5: {  	[sflag:s18] =	ssyncset.done $0x0  }
0x1d6: {  	s13 =	rddreg [dreg:$0x15];
	[sflag:s18] =	ssyncadd.s32 $0xFFFFCE00  }
0x1d7: {  	[spmem:s1] =	stream.indirect.scatter.add.f32 [tilespmem:s16], [sflag:$0x3], $0x80, s13, s15, $0xb8;
	[tilespmem:$0x1B880] =	vst v63  }
0x1d8: {  	_ =	swait.ge [sflag:s12], $0x3200  }
0x1d9: {  	[sflag:s12] =	ssyncset.done $0x0  }
0x1da: {  	s10 =	rddreg [dreg:$0x16];
	[sflag:s12] =	ssyncadd.s32 $0xFFFFCE00  }
0x1db: {  	[tilespmem:s16], [sflag:$0x1] =	stream.indirect.gather [hbm4b:s4+s15], $0x80, s10, s15, $0xb8;
	[tilespmem:$0x1B880] =	vst v63  }
0x1dc: {  	_ =	swait.ge [sflag:s19], $0x3200  }
0x1dd: {  	[sflag:s19] =	ssyncset.done $0x0  }
0x1de: {  	s11 =	rddreg [dreg:$0x17];
	[sflag:s19] =	ssyncadd.s32 $0xFFFFCE00  }
0x1df: {  	[spmem:s1] =	stream.indirect.scatter.add.f32 [tilespmem:s17], [sflag:$0x3], $0x80, s11, s15, $0xb8;
	[tilespmem:$0x1B880] =	vst v63  }
0x1e0: {  	_ =	swait.ge [sflag:s12], $0x3200  }
0x1e1: {  	[sflag:s12] =	ssyncset.done $0x0  }
0x1e2: {  	s13 =	rddreg [dreg:$0x18];
	[sflag:s12] =	ssyncadd.s32 $0xFFFFCE00  }
0x1e3: {  	[tilespmem:s17], [sflag:$0x2] =	stream.indirect.gather [hbm4b:s4+s15], $0x80, s13, s15, $0xb8;
	[tilespmem:$0x1B880] =	vst v63  }
0x1e4: {  	_ =	swait.ge [sflag:s18], $0x3200  }
0x1e5: {  	[sflag:s18] =	ssyncset.done $0x0  }
0x1e6: {  	s10 =	rddreg [dreg:$0x19];
	[sflag:s18] =	ssyncadd.s32 $0xFFFFCE00  }
0x1e7: {  	[spmem:s1] =	stream.indirect.scatter.add.f32 [tilespmem:s16], [sflag:$0x3], $0x80, s10, s15, $0xb8;
	[tilespmem:$0x1B880] =	vst v63  }
0x1e8: {  	_ =	swait.ge [sflag:s12], $0x3200  }
0x1e9: {  	[sflag:s12] =	ssyncset.done $0x0  }
0x1ea: {  	[sflag:s12] =	ssyncadd.s32 $0xFFFFCE00  }
0x1eb: {  	[tilespmem:s16], [sflag:$0x1] =	stream.indirect.gather [hbm4b:s4+s15], $0x80, s20, s15, $0xb8;
	[tilespmem:$0x1B880] =	vst v63  }
0x1ec: {  	_ =	swait.ge [sflag:s19], $0x3200  }
0x1ed: {  	[sflag:s19] =	ssyncset.done $0x0  }
0x1ee: {  	[sflag:s19] =	ssyncadd.s32 $0xFFFFCE00  }
0x1ef: {  	[spmem:s1] =	stream.indirect.scatter.add.f32 [tilespmem:s17], [sflag:$0x3], $0x80, s21, s15, $0xb8;
	[tilespmem:$0x1B880] =	vst v63  }
0x1f0: {  	_ =	swait.ge [sflag:s12], $0x3200  }
0x1f1: {  	[sflag:s12] =	ssyncset.done $0x0  }
0x1f2: {  	[sflag:s12] =	ssyncadd.s32 $0xFFFFCE00  }
0x1f3: {  	[tilespmem:s17], [sflag:$0x2] =	stream.indirect.gather [hbm4b:s4+s15], $0x80, s22, s15, $0xb8;
	[tilespmem:$0x1B880] =	vst v63  }
0x1f4: {  	_ =	swait.ge [sflag:s18], $0x3200  }
0x1f5: {  	[sflag:s18] =	ssyncset.done $0x0  }
0x1f6: {  	[sflag:s18] =	ssyncadd.s32 $0xFFFFCE00  }
0x1f7: {  	[spmem:s1] =	stream.indirect.scatter.add.f32 [tilespmem:s16], [sflag:$0x3], $0x80, s23, s15, $0xb8;
	[tilespmem:$0x1B880] =	vst v63  }
0x1f8: {  	_ =	swait.ge [sflag:s12], $0x3200  }
0x1f9: {  	[sflag:s12] =	ssyncset.done $0x0  }
0x1fa: {  	[sflag:s12] =	ssyncadd.s32 $0xFFFFCE00  }
0x1fb: {  	[tilespmem:s16], [sflag:$0x1] =	stream.indirect.gather [hbm4b:s4+s15], $0x80, s24, s15, $0xb8;
	[tilespmem:$0x1B880] =	vst v63  }
0x1fc: {  	_ =	swait.ge [sflag:s19], $0x3200  }
0x1fd: {  	[sflag:s19] =	ssyncset.done $0x0  }
0x1fe: {  	[sflag:s19] =	ssyncadd.s32 $0xFFFFCE00  }
0x1ff: {  	[spmem:s1] =	stream.indirect.scatter.add.f32 [tilespmem:s17], [sflag:$0x3], $0x80, s25, s15, $0xb8;
	[tilespmem:$0x1B880] =	vst v63  }
0x200: {  	_ =	swait.ge [sflag:s12], $0x3200  }
0x201: {  	[sflag:s12] =	ssyncset.done $0x0  }
0x202: {  	[sflag:s12] =	ssyncadd.s32 $0xFFFFCE00  }
0x203: {  	[tilespmem:s17], [sflag:$0x2] =	stream.indirect.gather [hbm4b:s4+s15], $0x80, s26, s15, $0xb8;
	[tilespmem:$0x1B880] =	vst v63  }
0x204: {  	_ =	swait.ge [sflag:s18], $0x3200  }
0x205: {  	[sflag:s18] =	ssyncset.done $0x0  }
0x206: {  	[sflag:s18] =	ssyncadd.s32 $0xFFFFCE00  }
0x207: {  	[spmem:s1] =	stream.indirect.scatter.add.f32 [tilespmem:s16], [sflag:$0x3], $0x80, s28, s15, $0xb8;
	[tilespmem:$0x1B880] =	vst v63  }
0x208: {  	_ =	swait.ge [sflag:s12], $0x3200  }
0x209: {  	[sflag:s12] =	ssyncset.done $0x0  }
0x20a: {  	[sflag:s12] =	ssyncadd.s32 $0xFFFFCE00  }
0x20b: {  	[tilespmem:s16], [sflag:$0x1] =	stream.indirect.gather [hbm4b:s4+s15], $0x80, s29, s15, $0xb8;
	[tilespmem:$0x1B880] =	vst v63  }
0x20c: {  	_ =	swait.ge [sflag:s19], $0x3200  }
0x20d: {  	[sflag:s19] =	ssyncset.done $0x0  }
0x20e: {  	[sflag:s19] =	ssyncadd.s32 $0xFFFFCE00  }
0x20f: {  	[spmem:s1] =	stream.indirect.scatter.add.f32 [tilespmem:s17], [sflag:$0x3], $0x80, s30, s15, $0xb8;
	[tilespmem:$0x1B880] =	vst v63  }
0x210: {  	_ =	swait.ge [sflag:s12], $0x3200  }
0x211: {  	[sflag:s12] =	ssyncset.done $0x0  }
0x212: {  	[sflag:s12] =	ssyncadd.s32 $0xFFFFCE00  }
0x213: {  	[tilespmem:s17], [sflag:$0x2] =	stream.indirect.gather [hbm4b:s4+s15], $0x80, s31, s15, $0xb8;
	[tilespmem:$0x1B880] =	vst v63  }
0x214: {  	_ =	swait.ge [sflag:s18], $0x3200  }
0x215: {  	[sflag:s18] =	ssyncset.done $0x0  }
0x216: {  	[sflag:s18] =	ssyncadd.s32 $0xFFFFCE00  }
0x217: {  	[spmem:s1] =	stream.indirect.scatter.add.f32 [tilespmem:s16], [sflag:$0x3], $0x80, s0, s15, $0xb8;
	[tilespmem:$0x1B880] =	vst v63  }
0x218: {  	_ =	swait.ge [sflag:s12], $0x3200  }
0x219: {  	[sflag:s12] =	ssyncset.done $0x0  }
0x21a: {  	[sflag:s12] =	ssyncadd.s32 $0xFFFFCE00  }
0x21b: {  	[tilespmem:s16], [sflag:$0x1] =	stream.indirect.gather [hbm4b:s4+s15], $0x80, s3, s15, $0xb8;
	[tilespmem:$0x1B880] =	vst v63  }
0x21c: {  	_ =	swait.ge [sflag:s19], $0x3200  }
0x21d: {  	[sflag:s19] =	ssyncset.done $0x0  }
0x21e: {  	[sflag:s19] =	ssyncadd.s32 $0xFFFFCE00  }
0x21f: {  	[spmem:s1] =	stream.indirect.scatter.add.f32 [tilespmem:s17], [sflag:$0x3], $0x80, s5, s15, $0xb8;
	[tilespmem:$0x1B880] =	vst v63  }
0x220: {  	_ =	swait.ge [sflag:s12], $0x3200  }
0x221: {  	[sflag:s12] =	ssyncset.done $0x0  }
0x222: {  	[sflag:s12] =	ssyncadd.s32 $0xFFFFCE00  }
0x223: {  	[tilespmem:s17], [sflag:$0x2] =	stream.indirect.gather [hbm4b:s4+s15], $0x80, s7, s15, $0xb8;
	[tilespmem:$0x1B880] =	vst v63  }
0x224: {  	_ =	swait.ge [sflag:s18], $0x3200  }
0x225: {  	[sflag:s18] =	ssyncset.done $0x0  }
0x226: {  	[sflag:s18] =	ssyncadd.s32 $0xFFFFCE00  }
0x227: {  	[spmem:s1] =	stream.indirect.scatter.add.f32 [tilespmem:s16], [sflag:$0x3], $0x80, s8, s15, $0xb8;
	[tilespmem:$0x1B880] =	vst v63  }
0x228: {  	_ =	swait.ge [sflag:s12], $0x3200  }
0x229: {  	[sflag:s12] =	ssyncset.done $0x0  }
0x22a: {  	[sflag:s12] =	ssyncadd.s32 $0xFFFFCE00  }
0x22b: {  	_ =	swait.ge [sflag:s19], $0x3200  }
0x22c: {  	[sflag:s19] =	ssyncset.done $0x0  }
0x22d: {  	[sflag:s19] =	ssyncadd.s32 $0xFFFFCE00  }
0x22e: {  	[spmem:s1] =	stream.indirect.scatter.add.f32 [tilespmem:s17], [sflag:$0x3], $0x80, s9, s15, $0xb8;
	[tilespmem:$0x1B880] =	vst v63  }
0x22f: {  	_ =	swait.ge [sflag:s12], $0x3200  }
0x230: {  	[sflag:s12] =	ssyncset.done $0x0  }
0x231: {  	[sflag:s12] =	ssyncadd.s32 $0xFFFFCE00  }
0x232: {  	[bflag:$0x0] =	sbarrier.arrive $0xFFFF  }
0x233: {  	s13 =	sld [smem:$0x7FC]  }
0x234: {  	s10 =	rddreg [dreg:$0x1b]  }
0x235: {  	s11 =	rddreg [dreg:$0x1d]  }
0x236: {  	[hbm:s11], [sflag:s10] =	dma.local [spmem:s13], $0x2700  }
0x237: {  	_ =	swait.ge [sflag:s12], $0x2700  }
0x238: {  	s13 =	sld [smem:$0x7FD]  }
0x239: {  	[sflag:s12] =	ssyncset.done $0x0  }
0x23a: {  	s11 =	simm.s32 @!p0 $0x3;
	s6 =	rddreg [dreg:$0x1e];
	[sflag:s12] =	ssyncadd.s32 $0xFFFFD900  }
0x23b: {  	[hbm:s6], [sflag:s10] =	dma.local @!p0 [spmem:s13], $0x100  }
0x23c: {  	_ =	swait.ge @!p0 [sflag:s11], $0x100  }
0x23d: {  	s6 =	sld [smem:$0x7FB];
	_ =	sdelay $0x2  }
0x23e: {  	[sflag:s11] =	ssyncset.done @!p0 $0x0;
	s11 =	rddreg [dreg:$0x1f];
	s6 =	sadd.s32 $0x1, s6  }
0x23f: {  	p1 =	sne.s32 s6, s11  }
.Ltmp1:
0x240: {  	_ = 	snop;
	(pc) =	sbr.rel @p1 .LBB2_1-.Ltmp1, $4  }
0x241: {  	_ = 	snop  }
0x242: {  	[smem:$0x7FB] =	sst s6  }
0x243: {  	s11 =	smov.u32 s13;
	s13 =	sld [smem:$0x7FC];
	s6 =	simm.s32 @!p0 $0x3  }
0x244: {  	[sflag:s6] =	ssyncadd.s32 @!p0 $0xFFFFFF00  }
0x245: {  	_ =	sfence.sel $0x180000  }
0x246: {  	[bflag:$0x0] =	sbarrier.arrive $0xFFFF  }
0x247: {  	_ =	strace $0x9000004D  }
0x248: {  	s0 =	stileid.u32;
	[bflag:$0x2] =	sbarrier.arrive $0xFFFF  }
0x249: {  	p0 =	sne.s32 s0, $0x0;
	s0 =	rddreg [dreg:$0x2]  }
0x24a: {  	s0 =	sadd.s32 @!p0 $0x100000, s0  }
0x24b: {  	[sflag:s0] =	ssyncadd.tile.s32 @!p0 $0x1;
	_ =	shalt  }
.Lfunc_end2:
_tile_overlayer_lowered:
.L_overlay_start_2:
0x24c: {  	(tag) =	ssettag $0x2  }
0x24d: {  	s0 =	rddreg [dreg:$0x0];
	s2 =	stileid.u32  }
0x24e: {  	s1 =	rddreg [dreg:$0x1];
	p0 =	sne.s32 s2, $0x0  }
0x24f: {  	s3 =	rddreg [dreg:$0x2];
	[bflag:$0x3] =	sbarrier.arrive $0xFFFF;
	s2 =	simm.s32 @!p0 $0x1C03  }
0x250: {  	[timem:s3], [sflag:s2] =	dma.local @!p0 [hbm:s0], s1  }
0x251: {  	s0 =	simm.s32 @!p0 $0x3  }
0x252: {  	_ =	swait.ge @!p0 [sflag:s0], s1  }
0x253: {  	s1 =	ssub.s32 @!p0 $0x0, s1;
	[sflag:s0] =	ssyncset.done @!p0 $0x0  }
0x254: {  	[sflag:s0] =	ssyncadd.s32 @!p0 s1  }
0x255: {  	[bflag:$0x3] =	sbarrier.arrive $0xFFFF  }
0x256: {  	_ =	shalt  }

// kernel: kernel.20.cloned.1.call-start
scs
__scs_entry_jumppad:
0x0: {  	(pc) =	sbr.rel $0x88, $3  }
0x1: {  	(tag) =	ssettag $0x0;
	lr =	simm.s32 $0x1  }
0x2: {  	[smem:$0x3F96] =	sst lr;
	_ =	strace $0xD0000000  }
0x3: {  	_ = 	snop  }
0x4: {  	_ = 	snop  }
0x5: {  	_ = 	snop  }
0x6: {  	_ = 	snop  }
0x7: {  	_ = 	snop  }
__scs_overlays_trampoline_lowered:
0x8: {  	[smem:$0x3FA5] =	sst s0  }
0x9: {  	[smem:$0x3FA6] =	sst s1  }
0xa: {  	[smem:$0x3FA7] =	sst s2  }
0xb: {  	[smem:$0x3FA8] =	sst s3  }
0xc: {  	[smem:$0x3FA9] =	sst s4  }
0xd: {  	[smem:$0x3FAA] =	sst s5  }
0xe: {  	[smem:$0x3FAB] =	sst s6  }
0xf: {  	[smem:$0x3FAC] =	sst s7  }
0x10: {  	[smem:$0x3FAD] =	sst s8  }
0x11: {  	[smem:$0x3FAE] =	sst s9;
	s0 =	simm.s32 @!p0 $0x0  }
0x12: {  	s1 =	sld [smem:$0x3F94];
	s0 =	simm.s32 @p0 $0x1  }
0x13: {  	[smem:$0x3FAF] =	sst s0;
	s0 =	simm.s32 @!p1 $0x0  }
0x14: {  	s2 =	sld [smem:$0x3F93];
	s0 =	simm.s32 @p1 $0x1  }
0x15: {  	[smem:$0x3FB0] =	sst s0;
	s0 =	simm.s32 @!p2 $0x0  }
0x16: {  	s3 =	sld [smem:$0x3FDB];
	s0 =	simm.s32 @p2 $0x1  }
0x17: {  	s4 =	simm.s32 $0x1BF5;
	[smem:$0x3FB2] =	sst s0  }
0x18: {  	s0 =	sld [smem:$0x3F95];
	_ =	swait.ge [sflag:s4], $0x0  }
0x19: {  	s7 =	sld [smem:$0x3F96]  }
0x1a: {  	s8 =	sadd.s32 $0xFFFFE003, lr  }
0x1b: {  	s9 =	sadd.s32 $0xFFFFFEF7, lr;
	s5 =	simm.s32 $0xFFFFFFFF;
	p2 =	slt.u32 s8, $0xFFFFF086  }
0x1c: {  	p1 =	slt.u32 s9, $0xF7A;
	s5 =	simm.s32 @!p2 $0x0  }
0x1d: {  	s5 =	simm.s32 @p1 $0x1;
	p0 =	seq.s32 s7, s2  }
0x1e: {  	s7 =	smul.u32 @!p0 $0xF7A, s2;
	p2 =	seq.s32 @!p0 s5, $0x0  }
0x1f: {  	s9 =	smul.u32 $0xF7A, s1;
	s8 =	simm.s32 @!p0 $0x1BF5;
	p2 =	por !p2, p0  }
0x20: {  	[sflag:s8] =	ssyncset.s32 @!p0 $0xFFFFF086;
	s6 =	sadd.s32 @!p0 s3, s7;
	s7 =	simm.s32 @!p0 $0x108  }
0x21: {  	s3 =	sadd.s32 s3, s9;
	s6 =	sadd.s32 @!p0 $0x88, s6;
	s7 =	simm.s32 @p2 $0x1082  }
0x22: {  	[simem:s7], [sflag:s8] =	dma.local @!p0 [hbm:s6], $0xF7A  }
0x23: {  	s9 =	sor.u32 $0xD0000000, s2;
	s6 =	simm.s32 $0x108;
	_ =	swait.ge @!p0 [sflag:s8], $0x0  }
0x24: {  	s3 =	sadd.s32 $0x88, s3;
	s6 =	simm.s32 @!p1 $0x1082;
	[sflag:s4] =	ssyncset.s32 $0xFFFFF086  }
0x25: {  	[simem:s6], [sflag:s4] =	dma.local [hbm:s3], $0xF7A  }
0x26: {  	[smem:$0x3F96] =	sst s1;
	(tag) =	ssettag s2;
	_ =	strace s9  }
0x27: {  	s1 =	sld [smem:$0x3FA6]  }
0x28: {  	s2 =	sld [smem:$0x3FA7]  }
0x29: {  	s4 =	sld [smem:$0x3FA9]  }
0x2a: {  	p0 =	seq.s32 s5, $0x0;
	s5 =	sld [smem:$0x3FAA]  }
0x2b: {  	s6 =	sld [smem:$0x3FAB]  }
0x2c: {  	s7 =	sld [smem:$0x3FAC]  }
0x2d: {  	s3 =	simm.s32 $0x108;
	s8 =	sld [smem:$0x3FAD]  }
0x2e: {  	s3 =	simm.s32 @!p0 $0x1082;
	s9 =	sld [smem:$0x3FAE]  }
0x2f: {  	lr =	sadd.s32 s0, s3;
	s0 =	sld [smem:$0x3FA5]  }
0x30: {  	s3 =	sld [smem:$0x3FA8]  }
0x31: {  	[smem:$0x3FB1] =	sst s10  }
0x32: {  	s10 =	sld [smem:$0x3FAF];
	_ =	sdelay $0x3  }
0x33: {  	p0 =	seq.s32 s10, $0x1;
	s10 =	sld [smem:$0x3FB1];
	_ =	sdelay $0x3  }
0x34: {  	[smem:$0x3FB1] =	sst s10  }
0x35: {  	s10 =	sld [smem:$0x3FB0];
	_ =	sdelay $0x3  }
0x36: {  	p1 =	seq.s32 s10, $0x1;
	s10 =	sld [smem:$0x3FB1];
	_ =	sdelay $0x3  }
0x37: {  	[smem:$0x3FB1] =	sst s10  }
0x38: {  	s10 =	sld [smem:$0x3FB2]  }
0x39: {  	_ = 	snop;
	(pc) =	sbr.ind lr, $3  }
0x3a: {  	_ = 	snop  }
0x3b: {  	_ = 	snop  }
0x3c: {  	p2 =	seq.s32 s10, $0x1;
	s10 =	sld [smem:$0x3FB1]  }
0x3d: {  	_ =	shalt  }
0x3e: {  	_ =	shalt  }
0x3f: {  	_ =	shalt  }
0x40: {  	_ =	shalt  }
0x41: {  	_ =	shalt  }
0x42: {  	_ =	shalt  }
0x43: {  	_ =	shalt  }
0x44: {  	_ =	shalt  }
0x45: {  	_ =	shalt  }
0x46: {  	_ =	shalt  }
0x47: {  	_ =	shalt  }
0x48: {  	_ =	shalt  }
0x49: {  	_ =	shalt  }
0x4a: {  	_ =	shalt  }
0x4b: {  	_ =	shalt  }
0x4c: {  	_ =	shalt  }
0x4d: {  	_ =	shalt  }
0x4e: {  	_ =	shalt  }
0x4f: {  	_ =	shalt  }
0x50: {  	_ =	shalt  }
0x51: {  	_ =	shalt  }
0x52: {  	_ =	shalt  }
0x53: {  	_ =	shalt  }
0x54: {  	_ =	shalt  }
0x55: {  	_ =	shalt  }
0x56: {  	_ =	shalt  }
0x57: {  	_ =	shalt  }
0x58: {  	_ =	shalt  }
0x59: {  	_ =	shalt  }
0x5a: {  	_ =	shalt  }
0x5b: {  	_ =	shalt  }
0x5c: {  	_ =	shalt  }
0x5d: {  	_ =	shalt  }
0x5e: {  	_ =	shalt  }
0x5f: {  	_ =	shalt  }
0x60: {  	_ =	shalt  }
0x61: {  	_ =	shalt  }
0x62: {  	_ =	shalt  }
0x63: {  	_ =	shalt  }
0x64: {  	_ =	shalt  }
0x65: {  	_ =	shalt  }
0x66: {  	_ =	shalt  }
0x67: {  	_ =	shalt  }
0x68: {  	_ =	shalt  }
0x69: {  	_ =	shalt  }
0x6a: {  	_ =	shalt  }
0x6b: {  	_ =	shalt  }
0x6c: {  	_ =	shalt  }
0x6d: {  	_ =	shalt  }
0x6e: {  	_ =	shalt  }
0x6f: {  	_ =	shalt  }
0x70: {  	_ =	shalt  }
0x71: {  	_ =	shalt  }
0x72: {  	_ =	shalt  }
0x73: {  	_ =	shalt  }
0x74: {  	_ =	shalt  }
0x75: {  	_ =	shalt  }
0x76: {  	_ =	shalt  }
0x77: {  	_ =	shalt  }
0x78: {  	_ =	shalt  }
0x79: {  	_ =	shalt  }
0x7a: {  	_ =	shalt  }
0x7b: {  	_ =	shalt  }
0x7c: {  	_ =	shalt  }
0x7d: {  	_ =	shalt  }
0x7e: {  	_ =	shalt  }
0x7f: {  	_ =	shalt  }
0x80: {  	_ =	shalt  }
0x81: {  	_ =	shalt  }
0x82: {  	_ =	shalt  }
0x83: {  	_ =	shalt  }
0x84: {  	_ =	shalt  }
0x85: {  	_ =	shalt  }
0x86: {  	_ =	shalt  }
0x87: {  	_ =	shalt  }
.Lfunc_end0:
.L_simem_size_0:
called_computation.3_lowered:
.L_overlay_start_0:
0x88: {  	s2 =	sld [smem:$0x3FD9]  }
0x89: {  	s3 =	sld [smem:$0x3FFE];
	_ =	sdelay $0x1  }
0x8a: {  	s1 =	srdreg.scid  }
0x8b: {  	s0 =	sand.u32 $0x1, s1  }
0x8c: {  	s16 =	sshll.u32 s0, $0xA;
	s2 =	sadd.s32 s3, s2  }
0x8d: {  	s2 =	sadd.s32 s2, s16  }
0x8e: {  	[smem:$0x3FBD] =	sst s2  }
0x8f: {  	_ = 	snop  }
0x90: {  	(tm) =	ssettm $0x1  }
0x91: {  	s17 =	sld [smem:$0x3FFB];
	_ =	sdelay $0x3  }
0x92: {  	_ =	strace s17  }
0x93: {  	s2 =	sld [smem:$0x3FFC];
	_ =	sdelay $0x3  }
0x94: {  	_ =	strace s2  }
0x95: {  	s2 =	sld [smem:$0x3FFD];
	_ =	sdelay $0x3  }
0x96: {  	_ =	strace s2  }
0x97: {  	_ =	strace $0x8FFFFFFF  }
0x98: {  	s18 =	sld [smem:$0x3FDB];
	_ =	sdelay $0x1  }
0x99: {  	s19 =	simm.s32 $_scs_section_size  }
0x9a: {  	s4 =	simm.s32 $_size__tile_overlayer_lowered;
	s5 =	simm.s32 $_tile_overlayer_lowered  }
0x9b: {  	s22 =	simm.s32 $0x1BFF;
	s21 =	sshll.u32 s5, $0x1;
	s2 =	sadd.s32 s19, s18  }
0x9c: {  	s6 =	simm.s32 $0x0;
	s20 =	sshll.u32 s4, $0x1;
	s4 =	sadd.s32 s21, s2  }
0x9d: {  	[timem:s6], [sflag:s22] =	dma.local [hbm:s4], s20  }
0x9e: {  	_ =	swait.ge [sflag:s22], s20  }
0x9f: {  	s3 =	ssub.s32 $0x0, s20;
	[sflag:s22] =	ssyncset.done $0x0  }
0xa0: {  	[sflag:s22] =	ssyncadd.s32 s3;
	_ =	sdelay $0x1  }
0xa1: {  	s23 =	simm.s32 $0x1B8B  }
0xa2: {  	_ =	swait.ge [sflag:s23], $0x1  }
0xa3: {  	[sflag:s23] =	ssyncset.done $0x0  }
0xa4: {  	s25 =	simm.s32 $0x1B8E;
	s24 =	sld [smem:$0x3FFE];
	[sflag:s23] =	ssyncadd.s32 $0xFFFFFFFF  }
0xa5: {  	s26 =	simm.s32 $execute0_lowered;
	[smem:$0x3FD2] =	sst s25  }
0xa6: {  	s4 =	sshll.u32 s26, $0x1;
	_ =	strace $0x8000004F;
	[dreg:$0x1] =	wrdreg $0xFFFFFFFF  }
0xa7: {  	s28 =	simm.s32 $_size_execute0_lowered;
	s2 =	sadd.s32 s2, s4;
	[dreg:$0x0] =	wrdreg $0x0  }
0xa8: {  	s4 =	sshll.u32 s28, $0x1;
	[dreg:$0x2] =	wrdreg s2  }
0xa9: {  	[dreg:$0x3] =	wrdreg s4  }
0xaa: {  	[dreg:$0x4] =	wrdreg $0xC0  }
0xab: {  	_ =	task [dreg:s6], $0x5FFFF  }
0xac: {  	[dreg:$0x1] =	wrdreg $0xFFFFFFFF  }
0xad: {  	[dreg:$0x0] =	wrdreg $0x60  }
0xae: {  	[dreg:$0x2] =	wrdreg s24  }
0xaf: {  	[dreg:$0x3] =	wrdreg $0x80000  }
0xb0: {  	[dreg:$0x4] =	wrdreg $0x9  }
0xb1: {  	_ =	task.clear_ibuf [dreg:s6], $0x5FFFF;
	_ =	strace $0x9000004F  }
0xb2: {  	s29 =	simm.s32 $0x9;
	_ =	strace $0x80000051  }
0xb3: {  	_ =	swait.ge [sflag:s29], $0x1  }
0xb4: {  	[sflag:s29] =	ssyncadd.s32 $0xFFFFFFFF  }
0xb5: {  	_ =	strace $0x90000051  }
0xb6: {  	_ =	sfence  }
0xb7: {  	s30 =	sld [smem:$0x0];
	_ =	sdelay $0x2  }
0xb8: {  	s31 =	sshll.u32 s1, $0xD;
	s1 =	sshrl.u32 s1, $0x2  }
0xb9: {  	s3 =	sand.u32 $0x4000, s31;
	s1 =	sadd.s32 s1, s30  }
0xba: {  	s0 =	sor.u32 s3, s0;
	s1 =	sshll.u32 s1, $0x11  }
0xbb: {  	s0 =	sor.u32 s1, s0  }
0xbc: {  	s0 =	sadd.s32 $0x8F2B, s0  }
0xbd: {  	[sflag:s0] =	ssyncadd.remote.s32 $0x1  }
0xbe: {  	_ =	sfence.sel $0xFFFF  }
0xbf: {  	[dreg:$0x0] =	wrdreg $0xFFFFFFFF;
	(pc) =	sbr.abs _section_cstart, $3  }
0xc0: {  	[dreg:$0x1] =	wrdreg $0xFFFFFFFF  }
0xc1: {  	_ =	task.clear_ibuf [dreg:s6], $0x2FFFF;
	_ =	strace $0x9FFFFFFF  }
0xc2: {  	(tm) =	ssettm $0x7FFFFFFF  }
0xc3: {  	_ =	shalt  }
tec
execute0_lowered:
.L_overlay_start_1:
0x0: {  	(tag) =	ssettag $0x1  }
0x1: {  	s0 =	rddreg [dreg:$0x0]  }
0x2: {  	s1 =	rddreg [dreg:$0x1]  }
0x3: {  	s2 =	simm.s32 $0x0;
	s3 =	srdreg.scid;
	s13 =	stileid.u32  }
0x4: {  	s16 =	simm.s32 $0x80;
	s18 =	simm.s32 $0x100;
	s20 =	simm.s32 $0xC80  }
0x5: {  	s21 =	simm.s32 $0x180;
	s23 =	simm.s32 $0xD00;
	s24 =	simm.s32 $0x200  }
0x6: {  	s26 =	simm.s32 $0xD80;
	s28 =	simm.s32 $0x1300;
	s29 =	simm.s32 $0x800  }
0x7: {  	s30 =	simm.s32 $0x1380;
	s31 =	simm.s32 $0x880;
	[smem:$0x7FF] =	sst s2  }
0x8: {  	s6 =	smul.u32 $0x2700, s13;
	_ =	strace $0x80000050;
	[dreg:$0x5] =	wrdreg s16  }
0x9: {  	s3 =	sand.u32 $0x1, s3;
	s7 =	smul.u32 $0x780, s13;
	[dreg:$0x6] =	wrdreg s18  }
0xa: {  	s4 =	sadd.s32 $0x530400, s0;
	s10 =	smul.u32 $0x4E000, s13;
	[dreg:$0x7] =	wrdreg s20  }
0xb: {  	s11 =	sadd.s32 $0x12600, s0;
	s17 =	sshll.u32 s13, $0x6;
	[dreg:$0x8] =	wrdreg s21  }
0xc: {  	p0 =	sne.s32 s13, $0xF;
	s5 =	smul.u32 $0x7800, s3;
	[dreg:$0x9] =	wrdreg s23  }
0xd: {  	s9 =	ssub.s32 $0x2, s3;
	s19 =	sor.u32 $0x1C03, s17;
	[dreg:$0xa] =	wrdreg s24  }
0xe: {  	s22 =	smul.u32 $0x27100, s3;
	[dreg:$0xb] =	wrdreg s26;
	s16 =	simm.s32 $0x380  }
0xf: {  	s3 =	smul.u32 $0x138800, s3;
	s18 =	simm.s32 $0xF00;
	[dreg:$0x10] =	wrdreg s16  }
0x10: {  	s20 =	simm.s32 $0xF80;
	s21 =	simm.s32 $0x480;
	[dreg:$0x11] =	wrdreg s18  }
0x11: {  	s23 =	simm.s32 $0x500;
	s24 =	simm.s32 $0x1080;
	[dreg:$0x13] =	wrdreg s20  }
0x12: {  	s26 =	simm.s32 $0x1100;
	s8 =	sadd.s32 s6, s0;
	[dreg:$0x14] =	wrdreg s21  }
0x13: {  	s12 =	sshrl.u32 s9, $0x1;
	s14 =	sshrl.u32 s10, $0x2;
	[dreg:$0x16] =	wrdreg s23  }
0x14: {  	s10 =	smov.u32 s19;
	s19 =	simm.s32 $0x400;
	[dreg:$0x17] =	wrdreg s24  }
0x15: {  	s16 =	simm.s32 $0x1800;
	s18 =	simm.s32 $0x1;
	[dreg:$0x19] =	wrdreg s26  }
0x16: {  	s20 =	simm.s32 $0x600;
	s21 =	simm.s32 $0x1180;
	s23 =	simm.s32 $0x1200  }
0x17: {  	s24 =	simm.s32 $0x700;
	s26 =	simm.s32 $0x780;
	s5 =	sadd.s32 s5, s0  }
0x18: {  	s8 =	sadd.s32 $0x509200, s8;
	s0 =	sadd.s32 $0x530200, s0;
	[dreg:$0x12] =	wrdreg s19  }
0x19: {  	s25 =	sadd.s32 s6, s22;
	s6 =	simm.s32 $0x280;
	[dreg:$0x1b] =	wrdreg s10  }
0x1a: {  	s3 =	sshrl.u32 s3, $0x3;
	s22 =	simm.s32 $0x1000;
	[dreg:$0x1a] =	wrdreg s8  }
0x1b: {  	s19 =	simm.s32 $0x2;
	s5 =	sadd.s32 s7, s5;
	[dreg:$0x1c] =	wrdreg s0  }
0x1c: {  	s7 =	ssub.s32 s9, s12;
	s9 =	sadd.s32 s14, s1;
	[dreg:$0xc] =	wrdreg s6  }
0x1d: {  	s8 =	sadd.s32 $0x138000, s1;
	s12 =	simm.s32 $0xE00;
	[dreg:$0x15] =	wrdreg s22  }
0x1e: {  	s14 =	simm.s32 $0x300;
	s3 =	sadd.s32 s11, s3;
	[dreg:$0xd] =	wrdreg s12  }
0x1f: {  	s22 =	simm.s32 $0x680;
	s6 =	simm.s32 $0x0;
	[dreg:$0xe] =	wrdreg s14  }
0x20: {  	s0 =	simm.s32 $0x1400;
	s15 =	sadd.s32 $0x3600, s5;
	[smem:$0x7FB] =	sst s6  }
0x21: {  	s5 =	sadd.s32 $0x57E600, s5;
	s3 =	sadd.s32 $0x27000, s3;
	[dreg:$0x3] =	wrdreg s15  }
0x22: {  	s17 =	smax.u32 s7, $0x1;
	s13 =	sshrl.u32 s9, $0x3;
	[dreg:$0x4] =	wrdreg s5  }
0x23: {  	s12 =	simm.s32 $0x3;
	s14 =	simm.s32 $0xC00;
	[dreg:$0x1e] =	wrdreg s3  }
0x24: {  	s7 =	simm.s32 $0x980;
	s9 =	simm.s32 $0x1580;
	[dreg:$0x1f] =	wrdreg s17  }
0x25: {  	s5 =	sadd.s32 s11, s25;
	s15 =	simm.s32 $0xE80;
	[smem:$0x7FC] =	sst s13  }
0x26: {  	s11 =	sshrl.u32 @!p0 s8, $0x3;
	s25 =	simm.s32 $0x580;
	[dreg:$0x1d] =	wrdreg s5  }
0x27: {  	s17 =	simm.s32 $0x4C00;
	s3 =	simm.s32 $0x900;
	[dreg:$0xf] =	wrdreg s15  }
0x28: {  	s8 =	simm.s32 $0x1500;
	s15 =	simm.s32 $0x64;
	[dreg:$0x18] =	wrdreg s25  }
0x29: {  	s25 =	simm.s32 $0x1280;
	s5 =	simm.s32 $0x1480;
	[smem:$0x7FD] =	sst s11  }
.LBB2_1:
0x2a: {  	s6 =	rddreg [dreg:$0x1a]  }
0x2b: {  	[spmem:s13], [sflag:s10] =	dma.local [hbm:s6], $0x2700  }
0x2c: {  	_ =	swait.ge [sflag:s12], $0x2700  }
0x2d: {  	[sflag:s12] =	ssyncset.done $0x0  }
0x2e: {  	s6 =	rddreg [dreg:$0x1c];
	[sflag:s12] =	ssyncadd.s32 $0xFFFFD900  }
0x2f: {  	[spmem:s11], [sflag:s10] =	dma.local @!p0 [hbm:s6], $0x100  }
0x30: {  	s6 =	simm.s32 @!p0 $0x3  }
0x31: {  	_ =	swait.ge @!p0 [sflag:s6], $0x100  }
0x32: {  	[sflag:s6] =	ssyncset.done @!p0 $0x0  }
0x33: {  	[sflag:s6] =	ssyncadd.s32 @!p0 $0xFFFFFF00  }
0x34: {  	[bflag:$0x0] =	sbarrier.arrive $0xFFFF  }
0x35: {  	s11 =	rddreg [dreg:$0x3]  }
0x36: {  	s6 =	sadd.s32 $0x0, s11  }
0x37: {  	[tilespmem:s2], [sflag:$0x3] =	stream.linear.gather [hbm4b:s6+s2], $0xA00, $0x38;
	[tilespmem:$0x1B880] =	vst v63  }
0x38: {  	_ =	swait.ge [sflag:s12], $0xA00  }
0x39: {  	s13 =	rddreg [dreg:$0x4];
	[sflag:s12] =	ssyncset.done $0x0  }
0x3a: {  	[sflag:s12] =	ssyncadd.s32 $0xFFFFF600;
	s6 =	sadd.s32 $0x0, s13  }
0x3b: {  	[tilespmem:s14], [sflag:$0x3] =	stream.linear.gather [hbm4b:s6+s2], $0xA00, $0x38;
	[tilespmem:$0x1B880] =	vst v63  }
0x3c: {  	_ =	swait.ge [sflag:s12], $0xA00  }
0x3d: {  	[sflag:s12] =	ssyncset.done $0x0  }
0x3e: {  	[sflag:s12] =	ssyncadd.s32 $0xFFFFF600  }
0x3f: {  	[tilespmem:s16], [sflag:$0x1] =	stream.indirect.gather [hbm4b:s4+s15], $0x80, s2, s15, $0xb8;
	[tilespmem:$0x1B880] =	vst v63  }
0x40: {  	s10 =	rddreg [dreg:$0x5]  }
0x41: {  	[tilespmem:s17], [sflag:$0x2] =	stream.indirect.gather [hbm4b:s4+s15], $0x80, s10, s15, $0xb8;
	[tilespmem:$0x1B880] =	vst v63  }
0x42: {  	_ =	swait.ge [sflag:s18], $0x3200  }
0x43: {  	[sflag:s18] =	ssyncset.done $0x0  }
0x44: {  	[sflag:s18] =	ssyncadd.s32 $0xFFFFCE00  }
0x45: {  	[spmem:s1] =	stream.indirect.scatter.add.f32 [tilespmem:s16], [sflag:$0x3], $0x80, s14, s15, $0xb8;
	[tilespmem:$0x1B880] =	vst v63  }
0x46: {  	_ =	swait.ge [sflag:s12], $0x3200  }
0x47: {  	[sflag:s12] =	ssyncset.done $0x0  }
0x48: {  	s11 =	rddreg [dreg:$0x6];
	[sflag:s12] =	ssyncadd.s32 $0xFFFFCE00  }
0x49: {  	[tilespmem:s16], [sflag:$0x1] =	stream.indirect.gather [hbm4b:s4+s15], $0x80, s11, s15, $0xb8;
	[tilespmem:$0x1B880] =	vst v63  }
0x4a: {  	_ =	swait.ge [sflag:s19], $0x3200  }
0x4b: {  	[sflag:s19] =	ssyncset.done $0x0  }
0x4c: {  	s13 =	rddreg [dreg:$0x7];
	[sflag:s19] =	ssyncadd.s32 $0xFFFFCE00  }
0x4d: {  	[spmem:s1] =	stream.indirect.scatter.add.f32 [tilespmem:s17], [sflag:$0x3], $0x80, s13, s15, $0xb8;
	[tilespmem:$0x1B880] =	vst v63  }
0x4e: {  	_ =	swait.ge [sflag:s12], $0x3200  }
0x4f: {  	[sflag:s12] =	ssyncset.done $0x0  }
0x50: {  	s10 =	rddreg [dreg:$0x8];
	[sflag:s12] =	ssyncadd.s32 $0xFFFFCE00  }
0x51: {  	[tilespmem:s17], [sflag:$0x2] =	stream.indirect.gather [hbm4b:s4+s15], $0x80, s10, s15, $0xb8;
	[tilespmem:$0x1B880] =	vst v63  }
0x52: {  	_ =	swait.ge [sflag:s18], $0x3200  }
0x53: {  	[sflag:s18] =	ssyncset.done $0x0  }
0x54: {  	s11 =	rddreg [dreg:$0x9];
	[sflag:s18] =	ssyncadd.s32 $0xFFFFCE00  }
0x55: {  	[spmem:s1] =	stream.indirect.scatter.add.f32 [tilespmem:s16], [sflag:$0x3], $0x80, s11, s15, $0xb8;
	[tilespmem:$0x1B880] =	vst v63  }
0x56: {  	_ =	swait.ge [sflag:s12], $0x3200  }
0x57: {  	[sflag:s12] =	ssyncset.done $0x0  }
0x58: {  	s13 =	rddreg [dreg:$0xa];
	[sflag:s12] =	ssyncadd.s32 $0xFFFFCE00  }
0x59: {  	[tilespmem:s16], [sflag:$0x1] =	stream.indirect.gather [hbm4b:s4+s15], $0x80, s13, s15, $0xb8;
	[tilespmem:$0x1B880] =	vst v63  }
0x5a: {  	_ =	swait.ge [sflag:s19], $0x3200  }
0x5b: {  	[sflag:s19] =	ssyncset.done $0x0  }
0x5c: {  	s10 =	rddreg [dreg:$0xb];
	[sflag:s19] =	ssyncadd.s32 $0xFFFFCE00  }
0x5d: {  	[spmem:s1] =	stream.indirect.scatter.add.f32 [tilespmem:s17], [sflag:$0x3], $0x80, s10, s15, $0xb8;
	[tilespmem:$0x1B880] =	vst v63  }
0x5e: {  	_ =	swait.ge [sflag:s12], $0x3200  }
0x5f: {  	[sflag:s12] =	ssyncset.done $0x0  }
0x60: {  	s11 =	rddreg [dreg:$0xc];
	[sflag:s12] =	ssyncadd.s32 $0xFFFFCE00  }
0x61: {  	[tilespmem:s17], [sflag:$0x2] =	stream.indirect.gather [hbm4b:s4+s15], $0x80, s11, s15, $0xb8;
	[tilespmem:$0x1B880] =	vst v63  }
0x62: {  	_ =	swait.ge [sflag:s18], $0x3200  }
0x63: {  	[sflag:s18] =	ssyncset.done $0x0  }
0x64: {  	s13 =	rddreg [dreg:$0xd];
	[sflag:s18] =	ssyncadd.s32 $0xFFFFCE00  }
0x65: {  	[spmem:s1] =	stream.indirect.scatter.add.f32 [tilespmem:s16], [sflag:$0x3], $0x80, s13, s15, $0xb8;
	[tilespmem:$0x1B880] =	vst v63  }
0x66: {  	_ =	swait.ge [sflag:s12], $0x3200  }
0x67: {  	[sflag:s12] =	ssyncset.done $0x0  }
0x68: {  	s10 =	rddreg [dreg:$0xe];
	[sflag:s12] =	ssyncadd.s32 $0xFFFFCE00  }
0x69: {  	[tilespmem:s16], [sflag:$0x1] =	stream.indirect.gather [hbm4b:s4+s15], $0x80, s10, s15, $0xb8;
	[tilespmem:$0x1B880] =	vst v63  }
0x6a: {  	_ =	swait.ge [sflag:s19], $0x3200  }
0x6b: {  	[sflag:s19] =	ssyncset.done $0x0  }
0x6c: {  	s11 =	rddreg [dreg:$0xf];
	[sflag:s19] =	ssyncadd.s32 $0xFFFFCE00  }
0x6d: {  	[spmem:s1] =	stream.indirect.scatter.add.f32 [tilespmem:s17], [sflag:$0x3], $0x80, s11, s15, $0xb8;
	[tilespmem:$0x1B880] =	vst v63  }
0x6e: {  	_ =	swait.ge [sflag:s12], $0x3200  }
0x6f: {  	[sflag:s12] =	ssyncset.done $0x0  }
0x70: {  	s13 =	rddreg [dreg:$0x10];
	[sflag:s12] =	ssyncadd.s32 $0xFFFFCE00  }
0x71: {  	[tilespmem:s17], [sflag:$0x2] =	stream.indirect.gather [hbm4b:s4+s15], $0x80, s13, s15, $0xb8;
	[tilespmem:$0x1B880] =	vst v63  }
0x72: {  	_ =	swait.ge [sflag:s18], $0x3200  }
0x73: {  	[sflag:s18] =	ssyncset.done $0x0  }
0x74: {  	s10 =	rddreg [dreg:$0x11];
	[sflag:s18] =	ssyncadd.s32 $0xFFFFCE00  }
0x75: {  	[spmem:s1] =	stream.indirect.scatter.add.f32 [tilespmem:s16], [sflag:$0x3], $0x80, s10, s15, $0xb8;
	[tilespmem:$0x1B880] =	vst v63  }
0x76: {  	_ =	swait.ge [sflag:s12], $0x3200  }
0x77: {  	[sflag:s12] =	ssyncset.done $0x0  }
0x78: {  	s11 =	rddreg [dreg:$0x12];
	[sflag:s12] =	ssyncadd.s32 $0xFFFFCE00  }
0x79: {  	[tilespmem:s16], [sflag:$0x1] =	stream.indirect.gather [hbm4b:s4+s15], $0x80, s11, s15, $0xb8;
	[tilespmem:$0x1B880] =	vst v63  }
0x7a: {  	_ =	swait.ge [sflag:s19], $0x3200  }
0x7b: {  	[sflag:s19] =	ssyncset.done $0x0  }
0x7c: {  	s13 =	rddreg [dreg:$0x13];
	[sflag:s19] =	ssyncadd.s32 $0xFFFFCE00  }
0x7d: {  	[spmem:s1] =	stream.indirect.scatter.add.f32 [tilespmem:s17], [sflag:$0x3], $0x80, s13, s15, $0xb8;
	[tilespmem:$0x1B880] =	vst v63  }
0x7e: {  	_ =	swait.ge [sflag:s12], $0x3200  }
0x7f: {  	[sflag:s12] =	ssyncset.done $0x0  }
0x80: {  	s10 =	rddreg [dreg:$0x14];
	[sflag:s12] =	ssyncadd.s32 $0xFFFFCE00  }
0x81: {  	[tilespmem:s17], [sflag:$0x2] =	stream.indirect.gather [hbm4b:s4+s15], $0x80, s10, s15, $0xb8;
	[tilespmem:$0x1B880] =	vst v63  }
0x82: {  	_ =	swait.ge [sflag:s18], $0x3200  }
0x83: {  	[sflag:s18] =	ssyncset.done $0x0  }
0x84: {  	s11 =	rddreg [dreg:$0x15];
	[sflag:s18] =	ssyncadd.s32 $0xFFFFCE00  }
0x85: {  	[spmem:s1] =	stream.indirect.scatter.add.f32 [tilespmem:s16], [sflag:$0x3], $0x80, s11, s15, $0xb8;
	[tilespmem:$0x1B880] =	vst v63  }
0x86: {  	_ =	swait.ge [sflag:s12], $0x3200  }
0x87: {  	[sflag:s12] =	ssyncset.done $0x0  }
0x88: {  	s13 =	rddreg [dreg:$0x16];
	[sflag:s12] =	ssyncadd.s32 $0xFFFFCE00  }
0x89: {  	[tilespmem:s16], [sflag:$0x1] =	stream.indirect.gather [hbm4b:s4+s15], $0x80, s13, s15, $0xb8;
	[tilespmem:$0x1B880] =	vst v63  }
0x8a: {  	_ =	swait.ge [sflag:s19], $0x3200  }
0x8b: {  	[sflag:s19] =	ssyncset.done $0x0  }
0x8c: {  	s10 =	rddreg [dreg:$0x17];
	[sflag:s19] =	ssyncadd.s32 $0xFFFFCE00  }
0x8d: {  	[spmem:s1] =	stream.indirect.scatter.add.f32 [tilespmem:s17], [sflag:$0x3], $0x80, s10, s15, $0xb8;
	[tilespmem:$0x1B880] =	vst v63  }
0x8e: {  	_ =	swait.ge [sflag:s12], $0x3200  }
0x8f: {  	[sflag:s12] =	ssyncset.done $0x0  }
0x90: {  	s11 =	rddreg [dreg:$0x18];
	[sflag:s12] =	ssyncadd.s32 $0xFFFFCE00  }
0x91: {  	[tilespmem:s17], [sflag:$0x2] =	stream.indirect.gather [hbm4b:s4+s15], $0x80, s11, s15, $0xb8;
	[tilespmem:$0x1B880] =	vst v63  }
0x92: {  	_ =	swait.ge [sflag:s18], $0x3200  }
0x93: {  	[sflag:s18] =	ssyncset.done $0x0  }
0x94: {  	s13 =	rddreg [dreg:$0x19];
	[sflag:s18] =	ssyncadd.s32 $0xFFFFCE00  }
0x95: {  	[spmem:s1] =	stream.indirect.scatter.add.f32 [tilespmem:s16], [sflag:$0x3], $0x80, s13, s15, $0xb8;
	[tilespmem:$0x1B880] =	vst v63  }
0x96: {  	_ =	swait.ge [sflag:s12], $0x3200  }
0x97: {  	[sflag:s12] =	ssyncset.done $0x0  }
0x98: {  	[sflag:s12] =	ssyncadd.s32 $0xFFFFCE00  }
0x99: {  	[tilespmem:s16], [sflag:$0x1] =	stream.indirect.gather [hbm4b:s4+s15], $0x80, s20, s15, $0xb8;
	[tilespmem:$0x1B880] =	vst v63  }
0x9a: {  	_ =	swait.ge [sflag:s19], $0x3200  }
0x9b: {  	[sflag:s19] =	ssyncset.done $0x0  }
0x9c: {  	[sflag:s19] =	ssyncadd.s32 $0xFFFFCE00  }
0x9d: {  	[spmem:s1] =	stream.indirect.scatter.add.f32 [tilespmem:s17], [sflag:$0x3], $0x80, s21, s15, $0xb8;
	[tilespmem:$0x1B880] =	vst v63  }
0x9e: {  	_ =	swait.ge [sflag:s12], $0x3200  }
0x9f: {  	[sflag:s12] =	ssyncset.done $0x0  }
0xa0: {  	[sflag:s12] =	ssyncadd.s32 $0xFFFFCE00  }
0xa1: {  	[tilespmem:s17], [sflag:$0x2] =	stream.indirect.gather [hbm4b:s4+s15], $0x80, s22, s15, $0xb8;
	[tilespmem:$0x1B880] =	vst v63  }
0xa2: {  	_ =	swait.ge [sflag:s18], $0x3200  }
0xa3: {  	[sflag:s18] =	ssyncset.done $0x0  }
0xa4: {  	[sflag:s18] =	ssyncadd.s32 $0xFFFFCE00  }
0xa5: {  	[spmem:s1] =	stream.indirect.scatter.add.f32 [tilespmem:s16], [sflag:$0x3], $0x80, s23, s15, $0xb8;
	[tilespmem:$0x1B880] =	vst v63  }
0xa6: {  	_ =	swait.ge [sflag:s12], $0x3200  }
0xa7: {  	[sflag:s12] =	ssyncset.done $0x0  }
0xa8: {  	[sflag:s12] =	ssyncadd.s32 $0xFFFFCE00  }
0xa9: {  	[tilespmem:s16], [sflag:$0x1] =	stream.indirect.gather [hbm4b:s4+s15], $0x80, s24, s15, $0xb8;
	[tilespmem:$0x1B880] =	vst v63  }
0xaa: {  	_ =	swait.ge [sflag:s19], $0x3200  }
0xab: {  	[sflag:s19] =	ssyncset.done $0x0  }
0xac: {  	[sflag:s19] =	ssyncadd.s32 $0xFFFFCE00  }
0xad: {  	[spmem:s1] =	stream.indirect.scatter.add.f32 [tilespmem:s17], [sflag:$0x3], $0x80, s25, s15, $0xb8;
	[tilespmem:$0x1B880] =	vst v63  }
0xae: {  	_ =	swait.ge [sflag:s12], $0x3200  }
0xaf: {  	[sflag:s12] =	ssyncset.done $0x0  }
0xb0: {  	[sflag:s12] =	ssyncadd.s32 $0xFFFFCE00  }
0xb1: {  	[tilespmem:s17], [sflag:$0x2] =	stream.indirect.gather [hbm4b:s4+s15], $0x80, s26, s15, $0xb8;
	[tilespmem:$0x1B880] =	vst v63  }
0xb2: {  	_ =	swait.ge [sflag:s18], $0x3200  }
0xb3: {  	[sflag:s18] =	ssyncset.done $0x0  }
0xb4: {  	[sflag:s18] =	ssyncadd.s32 $0xFFFFCE00  }
0xb5: {  	[spmem:s1] =	stream.indirect.scatter.add.f32 [tilespmem:s16], [sflag:$0x3], $0x80, s28, s15, $0xb8;
	[tilespmem:$0x1B880] =	vst v63  }
0xb6: {  	_ =	swait.ge [sflag:s12], $0x3200  }
0xb7: {  	[sflag:s12] =	ssyncset.done $0x0  }
0xb8: {  	[sflag:s12] =	ssyncadd.s32 $0xFFFFCE00  }
0xb9: {  	[tilespmem:s16], [sflag:$0x1] =	stream.indirect.gather [hbm4b:s4+s15], $0x80, s29, s15, $0xb8;
	[tilespmem:$0x1B880] =	vst v63  }
0xba: {  	_ =	swait.ge [sflag:s19], $0x3200  }
0xbb: {  	[sflag:s19] =	ssyncset.done $0x0  }
0xbc: {  	[sflag:s19] =	ssyncadd.s32 $0xFFFFCE00  }
0xbd: {  	[spmem:s1] =	stream.indirect.scatter.add.f32 [tilespmem:s17], [sflag:$0x3], $0x80, s30, s15, $0xb8;
	[tilespmem:$0x1B880] =	vst v63  }
0xbe: {  	_ =	swait.ge [sflag:s12], $0x3200  }
0xbf: {  	[sflag:s12] =	ssyncset.done $0x0  }
0xc0: {  	[sflag:s12] =	ssyncadd.s32 $0xFFFFCE00  }
0xc1: {  	[tilespmem:s17], [sflag:$0x2] =	stream.indirect.gather [hbm4b:s4+s15], $0x80, s31, s15, $0xb8;
	[tilespmem:$0x1B880] =	vst v63  }
0xc2: {  	_ =	swait.ge [sflag:s18], $0x3200  }
0xc3: {  	[sflag:s18] =	ssyncset.done $0x0  }
0xc4: {  	[sflag:s18] =	ssyncadd.s32 $0xFFFFCE00  }
0xc5: {  	[spmem:s1] =	stream.indirect.scatter.add.f32 [tilespmem:s16], [sflag:$0x3], $0x80, s0, s15, $0xb8;
	[tilespmem:$0x1B880] =	vst v63  }
0xc6: {  	_ =	swait.ge [sflag:s12], $0x3200  }
0xc7: {  	[sflag:s12] =	ssyncset.done $0x0  }
0xc8: {  	[sflag:s12] =	ssyncadd.s32 $0xFFFFCE00  }
0xc9: {  	[tilespmem:s16], [sflag:$0x1] =	stream.indirect.gather [hbm4b:s4+s15], $0x80, s3, s15, $0xb8;
	[tilespmem:$0x1B880] =	vst v63  }
0xca: {  	_ =	swait.ge [sflag:s19], $0x3200  }
0xcb: {  	[sflag:s19] =	ssyncset.done $0x0  }
0xcc: {  	[sflag:s19] =	ssyncadd.s32 $0xFFFFCE00  }
0xcd: {  	[spmem:s1] =	stream.indirect.scatter.add.f32 [tilespmem:s17], [sflag:$0x3], $0x80, s5, s15, $0xb8;
	[tilespmem:$0x1B880] =	vst v63  }
0xce: {  	_ =	swait.ge [sflag:s12], $0x3200  }
0xcf: {  	[sflag:s12] =	ssyncset.done $0x0  }
0xd0: {  	[sflag:s12] =	ssyncadd.s32 $0xFFFFCE00  }
0xd1: {  	[tilespmem:s17], [sflag:$0x2] =	stream.indirect.gather [hbm4b:s4+s15], $0x80, s7, s15, $0xb8;
	[tilespmem:$0x1B880] =	vst v63  }
0xd2: {  	_ =	swait.ge [sflag:s18], $0x3200  }
0xd3: {  	[sflag:s18] =	ssyncset.done $0x0  }
0xd4: {  	[sflag:s18] =	ssyncadd.s32 $0xFFFFCE00  }
0xd5: {  	[spmem:s1] =	stream.indirect.scatter.add.f32 [tilespmem:s16], [sflag:$0x3], $0x80, s8, s15, $0xb8;
	[tilespmem:$0x1B880] =	vst v63  }
0xd6: {  	_ =	swait.ge [sflag:s12], $0x3200  }
0xd7: {  	[sflag:s12] =	ssyncset.done $0x0  }
0xd8: {  	[sflag:s12] =	ssyncadd.s32 $0xFFFFCE00  }
0xd9: {  	_ =	swait.ge [sflag:s19], $0x3200  }
0xda: {  	[sflag:s19] =	ssyncset.done $0x0  }
0xdb: {  	[sflag:s19] =	ssyncadd.s32 $0xFFFFCE00  }
0xdc: {  	[spmem:s1] =	stream.indirect.scatter.add.f32 [tilespmem:s17], [sflag:$0x3], $0x80, s9, s15, $0xb8;
	[tilespmem:$0x1B880] =	vst v63  }
0xdd: {  	s11 =	simm.s32 $0x180;
	_ =	swait.ge [sflag:s12], $0x3200  }
0xde: {  	s13 =	simm.s32 $0x300;
	s6 =	rddreg [dreg:$0x3];
	[sflag:s12] =	ssyncset.done $0x0  }
.LBB2_2:
0xdf: {  	[sflag:s12] =	ssyncadd.s32 $0xFFFFCE00;
	s6 =	sadd.s32 s11, s6  }
0xe0: {  	[tilespmem:s2], [sflag:$0x3] =	stream.linear.gather [hbm4b:s6+s2], $0xA00, $0x38;
	[tilespmem:$0x1B880] =	vst v63  }
0xe1: {  	_ =	swait.ge [sflag:s12], $0xA00  }
0xe2: {  	s6 =	rddreg [dreg:$0x4];
	[sflag:s12] =	ssyncset.done $0x0  }
0xe3: {  	[sflag:s12] =	ssyncadd.s32 $0xFFFFF600;
	s6 =	sadd.s32 s11, s6  }
0xe4: {  	[tilespmem:s14], [sflag:$0x3] =	stream.linear.gather [hbm4b:s6+s2], $0xA00, $0x38;
	[tilespmem:$0x1B880] =	vst v63  }
0xe5: {  	_ =	swait.ge [sflag:s12], $0xA00  }
0xe6: {  	[sflag:s12] =	ssyncset.done $0x0  }
0xe7: {  	s10 =	smov.u32 s13;
	[sflag:s12] =	ssyncadd.s32 $0xFFFFF600  }
0xe8: {  	[tilespmem:s16], [sflag:$0x1] =	stream.indirect.gather [hbm4b:s4+s15], $0x80, s2, s15, $0xb8;
	[tilespmem:$0x1B880] =	vst v63  }
0xe9: {  	s11 =	smov.u32 s10;
	s10 =	rddreg [dreg:$0x5]  }
0xea: {  	[tilespmem:s17], [sflag:$0x2] =	stream.indirect.gather [hbm4b:s4+s15], $0x80, s10, s15, $0xb8;
	[tilespmem:$0x1B880] =	vst v63  }
0xeb: {  	_ =	swait.ge [sflag:s18], $0x3200  }
0xec: {  	[sflag:s18] =	ssyncset.done $0x0  }
0xed: {  	[sflag:s18] =	ssyncadd.s32 $0xFFFFCE00  }
0xee: {  	[spmem:s1] =	stream.indirect.scatter.add.f32 [tilespmem:s16], [sflag:$0x3], $0x80, s14, s15, $0xb8;
	[tilespmem:$0x1B880] =	vst v63  }
0xef: {  	_ =	swait.ge [sflag:s12], $0x3200  }
0xf0: {  	[sflag:s12] =	ssyncset.done $0x0  }
0xf1: {  	s10 =	rddreg [dreg:$0x6];
	[sflag:s12] =	ssyncadd.s32 $0xFFFFCE00  }
0xf2: {  	[tilespmem:s16], [sflag:$0x1] =	stream.indirect.gather [hbm4b:s4+s15], $0x80, s10, s15, $0xb8;
	[tilespmem:$0x1B880] =	vst v63  }
0xf3: {  	_ =	swait.ge [sflag:s19], $0x3200  }
0xf4: {  	[sflag:s19] =	ssyncset.done $0x0  }
0xf5: {  	s10 =	rddreg [dreg:$0x7];
	[sflag:s19] =	ssyncadd.s32 $0xFFFFCE00  }
0xf6: {  	[spmem:s1] =	stream.indirect.scatter.add.f32 [tilespmem:s17], [sflag:$0x3], $0x80, s10, s15, $0xb8;
	[tilespmem:$0x1B880] =	vst v63  }
0xf7: {  	_ =	swait.ge [sflag:s12], $0x3200  }
0xf8: {  	[sflag:s12] =	ssyncset.done $0x0  }
0xf9: {  	s10 =	rddreg [dreg:$0x8];
	[sflag:s12] =	ssyncadd.s32 $0xFFFFCE00  }
0xfa: {  	[tilespmem:s17], [sflag:$0x2] =	stream.indirect.gather [hbm4b:s4+s15], $0x80, s10, s15, $0xb8;
	[tilespmem:$0x1B880] =	vst v63  }
0xfb: {  	_ =	swait.ge [sflag:s18], $0x3200  }
0xfc: {  	[sflag:s18] =	ssyncset.done $0x0  }
0xfd: {  	s10 =	rddreg [dreg:$0x9];
	[sflag:s18] =	ssyncadd.s32 $0xFFFFCE00  }
0xfe: {  	[spmem:s1] =	stream.indirect.scatter.add.f32 [tilespmem:s16], [sflag:$0x3], $0x80, s10, s15, $0xb8;
	[tilespmem:$0x1B880] =	vst v63  }
0xff: {  	_ =	swait.ge [sflag:s12], $0x3200  }
0x100: {  	[sflag:s12] =	ssyncset.done $0x0  }
0x101: {  	s10 =	rddreg [dreg:$0xa];
	[sflag:s12] =	ssyncadd.s32 $0xFFFFCE00  }
0x102: {  	[tilespmem:s16], [sflag:$0x1] =	stream.indirect.gather [hbm4b:s4+s15], $0x80, s10, s15, $0xb8;
	[tilespmem:$0x1B880] =	vst v63  }
0x103: {  	_ =	swait.ge [sflag:s19], $0x3200  }
0x104: {  	[sflag:s19] =	ssyncset.done $0x0  }
0x105: {  	s10 =	rddreg [dreg:$0xb];
	[sflag:s19] =	ssyncadd.s32 $0xFFFFCE00  }
0x106: {  	[spmem:s1] =	stream.indirect.scatter.add.f32 [tilespmem:s17], [sflag:$0x3], $0x80, s10, s15, $0xb8;
	[tilespmem:$0x1B880] =	vst v63  }
0x107: {  	_ =	swait.ge [sflag:s12], $0x3200  }
0x108: {  	[sflag:s12] =	ssyncset.done $0x0  }
0x109: {  	s10 =	rddreg [dreg:$0xc];
	[sflag:s12] =	ssyncadd.s32 $0xFFFFCE00  }
0x10a: {  	[tilespmem:s17], [sflag:$0x2] =	stream.indirect.gather [hbm4b:s4+s15], $0x80, s10, s15, $0xb8;
	[tilespmem:$0x1B880] =	vst v63  }
0x10b: {  	_ =	swait.ge [sflag:s18], $0x3200  }
0x10c: {  	[sflag:s18] =	ssyncset.done $0x0  }
0x10d: {  	s10 =	rddreg [dreg:$0xd];
	[sflag:s18] =	ssyncadd.s32 $0xFFFFCE00  }
0x10e: {  	[spmem:s1] =	stream.indirect.scatter.add.f32 [tilespmem:s16], [sflag:$0x3], $0x80, s10, s15, $0xb8;
	[tilespmem:$0x1B880] =	vst v63  }
0x10f: {  	_ =	swait.ge [sflag:s12], $0x3200  }
0x110: {  	[sflag:s12] =	ssyncset.done $0x0  }
0x111: {  	s10 =	rddreg [dreg:$0xe];
	[sflag:s12] =	ssyncadd.s32 $0xFFFFCE00  }
0x112: {  	[tilespmem:s16], [sflag:$0x1] =	stream.indirect.gather [hbm4b:s4+s15], $0x80, s10, s15, $0xb8;
	[tilespmem:$0x1B880] =	vst v63  }
0x113: {  	_ =	swait.ge [sflag:s19], $0x3200  }
0x114: {  	[sflag:s19] =	ssyncset.done $0x0  }
0x115: {  	s10 =	rddreg [dreg:$0xf];
	[sflag:s19] =	ssyncadd.s32 $0xFFFFCE00  }
0x116: {  	[spmem:s1] =	stream.indirect.scatter.add.f32 [tilespmem:s17], [sflag:$0x3], $0x80, s10, s15, $0xb8;
	[tilespmem:$0x1B880] =	vst v63  }
0x117: {  	_ =	swait.ge [sflag:s12], $0x3200  }
0x118: {  	[sflag:s12] =	ssyncset.done $0x0  }
0x119: {  	s10 =	rddreg [dreg:$0x10];
	[sflag:s12] =	ssyncadd.s32 $0xFFFFCE00  }
0x11a: {  	[tilespmem:s17], [sflag:$0x2] =	stream.indirect.gather [hbm4b:s4+s15], $0x80, s10, s15, $0xb8;
	[tilespmem:$0x1B880] =	vst v63  }
0x11b: {  	_ =	swait.ge [sflag:s18], $0x3200  }
0x11c: {  	[sflag:s18] =	ssyncset.done $0x0  }
0x11d: {  	s10 =	rddreg [dreg:$0x11];
	[sflag:s18] =	ssyncadd.s32 $0xFFFFCE00  }
0x11e: {  	[spmem:s1] =	stream.indirect.scatter.add.f32 [tilespmem:s16], [sflag:$0x3], $0x80, s10, s15, $0xb8;
	[tilespmem:$0x1B880] =	vst v63  }
0x11f: {  	_ =	swait.ge [sflag:s12], $0x3200  }
0x120: {  	[sflag:s12] =	ssyncset.done $0x0  }
0x121: {  	s10 =	rddreg [dreg:$0x12];
	[sflag:s12] =	ssyncadd.s32 $0xFFFFCE00  }
0x122: {  	[tilespmem:s16], [sflag:$0x1] =	stream.indirect.gather [hbm4b:s4+s15], $0x80, s10, s15, $0xb8;
	[tilespmem:$0x1B880] =	vst v63  }
0x123: {  	_ =	swait.ge [sflag:s19], $0x3200  }
0x124: {  	[sflag:s19] =	ssyncset.done $0x0  }
0x125: {  	s10 =	rddreg [dreg:$0x13];
	[sflag:s19] =	ssyncadd.s32 $0xFFFFCE00  }
0x126: {  	[spmem:s1] =	stream.indirect.scatter.add.f32 [tilespmem:s17], [sflag:$0x3], $0x80, s10, s15, $0xb8;
	[tilespmem:$0x1B880] =	vst v63  }
0x127: {  	_ =	swait.ge [sflag:s12], $0x3200  }
0x128: {  	[sflag:s12] =	ssyncset.done $0x0  }
0x129: {  	s10 =	rddreg [dreg:$0x14];
	[sflag:s12] =	ssyncadd.s32 $0xFFFFCE00  }
0x12a: {  	[tilespmem:s17], [sflag:$0x2] =	stream.indirect.gather [hbm4b:s4+s15], $0x80, s10, s15, $0xb8;
	[tilespmem:$0x1B880] =	vst v63  }
0x12b: {  	_ =	swait.ge [sflag:s18], $0x3200  }
0x12c: {  	[sflag:s18] =	ssyncset.done $0x0  }
0x12d: {  	s10 =	rddreg [dreg:$0x15];
	[sflag:s18] =	ssyncadd.s32 $0xFFFFCE00  }
0x12e: {  	[spmem:s1] =	stream.indirect.scatter.add.f32 [tilespmem:s16], [sflag:$0x3], $0x80, s10, s15, $0xb8;
	[tilespmem:$0x1B880] =	vst v63  }
0x12f: {  	_ =	swait.ge [sflag:s12], $0x3200  }
0x130: {  	[sflag:s12] =	ssyncset.done $0x0  }
0x131: {  	s10 =	rddreg [dreg:$0x16];
	[sflag:s12] =	ssyncadd.s32 $0xFFFFCE00  }
0x132: {  	[tilespmem:s16], [sflag:$0x1] =	stream.indirect.gather [hbm4b:s4+s15], $0x80, s10, s15, $0xb8;
	[tilespmem:$0x1B880] =	vst v63  }
0x133: {  	_ =	swait.ge [sflag:s19], $0x3200  }
0x134: {  	[sflag:s19] =	ssyncset.done $0x0  }
0x135: {  	s10 =	rddreg [dreg:$0x17];
	[sflag:s19] =	ssyncadd.s32 $0xFFFFCE00  }
0x136: {  	[spmem:s1] =	stream.indirect.scatter.add.f32 [tilespmem:s17], [sflag:$0x3], $0x80, s10, s15, $0xb8;
	[tilespmem:$0x1B880] =	vst v63  }
0x137: {  	_ =	swait.ge [sflag:s12], $0x3200  }
0x138: {  	[sflag:s12] =	ssyncset.done $0x0  }
0x139: {  	s10 =	rddreg [dreg:$0x18];
	[sflag:s12] =	ssyncadd.s32 $0xFFFFCE00  }
0x13a: {  	[tilespmem:s17], [sflag:$0x2] =	stream.indirect.gather [hbm4b:s4+s15], $0x80, s10, s15, $0xb8;
	[tilespmem:$0x1B880] =	vst v63  }
0x13b: {  	_ =	swait.ge [sflag:s18], $0x3200  }
0x13c: {  	[sflag:s18] =	ssyncset.done $0x0  }
0x13d: {  	s10 =	rddreg [dreg:$0x19];
	[sflag:s18] =	ssyncadd.s32 $0xFFFFCE00  }
0x13e: {  	[spmem:s1] =	stream.indirect.scatter.add.f32 [tilespmem:s16], [sflag:$0x3], $0x80, s10, s15, $0xb8;
	[tilespmem:$0x1B880] =	vst v63  }
0x13f: {  	_ =	swait.ge [sflag:s12], $0x3200  }
0x140: {  	[sflag:s12] =	ssyncset.done $0x0  }
0x141: {  	[sflag:s12] =	ssyncadd.s32 $0xFFFFCE00  }
0x142: {  	[tilespmem:s16], [sflag:$0x1] =	stream.indirect.gather [hbm4b:s4+s15], $0x80, s20, s15, $0xb8;
	[tilespmem:$0x1B880] =	vst v63  }
0x143: {  	_ =	swait.ge [sflag:s19], $0x3200  }
0x144: {  	[sflag:s19] =	ssyncset.done $0x0  }
0x145: {  	[sflag:s19] =	ssyncadd.s32 $0xFFFFCE00  }
0x146: {  	[spmem:s1] =	stream.indirect.scatter.add.f32 [tilespmem:s17], [sflag:$0x3], $0x80, s21, s15, $0xb8;
	[tilespmem:$0x1B880] =	vst v63  }
0x147: {  	_ =	swait.ge [sflag:s12], $0x3200  }
0x148: {  	[sflag:s12] =	ssyncset.done $0x0  }
0x149: {  	[sflag:s12] =	ssyncadd.s32 $0xFFFFCE00  }
0x14a: {  	[tilespmem:s17], [sflag:$0x2] =	stream.indirect.gather [hbm4b:s4+s15], $0x80, s22, s15, $0xb8;
	[tilespmem:$0x1B880] =	vst v63  }
0x14b: {  	_ =	swait.ge [sflag:s18], $0x3200  }
0x14c: {  	[sflag:s18] =	ssyncset.done $0x0  }
0x14d: {  	[sflag:s18] =	ssyncadd.s32 $0xFFFFCE00  }
0x14e: {  	[spmem:s1] =	stream.indirect.scatter.add.f32 [tilespmem:s16], [sflag:$0x3], $0x80, s23, s15, $0xb8;
	[tilespmem:$0x1B880] =	vst v63  }
0x14f: {  	_ =	swait.ge [sflag:s12], $0x3200  }
0x150: {  	[sflag:s12] =	ssyncset.done $0x0  }
0x151: {  	[sflag:s12] =	ssyncadd.s32 $0xFFFFCE00  }
0x152: {  	[tilespmem:s16], [sflag:$0x1] =	stream.indirect.gather [hbm4b:s4+s15], $0x80, s24, s15, $0xb8;
	[tilespmem:$0x1B880] =	vst v63  }
0x153: {  	_ =	swait.ge [sflag:s19], $0x3200  }
0x154: {  	[sflag:s19] =	ssyncset.done $0x0  }
0x155: {  	[sflag:s19] =	ssyncadd.s32 $0xFFFFCE00  }
0x156: {  	[spmem:s1] =	stream.indirect.scatter.add.f32 [tilespmem:s17], [sflag:$0x3], $0x80, s25, s15, $0xb8;
	[tilespmem:$0x1B880] =	vst v63  }
0x157: {  	_ =	swait.ge [sflag:s12], $0x3200  }
0x158: {  	[sflag:s12] =	ssyncset.done $0x0  }
0x159: {  	[sflag:s12] =	ssyncadd.s32 $0xFFFFCE00  }
0x15a: {  	[tilespmem:s17], [sflag:$0x2] =	stream.indirect.gather [hbm4b:s4+s15], $0x80, s26, s15, $0xb8;
	[tilespmem:$0x1B880] =	vst v63  }
0x15b: {  	_ =	swait.ge [sflag:s18], $0x3200  }
0x15c: {  	[sflag:s18] =	ssyncset.done $0x0  }
0x15d: {  	[sflag:s18] =	ssyncadd.s32 $0xFFFFCE00  }
0x15e: {  	[spmem:s1] =	stream.indirect.scatter.add.f32 [tilespmem:s16], [sflag:$0x3], $0x80, s28, s15, $0xb8;
	[tilespmem:$0x1B880] =	vst v63  }
0x15f: {  	_ =	swait.ge [sflag:s12], $0x3200  }
0x160: {  	[sflag:s12] =	ssyncset.done $0x0  }
0x161: {  	[sflag:s12] =	ssyncadd.s32 $0xFFFFCE00  }
0x162: {  	[tilespmem:s16], [sflag:$0x1] =	stream.indirect.gather [hbm4b:s4+s15], $0x80, s29, s15, $0xb8;
	[tilespmem:$0x1B880] =	vst v63  }
0x163: {  	_ =	swait.ge [sflag:s19], $0x3200  }
0x164: {  	[sflag:s19] =	ssyncset.done $0x0  }
0x165: {  	[sflag:s19] =	ssyncadd.s32 $0xFFFFCE00  }
0x166: {  	[spmem:s1] =	stream.indirect.scatter.add.f32 [tilespmem:s17], [sflag:$0x3], $0x80, s30, s15, $0xb8;
	[tilespmem:$0x1B880] =	vst v63  }
0x167: {  	_ =	swait.ge [sflag:s12], $0x3200  }
0x168: {  	[sflag:s12] =	ssyncset.done $0x0  }
0x169: {  	[sflag:s12] =	ssyncadd.s32 $0xFFFFCE00  }
0x16a: {  	[tilespmem:s17], [sflag:$0x2] =	stream.indirect.gather [hbm4b:s4+s15], $0x80, s31, s15, $0xb8;
	[tilespmem:$0x1B880] =	vst v63  }
0x16b: {  	_ =	swait.ge [sflag:s18], $0x3200  }
0x16c: {  	[sflag:s18] =	ssyncset.done $0x0  }
0x16d: {  	[sflag:s18] =	ssyncadd.s32 $0xFFFFCE00  }
0x16e: {  	[spmem:s1] =	stream.indirect.scatter.add.f32 [tilespmem:s16], [sflag:$0x3], $0x80, s0, s15, $0xb8;
	[tilespmem:$0x1B880] =	vst v63  }
0x16f: {  	_ =	swait.ge [sflag:s12], $0x3200  }
0x170: {  	[sflag:s12] =	ssyncset.done $0x0  }
0x171: {  	[sflag:s12] =	ssyncadd.s32 $0xFFFFCE00  }
0x172: {  	[tilespmem:s16], [sflag:$0x1] =	stream.indirect.gather [hbm4b:s4+s15], $0x80, s3, s15, $0xb8;
	[tilespmem:$0x1B880] =	vst v63  }
0x173: {  	_ =	swait.ge [sflag:s19], $0x3200  }
0x174: {  	[sflag:s19] =	ssyncset.done $0x0  }
0x175: {  	[sflag:s19] =	ssyncadd.s32 $0xFFFFCE00  }
0x176: {  	[spmem:s1] =	stream.indirect.scatter.add.f32 [tilespmem:s17], [sflag:$0x3], $0x80, s5, s15, $0xb8;
	[tilespmem:$0x1B880] =	vst v63  }
0x177: {  	_ =	swait.ge [sflag:s12], $0x3200  }
0x178: {  	[sflag:s12] =	ssyncset.done $0x0  }
0x179: {  	[sflag:s12] =	ssyncadd.s32 $0xFFFFCE00  }
0x17a: {  	[tilespmem:s17], [sflag:$0x2] =	stream.indirect.gather [hbm4b:s4+s15], $0x80, s7, s15, $0xb8;
	[tilespmem:$0x1B880] =	vst v63  }
0x17b: {  	_ =	swait.ge [sflag:s18], $0x3200  }
0x17c: {  	[sflag:s18] =	ssyncset.done $0x0  }
0x17d: {  	[sflag:s18] =	ssyncadd.s32 $0xFFFFCE00  }
0x17e: {  	[spmem:s1] =	stream.indirect.scatter.add.f32 [tilespmem:s16], [sflag:$0x3], $0x80, s8, s15, $0xb8;
	[tilespmem:$0x1B880] =	vst v63  }
0x17f: {  	_ =	swait.ge [sflag:s12], $0x3200  }
0x180: {  	[sflag:s12] =	ssyncset.done $0x0  }
0x181: {  	[sflag:s12] =	ssyncadd.s32 $0xFFFFCE00  }
0x182: {  	p1 =	sne.s32 s13, $0x600;
	_ =	swait.ge [sflag:s19], $0x3200  }
.Ltmp0:
0x183: {  	[sflag:s19] =	ssyncset.done $0x0;
	(pc) =	sbr.rel @p1 .LBB2_2-.Ltmp0, $4  }
0x184: {  	[sflag:s19] =	ssyncadd.s32 $0xFFFFCE00  }
0x185: {  	[spmem:s1] =	stream.indirect.scatter.add.f32 [tilespmem:s17], [sflag:$0x3], $0x80, s9, s15, $0xb8;
	[tilespmem:$0x1B880] =	vst v63  }
0x186: {  	_ =	swait.ge [sflag:s12], $0x3200  }
0x187: {  	s13 =	sadd.s32 $0x180, s13;
	s6 =	rddreg [dreg:$0x3];
	[sflag:s12] =	ssyncset.done $0x0  }
0x188: {  	[sflag:s12] =	ssyncadd.s32 $0xFFFFCE00;
	s6 =	sadd.s32 s11, s6  }
0x189: {  	[tilespmem:s2], [sflag:$0x3] =	stream.linear.gather [hbm4b:s6+s2], $0xA00, $0x38;
	[tilespmem:$0x1B880] =	vst v63  }
0x18a: {  	_ =	swait.ge [sflag:s12], $0xA00  }
0x18b: {  	s10 =	rddreg [dreg:$0x4];
	[sflag:s12] =	ssyncset.done $0x0  }
0x18c: {  	s6 =	sadd.s32 s11, s10;
	[sflag:s12] =	ssyncadd.s32 $0xFFFFF600  }
0x18d: {  	[tilespmem:s14], [sflag:$0x3] =	stream.linear.gather [hbm4b:s6+s2], $0xA00, $0x38;
	[tilespmem:$0x1B880] =	vst v63  }
0x18e: {  	_ =	swait.ge [sflag:s12], $0xA00  }
0x18f: {  	[sflag:s12] =	ssyncset.done $0x0  }
0x190: {  	[sflag:s12] =	ssyncadd.s32 $0xFFFFF600  }
0x191: {  	[tilespmem:s16], [sflag:$0x1] =	stream.indirect.gather [hbm4b:s4+s15], $0x80, s2, s15, $0xb8;
	[tilespmem:$0x1B880] =	vst v63  }
0x192: {  	s11 =	rddreg [dreg:$0x5]  }
0x193: {  	[tilespmem:s17], [sflag:$0x2] =	stream.indirect.gather [hbm4b:s4+s15], $0x80, s11, s15, $0xb8;
	[tilespmem:$0x1B880] =	vst v63  }
0x194: {  	_ =	swait.ge [sflag:s18], $0x3200  }
0x195: {  	[sflag:s18] =	ssyncset.done $0x0  }
0x196: {  	[sflag:s18] =	ssyncadd.s32 $0xFFFFCE00  }
0x197: {  	[spmem:s1] =	stream.indirect.scatter.add.f32 [tilespmem:s16], [sflag:$0x3], $0x80, s14, s15, $0xb8;
	[tilespmem:$0x1B880] =	vst v63  }
0x198: {  	_ =	swait.ge [sflag:s12], $0x3200  }
0x199: {  	[sflag:s12] =	ssyncset.done $0x0  }
0x19a: {  	s13 =	rddreg [dreg:$0x6];
	[sflag:s12] =	ssyncadd.s32 $0xFFFFCE00  }
0x19b: {  	[tilespmem:s16], [sflag:$0x1] =	stream.indirect.gather [hbm4b:s4+s15], $0x80, s13, s15, $0xb8;
	[tilespmem:$0x1B880] =	vst v63  }
0x19c: {  	_ =	swait.ge [sflag:s19], $0x3200  }
0x19d: {  	[sflag:s19] =	ssyncset.done $0x0  }
0x19e: {  	s10 =	rddreg [dreg:$0x7];
	[sflag:s19] =	ssyncadd.s32 $0xFFFFCE00  }
0x19f: {  	[spmem:s1] =	stream.indirect.scatter.add.f32 [tilespmem:s17], [sflag:$0x3], $0x80, s10, s15, $0xb8;
	[tilespmem:$0x1B880] =	vst v63  }
0x1a0: {  	_ =	swait.ge [sflag:s12], $0x3200  }
0x1a1: {  	[sflag:s12] =	ssyncset.done $0x0  }
0x1a2: {  	s11 =	rddreg [dreg:$0x8];
	[sflag:s12] =	ssyncadd.s32 $0xFFFFCE00  }
0x1a3: {  	[tilespmem:s17], [sflag:$0x2] =	stream.indirect.gather [hbm4b:s4+s15], $0x80, s11, s15, $0xb8;
	[tilespmem:$0x1B880] =	vst v63  }
0x1a4: {  	_ =	swait.ge [sflag:s18], $0x3200  }
0x1a5: {  	[sflag:s18] =	ssyncset.done $0x0  }
0x1a6: {  	s13 =	rddreg [dreg:$0x9];
	[sflag:s18] =	ssyncadd.s32 $0xFFFFCE00  }
0x1a7: {  	[spmem:s1] =	stream.indirect.scatter.add.f32 [tilespmem:s16], [sflag:$0x3], $0x80, s13, s15, $0xb8;
	[tilespmem:$0x1B880] =	vst v63  }
0x1a8: {  	_ =	swait.ge [sflag:s12], $0x3200  }
0x1a9: {  	[sflag:s12] =	ssyncset.done $0x0  }
0x1aa: {  	s10 =	rddreg [dreg:$0xa];
	[sflag:s12] =	ssyncadd.s32 $0xFFFFCE00  }
0x1ab: {  	[tilespmem:s16], [sflag:$0x1] =	stream.indirect.gather [hbm4b:s4+s15], $0x80, s10, s15, $0xb8;
	[tilespmem:$0x1B880] =	vst v63  }
0x1ac: {  	_ =	swait.ge [sflag:s19], $0x3200  }
0x1ad: {  	[sflag:s19] =	ssyncset.done $0x0  }
0x1ae: {  	s11 =	rddreg [dreg:$0xb];
	[sflag:s19] =	ssyncadd.s32 $0xFFFFCE00  }
0x1af: {  	[spmem:s1] =	stream.indirect.scatter.add.f32 [tilespmem:s17], [sflag:$0x3], $0x80, s11, s15, $0xb8;
	[tilespmem:$0x1B880] =	vst v63  }
0x1b0: {  	_ =	swait.ge [sflag:s12], $0x3200  }
0x1b1: {  	[sflag:s12] =	ssyncset.done $0x0  }
0x1b2: {  	s13 =	rddreg [dreg:$0xc];
	[sflag:s12] =	ssyncadd.s32 $0xFFFFCE00  }
0x1b3: {  	[tilespmem:s17], [sflag:$0x2] =	stream.indirect.gather [hbm4b:s4+s15], $0x80, s13, s15, $0xb8;
	[tilespmem:$0x1B880] =	vst v63  }
0x1b4: {  	_ =	swait.ge [sflag:s18], $0x3200  }
0x1b5: {  	[sflag:s18] =	ssyncset.done $0x0  }
0x1b6: {  	s10 =	rddreg [dreg:$0xd];
	[sflag:s18] =	ssyncadd.s32 $0xFFFFCE00  }
0x1b7: {  	[spmem:s1] =	stream.indirect.scatter.add.f32 [tilespmem:s16], [sflag:$0x3], $0x80, s10, s15, $0xb8;
	[tilespmem:$0x1B880] =	vst v63  }
0x1b8: {  	_ =	swait.ge [sflag:s12], $0x3200  }
0x1b9: {  	[sflag:s12] =	ssyncset.done $0x0  }
0x1ba: {  	s11 =	rddreg [dreg:$0xe];
	[sflag:s12] =	ssyncadd.s32 $0xFFFFCE00  }
0x1bb: {  	[tilespmem:s16], [sflag:$0x1] =	stream.indirect.gather [hbm4b:s4+s15], $0x80, s11, s15, $0xb8;
	[tilespmem:$0x1B880] =	vst v63  }
0x1bc: {  	_ =	swait.ge [sflag:s19], $0x3200  }
0x1bd: {  	[sflag:s19] =	ssyncset.done $0x0  }
0x1be: {  	s13 =	rddreg [dreg:$0xf];
	[sflag:s19] =	ssyncadd.s32 $0xFFFFCE00  }
0x1bf: {  	[spmem:s1] =	stream.indirect.scatter.add.f32 [tilespmem:s17], [sflag:$0x3], $0x80, s13, s15, $0xb8;
	[tilespmem:$0x1B880] =	vst v63  }
0x1c0: {  	_ =	swait.ge [sflag:s12], $0x3200  }
0x1c1: {  	[sflag:s12] =	ssyncset.done $0x0  }
0x1c2: {  	s10 =	rddreg [dreg:$0x10];
	[sflag:s12] =	ssyncadd.s32 $0xFFFFCE00  }
0x1c3: {  	[tilespmem:s17], [sflag:$0x2] =	stream.indirect.gather [hbm4b:s4+s15], $0x80, s10, s15, $0xb8;
	[tilespmem:$0x1B880] =	vst v63  }
0x1c4: {  	_ =	swait.ge [sflag:s18], $0x3200  }
0x1c5: {  	[sflag:s18] =	ssyncset.done $0x0  }
0x1c6: {  	s11 =	rddreg [dreg:$0x11];
	[sflag:s18] =	ssyncadd.s32 $0xFFFFCE00  }
0x1c7: {  	[spmem:s1] =	stream.indirect.scatter.add.f32 [tilespmem:s16], [sflag:$0x3], $0x80, s11, s15, $0xb8;
	[tilespmem:$0x1B880] =	vst v63  }
0x1c8: {  	_ =	swait.ge [sflag:s12], $0x3200  }
0x1c9: {  	[sflag:s12] =	ssyncset.done $0x0  }
0x1ca: {  	s13 =	rddreg [dreg:$0x12];
	[sflag:s12] =	ssyncadd.s32 $0xFFFFCE00  }
0x1cb: {  	[tilespmem:s16], [sflag:$0x1] =	stream.indirect.gather [hbm4b:s4+s15], $0x80, s13, s15, $0xb8;
	[tilespmem:$0x1B880] =	vst v63  }
0x1cc: {  	_ =	swait.ge [sflag:s19], $0x3200  }
0x1cd: {  	[sflag:s19] =	ssyncset.done $0x0  }
0x1ce: {  	s10 =	rddreg [dreg:$0x13];
	[sflag:s19] =	ssyncadd.s32 $0xFFFFCE00  }
0x1cf: {  	[spmem:s1] =	stream.indirect.scatter.add.f32 [tilespmem:s17], [sflag:$0x3], $0x80, s10, s15, $0xb8;
	[tilespmem:$0x1B880] =	vst v63  }
0x1d0: {  	_ =	swait.ge [sflag:s12], $0x3200  }
0x1d1: {  	[sflag:s12] =	ssyncset.done $0x0  }
0x1d2: {  	s11 =	rddreg [dreg:$0x14];
	[sflag:s12] =	ssyncadd.s32 $0xFFFFCE00  }
0x1d3: {  	[tilespmem:s17], [sflag:$0x2] =	stream.indirect.gather [hbm4b:s4+s15], $0x80, s11, s15, $0xb8;
	[tilespmem:$0x1B880] =	vst v63  }
0x1d4: {  	_ =	swait.ge [sflag:s18], $0x3200  }
0x1d5: {  	[sflag:s18] =	ssyncset.done $0x0  }
0x1d6: {  	s13 =	rddreg [dreg:$0x15];
	[sflag:s18] =	ssyncadd.s32 $0xFFFFCE00  }
0x1d7: {  	[spmem:s1] =	stream.indirect.scatter.add.f32 [tilespmem:s16], [sflag:$0x3], $0x80, s13, s15, $0xb8;
	[tilespmem:$0x1B880] =	vst v63  }
0x1d8: {  	_ =	swait.ge [sflag:s12], $0x3200  }
0x1d9: {  	[sflag:s12] =	ssyncset.done $0x0  }
0x1da: {  	s10 =	rddreg [dreg:$0x16];
	[sflag:s12] =	ssyncadd.s32 $0xFFFFCE00  }
0x1db: {  	[tilespmem:s16], [sflag:$0x1] =	stream.indirect.gather [hbm4b:s4+s15], $0x80, s10, s15, $0xb8;
	[tilespmem:$0x1B880] =	vst v63  }
0x1dc: {  	_ =	swait.ge [sflag:s19], $0x3200  }
0x1dd: {  	[sflag:s19] =	ssyncset.done $0x0  }
0x1de: {  	s11 =	rddreg [dreg:$0x17];
	[sflag:s19] =	ssyncadd.s32 $0xFFFFCE00  }
0x1df: {  	[spmem:s1] =	stream.indirect.scatter.add.f32 [tilespmem:s17], [sflag:$0x3], $0x80, s11, s15, $0xb8;
	[tilespmem:$0x1B880] =	vst v63  }
0x1e0: {  	_ =	swait.ge [sflag:s12], $0x3200  }
0x1e1: {  	[sflag:s12] =	ssyncset.done $0x0  }
0x1e2: {  	s13 =	rddreg [dreg:$0x18];
	[sflag:s12] =	ssyncadd.s32 $0xFFFFCE00  }
0x1e3: {  	[tilespmem:s17], [sflag:$0x2] =	stream.indirect.gather [hbm4b:s4+s15], $0x80, s13, s15, $0xb8;
	[tilespmem:$0x1B880] =	vst v63  }
0x1e4: {  	_ =	swait.ge [sflag:s18], $0x3200  }
0x1e5: {  	[sflag:s18] =	ssyncset.done $0x0  }
0x1e6: {  	s10 =	rddreg [dreg:$0x19];
	[sflag:s18] =	ssyncadd.s32 $0xFFFFCE00  }
0x1e7: {  	[spmem:s1] =	stream.indirect.scatter.add.f32 [tilespmem:s16], [sflag:$0x3], $0x80, s10, s15, $0xb8;
	[tilespmem:$0x1B880] =	vst v63  }
0x1e8: {  	_ =	swait.ge [sflag:s12], $0x3200  }
0x1e9: {  	[sflag:s12] =	ssyncset.done $0x0  }
0x1ea: {  	[sflag:s12] =	ssyncadd.s32 $0xFFFFCE00  }
0x1eb: {  	[tilespmem:s16], [sflag:$0x1] =	stream.indirect.gather [hbm4b:s4+s15], $0x80, s20, s15, $0xb8;
	[tilespmem:$0x1B880] =	vst v63  }
0x1ec: {  	_ =	swait.ge [sflag:s19], $0x3200  }
0x1ed: {  	[sflag:s19] =	ssyncset.done $0x0  }
0x1ee: {  	[sflag:s19] =	ssyncadd.s32 $0xFFFFCE00  }
0x1ef: {  	[spmem:s1] =	stream.indirect.scatter.add.f32 [tilespmem:s17], [sflag:$0x3], $0x80, s21, s15, $0xb8;
	[tilespmem:$0x1B880] =	vst v63  }
0x1f0: {  	_ =	swait.ge [sflag:s12], $0x3200  }
0x1f1: {  	[sflag:s12] =	ssyncset.done $0x0  }
0x1f2: {  	[sflag:s12] =	ssyncadd.s32 $0xFFFFCE00  }
0x1f3: {  	[tilespmem:s17], [sflag:$0x2] =	stream.indirect.gather [hbm4b:s4+s15], $0x80, s22, s15, $0xb8;
	[tilespmem:$0x1B880] =	vst v63  }
0x1f4: {  	_ =	swait.ge [sflag:s18], $0x3200  }
0x1f5: {  	[sflag:s18] =	ssyncset.done $0x0  }
0x1f6: {  	[sflag:s18] =	ssyncadd.s32 $0xFFFFCE00  }
0x1f7: {  	[spmem:s1] =	stream.indirect.scatter.add.f32 [tilespmem:s16], [sflag:$0x3], $0x80, s23, s15, $0xb8;
	[tilespmem:$0x1B880] =	vst v63  }
0x1f8: {  	_ =	swait.ge [sflag:s12], $0x3200  }
0x1f9: {  	[sflag:s12] =	ssyncset.done $0x0  }
0x1fa: {  	[sflag:s12] =	ssyncadd.s32 $0xFFFFCE00  }
0x1fb: {  	[tilespmem:s16], [sflag:$0x1] =	stream.indirect.gather [hbm4b:s4+s15], $0x80, s24, s15, $0xb8;
	[tilespmem:$0x1B880] =	vst v63  }
0x1fc: {  	_ =	swait.ge [sflag:s19], $0x3200  }
0x1fd: {  	[sflag:s19] =	ssyncset.done $0x0  }
0x1fe: {  	[sflag:s19] =	ssyncadd.s32 $0xFFFFCE00  }
0x1ff: {  	[spmem:s1] =	stream.indirect.scatter.add.f32 [tilespmem:s17], [sflag:$0x3], $0x80, s25, s15, $0xb8;
	[tilespmem:$0x1B880] =	vst v63  }
0x200: {  	_ =	swait.ge [sflag:s12], $0x3200  }
0x201: {  	[sflag:s12] =	ssyncset.done $0x0  }
0x202: {  	[sflag:s12] =	ssyncadd.s32 $0xFFFFCE00  }
0x203: {  	[tilespmem:s17], [sflag:$0x2] =	stream.indirect.gather [hbm4b:s4+s15], $0x80, s26, s15, $0xb8;
	[tilespmem:$0x1B880] =	vst v63  }
0x204: {  	_ =	swait.ge [sflag:s18], $0x3200  }
0x205: {  	[sflag:s18] =	ssyncset.done $0x0  }
0x206: {  	[sflag:s18] =	ssyncadd.s32 $0xFFFFCE00  }
0x207: {  	[spmem:s1] =	stream.indirect.scatter.add.f32 [tilespmem:s16], [sflag:$0x3], $0x80, s28, s15, $0xb8;
	[tilespmem:$0x1B880] =	vst v63  }
0x208: {  	_ =	swait.ge [sflag:s12], $0x3200  }
0x209: {  	[sflag:s12] =	ssyncset.done $0x0  }
0x20a: {  	[sflag:s12] =	ssyncadd.s32 $0xFFFFCE00  }
0x20b: {  	[tilespmem:s16], [sflag:$0x1] =	stream.indirect.gather [hbm4b:s4+s15], $0x80, s29, s15, $0xb8;
	[tilespmem:$0x1B880] =	vst v63  }
0x20c: {  	_ =	swait.ge [sflag:s19], $0x3200  }
0x20d: {  	[sflag:s19] =	ssyncset.done $0x0  }
0x20e: {  	[sflag:s19] =	ssyncadd.s32 $0xFFFFCE00  }
0x20f: {  	[spmem:s1] =	stream.indirect.scatter.add.f32 [tilespmem:s17], [sflag:$0x3], $0x80, s30, s15, $0xb8;
	[tilespmem:$0x1B880] =	vst v63  }
0x210: {  	_ =	swait.ge [sflag:s12], $0x3200  }
0x211: {  	[sflag:s12] =	ssyncset.done $0x0  }
0x212: {  	[sflag:s12] =	ssyncadd.s32 $0xFFFFCE00  }
0x213: {  	[tilespmem:s17], [sflag:$0x2] =	stream.indirect.gather [hbm4b:s4+s15], $0x80, s31, s15, $0xb8;
	[tilespmem:$0x1B880] =	vst v63  }
0x214: {  	_ =	swait.ge [sflag:s18], $0x3200  }
0x215: {  	[sflag:s18] =	ssyncset.done $0x0  }
0x216: {  	[sflag:s18] =	ssyncadd.s32 $0xFFFFCE00  }
0x217: {  	[spmem:s1] =	stream.indirect.scatter.add.f32 [tilespmem:s16], [sflag:$0x3], $0x80, s0, s15, $0xb8;
	[tilespmem:$0x1B880] =	vst v63  }
0x218: {  	_ =	swait.ge [sflag:s12], $0x3200  }
0x219: {  	[sflag:s12] =	ssyncset.done $0x0  }
0x21a: {  	[sflag:s12] =	ssyncadd.s32 $0xFFFFCE00  }
0x21b: {  	[tilespmem:s16], [sflag:$0x1] =	stream.indirect.gather [hbm4b:s4+s15], $0x80, s3, s15, $0xb8;
	[tilespmem:$0x1B880] =	vst v63  }
0x21c: {  	_ =	swait.ge [sflag:s19], $0x3200  }
0x21d: {  	[sflag:s19] =	ssyncset.done $0x0  }
0x21e: {  	[sflag:s19] =	ssyncadd.s32 $0xFFFFCE00  }
0x21f: {  	[spmem:s1] =	stream.indirect.scatter.add.f32 [tilespmem:s17], [sflag:$0x3], $0x80, s5, s15, $0xb8;
	[tilespmem:$0x1B880] =	vst v63  }
0x220: {  	_ =	swait.ge [sflag:s12], $0x3200  }
0x221: {  	[sflag:s12] =	ssyncset.done $0x0  }
0x222: {  	[sflag:s12] =	ssyncadd.s32 $0xFFFFCE00  }
0x223: {  	[tilespmem:s17], [sflag:$0x2] =	stream.indirect.gather [hbm4b:s4+s15], $0x80, s7, s15, $0xb8;
	[tilespmem:$0x1B880] =	vst v63  }
0x224: {  	_ =	swait.ge [sflag:s18], $0x3200  }
0x225: {  	[sflag:s18] =	ssyncset.done $0x0  }
0x226: {  	[sflag:s18] =	ssyncadd.s32 $0xFFFFCE00  }
0x227: {  	[spmem:s1] =	stream.indirect.scatter.add.f32 [tilespmem:s16], [sflag:$0x3], $0x80, s8, s15, $0xb8;
	[tilespmem:$0x1B880] =	vst v63  }
0x228: {  	_ =	swait.ge [sflag:s12], $0x3200  }
0x229: {  	[sflag:s12] =	ssyncset.done $0x0  }
0x22a: {  	[sflag:s12] =	ssyncadd.s32 $0xFFFFCE00  }
0x22b: {  	_ =	swait.ge [sflag:s19], $0x3200  }
0x22c: {  	[sflag:s19] =	ssyncset.done $0x0  }
0x22d: {  	[sflag:s19] =	ssyncadd.s32 $0xFFFFCE00  }
0x22e: {  	[spmem:s1] =	stream.indirect.scatter.add.f32 [tilespmem:s17], [sflag:$0x3], $0x80, s9, s15, $0xb8;
	[tilespmem:$0x1B880] =	vst v63  }
0x22f: {  	_ =	swait.ge [sflag:s12], $0x3200  }
0x230: {  	[sflag:s12] =	ssyncset.done $0x0  }
0x231: {  	[sflag:s12] =	ssyncadd.s32 $0xFFFFCE00  }
0x232: {  	[bflag:$0x0] =	sbarrier.arrive $0xFFFF  }
0x233: {  	s13 =	sld [smem:$0x7FC]  }
0x234: {  	s10 =	rddreg [dreg:$0x1b]  }
0x235: {  	s11 =	rddreg [dreg:$0x1d]  }
0x236: {  	[hbm:s11], [sflag:s10] =	dma.local [spmem:s13], $0x2700  }
0x237: {  	_ =	swait.ge [sflag:s12], $0x2700  }
0x238: {  	s13 =	sld [smem:$0x7FD]  }
0x239: {  	[sflag:s12] =	ssyncset.done $0x0  }
0x23a: {  	s11 =	simm.s32 @!p0 $0x3;
	s6 =	rddreg [dreg:$0x1e];
	[sflag:s12] =	ssyncadd.s32 $0xFFFFD900  }
0x23b: {  	[hbm:s6], [sflag:s10] =	dma.local @!p0 [spmem:s13], $0x100  }
0x23c: {  	_ =	swait.ge @!p0 [sflag:s11], $0x100  }
0x23d: {  	s6 =	sld [smem:$0x7FB];
	_ =	sdelay $0x2  }
0x23e: {  	[sflag:s11] =	ssyncset.done @!p0 $0x0;
	s11 =	rddreg [dreg:$0x1f];
	s6 =	sadd.s32 $0x1, s6  }
0x23f: {  	p1 =	sne.s32 s6, s11  }
.Ltmp1:
0x240: {  	_ = 	snop;
	(pc) =	sbr.rel @p1 .LBB2_1-.Ltmp1, $4  }
0x241: {  	_ = 	snop  }
0x242: {  	[smem:$0x7FB] =	sst s6  }
0x243: {  	s11 =	smov.u32 s13;
	s13 =	sld [smem:$0x7FC];
	s6 =	simm.s32 @!p0 $0x3  }
0x244: {  	[sflag:s6] =	ssyncadd.s32 @!p0 $0xFFFFFF00  }
0x245: {  	_ =	sfence.sel $0x180000  }
0x246: {  	[bflag:$0x0] =	sbarrier.arrive $0xFFFF  }
0x247: {  	_ =	strace $0x90000050  }
0x248: {  	s0 =	stileid.u32;
	[bflag:$0x2] =	sbarrier.arrive $0xFFFF  }
0x249: {  	p0 =	sne.s32 s0, $0x0;
	s0 =	rddreg [dreg:$0x2]  }
0x24a: {  	s0 =	sadd.s32 @!p0 $0x100000, s0  }
0x24b: {  	[sflag:s0] =	ssyncadd.tile.s32 @!p0 $0x1;
	_ =	shalt  }
.Lfunc_end2:
_tile_overlayer_lowered:
.L_overlay_start_2:
0x24c: {  	(tag) =	ssettag $0x2  }
0x24d: {  	s0 =	rddreg [dreg:$0x0];
	s2 =	stileid.u32  }
0x24e: {  	s1 =	rddreg [dreg:$0x1];
	p0 =	sne.s32 s2, $0x0  }
0x24f: {  	s3 =	rddreg [dreg:$0x2];
	[bflag:$0x3] =	sbarrier.arrive $0xFFFF;
	s2 =	simm.s32 @!p0 $0x1C03  }
0x250: {  	[timem:s3], [sflag:s2] =	dma.local @!p0 [hbm:s0], s1  }
0x251: {  	s0 =	simm.s32 @!p0 $0x3  }
0x252: {  	_ =	swait.ge @!p0 [sflag:s0], s1  }
0x253: {  	s1 =	ssub.s32 @!p0 $0x0, s1;
	[sflag:s0] =	ssyncset.done @!p0 $0x0  }
0x254: {  	[sflag:s0] =	ssyncadd.s32 @!p0 s1  }
0x255: {  	[bflag:$0x3] =	sbarrier.arrive $0xFFFF  }
0x256: {  	_ =	shalt  }

</sc_bundles>
